<compile_context>
chip_gen: v7x
topology: tpu7x:2x2x1
jax: 0.10.2.dev20260603
libtpu: 0.0.44.dev20260713+nightly
codegen_flags: <defaults>
</compile_context>

<pallas_src>
import functools

import jax
import jax.numpy as jnp
from jax import lax
from jax.experimental import pallas as pl
from jax.experimental.pallas import tpu as pltpu
from jax.experimental.pallas import tpu_sc as plsc

_HALF = 64
_SEQ = 8192
_NC = 2
_NS = 16
_NW = _NC * _NS
_BPW = _SEQ // _NW
_L = 16
_INV_2PI = 0.15915494309189535
_TWO_PI_HI = 6.2831854820251465
_TWO_PI_LO = -1.7484556000744883e-07
_PI = 3.14159265358979

_COS_C = (-0.9999994435770305, 0.49999558143188294, -0.04166103265415857,
          0.001386274698146315, -2.425318891836198e-05,
          2.2193936088932276e-07)
_SIN_C = (0.9999997069588598, -0.1666657719811158, 0.008332557998428487,
          -0.00019812572237797466, 2.704047331408832e-06,
          -2.0534080102940777e-08)


def _poly(coeffs, t):
    acc = jnp.full((_L,), coeffs[-1], dtype=jnp.float32)
    for c in coeffs[-2::-1]:
        acc = acc * t + jnp.float32(c)
    return acc


_sc_mesh = plsc.VectorSubcoreMesh(
    core_axis_name="c", subcore_axis_name="s",
    num_cores=_NC, num_subcores=_NS,
)


@functools.partial(
    pl.kernel,
    mesh=_sc_mesh,
    out_type=jax.ShapeDtypeStruct((_SEQ, _HALF), jnp.float32),
    scratch_types=[
        pltpu.VMEM((_BPW,), jnp.int32),
        pltpu.VMEM((_HALF,), jnp.float32),
        pltpu.VMEM((_BPW, _HALF), jnp.float32),
        pltpu.SemaphoreType.DMA,
    ],
    compiler_params=pltpu.CompilerParams(use_tc_tiling_on_sc=False),
)
def _sc_rotary(pos_hbm, invf_hbm, cos_out,
               idx_v, invf_v, cos_v, sem):
    wid = lax.axis_index("s") * _NC + lax.axis_index("c")
    base = wid * _BPW
    pltpu.sync_copy(pos_hbm.at[pl.ds(base, _BPW)], idx_v)
    pltpu.sync_copy(invf_hbm, invf_v)

    freqs = [invf_v[pl.ds(k * _L, _L)] * jnp.float32(_INV_2PI)
             for k in range(_HALF // _L)]

    @plsc.parallel_loop(0, _BPW // _L, unroll=2)
    def _loop(i):
        pv = idx_v[pl.ds(i * _L, _L)].astype(jnp.float32)
        for j in range(_L):
            row = i * _L + j
            pf = jnp.full((_L,), pv[j], jnp.float32)
            for k, fv in enumerate(freqs):
                w = pf * fv
                frac = w - w.astype(jnp.int32).astype(jnp.float32)
                v = jnp.float32(_PI) - frac * jnp.float32(_TWO_PI_HI)
                t = v * v
                cos_v[row, pl.ds(k * _L, _L)] = _poly(_COS_C, t)

    pltpu.async_copy(cos_v, cos_out.at[pl.ds(base, _BPW)], sem).wait()


_TCBLK = 2048


def _tc_sin_body(pos_ref, invf_ref, sin_ref):
    pos = pos_ref[...].astype(jnp.float32)
    x = pos * invf_ref[...]
    n = (x * jnp.float32(_INV_2PI)).astype(jnp.int32)
    nf = n.astype(jnp.float32)
    v = jnp.float32(_PI) - x
    v = v + nf * jnp.float32(_TWO_PI_HI)
    v = v + nf * jnp.float32(_TWO_PI_LO)
    t = v * v
    acc = jnp.full(x.shape, _SIN_C[-1], dtype=jnp.float32)
    for c in _SIN_C[-2::-1]:
        acc = acc * t + jnp.float32(c)
    sin_ref[...] = v * acc


_tc_sin = pl.pallas_call(
    _tc_sin_body,
    grid=(_SEQ // _TCBLK,),
    in_specs=[
        pl.BlockSpec((_TCBLK, 1), lambda i: (i, 0)),
        pl.BlockSpec((1, _HALF), lambda i: (0, 0)),
    ],
    out_specs=pl.BlockSpec((_TCBLK, _HALF), lambda i: (i, 0)),
    out_shape=jax.ShapeDtypeStruct((_SEQ, _HALF), jnp.float32),
)


def kernel(positions, inv_freq):
    pos_i32 = positions.astype(jnp.int32)
    cos = _sc_rotary(pos_i32, inv_freq)
    sin = _tc_sin(pos_i32.reshape(_SEQ, 1), inv_freq.reshape(1, _HALF))
    return (cos, sin)

# --- scband reference (transcript-rebuilt; emitter-appended) ---
"""Pipeline reference for scband-rotary-51986284151088 (READ-ONLY COPY).

The authoritative reference and input builder live on the scoring server;
editing this copy changes nothing except your own understanding.
"""

import jax, jax.numpy as jnp
import numpy as np

DIM = 128
BASE = 10000.0
CACHE_SIZE = 8192
SEQ_LEN = 8192


def setup_inputs(seed: int = 0) -> dict:
    key = jax.random.key(seed)
    k1, = jax.random.split(key, 1)
    positions = jax.random.randint(k1, (SEQ_LEN,), 0, CACHE_SIZE, dtype=jnp.int64 if jax.config.jax_enable_x64 else jnp.int32)
    inv_freq = 1.0 / (BASE ** (jnp.arange(0, DIM, 2, dtype=jnp.float32) / DIM))
    return {"positions": positions, "inv_freq": inv_freq}


def reference(positions, inv_freq):
    # Build cache table (mirrors Rotary._build_cache)
    cache_positions = jnp.arange(CACHE_SIZE, dtype=jnp.float32)
    freqs = jnp.outer(cache_positions, inv_freq)  # [cache_size, dim//2]
    cos_cache = jnp.cos(freqs)
    sin_cache = jnp.sin(freqs)
    # Gather path (all positions < cache_size by construction)
    cos = jnp.take(cos_cache, positions, axis=0)
    sin = jnp.take(sin_cache, positions, axis=0)
    return (cos, sin)

if __name__ == "__main__":
    import jax
    _d = setup_inputs()
    print(jax.jit(kernel)(*tuple(_d.values())))

</pallas_src>

<mosaic_0001>
#map = affine_map<(d0, d1) -> (0)>
#map1 = affine_map<(d0, d1) -> (0, 0)>
module attributes {stable_mosaic.version = 14 : i64} {
  func.func @_sc_rotary(%arg0: i32, %arg1: i32, %arg2: memref<8192xi32, #tpu.memory_space<hbm>>, %arg3: memref<64xf32, #tpu.memory_space<hbm>>, %arg4: memref<8192x64xf32, #tpu.memory_space<hbm>>, %arg5: memref<256xi32, #tpu.memory_space<vmem>>, %arg6: memref<64xf32, #tpu.memory_space<vmem>>, %arg7: memref<256x64xf32, #tpu.memory_space<vmem>>, %arg8: memref<!tpu.dma_semaphore, #tpu.memory_space<semaphore_mem>>) attributes {dimension_semantics = [#tpu.dimension_semantics<core_parallel>, #tpu.dimension_semantics<subcore_parallel>], iteration_bounds = array<i64: 2, 16>, scalar_prefetch = 0 : i64, scratch_operands = 4 : i64, tpu.core_type = #tpu.core_type<sc_vector_subcore>, window_params = [{transform_indices = #map}, {transform_indices = #map}, {transform_indices = #map1}]} {
    %mul3A = arith.constant 2 : i32
    %mul3A_0 = arith.muli %arg1, %mul3A : i32
    %add3A = arith.addi %mul3A_0, %arg0 : i32
    %mul3A_1 = arith.constant 256 : i32
    %mul3A_2 = arith.muli %add3A, %mul3A_1 : i32
    "tpu.region"() ({
      %run_scoped3A = tpu.sem_alloc : memref<!tpu.dma_semaphore, #tpu.memory_space<semaphore_mem>>
      %dma_start3A_34 = tpu.memref_slice %arg2[%mul3A_2] : memref<8192xi32, #tpu.memory_space<hbm>> -> memref<256xi32, #tpu.memory_space<hbm>>
      %dma_start3A_35 = tpu.memref_slice %arg2[%mul3A_2] : memref<8192xi32, #tpu.memory_space<hbm>> -> memref<256xi32, #tpu.memory_space<hbm>>
      tpu.enqueue_dma source(%dma_start3A_35 : memref<256xi32, #tpu.memory_space<hbm>>) target(%arg5 : memref<256xi32, #tpu.memory_space<vmem>>) target_semaphore(%run_scoped3A : memref<!tpu.dma_semaphore, #tpu.memory_space<semaphore_mem>>)
      %dma_wait3A_36 = tpu.memref_slice %arg2[%mul3A_2] : memref<8192xi32, #tpu.memory_space<hbm>> -> memref<256xi32, #tpu.memory_space<hbm>>
      %dma_wait3A_37 = tpu.memref_slice %arg2[%mul3A_2] : memref<8192xi32, #tpu.memory_space<hbm>> -> memref<256xi32, #tpu.memory_space<hbm>>
      tpu.wait_dma2 semaphore(%run_scoped3A : memref<!tpu.dma_semaphore, #tpu.memory_space<semaphore_mem>>) src(%dma_wait3A_37 : memref<256xi32, #tpu.memory_space<hbm>>) dst(%arg5 : memref<256xi32, #tpu.memory_space<vmem>>)
      tpu.yield
    }) : () -> ()
    "tpu.region"() ({
      %run_scoped3A = tpu.sem_alloc : memref<!tpu.dma_semaphore, #tpu.memory_space<semaphore_mem>>
      tpu.enqueue_dma source(%arg3 : memref<64xf32, #tpu.memory_space<hbm>>) target(%arg6 : memref<64xf32, #tpu.memory_space<vmem>>) target_semaphore(%run_scoped3A : memref<!tpu.dma_semaphore, #tpu.memory_space<semaphore_mem>>)
      tpu.wait_dma2 semaphore(%run_scoped3A : memref<!tpu.dma_semaphore, #tpu.memory_space<semaphore_mem>>) src(%arg3 : memref<64xf32, #tpu.memory_space<hbm>>) dst(%arg6 : memref<64xf32, #tpu.memory_space<vmem>>)
      tpu.yield
    }) : () -> ()
    %get3A = arith.constant 0 : index
    %get3A_3 = tpu.vector_load %arg6[%get3A] {strides = array<i32>} : memref<64xf32, #tpu.memory_space<vmem>>, vector<16xf32>,
    %get3A_4 = vector.shape_cast %get3A_3 : vector<16xf32> to vector<16xf32>
    %mul3A_5 = arith.constant 0.159154937 : f32
    %mul3A_6 = vector.broadcast %mul3A_5 : f32 to vector<16xf32>
    %mul3A_7 = arith.mulf %get3A_4, %mul3A_6 : vector<16xf32>
    %get3A_8 = arith.constant 16 : index
    %get3A_9 = tpu.vector_load %arg6[%get3A_8] {strides = array<i32>} : memref<64xf32, #tpu.memory_space<vmem>>, vector<16xf32>,
    %get3A_10 = vector.shape_cast %get3A_9 : vector<16xf32> to vector<16xf32>
    %mul3A_11 = arith.constant 0.159154937 : f32
    %mul3A_12 = vector.broadcast %mul3A_11 : f32 to vector<16xf32>
    %mul3A_13 = arith.mulf %get3A_10, %mul3A_12 : vector<16xf32>
    %get3A_14 = arith.constant 32 : index
    %get3A_15 = tpu.vector_load %arg6[%get3A_14] {strides = array<i32>} : memref<64xf32, #tpu.memory_space<vmem>>, vector<16xf32>,
    %get3A_16 = vector.shape_cast %get3A_15 : vector<16xf32> to vector<16xf32>
    %mul3A_17 = arith.constant 0.159154937 : f32
    %mul3A_18 = vector.broadcast %mul3A_17 : f32 to vector<16xf32>
    %mul3A_19 = arith.mulf %get3A_16, %mul3A_18 : vector<16xf32>
    %get3A_20 = arith.constant 48 : index
    %get3A_21 = tpu.vector_load %arg6[%get3A_20] {strides = array<i32>} : memref<64xf32, #tpu.memory_space<vmem>>, vector<16xf32>,
    %get3A_22 = vector.shape_cast %get3A_21 : vector<16xf32> to vector<16xf32>
    %mul3A_23 = arith.constant 0.159154937 : f32
    %mul3A_24 = vector.broadcast %mul3A_23 : f32 to vector<16xf32>
    %mul3A_25 = arith.mulf %get3A_22, %mul3A_24 : vector<16xf32>
    %parallel_loop3A = arith.constant 0 : i32
    %parallel_loop3A_26 = arith.constant 16 : i32
    %parallel_loop3A_27 = arith.constant 1 : i32
    scf.for %parallel_loop3A_34 = %parallel_loop3A to %parallel_loop3A_26 step %parallel_loop3A_27  : i32 {
      %parallel_loop3A_35 = arith.constant 16 : i32
      %parallel_loop3A_36 = arith.muli %parallel_loop3A_34, %parallel_loop3A_35 : i32
      %parallel_loop3A_37 = arith.index_cast %parallel_loop3A_36 : i32 to index
      %parallel_loop3A_38 = tpu.vector_load %arg5[%parallel_loop3A_37] {strides = array<i32>} : memref<256xi32, #tpu.memory_space<vmem>>, vector<16xi32>,
      %parallel_loop3A_39 = vector.shape_cast %parallel_loop3A_38 : vector<16xi32> to vector<16xi32>
      %parallel_loop3A_40 = arith.sitofp %parallel_loop3A_39 : vector<16xi32> to vector<16xf32>
      %parallel_loop3A_41 = arith.constant 16 : i32
      %parallel_loop3A_42 = arith.muli %parallel_loop3A_34, %parallel_loop3A_41 : i32
      %parallel_loop3A_43 = arith.constant 0 : i32
      %parallel_loop3A_44 = arith.addi %parallel_loop3A_42, %parallel_loop3A_43 : i32
      %parallel_loop3A_45 = vector.extract_strided_slice %parallel_loop3A_40 {offsets = [0], sizes = [1], strides = [1]} : vector<16xf32> to vector<1xf32>
      %parallel_loop3A_46 = vector.extract %parallel_loop3A_45[0] : f32 from vector<1xf32>
      %parallel_loop3A_47 = vector.broadcast %parallel_loop3A_46 : f32 to vector<16xf32>
      %parallel_loop3A_48 = arith.mulf %parallel_loop3A_47, %mul3A_7 : vector<16xf32>
      %parallel_loop3A_49 = arith.fptosi %parallel_loop3A_48 : vector<16xf32> to vector<16xi32>
      %parallel_loop3A_50 = arith.sitofp %parallel_loop3A_49 : vector<16xi32> to vector<16xf32>
      %parallel_loop3A_51 = arith.subf %parallel_loop3A_48, %parallel_loop3A_50 : vector<16xf32>
      %parallel_loop3A_52 = arith.constant 6.28318548 : f32
      %parallel_loop3A_53 = vector.broadcast %parallel_loop3A_52 : f32 to vector<16xf32>
      %parallel_loop3A_54 = arith.mulf %parallel_loop3A_51, %parallel_loop3A_53 : vector<16xf32>
      %parallel_loop3A_55 = arith.constant 3.14159274 : f32
      %parallel_loop3A_56 = vector.broadcast %parallel_loop3A_55 : f32 to vector<16xf32>
      %parallel_loop3A_57 = arith.subf %parallel_loop3A_56, %parallel_loop3A_54 : vector<16xf32>
      %parallel_loop3A_58 = arith.mulf %parallel_loop3A_57, %parallel_loop3A_57 : vector<16xf32>
      %parallel_loop3A_59 = arith.constant 2.21939359E-7 : f32
      %parallel_loop3A_60 = vector.broadcast %parallel_loop3A_59 : f32 to vector<16xf32>
      %parallel_loop3A_61 = arith.mulf %parallel_loop3A_60, %parallel_loop3A_58 : vector<16xf32>
      %parallel_loop3A_62 = arith.constant -2.42531896E-5 : f32
      %parallel_loop3A_63 = vector.broadcast %parallel_loop3A_62 : f32 to vector<16xf32>
      %parallel_loop3A_64 = arith.addf %parallel_loop3A_61, %parallel_loop3A_63 : vector<16xf32>
      %parallel_loop3A_65 = arith.mulf %parallel_loop3A_64, %parallel_loop3A_58 : vector<16xf32>
      %parallel_loop3A_66 = arith.constant 0.0013862747 : f32
      %parallel_loop3A_67 = vector.broadcast %parallel_loop3A_66 : f32 to vector<16xf32>
      %parallel_loop3A_68 = arith.addf %parallel_loop3A_65, %parallel_loop3A_67 : vector<16xf32>
      %parallel_loop3A_69 = arith.mulf %parallel_loop3A_68, %parallel_loop3A_58 : vector<16xf32>
      %parallel_loop3A_70 = arith.constant -0.0416610315 : f32
      %parallel_loop3A_71 = vector.broadcast %parallel_loop3A_70 : f32 to vector<16xf32>
      %parallel_loop3A_72 = arith.addf %parallel_loop3A_69, %parallel_loop3A_71 : vector<16xf32>
      %parallel_loop3A_73 = arith.mulf %parallel_loop3A_72, %parallel_loop3A_58 : vector<16xf32>
      %parallel_loop3A_74 = arith.constant 0.499995589 : f32
      %parallel_loop3A_75 = vector.broadcast %parallel_loop3A_74 : f32 to vector<16xf32>
      %parallel_loop3A_76 = arith.addf %parallel_loop3A_73, %parallel_loop3A_75 : vector<16xf32>
      %parallel_loop3A_77 = arith.mulf %parallel_loop3A_76, %parallel_loop3A_58 : vector<16xf32>
      %parallel_loop3A_78 = arith.constant -0.999999463 : f32
      %parallel_loop3A_79 = vector.broadcast %parallel_loop3A_78 : f32 to vector<16xf32>
      %parallel_loop3A_80 = arith.addf %parallel_loop3A_77, %parallel_loop3A_79 : vector<16xf32>
      %parallel_loop3A_81 = arith.index_cast %parallel_loop3A_44 : i32 to index
      %parallel_loop3A_82 = arith.constant 0 : index
      %parallel_loop3A_83 = tpu.vector_load %arg7[%parallel_loop3A_81, %parallel_loop3A_82] {strides = array<i32>} : memref<256x64xf32, #tpu.memory_space<vmem>>, vector<1x16xf32>,
      %parallel_loop3A_84 = vector.shape_cast %parallel_loop3A_83 : vector<1x16xf32> to vector<16xf32>
      %parallel_loop3A_85 = vector.shape_cast %parallel_loop3A_80 : vector<16xf32> to vector<1x16xf32>
      tpu.vector_store %arg7[%parallel_loop3A_81, %parallel_loop3A_82], %parallel_loop3A_85 {strides = array<i32>} : memref<256x64xf32, #tpu.memory_space<vmem>>, vector<1x16xf32>,
      %parallel_loop3A_86 = arith.mulf %parallel_loop3A_47, %mul3A_13 : vector<16xf32>
      %parallel_loop3A_87 = arith.fptosi %parallel_loop3A_86 : vector<16xf32> to vector<16xi32>
      %parallel_loop3A_88 = arith.sitofp %parallel_loop3A_87 : vector<16xi32> to vector<16xf32>
      %parallel_loop3A_89 = arith.subf %parallel_loop3A_86, %parallel_loop3A_88 : vector<16xf32>
      %parallel_loop3A_90 = arith.constant 6.28318548 : f32
      %parallel_loop3A_91 = vector.broadcast %parallel_loop3A_90 : f32 to vector<16xf32>
      %parallel_loop3A_92 = arith.mulf %parallel_loop3A_89, %parallel_loop3A_91 : vector<16xf32>
      %parallel_loop3A_93 = arith.constant 3.14159274 : f32
      %parallel_loop3A_94 = vector.broadcast %parallel_loop3A_93 : f32 to vector<16xf32>
      %parallel_loop3A_95 = arith.subf %parallel_loop3A_94, %parallel_loop3A_92 : vector<16xf32>
      %parallel_loop3A_96 = arith.mulf %parallel_loop3A_95, %parallel_loop3A_95 : vector<16xf32>
      %parallel_loop3A_97 = arith.constant 2.21939359E-7 : f32
      %parallel_loop3A_98 = vector.broadcast %parallel_loop3A_97 : f32 to vector<16xf32>
      %parallel_loop3A_99 = arith.mulf %parallel_loop3A_98, %parallel_loop3A_96 : vector<16xf32>
      %parallel_loop3A_100 = arith.constant -2.42531896E-5 : f32
      %parallel_loop3A_101 = vector.broadcast %parallel_loop3A_100 : f32 to vector<16xf32>
      %parallel_loop3A_102 = arith.addf %parallel_loop3A_99, %parallel_loop3A_101 : vector<16xf32>
      %parallel_loop3A_103 = arith.mulf %parallel_loop3A_102, %parallel_loop3A_96 : vector<16xf32>
      %parallel_loop3A_104 = arith.constant 0.0013862747 : f32
      %parallel_loop3A_105 = vector.broadcast %parallel_loop3A_104 : f32 to vector<16xf32>
      %parallel_loop3A_106 = arith.addf %parallel_loop3A_103, %parallel_loop3A_105 : vector<16xf32>
      %parallel_loop3A_107 = arith.mulf %parallel_loop3A_106, %parallel_loop3A_96 : vector<16xf32>
      %parallel_loop3A_108 = arith.constant -0.0416610315 : f32
      %parallel_loop3A_109 = vector.broadcast %parallel_loop3A_108 : f32 to vector<16xf32>
      %parallel_loop3A_110 = arith.addf %parallel_loop3A_107, %parallel_loop3A_109 : vector<16xf32>
      %parallel_loop3A_111 = arith.mulf %parallel_loop3A_110, %parallel_loop3A_96 : vector<16xf32>
      %parallel_loop3A_112 = arith.constant 0.499995589 : f32
      %parallel_loop3A_113 = vector.broadcast %parallel_loop3A_112 : f32 to vector<16xf32>
      %parallel_loop3A_114 = arith.addf %parallel_loop3A_111, %parallel_loop3A_113 : vector<16xf32>
      %parallel_loop3A_115 = arith.mulf %parallel_loop3A_114, %parallel_loop3A_96 : vector<16xf32>
      %parallel_loop3A_116 = arith.constant -0.999999463 : f32
      %parallel_loop3A_117 = vector.broadcast %parallel_loop3A_116 : f32 to vector<16xf32>
      %parallel_loop3A_118 = arith.addf %parallel_loop3A_115, %parallel_loop3A_117 : vector<16xf32>
      %parallel_loop3A_119 = arith.index_cast %parallel_loop3A_44 : i32 to index
      %parallel_loop3A_120 = arith.constant 16 : index
      %parallel_loop3A_121 = tpu.vector_load %arg7[%parallel_loop3A_119, %parallel_loop3A_120] {strides = array<i32>} : memref<256x64xf32, #tpu.memory_space<vmem>>, vector<1x16xf32>,
      %parallel_loop3A_122 = vector.shape_cast %parallel_loop3A_121 : vector<1x16xf32> to vector<16xf32>
      %parallel_loop3A_123 = vector.shape_cast %parallel_loop3A_118 : vector<16xf32> to vector<1x16xf32>
      tpu.vector_store %arg7[%parallel_loop3A_119, %parallel_loop3A_120], %parallel_loop3A_123 {strides = array<i32>} : memref<256x64xf32, #tpu.memory_space<vmem>>, vector<1x16xf32>,
      %parallel_loop3A_124 = arith.mulf %parallel_loop3A_47, %mul3A_19 : vector<16xf32>
      %parallel_loop3A_125 = arith.fptosi %parallel_loop3A_124 : vector<16xf32> to vector<16xi32>
      %parallel_loop3A_126 = arith.sitofp %parallel_loop3A_125 : vector<16xi32> to vector<16xf32>
      %parallel_loop3A_127 = arith.subf %parallel_loop3A_124, %parallel_loop3A_126 : vector<16xf32>
      %parallel_loop3A_128 = arith.constant 6.28318548 : f32
      %parallel_loop3A_129 = vector.broadcast %parallel_loop3A_128 : f32 to vector<16xf32>
      %parallel_loop3A_130 = arith.mulf %parallel_loop3A_127, %parallel_loop3A_129 : vector<16xf32>
      %parallel_loop3A_131 = arith.constant 3.14159274 : f32
      %parallel_loop3A_132 = vector.broadcast %parallel_loop3A_131 : f32 to vector<16xf32>
      %parallel_loop3A_133 = arith.subf %parallel_loop3A_132, %parallel_loop3A_130 : vector<16xf32>
      %parallel_loop3A_134 = arith.mulf %parallel_loop3A_133, %parallel_loop3A_133 : vector<16xf32>
      %parallel_loop3A_135 = arith.constant 2.21939359E-7 : f32
      %parallel_loop3A_136 = vector.broadcast %parallel_loop3A_135 : f32 to vector<16xf32>
      %parallel_loop3A_137 = arith.mulf %parallel_loop3A_136, %parallel_loop3A_134 : vector<16xf32>
      %parallel_loop3A_138 = arith.constant -2.42531896E-5 : f32
      %parallel_loop3A_139 = vector.broadcast %parallel_loop3A_138 : f32 to vector<16xf32>
      %parallel_loop3A_140 = arith.addf %parallel_loop3A_137, %parallel_loop3A_139 : vector<16xf32>
      %parallel_loop3A_141 = arith.mulf %parallel_loop3A_140, %parallel_loop3A_134 : vector<16xf32>
      %parallel_loop3A_142 = arith.constant 0.0013862747 : f32
      %parallel_loop3A_143 = vector.broadcast %parallel_loop3A_142 : f32 to vector<16xf32>
      %parallel_loop3A_144 = arith.addf %parallel_loop3A_141, %parallel_loop3A_143 : vector<16xf32>
      %parallel_loop3A_145 = arith.mulf %parallel_loop3A_144, %parallel_loop3A_134 : vector<16xf32>
      %parallel_loop3A_146 = arith.constant -0.0416610315 : f32
      %parallel_loop3A_147 = vector.broadcast %parallel_loop3A_146 : f32 to vector<16xf32>
      %parallel_loop3A_148 = arith.addf %parallel_loop3A_145, %parallel_loop3A_147 : vector<16xf32>
      %parallel_loop3A_149 = arith.mulf %parallel_loop3A_148, %parallel_loop3A_134 : vector<16xf32>
      %parallel_loop3A_150 = arith.constant 0.499995589 : f32
      %parallel_loop3A_151 = vector.broadcast %parallel_loop3A_150 : f32 to vector<16xf32>
      %parallel_loop3A_152 = arith.addf %parallel_loop3A_149, %parallel_loop3A_151 : vector<16xf32>
      %parallel_loop3A_153 = arith.mulf %parallel_loop3A_152, %parallel_loop3A_134 : vector<16xf32>
      %parallel_loop3A_154 = arith.constant -0.999999463 : f32
      %parallel_loop3A_155 = vector.broadcast %parallel_loop3A_154 : f32 to vector<16xf32>
      %parallel_loop3A_156 = arith.addf %parallel_loop3A_153, %parallel_loop3A_155 : vector<16xf32>
      %parallel_loop3A_157 = arith.index_cast %parallel_loop3A_44 : i32 to index
      %parallel_loop3A_158 = arith.constant 32 : index
      %parallel_loop3A_159 = tpu.vector_load %arg7[%parallel_loop3A_157, %parallel_loop3A_158] {strides = array<i32>} : memref<256x64xf32, #tpu.memory_space<vmem>>, vector<1x16xf32>,
      %parallel_loop3A_160 = vector.shape_cast %parallel_loop3A_159 : vector<1x16xf32> to vector<16xf32>
      %parallel_loop3A_161 = vector.shape_cast %parallel_loop3A_156 : vector<16xf32> to vector<1x16xf32>
      tpu.vector_store %arg7[%parallel_loop3A_157, %parallel_loop3A_158], %parallel_loop3A_161 {strides = array<i32>} : memref<256x64xf32, #tpu.memory_space<vmem>>, vector<1x16xf32>,
      %parallel_loop3A_162 = arith.mulf %parallel_loop3A_47, %mul3A_25 : vector<16xf32>
      %parallel_loop3A_163 = arith.fptosi %parallel_loop3A_162 : vector<16xf32> to vector<16xi32>
      %parallel_loop3A_164 = arith.sitofp %parallel_loop3A_163 : vector<16xi32> to vector<16xf32>
      %parallel_loop3A_165 = arith.subf %parallel_loop3A_162, %parallel_loop3A_164 : vector<16xf32>
      %parallel_loop3A_166 = arith.constant 6.28318548 : f32
      %parallel_loop3A_167 = vector.broadcast %parallel_loop3A_166 : f32 to vector<16xf32>
      %parallel_loop3A_168 = arith.mulf %parallel_loop3A_165, %parallel_loop3A_167 : vector<16xf32>
      %parallel_loop3A_169 = arith.constant 3.14159274 : f32
      %parallel_loop3A_170 = vector.broadcast %parallel_loop3A_169 : f32 to vector<16xf32>
      %parallel_loop3A_171 = arith.subf %parallel_loop3A_170, %parallel_loop3A_168 : vector<16xf32>
      %parallel_loop3A_172 = arith.mulf %parallel_loop3A_171, %parallel_loop3A_171 : vector<16xf32>
      %parallel_loop3A_173 = arith.constant 2.21939359E-7 : f32
      %parallel_loop3A_174 = vector.broadcast %parallel_loop3A_173 : f32 to vector<16xf32>
      %parallel_loop3A_175 = arith.mulf %parallel_loop3A_174, %parallel_loop3A_172 : vector<16xf32>
      %parallel_loop3A_176 = arith.constant -2.42531896E-5 : f32
      %parallel_loop3A_177 = vector.broadcast %parallel_loop3A_176 : f32 to vector<16xf32>
      %parallel_loop3A_178 = arith.addf %parallel_loop3A_175, %parallel_loop3A_177 : vector<16xf32>
      %parallel_loop3A_179 = arith.mulf %parallel_loop3A_178, %parallel_loop3A_172 : vector<16xf32>
      %parallel_loop3A_180 = arith.constant 0.0013862747 : f32
      %parallel_loop3A_181 = vector.broadcast %parallel_loop3A_180 : f32 to vector<16xf32>
      %parallel_loop3A_182 = arith.addf %parallel_loop3A_179, %parallel_loop3A_181 : vector<16xf32>
      %parallel_loop3A_183 = arith.mulf %parallel_loop3A_182, %parallel_loop3A_172 : vector<16xf32>
      %parallel_loop3A_184 = arith.constant -0.0416610315 : f32
      %parallel_loop3A_185 = vector.broadcast %parallel_loop3A_184 : f32 to vector<16xf32>
      %parallel_loop3A_186 = arith.addf %parallel_loop3A_183, %parallel_loop3A_185 : vector<16xf32>
      %parallel_loop3A_187 = arith.mulf %parallel_loop3A_186, %parallel_loop3A_172 : vector<16xf32>
      %parallel_loop3A_188 = arith.constant 0.499995589 : f32
      %parallel_loop3A_189 = vector.broadcast %parallel_loop3A_188 : f32 to vector<16xf32>
      %parallel_loop3A_190 = arith.addf %parallel_loop3A_187, %parallel_loop3A_189 : vector<16xf32>
      %parallel_loop3A_191 = arith.mulf %parallel_loop3A_190, %parallel_loop3A_172 : vector<16xf32>
      %parallel_loop3A_192 = arith.constant -0.999999463 : f32
      %parallel_loop3A_193 = vector.broadcast %parallel_loop3A_192 : f32 to vector<16xf32>
      %parallel_loop3A_194 = arith.addf %parallel_loop3A_191, %parallel_loop3A_193 : vector<16xf32>
      %parallel_loop3A_195 = arith.index_cast %parallel_loop3A_44 : i32 to index
      %parallel_loop3A_196 = arith.constant 48 : index
      %parallel_loop3A_197 = tpu.vector_load %arg7[%parallel_loop3A_195, %parallel_loop3A_196] {strides = array<i32>} : memref<256x64xf32, #tpu.memory_space<vmem>>, vector<1x16xf32>,
      %parallel_loop3A_198 = vector.shape_cast %parallel_loop3A_197 : vector<1x16xf32> to vector<16xf32>
      %parallel_loop3A_199 = vector.shape_cast %parallel_loop3A_194 : vector<16xf32> to vector<1x16xf32>
      tpu.vector_store %arg7[%parallel_loop3A_195, %parallel_loop3A_196], %parallel_loop3A_199 {strides = array<i32>} : memref<256x64xf32, #tpu.memory_space<vmem>>, vector<1x16xf32>,
      %parallel_loop3A_200 = arith.constant 16 : i32
      %parallel_loop3A_201 = arith.muli %parallel_loop3A_34, %parallel_loop3A_200 : i32
      %parallel_loop3A_202 = arith.constant 1 : i32
      %parallel_loop3A_203 = arith.addi %parallel_loop3A_201, %parallel_loop3A_202 : i32
      %parallel_loop3A_204 = vector.extract_strided_slice %parallel_loop3A_40 {offsets = [1], sizes = [1], strides = [1]} : vector<16xf32> to vector<1xf32>
      %parallel_loop3A_205 = vector.extract %parallel_loop3A_204[0] : f32 from vector<1xf32>
      %parallel_loop3A_206 = vector.broadcast %parallel_loop3A_205 : f32 to vector<16xf32>
      %parallel_loop3A_207 = arith.mulf %parallel_loop3A_206, %mul3A_7 : vector<16xf32>
      %parallel_loop3A_208 = arith.fptosi %parallel_loop3A_207 : vector<16xf32> to vector<16xi32>
      %parallel_loop3A_209 = arith.sitofp %parallel_loop3A_208 : vector<16xi32> to vector<16xf32>
      %parallel_loop3A_210 = arith.subf %parallel_loop3A_207, %parallel_loop3A_209 : vector<16xf32>
      %parallel_loop3A_211 = arith.constant 6.28318548 : f32
      %parallel_loop3A_212 = vector.broadcast %parallel_loop3A_211 : f32 to vector<16xf32>
      %parallel_loop3A_213 = arith.mulf %parallel_loop3A_210, %parallel_loop3A_212 : vector<16xf32>
      %parallel_loop3A_214 = arith.constant 3.14159274 : f32
      %parallel_loop3A_215 = vector.broadcast %parallel_loop3A_214 : f32 to vector<16xf32>
      %parallel_loop3A_216 = arith.subf %parallel_loop3A_215, %parallel_loop3A_213 : vector<16xf32>
      %parallel_loop3A_217 = arith.mulf %parallel_loop3A_216, %parallel_loop3A_216 : vector<16xf32>
      %parallel_loop3A_218 = arith.constant 2.21939359E-7 : f32
      %parallel_loop3A_219 = vector.broadcast %parallel_loop3A_218 : f32 to vector<16xf32>
      %parallel_loop3A_220 = arith.mulf %parallel_loop3A_219, %parallel_loop3A_217 : vector<16xf32>
      %parallel_loop3A_221 = arith.constant -2.42531896E-5 : f32
      %parallel_loop3A_222 = vector.broadcast %parallel_loop3A_221 : f32 to vector<16xf32>
      %parallel_loop3A_223 = arith.addf %parallel_loop3A_220, %parallel_loop3A_222 : vector<16xf32>
      %parallel_loop3A_224 = arith.mulf %parallel_loop3A_223, %parallel_loop3A_217 : vector<16xf32>
      %parallel_loop3A_225 = arith.constant 0.0013862747 : f32
      %parallel_loop3A_226 = vector.broadcast %parallel_loop3A_225 : f32 to vector<16xf32>
      %parallel_loop3A_227 = arith.addf %parallel_loop3A_224, %parallel_loop3A_226 : vector<16xf32>
      %parallel_loop3A_228 = arith.mulf %parallel_loop3A_227, %parallel_loop3A_217 : vector<16xf32>
      %parallel_loop3A_229 = arith.constant -0.0416610315 : f32
      %parallel_loop3A_230 = vector.broadcast %parallel_loop3A_229 : f32 to vector<16xf32>
      %parallel_loop3A_231 = arith.addf %parallel_loop3A_228, %parallel_loop3A_230 : vector<16xf32>
      %parallel_loop3A_232 = arith.mulf %parallel_loop3A_231, %parallel_loop3A_217 : vector<16xf32>
      %parallel_loop3A_233 = arith.constant 0.499995589 : f32
      %parallel_loop3A_234 = vector.broadcast %parallel_loop3A_233 : f32 to vector<16xf32>
      %parallel_loop3A_235 = arith.addf %parallel_loop3A_232, %parallel_loop3A_234 : vector<16xf32>
      %parallel_loop3A_236 = arith.mulf %parallel_loop3A_235, %parallel_loop3A_217 : vector<16xf32>
      %parallel_loop3A_237 = arith.constant -0.999999463 : f32
      %parallel_loop3A_238 = vector.broadcast %parallel_loop3A_237 : f32 to vector<16xf32>
      %parallel_loop3A_239 = arith.addf %parallel_loop3A_236, %parallel_loop3A_238 : vector<16xf32>
      %parallel_loop3A_240 = arith.index_cast %parallel_loop3A_203 : i32 to index
      %parallel_loop3A_241 = arith.constant 0 : index
      %parallel_loop3A_242 = tpu.vector_load %arg7[%parallel_loop3A_240, %parallel_loop3A_241] {strides = array<i32>} : memref<256x64xf32, #tpu.memory_space<vmem>>, vector<1x16xf32>,
      %parallel_loop3A_243 = vector.shape_cast %parallel_loop3A_242 : vector<1x16xf32> to vector<16xf32>
      %parallel_loop3A_244 = vector.shape_cast %parallel_loop3A_239 : vector<16xf32> to vector<1x16xf32>
      tpu.vector_store %arg7[%parallel_loop3A_240, %parallel_loop3A_241], %parallel_loop3A_244 {strides = array<i32>} : memref<256x64xf32, #tpu.memory_space<vmem>>, vector<1x16xf32>,
      %parallel_loop3A_245 = arith.mulf %parallel_loop3A_206, %mul3A_13 : vector<16xf32>
      %parallel_loop3A_246 = arith.fptosi %parallel_loop3A_245 : vector<16xf32> to vector<16xi32>
      %parallel_loop3A_247 = arith.sitofp %parallel_loop3A_246 : vector<16xi32> to vector<16xf32>
      %parallel_loop3A_248 = arith.subf %parallel_loop3A_245, %parallel_loop3A_247 : vector<16xf32>
      %parallel_loop3A_249 = arith.constant 6.28318548 : f32
      %parallel_loop3A_250 = vector.broadcast %parallel_loop3A_249 : f32 to vector<16xf32>
      %parallel_loop3A_251 = arith.mulf %parallel_loop3A_248, %parallel_loop3A_250 : vector<16xf32>
      %parallel_loop3A_252 = arith.constant 3.14159274 : f32
      %parallel_loop3A_253 = vector.broadcast %parallel_loop3A_252 : f32 to vector<16xf32>
      %parallel_loop3A_254 = arith.subf %parallel_loop3A_253, %parallel_loop3A_251 : vector<16xf32>
      %parallel_loop3A_255 = arith.mulf %parallel_loop3A_254, %parallel_loop3A_254 : vector<16xf32>
      %parallel_loop3A_256 = arith.constant 2.21939359E-7 : f32
      %parallel_loop3A_257 = vector.broadcast %parallel_loop3A_256 : f32 to vector<16xf32>
      %parallel_loop3A_258 = arith.mulf %parallel_loop3A_257, %parallel_loop3A_255 : vector<16xf32>
      %parallel_loop3A_259 = arith.constant -2.42531896E-5 : f32
      %parallel_loop3A_260 = vector.broadcast %parallel_loop3A_259 : f32 to vector<16xf32>
      %parallel_loop3A_261 = arith.addf %parallel_loop3A_258, %parallel_loop3A_260 : vector<16xf32>
      %parallel_loop3A_262 = arith.mulf %parallel_loop3A_261, %parallel_loop3A_255 : vector<16xf32>
      %parallel_loop3A_263 = arith.constant 0.0013862747 : f32
      %parallel_loop3A_264 = vector.broadcast %parallel_loop3A_263 : f32 to vector<16xf32>
      %parallel_loop3A_265 = arith.addf %parallel_loop3A_262, %parallel_loop3A_264 : vector<16xf32>
      %parallel_loop3A_266 = arith.mulf %parallel_loop3A_265, %parallel_loop3A_255 : vector<16xf32>
      %parallel_loop3A_267 = arith.constant -0.0416610315 : f32
      %parallel_loop3A_268 = vector.broadcast %parallel_loop3A_267 : f32 to vector<16xf32>
      %parallel_loop3A_269 = arith.addf %parallel_loop3A_266, %parallel_loop3A_268 : vector<16xf32>
      %parallel_loop3A_270 = arith.mulf %parallel_loop3A_269, %parallel_loop3A_255 : vector<16xf32>
      %parallel_loop3A_271 = arith.constant 0.499995589 : f32
      %parallel_loop3A_272 = vector.broadcast %parallel_loop3A_271 : f32 to vector<16xf32>
      %parallel_loop3A_273 = arith.addf %parallel_loop3A_270, %parallel_loop3A_272 : vector<16xf32>
      %parallel_loop3A_274 = arith.mulf %parallel_loop3A_273, %parallel_loop3A_255 : vector<16xf32>
      %parallel_loop3A_275 = arith.constant -0.999999463 : f32
      %parallel_loop3A_276 = vector.broadcast %parallel_loop3A_275 : f32 to vector<16xf32>
      %parallel_loop3A_277 = arith.addf %parallel_loop3A_274, %parallel_loop3A_276 : vector<16xf32>
      %parallel_loop3A_278 = arith.index_cast %parallel_loop3A_203 : i32 to index
      %parallel_loop3A_279 = arith.constant 16 : index
      %parallel_loop3A_280 = tpu.vector_load %arg7[%parallel_loop3A_278, %parallel_loop3A_279] {strides = array<i32>} : memref<256x64xf32, #tpu.memory_space<vmem>>, vector<1x16xf32>,
      %parallel_loop3A_281 = vector.shape_cast %parallel_loop3A_280 : vector<1x16xf32> to vector<16xf32>
      %parallel_loop3A_282 = vector.shape_cast %parallel_loop3A_277 : vector<16xf32> to vector<1x16xf32>
      tpu.vector_store %arg7[%parallel_loop3A_278, %parallel_loop3A_279], %parallel_loop3A_282 {strides = array<i32>} : memref<256x64xf32, #tpu.memory_space<vmem>>, vector<1x16xf32>,
      %parallel_loop3A_283 = arith.mulf %parallel_loop3A_206, %mul3A_19 : vector<16xf32>
      %parallel_loop3A_284 = arith.fptosi %parallel_loop3A_283 : vector<16xf32> to vector<16xi32>
      %parallel_loop3A_285 = arith.sitofp %parallel_loop3A_284 : vector<16xi32> to vector<16xf32>
      %parallel_loop3A_286 = arith.subf %parallel_loop3A_283, %parallel_loop3A_285 : vector<16xf32>
      %parallel_loop3A_287 = arith.constant 6.28318548 : f32
      %parallel_loop3A_288 = vector.broadcast %parallel_loop3A_287 : f32 to vector<16xf32>
      %parallel_loop3A_289 = arith.mulf %parallel_loop3A_286, %parallel_loop3A_288 : vector<16xf32>
      %parallel_loop3A_290 = arith.constant 3.14159274 : f32
      %parallel_loop3A_291 = vector.broadcast %parallel_loop3A_290 : f32 to vector<16xf32>
      %parallel_loop3A_292 = arith.subf %parallel_loop3A_291, %parallel_loop3A_289 : vector<16xf32>
      %parallel_loop3A_293 = arith.mulf %parallel_loop3A_292, %parallel_loop3A_292 : vector<16xf32>
      %parallel_loop3A_294 = arith.constant 2.21939359E-7 : f32
      %parallel_loop3A_295 = vector.broadcast %parallel_loop3A_294 : f32 to vector<16xf32>
      %parallel_loop3A_296 = arith.mulf %parallel_loop3A_295, %parallel_loop3A_293 : vector<16xf32>
      %parallel_loop3A_297 = arith.constant -2.42531896E-5 : f32
      %parallel_loop3A_298 = vector.broadcast %parallel_loop3A_297 : f32 to vector<16xf32>
      %parallel_loop3A_299 = arith.addf %parallel_loop3A_296, %parallel_loop3A_298 : vector<16xf32>
      %parallel_loop3A_300 = arith.mulf %parallel_loop3A_299, %parallel_loop3A_293 : vector<16xf32>
      %parallel_loop3A_301 = arith.constant 0.0013862747 : f32
      %parallel_loop3A_302 = vector.broadcast %parallel_loop3A_301 : f32 to vector<16xf32>
      %parallel_loop3A_303 = arith.addf %parallel_loop3A_300, %parallel_loop3A_302 : vector<16xf32>
      %parallel_loop3A_304 = arith.mulf %parallel_loop3A_303, %parallel_loop3A_293 : vector<16xf32>
      %parallel_loop3A_305 = arith.constant -0.0416610315 : f32
      %parallel_loop3A_306 = vector.broadcast %parallel_loop3A_305 : f32 to vector<16xf32>
      %parallel_loop3A_307 = arith.addf %parallel_loop3A_304, %parallel_loop3A_306 : vector<16xf32>
      %parallel_loop3A_308 = arith.mulf %parallel_loop3A_307, %parallel_loop3A_293 : vector<16xf32>
      %parallel_loop3A_309 = arith.constant 0.499995589 : f32
      %parallel_loop3A_310 = vector.broadcast %parallel_loop3A_309 : f32 to vector<16xf32>
      %parallel_loop3A_311 = arith.addf %parallel_loop3A_308, %parallel_loop3A_310 : vector<16xf32>
      %parallel_loop3A_312 = arith.mulf %parallel_loop3A_311, %parallel_loop3A_293 : vector<16xf32>
      %parallel_loop3A_313 = arith.constant -0.999999463 : f32
      %parallel_loop3A_314 = vector.broadcast %parallel_loop3A_313 : f32 to vector<16xf32>
      %parallel_loop3A_315 = arith.addf %parallel_loop3A_312, %parallel_loop3A_314 : vector<16xf32>
      %parallel_loop3A_316 = arith.index_cast %parallel_loop3A_203 : i32 to index
      %parallel_loop3A_317 = arith.constant 32 : index
      %parallel_loop3A_318 = tpu.vector_load %arg7[%parallel_loop3A_316, %parallel_loop3A_317] {strides = array<i32>} : memref<256x64xf32, #tpu.memory_space<vmem>>, vector<1x16xf32>,
      %parallel_loop3A_319 = vector.shape_cast %parallel_loop3A_318 : vector<1x16xf32> to vector<16xf32>
      %parallel_loop3A_320 = vector.shape_cast %parallel_loop3A_315 : vector<16xf32> to vector<1x16xf32>
      tpu.vector_store %arg7[%parallel_loop3A_316, %parallel_loop3A_317], %parallel_loop3A_320 {strides = array<i32>} : memref<256x64xf32, #tpu.memory_space<vmem>>, vector<1x16xf32>,
      %parallel_loop3A_321 = arith.mulf %parallel_loop3A_206, %mul3A_25 : vector<16xf32>
      %parallel_loop3A_322 = arith.fptosi %parallel_loop3A_321 : vector<16xf32> to vector<16xi32>
      %parallel_loop3A_323 = arith.sitofp %parallel_loop3A_322 : vector<16xi32> to vector<16xf32>
      %parallel_loop3A_324 = arith.subf %parallel_loop3A_321, %parallel_loop3A_323 : vector<16xf32>
      %parallel_loop3A_325 = arith.constant 6.28318548 : f32
      %parallel_loop3A_326 = vector.broadcast %parallel_loop3A_325 : f32 to vector<16xf32>
      %parallel_loop3A_327 = arith.mulf %parallel_loop3A_324, %parallel_loop3A_326 : vector<16xf32>
      %parallel_loop3A_328 = arith.constant 3.14159274 : f32
      %parallel_loop3A_329 = vector.broadcast %parallel_loop3A_328 : f32 to vector<16xf32>
      %parallel_loop3A_330 = arith.subf %parallel_loop3A_329, %parallel_loop3A_327 : vector<16xf32>
      %parallel_loop3A_331 = arith.mulf %parallel_loop3A_330, %parallel_loop3A_330 : vector<16xf32>
      %parallel_loop3A_332 = arith.constant 2.21939359E-7 : f32
      %parallel_loop3A_333 = vector.broadcast %parallel_loop3A_332 : f32 to vector<16xf32>
      %parallel_loop3A_334 = arith.mulf %parallel_loop3A_333, %parallel_loop3A_331 : vector<16xf32>
      %parallel_loop3A_335 = arith.constant -2.42531896E-5 : f32
      %parallel_loop3A_336 = vector.broadcast %parallel_loop3A_335 : f32 to vector<16xf32>
      %parallel_loop3A_337 = arith.addf %parallel_loop3A_334, %parallel_loop3A_336 : vector<16xf32>
      %parallel_loop3A_338 = arith.mulf %parallel_loop3A_337, %parallel_loop3A_331 : vector<16xf32>
      %parallel_loop3A_339 = arith.constant 0.0013862747 : f32
      %parallel_loop3A_340 = vector.broadcast %parallel_loop3A_339 : f32 to vector<16xf32>
      %parallel_loop3A_341 = arith.addf %parallel_loop3A_338, %parallel_loop3A_340 : vector<16xf32>
      %parallel_loop3A_342 = arith.mulf %parallel_loop3A_341, %parallel_loop3A_331 : vector<16xf32>
      %parallel_loop3A_343 = arith.constant -0.0416610315 : f32
      %parallel_loop3A_344 = vector.broadcast %parallel_loop3A_343 : f32 to vector<16xf32>
      %parallel_loop3A_345 = arith.addf %parallel_loop3A_342, %parallel_loop3A_344 : vector<16xf32>
      %parallel_loop3A_346 = arith.mulf %parallel_loop3A_345, %parallel_loop3A_331 : vector<16xf32>
      %parallel_loop3A_347 = arith.constant 0.499995589 : f32
      %parallel_loop3A_348 = vector.broadcast %parallel_loop3A_347 : f32 to vector<16xf32>
      %parallel_loop3A_349 = arith.addf %parallel_loop3A_346, %parallel_loop3A_348 : vector<16xf32>
      %parallel_loop3A_350 = arith.mulf %parallel_loop3A_349, %parallel_loop3A_331 : vector<16xf32>
      %parallel_loop3A_351 = arith.constant -0.999999463 : f32
      %parallel_loop3A_352 = vector.broadcast %parallel_loop3A_351 : f32 to vector<16xf32>
      %parallel_loop3A_353 = arith.addf %parallel_loop3A_350, %parallel_loop3A_352 : vector<16xf32>
      %parallel_loop3A_354 = arith.index_cast %parallel_loop3A_203 : i32 to index
      %parallel_loop3A_355 = arith.constant 48 : index
      %parallel_loop3A_356 = tpu.vector_load %arg7[%parallel_loop3A_354, %parallel_loop3A_355] {strides = array<i32>} : memref<256x64xf32, #tpu.memory_space<vmem>>, vector<1x16xf32>,
      %parallel_loop3A_357 = vector.shape_cast %parallel_loop3A_356 : vector<1x16xf32> to vector<16xf32>
      %parallel_loop3A_358 = vector.shape_cast %parallel_loop3A_353 : vector<16xf32> to vector<1x16xf32>
      tpu.vector_store %arg7[%parallel_loop3A_354, %parallel_loop3A_355], %parallel_loop3A_358 {strides = array<i32>} : memref<256x64xf32, #tpu.memory_space<vmem>>, vector<1x16xf32>,
      %parallel_loop3A_359 = arith.constant 16 : i32
      %parallel_loop3A_360 = arith.muli %parallel_loop3A_34, %parallel_loop3A_359 : i32
      %parallel_loop3A_361 = arith.constant 2 : i32
      %parallel_loop3A_362 = arith.addi %parallel_loop3A_360, %parallel_loop3A_361 : i32
      %parallel_loop3A_363 = vector.extract_strided_slice %parallel_loop3A_40 {offsets = [2], sizes = [1], strides = [1]} : vector<16xf32> to vector<1xf32>
      %parallel_loop3A_364 = vector.extract %parallel_loop3A_363[0] : f32 from vector<1xf32>
      %parallel_loop3A_365 = vector.broadcast %parallel_loop3A_364 : f32 to vector<16xf32>
      %parallel_loop3A_366 = arith.mulf %parallel_loop3A_365, %mul3A_7 : vector<16xf32>
      %parallel_loop3A_367 = arith.fptosi %parallel_loop3A_366 : vector<16xf32> to vector<16xi32>
      %parallel_loop3A_368 = arith.sitofp %parallel_loop3A_367 : vector<16xi32> to vector<16xf32>
      %parallel_loop3A_369 = arith.subf %parallel_loop3A_366, %parallel_loop3A_368 : vector<16xf32>
      %parallel_loop3A_370 = arith.constant 6.28318548 : f32
      %parallel_loop3A_371 = vector.broadcast %parallel_loop3A_370 : f32 to vector<16xf32>
      %parallel_loop3A_372 = arith.mulf %parallel_loop3A_369, %parallel_loop3A_371 : vector<16xf32>
      %parallel_loop3A_373 = arith.constant 3.14159274 : f32
      %parallel_loop3A_374 = vector.broadcast %parallel_loop3A_373 : f32 to vector<16xf32>
      %parallel_loop3A_375 = arith.subf %parallel_loop3A_374, %parallel_loop3A_372 : vector<16xf32>
      %parallel_loop3A_376 = arith.mulf %parallel_loop3A_375, %parallel_loop3A_375 : vector<16xf32>
      %parallel_loop3A_377 = arith.constant 2.21939359E-7 : f32
      %parallel_loop3A_378 = vector.broadcast %parallel_loop3A_377 : f32 to vector<16xf32>
      %parallel_loop3A_379 = arith.mulf %parallel_loop3A_378, %parallel_loop3A_376 : vector<16xf32>
      %parallel_loop3A_380 = arith.constant -2.42531896E-5 : f32
      %parallel_loop3A_381 = vector.broadcast %parallel_loop3A_380 : f32 to vector<16xf32>
      %parallel_loop3A_382 = arith.addf %parallel_loop3A_379, %parallel_loop3A_381 : vector<16xf32>
      %parallel_loop3A_383 = arith.mulf %parallel_loop3A_382, %parallel_loop3A_376 : vector<16xf32>
      %parallel_loop3A_384 = arith.constant 0.0013862747 : f32
      %parallel_loop3A_385 = vector.broadcast %parallel_loop3A_384 : f32 to vector<16xf32>
      %parallel_loop3A_386 = arith.addf %parallel_loop3A_383, %parallel_loop3A_385 : vector<16xf32>
      %parallel_loop3A_387 = arith.mulf %parallel_loop3A_386, %parallel_loop3A_376 : vector<16xf32>
      %parallel_loop3A_388 = arith.constant -0.0416610315 : f32
      %parallel_loop3A_389 = vector.broadcast %parallel_loop3A_388 : f32 to vector<16xf32>
      %parallel_loop3A_390 = arith.addf %parallel_loop3A_387, %parallel_loop3A_389 : vector<16xf32>
      %parallel_loop3A_391 = arith.mulf %parallel_loop3A_390, %parallel_loop3A_376 : vector<16xf32>
      %parallel_loop3A_392 = arith.constant 0.499995589 : f32
      %parallel_loop3A_393 = vector.broadcast %parallel_loop3A_392 : f32 to vector<16xf32>
      %parallel_loop3A_394 = arith.addf %parallel_loop3A_391, %parallel_loop3A_393 : vector<16xf32>
      %parallel_loop3A_395 = arith.mulf %parallel_loop3A_394, %parallel_loop3A_376 : vector<16xf32>
      %parallel_loop3A_396 = arith.constant -0.999999463 : f32
      %parallel_loop3A_397 = vector.broadcast %parallel_loop3A_396 : f32 to vector<16xf32>
      %parallel_loop3A_398 = arith.addf %parallel_loop3A_395, %parallel_loop3A_397 : vector<16xf32>
      %parallel_loop3A_399 = arith.index_cast %parallel_loop3A_362 : i32 to index
      %parallel_loop3A_400 = arith.constant 0 : index
      %parallel_loop3A_401 = tpu.vector_load %arg7[%parallel_loop3A_399, %parallel_loop3A_400] {strides = array<i32>} : memref<256x64xf32, #tpu.memory_space<vmem>>, vector<1x16xf32>,
      %parallel_loop3A_402 = vector.shape_cast %parallel_loop3A_401 : vector<1x16xf32> to vector<16xf32>
      %parallel_loop3A_403 = vector.shape_cast %parallel_loop3A_398 : vector<16xf32> to vector<1x16xf32>
      tpu.vector_store %arg7[%parallel_loop3A_399, %parallel_loop3A_400], %parallel_loop3A_403 {strides = array<i32>} : memref<256x64xf32, #tpu.memory_space<vmem>>, vector<1x16xf32>,
      %parallel_loop3A_404 = arith.mulf %parallel_loop3A_365, %mul3A_13 : vector<16xf32>
      %parallel_loop3A_405 = arith.fptosi %parallel_loop3A_404 : vector<16xf32> to vector<16xi32>
      %parallel_loop3A_406 = arith.sitofp %parallel_loop3A_405 : vector<16xi32> to vector<16xf32>
      %parallel_loop3A_407 = arith.subf %parallel_loop3A_404, %parallel_loop3A_406 : vector<16xf32>
      %parallel_loop3A_408 = arith.constant 6.28318548 : f32
      %parallel_loop3A_409 = vector.broadcast %parallel_loop3A_408 : f32 to vector<16xf32>
      %parallel_loop3A_410 = arith.mulf %parallel_loop3A_407, %parallel_loop3A_409 : vector<16xf32>
      %parallel_loop3A_411 = arith.constant 3.14159274 : f32
      %parallel_loop3A_412 = vector.broadcast %parallel_loop3A_411 : f32 to vector<16xf32>
      %parallel_loop3A_413 = arith.subf %parallel_loop3A_412, %parallel_loop3A_410 : vector<16xf32>
      %parallel_loop3A_414 = arith.mulf %parallel_loop3A_413, %parallel_loop3A_413 : vector<16xf32>
      %parallel_loop3A_415 = arith.constant 2.21939359E-7 : f32
      %parallel_loop3A_416 = vector.broadcast %parallel_loop3A_415 : f32 to vector<16xf32>
      %parallel_loop3A_417 = arith.mulf %parallel_loop3A_416, %parallel_loop3A_414 : vector<16xf32>
      %parallel_loop3A_418 = arith.constant -2.42531896E-5 : f32
      %parallel_loop3A_419 = vector.broadcast %parallel_loop3A_418 : f32 to vector<16xf32>
      %parallel_loop3A_420 = arith.addf %parallel_loop3A_417, %parallel_loop3A_419 : vector<16xf32>
      %parallel_loop3A_421 = arith.mulf %parallel_loop3A_420, %parallel_loop3A_414 : vector<16xf32>
      %parallel_loop3A_422 = arith.constant 0.0013862747 : f32
      %parallel_loop3A_423 = vector.broadcast %parallel_loop3A_422 : f32 to vector<16xf32>
      %parallel_loop3A_424 = arith.addf %parallel_loop3A_421, %parallel_loop3A_423 : vector<16xf32>
      %parallel_loop3A_425 = arith.mulf %parallel_loop3A_424, %parallel_loop3A_414 : vector<16xf32>
      %parallel_loop3A_426 = arith.constant -0.0416610315 : f32
      %parallel_loop3A_427 = vector.broadcast %parallel_loop3A_426 : f32 to vector<16xf32>
      %parallel_loop3A_428 = arith.addf %parallel_loop3A_425, %parallel_loop3A_427 : vector<16xf32>
      %parallel_loop3A_429 = arith.mulf %parallel_loop3A_428, %parallel_loop3A_414 : vector<16xf32>
      %parallel_loop3A_430 = arith.constant 0.499995589 : f32
      %parallel_loop3A_431 = vector.broadcast %parallel_loop3A_430 : f32 to vector<16xf32>
      %parallel_loop3A_432 = arith.addf %parallel_loop3A_429, %parallel_loop3A_431 : vector<16xf32>
      %parallel_loop3A_433 = arith.mulf %parallel_loop3A_432, %parallel_loop3A_414 : vector<16xf32>
      %parallel_loop3A_434 = arith.constant -0.999999463 : f32
      %parallel_loop3A_435 = vector.broadcast %parallel_loop3A_434 : f32 to vector<16xf32>
      %parallel_loop3A_436 = arith.addf %parallel_loop3A_433, %parallel_loop3A_435 : vector<16xf32>
      %parallel_loop3A_437 = arith.index_cast %parallel_loop3A_362 : i32 to index
      %parallel_loop3A_438 = arith.constant 16 : index
      %parallel_loop3A_439 = tpu.vector_load %arg7[%parallel_loop3A_437, %parallel_loop3A_438] {strides = array<i32>} : memref<256x64xf32, #tpu.memory_space<vmem>>, vector<1x16xf32>,
      %parallel_loop3A_440 = vector.shape_cast %parallel_loop3A_439 : vector<1x16xf32> to vector<16xf32>
      %parallel_loop3A_441 = vector.shape_cast %parallel_loop3A_436 : vector<16xf32> to vector<1x16xf32>
      tpu.vector_store %arg7[%parallel_loop3A_437, %parallel_loop3A_438], %parallel_loop3A_441 {strides = array<i32>} : memref<256x64xf32, #tpu.memory_space<vmem>>, vector<1x16xf32>,
      %parallel_loop3A_442 = arith.mulf %parallel_loop3A_365, %mul3A_19 : vector<16xf32>
      %parallel_loop3A_443 = arith.fptosi %parallel_loop3A_442 : vector<16xf32> to vector<16xi32>
      %parallel_loop3A_444 = arith.sitofp %parallel_loop3A_443 : vector<16xi32> to vector<16xf32>
      %parallel_loop3A_445 = arith.subf %parallel_loop3A_442, %parallel_loop3A_444 : vector<16xf32>
      %parallel_loop3A_446 = arith.constant 6.28318548 : f32
      %parallel_loop3A_447 = vector.broadcast %parallel_loop3A_446 : f32 to vector<16xf32>
      %parallel_loop3A_448 = arith.mulf %parallel_loop3A_445, %parallel_loop3A_447 : vector<16xf32>
      %parallel_loop3A_449 = arith.constant 3.14159274 : f32
      %parallel_loop3A_450 = vector.broadcast %parallel_loop3A_449 : f32 to vector<16xf32>
      %parallel_loop3A_451 = arith.subf %parallel_loop3A_450, %parallel_loop3A_448 : vector<16xf32>
      %parallel_loop3A_452 = arith.mulf %parallel_loop3A_451, %parallel_loop3A_451 : vector<16xf32>
      %parallel_loop3A_453 = arith.constant 2.21939359E-7 : f32
      %parallel_loop3A_454 = vector.broadcast %parallel_loop3A_453 : f32 to vector<16xf32>
      %parallel_loop3A_455 = arith.mulf %parallel_loop3A_454, %parallel_loop3A_452 : vector<16xf32>
      %parallel_loop3A_456 = arith.constant -2.42531896E-5 : f32
      %parallel_loop3A_457 = vector.broadcast %parallel_loop3A_456 : f32 to vector<16xf32>
      %parallel_loop3A_458 = arith.addf %parallel_loop3A_455, %parallel_loop3A_457 : vector<16xf32>
      %parallel_loop3A_459 = arith.mulf %parallel_loop3A_458, %parallel_loop3A_452 : vector<16xf32>
      %parallel_loop3A_460 = arith.constant 0.0013862747 : f32
      %parallel_loop3A_461 = vector.broadcast %parallel_loop3A_460 : f32 to vector<16xf32>
      %parallel_loop3A_462 = arith.addf %parallel_loop3A_459, %parallel_loop3A_461 : vector<16xf32>
      %parallel_loop3A_463 = arith.mulf %parallel_loop3A_462, %parallel_loop3A_452 : vector<16xf32>
      %parallel_loop3A_464 = arith.constant -0.0416610315 : f32
      %parallel_loop3A_465 = vector.broadcast %parallel_loop3A_464 : f32 to vector<16xf32>
      %parallel_loop3A_466 = arith.addf %parallel_loop3A_463, %parallel_loop3A_465 : vector<16xf32>
      %parallel_loop3A_467 = arith.mulf %parallel_loop3A_466, %parallel_loop3A_452 : vector<16xf32>
      %parallel_loop3A_468 = arith.constant 0.499995589 : f32
      %parallel_loop3A_469 = vector.broadcast %parallel_loop3A_468 : f32 to vector<16xf32>
      %parallel_loop3A_470 = arith.addf %parallel_loop3A_467, %parallel_loop3A_469 : vector<16xf32>
      %parallel_loop3A_471 = arith.mulf %parallel_loop3A_470, %parallel_loop3A_452 : vector<16xf32>
      %parallel_loop3A_472 = arith.constant -0.999999463 : f32
      %parallel_loop3A_473 = vector.broadcast %parallel_loop3A_472 : f32 to vector<16xf32>
      %parallel_loop3A_474 = arith.addf %parallel_loop3A_471, %parallel_loop3A_473 : vector<16xf32>
      %parallel_loop3A_475 = arith.index_cast %parallel_loop3A_362 : i32 to index
      %parallel_loop3A_476 = arith.constant 32 : index
      %parallel_loop3A_477 = tpu.vector_load %arg7[%parallel_loop3A_475, %parallel_loop3A_476] {strides = array<i32>} : memref<256x64xf32, #tpu.memory_space<vmem>>, vector<1x16xf32>,
      %parallel_loop3A_478 = vector.shape_cast %parallel_loop3A_477 : vector<1x16xf32> to vector<16xf32>
      %parallel_loop3A_479 = vector.shape_cast %parallel_loop3A_474 : vector<16xf32> to vector<1x16xf32>
      tpu.vector_store %arg7[%parallel_loop3A_475, %parallel_loop3A_476], %parallel_loop3A_479 {strides = array<i32>} : memref<256x64xf32, #tpu.memory_space<vmem>>, vector<1x16xf32>,
      %parallel_loop3A_480 = arith.mulf %parallel_loop3A_365, %mul3A_25 : vector<16xf32>
      %parallel_loop3A_481 = arith.fptosi %parallel_loop3A_480 : vector<16xf32> to vector<16xi32>
      %parallel_loop3A_482 = arith.sitofp %parallel_loop3A_481 : vector<16xi32> to vector<16xf32>
      %parallel_loop3A_483 = arith.subf %parallel_loop3A_480, %parallel_loop3A_482 : vector<16xf32>
      %parallel_loop3A_484 = arith.constant 6.28318548 : f32
      %parallel_loop3A_485 = vector.broadcast %parallel_loop3A_484 : f32 to vector<16xf32>
      %parallel_loop3A_486 = arith.mulf %parallel_loop3A_483, %parallel_loop3A_485 : vector<16xf32>
      %parallel_loop3A_487 = arith.constant 3.14159274 : f32
      %parallel_loop3A_488 = vector.broadcast %parallel_loop3A_487 : f32 to vector<16xf32>
      %parallel_loop3A_489 = arith.subf %parallel_loop3A_488, %parallel_loop3A_486 : vector<16xf32>
      %parallel_loop3A_490 = arith.mulf %parallel_loop3A_489, %parallel_loop3A_489 : vector<16xf32>
      %parallel_loop3A_491 = arith.constant 2.21939359E-7 : f32
      %parallel_loop3A_492 = vector.broadcast %parallel_loop3A_491 : f32 to vector<16xf32>
      %parallel_loop3A_493 = arith.mulf %parallel_loop3A_492, %parallel_loop3A_490 : vector<16xf32>
      %parallel_loop3A_494 = arith.constant -2.42531896E-5 : f32
      %parallel_loop3A_495 = vector.broadcast %parallel_loop3A_494 : f32 to vector<16xf32>
      %parallel_loop3A_496 = arith.addf %parallel_loop3A_493, %parallel_loop3A_495 : vector<16xf32>
      %parallel_loop3A_497 = arith.mulf %parallel_loop3A_496, %parallel_loop3A_490 : vector<16xf32>
      %parallel_loop3A_498 = arith.constant 0.0013862747 : f32
      %parallel_loop3A_499 = vector.broadcast %parallel_loop3A_498 : f32 to vector<16xf32>
      %parallel_loop3A_500 = arith.addf %parallel_loop3A_497, %parallel_loop3A_499 : vector<16xf32>
      %parallel_loop3A_501 = arith.mulf %parallel_loop3A_500, %parallel_loop3A_490 : vector<16xf32>
      %parallel_loop3A_502 = arith.constant -0.0416610315 : f32
      %parallel_loop3A_503 = vector.broadcast %parallel_loop3A_502 : f32 to vector<16xf32>
      %parallel_loop3A_504 = arith.addf %parallel_loop3A_501, %parallel_loop3A_503 : vector<16xf32>
      %parallel_loop3A_505 = arith.mulf %parallel_loop3A_504, %parallel_loop3A_490 : vector<16xf32>
      %parallel_loop3A_506 = arith.constant 0.499995589 : f32
      %parallel_loop3A_507 = vector.broadcast %parallel_loop3A_506 : f32 to vector<16xf32>
      %parallel_loop3A_508 = arith.addf %parallel_loop3A_505, %parallel_loop3A_507 : vector<16xf32>
      %parallel_loop3A_509 = arith.mulf %parallel_loop3A_508, %parallel_loop3A_490 : vector<16xf32>
      %parallel_loop3A_510 = arith.constant -0.999999463 : f32
      %parallel_loop3A_511 = vector.broadcast %parallel_loop3A_510 : f32 to vector<16xf32>
      %parallel_loop3A_512 = arith.addf %parallel_loop3A_509, %parallel_loop3A_511 : vector<16xf32>
      %parallel_loop3A_513 = arith.index_cast %parallel_loop3A_362 : i32 to index
      %parallel_loop3A_514 = arith.constant 48 : index
      %parallel_loop3A_515 = tpu.vector_load %arg7[%parallel_loop3A_513, %parallel_loop3A_514] {strides = array<i32>} : memref<256x64xf32, #tpu.memory_space<vmem>>, vector<1x16xf32>,
      %parallel_loop3A_516 = vector.shape_cast %parallel_loop3A_515 : vector<1x16xf32> to vector<16xf32>
      %parallel_loop3A_517 = vector.shape_cast %parallel_loop3A_512 : vector<16xf32> to vector<1x16xf32>
      tpu.vector_store %arg7[%parallel_loop3A_513, %parallel_loop3A_514], %parallel_loop3A_517 {strides = array<i32>} : memref<256x64xf32, #tpu.memory_space<vmem>>, vector<1x16xf32>,
      %parallel_loop3A_518 = arith.constant 16 : i32
      %parallel_loop3A_519 = arith.muli %parallel_loop3A_34, %parallel_loop3A_518 : i32
      %parallel_loop3A_520 = arith.constant 3 : i32
      %parallel_loop3A_521 = arith.addi %parallel_loop3A_519, %parallel_loop3A_520 : i32
      %parallel_loop3A_522 = vector.extract_strided_slice %parallel_loop3A_40 {offsets = [3], sizes = [1], strides = [1]} : vector<16xf32> to vector<1xf32>
      %parallel_loop3A_523 = vector.extract %parallel_loop3A_522[0] : f32 from vector<1xf32>
      %parallel_loop3A_524 = vector.broadcast %parallel_loop3A_523 : f32 to vector<16xf32>
      %parallel_loop3A_525 = arith.mulf %parallel_loop3A_524, %mul3A_7 : vector<16xf32>
      %parallel_loop3A_526 = arith.fptosi %parallel_loop3A_525 : vector<16xf32> to vector<16xi32>
      %parallel_loop3A_527 = arith.sitofp %parallel_loop3A_526 : vector<16xi32> to vector<16xf32>
      %parallel_loop3A_528 = arith.subf %parallel_loop3A_525, %parallel_loop3A_527 : vector<16xf32>
      %parallel_loop3A_529 = arith.constant 6.28318548 : f32
      %parallel_loop3A_530 = vector.broadcast %parallel_loop3A_529 : f32 to vector<16xf32>
      %parallel_loop3A_531 = arith.mulf %parallel_loop3A_528, %parallel_loop3A_530 : vector<16xf32>
      %parallel_loop3A_532 = arith.constant 3.14159274 : f32
      %parallel_loop3A_533 = vector.broadcast %parallel_loop3A_532 : f32 to vector<16xf32>
      %parallel_loop3A_534 = arith.subf %parallel_loop3A_533, %parallel_loop3A_531 : vector<16xf32>
      %parallel_loop3A_535 = arith.mulf %parallel_loop3A_534, %parallel_loop3A_534 : vector<16xf32>
      %parallel_loop3A_536 = arith.constant 2.21939359E-7 : f32
      %parallel_loop3A_537 = vector.broadcast %parallel_loop3A_536 : f32 to vector<16xf32>
      %parallel_loop3A_538 = arith.mulf %parallel_loop3A_537, %parallel_loop3A_535 : vector<16xf32>
      %parallel_loop3A_539 = arith.constant -2.42531896E-5 : f32
      %parallel_loop3A_540 = vector.broadcast %parallel_loop3A_539 : f32 to vector<16xf32>
      %parallel_loop3A_541 = arith.addf %parallel_loop3A_538, %parallel_loop3A_540 : vector<16xf32>
      %parallel_loop3A_542 = arith.mulf %parallel_loop3A_541, %parallel_loop3A_535 : vector<16xf32>
      %parallel_loop3A_543 = arith.constant 0.0013862747 : f32
      %parallel_loop3A_544 = vector.broadcast %parallel_loop3A_543 : f32 to vector<16xf32>
      %parallel_loop3A_545 = arith.addf %parallel_loop3A_542, %parallel_loop3A_544 : vector<16xf32>
      %parallel_loop3A_546 = arith.mulf %parallel_loop3A_545, %parallel_loop3A_535 : vector<16xf32>
      %parallel_loop3A_547 = arith.constant -0.0416610315 : f32
      %parallel_loop3A_548 = vector.broadcast %parallel_loop3A_547 : f32 to vector<16xf32>
      %parallel_loop3A_549 = arith.addf %parallel_loop3A_546, %parallel_loop3A_548 : vector<16xf32>
      %parallel_loop3A_550 = arith.mulf %parallel_loop3A_549, %parallel_loop3A_535 : vector<16xf32>
      %parallel_loop3A_551 = arith.constant 0.499995589 : f32
      %parallel_loop3A_552 = vector.broadcast %parallel_loop3A_551 : f32 to vector<16xf32>
      %parallel_loop3A_553 = arith.addf %parallel_loop3A_550, %parallel_loop3A_552 : vector<16xf32>
      %parallel_loop3A_554 = arith.mulf %parallel_loop3A_553, %parallel_loop3A_535 : vector<16xf32>
      %parallel_loop3A_555 = arith.constant -0.999999463 : f32
      %parallel_loop3A_556 = vector.broadcast %parallel_loop3A_555 : f32 to vector<16xf32>
      %parallel_loop3A_557 = arith.addf %parallel_loop3A_554, %parallel_loop3A_556 : vector<16xf32>
      %parallel_loop3A_558 = arith.index_cast %parallel_loop3A_521 : i32 to index
      %parallel_loop3A_559 = arith.constant 0 : index
      %parallel_loop3A_560 = tpu.vector_load %arg7[%parallel_loop3A_558, %parallel_loop3A_559] {strides = array<i32>} : memref<256x64xf32, #tpu.memory_space<vmem>>, vector<1x16xf32>,
      %parallel_loop3A_561 = vector.shape_cast %parallel_loop3A_560 : vector<1x16xf32> to vector<16xf32>
      %parallel_loop3A_562 = vector.shape_cast %parallel_loop3A_557 : vector<16xf32> to vector<1x16xf32>
      tpu.vector_store %arg7[%parallel_loop3A_558, %parallel_loop3A_559], %parallel_loop3A_562 {strides = array<i32>} : memref<256x64xf32, #tpu.memory_space<vmem>>, vector<1x16xf32>,
      %parallel_loop3A_563 = arith.mulf %parallel_loop3A_524, %mul3A_13 : vector<16xf32>
      %parallel_loop3A_564 = arith.fptosi %parallel_loop3A_563 : vector<16xf32> to vector<16xi32>
      %parallel_loop3A_565 = arith.sitofp %parallel_loop3A_564 : vector<16xi32> to vector<16xf32>
      %parallel_loop3A_566 = arith.subf %parallel_loop3A_563, %parallel_loop3A_565 : vector<16xf32>
      %parallel_loop3A_567 = arith.constant 6.28318548 : f32
      %parallel_loop3A_568 = vector.broadcast %parallel_loop3A_567 : f32 to vector<16xf32>
      %parallel_loop3A_569 = arith.mulf %parallel_loop3A_566, %parallel_loop3A_568 : vector<16xf32>
      %parallel_loop3A_570 = arith.constant 3.14159274 : f32
      %parallel_loop3A_571 = vector.broadcast %parallel_loop3A_570 : f32 to vector<16xf32>
      %parallel_loop3A_572 = arith.subf %parallel_loop3A_571, %parallel_loop3A_569 : vector<16xf32>
      %parallel_loop3A_573 = arith.mulf %parallel_loop3A_572, %parallel_loop3A_572 : vector<16xf32>
      %parallel_loop3A_574 = arith.constant 2.21939359E-7 : f32
      %parallel_loop3A_575 = vector.broadcast %parallel_loop3A_574 : f32 to vector<16xf32>
      %parallel_loop3A_576 = arith.mulf %parallel_loop3A_575, %parallel_loop3A_573 : vector<16xf32>
      %parallel_loop3A_577 = arith.constant -2.42531896E-5 : f32
      %parallel_loop3A_578 = vector.broadcast %parallel_loop3A_577 : f32 to vector<16xf32>
      %parallel_loop3A_579 = arith.addf %parallel_loop3A_576, %parallel_loop3A_578 : vector<16xf32>
      %parallel_loop3A_580 = arith.mulf %parallel_loop3A_579, %parallel_loop3A_573 : vector<16xf32>
      %parallel_loop3A_581 = arith.constant 0.0013862747 : f32
      %parallel_loop3A_582 = vector.broadcast %parallel_loop3A_581 : f32 to vector<16xf32>
      %parallel_loop3A_583 = arith.addf %parallel_loop3A_580, %parallel_loop3A_582 : vector<16xf32>
      %parallel_loop3A_584 = arith.mulf %parallel_loop3A_583, %parallel_loop3A_573 : vector<16xf32>
      %parallel_loop3A_585 = arith.constant -0.0416610315 : f32
      %parallel_loop3A_586 = vector.broadcast %parallel_loop3A_585 : f32 to vector<16xf32>
      %parallel_loop3A_587 = arith.addf %parallel_loop3A_584, %parallel_loop3A_586 : vector<16xf32>
      %parallel_loop3A_588 = arith.mulf %parallel_loop3A_587, %parallel_loop3A_573 : vector<16xf32>
      %parallel_loop3A_589 = arith.constant 0.499995589 : f32
      %parallel_loop3A_590 = vector.broadcast %parallel_loop3A_589 : f32 to vector<16xf32>
      %parallel_loop3A_591 = arith.addf %parallel_loop3A_588, %parallel_loop3A_590 : vector<16xf32>
      %parallel_loop3A_592 = arith.mulf %parallel_loop3A_591, %parallel_loop3A_573 : vector<16xf32>
      %parallel_loop3A_593 = arith.constant -0.999999463 : f32
      %parallel_loop3A_594 = vector.broadcast %parallel_loop3A_593 : f32 to vector<16xf32>
      %parallel_loop3A_595 = arith.addf %parallel_loop3A_592, %parallel_loop3A_594 : vector<16xf32>
      %parallel_loop3A_596 = arith.index_cast %parallel_loop3A_521 : i32 to index
      %parallel_loop3A_597 = arith.constant 16 : index
      %parallel_loop3A_598 = tpu.vector_load %arg7[%parallel_loop3A_596, %parallel_loop3A_597] {strides = array<i32>} : memref<256x64xf32, #tpu.memory_space<vmem>>, vector<1x16xf32>,
      %parallel_loop3A_599 = vector.shape_cast %parallel_loop3A_598 : vector<1x16xf32> to vector<16xf32>
      %parallel_loop3A_600 = vector.shape_cast %parallel_loop3A_595 : vector<16xf32> to vector<1x16xf32>
      tpu.vector_store %arg7[%parallel_loop3A_596, %parallel_loop3A_597], %parallel_loop3A_600 {strides = array<i32>} : memref<256x64xf32, #tpu.memory_space<vmem>>, vector<1x16xf32>,
      %parallel_loop3A_601 = arith.mulf %parallel_loop3A_524, %mul3A_19 : vector<16xf32>
      %parallel_loop3A_602 = arith.fptosi %parallel_loop3A_601 : vector<16xf32> to vector<16xi32>
      %parallel_loop3A_603 = arith.sitofp %parallel_loop3A_602 : vector<16xi32> to vector<16xf32>
      %parallel_loop3A_604 = arith.subf %parallel_loop3A_601, %parallel_loop3A_603 : vector<16xf32>
      %parallel_loop3A_605 = arith.constant 6.28318548 : f32
      %parallel_loop3A_606 = vector.broadcast %parallel_loop3A_605 : f32 to vector<16xf32>
      %parallel_loop3A_607 = arith.mulf %parallel_loop3A_604, %parallel_loop3A_606 : vector<16xf32>
      %parallel_loop3A_608 = arith.constant 3.14159274 : f32
      %parallel_loop3A_609 = vector.broadcast %parallel_loop3A_608 : f32 to vector<16xf32>
      %parallel_loop3A_610 = arith.subf %parallel_loop3A_609, %parallel_loop3A_607 : vector<16xf32>
      %parallel_loop3A_611 = arith.mulf %parallel_loop3A_610, %parallel_loop3A_610 : vector<16xf32>
      %parallel_loop3A_612 = arith.constant 2.21939359E-7 : f32
      %parallel_loop3A_613 = vector.broadcast %parallel_loop3A_612 : f32 to vector<16xf32>
      %parallel_loop3A_614 = arith.mulf %parallel_loop3A_613, %parallel_loop3A_611 : vector<16xf32>
      %parallel_loop3A_615 = arith.constant -2.42531896E-5 : f32
      %parallel_loop3A_616 = vector.broadcast %parallel_loop3A_615 : f32 to vector<16xf32>
      %parallel_loop3A_617 = arith.addf %parallel_loop3A_614, %parallel_loop3A_616 : vector<16xf32>
      %parallel_loop3A_618 = arith.mulf %parallel_loop3A_617, %parallel_loop3A_611 : vector<16xf32>
      %parallel_loop3A_619 = arith.constant 0.0013862747 : f32
      %parallel_loop3A_620 = vector.broadcast %parallel_loop3A_619 : f32 to vector<16xf32>
      %parallel_loop3A_621 = arith.addf %parallel_loop3A_618, %parallel_loop3A_620 : vector<16xf32>
      %parallel_loop3A_622 = arith.mulf %parallel_loop3A_621, %parallel_loop3A_611 : vector<16xf32>
      %parallel_loop3A_623 = arith.constant -0.0416610315 : f32
      %parallel_loop3A_624 = vector.broadcast %parallel_loop3A_623 : f32 to vector<16xf32>
      %parallel_loop3A_625 = arith.addf %parallel_loop3A_622, %parallel_loop3A_624 : vector<16xf32>
      %parallel_loop3A_626 = arith.mulf %parallel_loop3A_625, %parallel_loop3A_611 : vector<16xf32>
      %parallel_loop3A_627 = arith.constant 0.499995589 : f32
      %parallel_loop3A_628 = vector.broadcast %parallel_loop3A_627 : f32 to vector<16xf32>
      %parallel_loop3A_629 = arith.addf %parallel_loop3A_626, %parallel_loop3A_628 : vector<16xf32>
      %parallel_loop3A_630 = arith.mulf %parallel_loop3A_629, %parallel_loop3A_611 : vector<16xf32>
      %parallel_loop3A_631 = arith.constant -0.999999463 : f32
      %parallel_loop3A_632 = vector.broadcast %parallel_loop3A_631 : f32 to vector<16xf32>
      %parallel_loop3A_633 = arith.addf %parallel_loop3A_630, %parallel_loop3A_632 : vector<16xf32>
      %parallel_loop3A_634 = arith.index_cast %parallel_loop3A_521 : i32 to index
      %parallel_loop3A_635 = arith.constant 32 : index
      %parallel_loop3A_636 = tpu.vector_load %arg7[%parallel_loop3A_634, %parallel_loop3A_635] {strides = array<i32>} : memref<256x64xf32, #tpu.memory_space<vmem>>, vector<1x16xf32>,
      %parallel_loop3A_637 = vector.shape_cast %parallel_loop3A_636 : vector<1x16xf32> to vector<16xf32>
      %parallel_loop3A_638 = vector.shape_cast %parallel_loop3A_633 : vector<16xf32> to vector<1x16xf32>
      tpu.vector_store %arg7[%parallel_loop3A_634, %parallel_loop3A_635], %parallel_loop3A_638 {strides = array<i32>} : memref<256x64xf32, #tpu.memory_space<vmem>>, vector<1x16xf32>,
      %parallel_loop3A_639 = arith.mulf %parallel_loop3A_524, %mul3A_25 : vector<16xf32>
      %parallel_loop3A_640 = arith.fptosi %parallel_loop3A_639 : vector<16xf32> to vector<16xi32>
      %parallel_loop3A_641 = arith.sitofp %parallel_loop3A_640 : vector<16xi32> to vector<16xf32>
      %parallel_loop3A_642 = arith.subf %parallel_loop3A_639, %parallel_loop3A_641 : vector<16xf32>
      %parallel_loop3A_643 = arith.constant 6.28318548 : f32
      %parallel_loop3A_644 = vector.broadcast %parallel_loop3A_643 : f32 to vector<16xf32>
      %parallel_loop3A_645 = arith.mulf %parallel_loop3A_642, %parallel_loop3A_644 : vector<16xf32>
      %parallel_loop3A_646 = arith.constant 3.14159274 : f32
      %parallel_loop3A_647 = vector.broadcast %parallel_loop3A_646 : f32 to vector<16xf32>
      %parallel_loop3A_648 = arith.subf %parallel_loop3A_647, %parallel_loop3A_645 : vector<16xf32>
      %parallel_loop3A_649 = arith.mulf %parallel_loop3A_648, %parallel_loop3A_648 : vector<16xf32>
      %parallel_loop3A_650 = arith.constant 2.21939359E-7 : f32
      %parallel_loop3A_651 = vector.broadcast %parallel_loop3A_650 : f32 to vector<16xf32>
      %parallel_loop3A_652 = arith.mulf %parallel_loop3A_651, %parallel_loop3A_649 : vector<16xf32>
      %parallel_loop3A_653 = arith.constant -2.42531896E-5 : f32
      %parallel_loop3A_654 = vector.broadcast %parallel_loop3A_653 : f32 to vector<16xf32>
      %parallel_loop3A_655 = arith.addf %parallel_loop3A_652, %parallel_loop3A_654 : vector<16xf32>
      %parallel_loop3A_656 = arith.mulf %parallel_loop3A_655, %parallel_loop3A_649 : vector<16xf32>
      %parallel_loop3A_657 = arith.constant 0.0013862747 : f32
      %parallel_loop3A_658 = vector.broadcast %parallel_loop3A_657 : f32 to vector<16xf32>
      %parallel_loop3A_659 = arith.addf %parallel_loop3A_656, %parallel_loop3A_658 : vector<16xf32>
      %parallel_loop3A_660 = arith.mulf %parallel_loop3A_659, %parallel_loop3A_649 : vector<16xf32>
      %parallel_loop3A_661 = arith.constant -0.0416610315 : f32
      %parallel_loop3A_662 = vector.broadcast %parallel_loop3A_661 : f32 to vector<16xf32>
      %parallel_loop3A_663 = arith.addf %parallel_loop3A_660, %parallel_loop3A_662 : vector<16xf32>
      %parallel_loop3A_664 = arith.mulf %parallel_loop3A_663, %parallel_loop3A_649 : vector<16xf32>
      %parallel_loop3A_665 = arith.constant 0.499995589 : f32
      %parallel_loop3A_666 = vector.broadcast %parallel_loop3A_665 : f32 to vector<16xf32>
      %parallel_loop3A_667 = arith.addf %parallel_loop3A_664, %parallel_loop3A_666 : vector<16xf32>
      %parallel_loop3A_668 = arith.mulf %parallel_loop3A_667, %parallel_loop3A_649 : vector<16xf32>
      %parallel_loop3A_669 = arith.constant -0.999999463 : f32
      %parallel_loop3A_670 = vector.broadcast %parallel_loop3A_669 : f32 to vector<16xf32>
      %parallel_loop3A_671 = arith.addf %parallel_loop3A_668, %parallel_loop3A_670 : vector<16xf32>
      %parallel_loop3A_672 = arith.index_cast %parallel_loop3A_521 : i32 to index
      %parallel_loop3A_673 = arith.constant 48 : index
      %parallel_loop3A_674 = tpu.vector_load %arg7[%parallel_loop3A_672, %parallel_loop3A_673] {strides = array<i32>} : memref<256x64xf32, #tpu.memory_space<vmem>>, vector<1x16xf32>,
      %parallel_loop3A_675 = vector.shape_cast %parallel_loop3A_674 : vector<1x16xf32> to vector<16xf32>
      %parallel_loop3A_676 = vector.shape_cast %parallel_loop3A_671 : vector<16xf32> to vector<1x16xf32>
      tpu.vector_store %arg7[%parallel_loop3A_672, %parallel_loop3A_673], %parallel_loop3A_676 {strides = array<i32>} : memref<256x64xf32, #tpu.memory_space<vmem>>, vector<1x16xf32>,
      %parallel_loop3A_677 = arith.constant 16 : i32
      %parallel_loop3A_678 = arith.muli %parallel_loop3A_34, %parallel_loop3A_677 : i32
      %parallel_loop3A_679 = arith.constant 4 : i32
      %parallel_loop3A_680 = arith.addi %parallel_loop3A_678, %parallel_loop3A_679 : i32
      %parallel_loop3A_681 = vector.extract_strided_slice %parallel_loop3A_40 {offsets = [4], sizes = [1], strides = [1]} : vector<16xf32> to vector<1xf32>
      %parallel_loop3A_682 = vector.extract %parallel_loop3A_681[0] : f32 from vector<1xf32>
      %parallel_loop3A_683 = vector.broadcast %parallel_loop3A_682 : f32 to vector<16xf32>
      %parallel_loop3A_684 = arith.mulf %parallel_loop3A_683, %mul3A_7 : vector<16xf32>
      %parallel_loop3A_685 = arith.fptosi %parallel_loop3A_684 : vector<16xf32> to vector<16xi32>
      %parallel_loop3A_686 = arith.sitofp %parallel_loop3A_685 : vector<16xi32> to vector<16xf32>
      %parallel_loop3A_687 = arith.subf %parallel_loop3A_684, %parallel_loop3A_686 : vector<16xf32>
      %parallel_loop3A_688 = arith.constant 6.28318548 : f32
      %parallel_loop3A_689 = vector.broadcast %parallel_loop3A_688 : f32 to vector<16xf32>
      %parallel_loop3A_690 = arith.mulf %parallel_loop3A_687, %parallel_loop3A_689 : vector<16xf32>
      %parallel_loop3A_691 = arith.constant 3.14159274 : f32
      %parallel_loop3A_692 = vector.broadcast %parallel_loop3A_691 : f32 to vector<16xf32>
      %parallel_loop3A_693 = arith.subf %parallel_loop3A_692, %parallel_loop3A_690 : vector<16xf32>
      %parallel_loop3A_694 = arith.mulf %parallel_loop3A_693, %parallel_loop3A_693 : vector<16xf32>
      %parallel_loop3A_695 = arith.constant 2.21939359E-7 : f32
      %parallel_loop3A_696 = vector.broadcast %parallel_loop3A_695 : f32 to vector<16xf32>
      %parallel_loop3A_697 = arith.mulf %parallel_loop3A_696, %parallel_loop3A_694 : vector<16xf32>
      %parallel_loop3A_698 = arith.constant -2.42531896E-5 : f32
      %parallel_loop3A_699 = vector.broadcast %parallel_loop3A_698 : f32 to vector<16xf32>
      %parallel_loop3A_700 = arith.addf %parallel_loop3A_697, %parallel_loop3A_699 : vector<16xf32>
      %parallel_loop3A_701 = arith.mulf %parallel_loop3A_700, %parallel_loop3A_694 : vector<16xf32>
      %parallel_loop3A_702 = arith.constant 0.0013862747 : f32
      %parallel_loop3A_703 = vector.broadcast %parallel_loop3A_702 : f32 to vector<16xf32>
      %parallel_loop3A_704 = arith.addf %parallel_loop3A_701, %parallel_loop3A_703 : vector<16xf32>
      %parallel_loop3A_705 = arith.mulf %parallel_loop3A_704, %parallel_loop3A_694 : vector<16xf32>
      %parallel_loop3A_706 = arith.constant -0.0416610315 : f32
      %parallel_loop3A_707 = vector.broadcast %parallel_loop3A_706 : f32 to vector<16xf32>
      %parallel_loop3A_708 = arith.addf %parallel_loop3A_705, %parallel_loop3A_707 : vector<16xf32>
      %parallel_loop3A_709 = arith.mulf %parallel_loop3A_708, %parallel_loop3A_694 : vector<16xf32>
      %parallel_loop3A_710 = arith.constant 0.499995589 : f32
      %parallel_loop3A_711 = vector.broadcast %parallel_loop3A_710 : f32 to vector<16xf32>
      %parallel_loop3A_712 = arith.addf %parallel_loop3A_709, %parallel_loop3A_711 : vector<16xf32>
      %parallel_loop3A_713 = arith.mulf %parallel_loop3A_712, %parallel_loop3A_694 : vector<16xf32>
      %parallel_loop3A_714 = arith.constant -0.999999463 : f32
      %parallel_loop3A_715 = vector.broadcast %parallel_loop3A_714 : f32 to vector<16xf32>
      %parallel_loop3A_716 = arith.addf %parallel_loop3A_713, %parallel_loop3A_715 : vector<16xf32>
      %parallel_loop3A_717 = arith.index_cast %parallel_loop3A_680 : i32 to index
      %parallel_loop3A_718 = arith.constant 0 : index
      %parallel_loop3A_719 = tpu.vector_load %arg7[%parallel_loop3A_717, %parallel_loop3A_718] {strides = array<i32>} : memref<256x64xf32, #tpu.memory_space<vmem>>, vector<1x16xf32>,
      %parallel_loop3A_720 = vector.shape_cast %parallel_loop3A_719 : vector<1x16xf32> to vector<16xf32>
      %parallel_loop3A_721 = vector.shape_cast %parallel_loop3A_716 : vector<16xf32> to vector<1x16xf32>
      tpu.vector_store %arg7[%parallel_loop3A_717, %parallel_loop3A_718], %parallel_loop3A_721 {strides = array<i32>} : memref<256x64xf32, #tpu.memory_space<vmem>>, vector<1x16xf32>,
      %parallel_loop3A_722 = arith.mulf %parallel_loop3A_683, %mul3A_13 : vector<16xf32>
      %parallel_loop3A_723 = arith.fptosi %parallel_loop3A_722 : vector<16xf32> to vector<16xi32>
      %parallel_loop3A_724 = arith.sitofp %parallel_loop3A_723 : vector<16xi32> to vector<16xf32>
      %parallel_loop3A_725 = arith.subf %parallel_loop3A_722, %parallel_loop3A_724 : vector<16xf32>
      %parallel_loop3A_726 = arith.constant 6.28318548 : f32
      %parallel_loop3A_727 = vector.broadcast %parallel_loop3A_726 : f32 to vector<16xf32>
      %parallel_loop3A_728 = arith.mulf %parallel_loop3A_725, %parallel_loop3A_727 : vector<16xf32>
      %parallel_loop3A_729 = arith.constant 3.14159274 : f32
      %parallel_loop3A_730 = vector.broadcast %parallel_loop3A_729 : f32 to vector<16xf32>
      %parallel_loop3A_731 = arith.subf %parallel_loop3A_730, %parallel_loop3A_728 : vector<16xf32>
      %parallel_loop3A_732 = arith.mulf %parallel_loop3A_731, %parallel_loop3A_731 : vector<16xf32>
      %parallel_loop3A_733 = arith.constant 2.21939359E-7 : f32
      %parallel_loop3A_734 = vector.broadcast %parallel_loop3A_733 : f32 to vector<16xf32>
      %parallel_loop3A_735 = arith.mulf %parallel_loop3A_734, %parallel_loop3A_732 : vector<16xf32>
      %parallel_loop3A_736 = arith.constant -2.42531896E-5 : f32
      %parallel_loop3A_737 = vector.broadcast %parallel_loop3A_736 : f32 to vector<16xf32>
      %parallel_loop3A_738 = arith.addf %parallel_loop3A_735, %parallel_loop3A_737 : vector<16xf32>
      %parallel_loop3A_739 = arith.mulf %parallel_loop3A_738, %parallel_loop3A_732 : vector<16xf32>
      %parallel_loop3A_740 = arith.constant 0.0013862747 : f32
      %parallel_loop3A_741 = vector.broadcast %parallel_loop3A_740 : f32 to vector<16xf32>
      %parallel_loop3A_742 = arith.addf %parallel_loop3A_739, %parallel_loop3A_741 : vector<16xf32>
      %parallel_loop3A_743 = arith.mulf %parallel_loop3A_742, %parallel_loop3A_732 : vector<16xf32>
      %parallel_loop3A_744 = arith.constant -0.0416610315 : f32
      %parallel_loop3A_745 = vector.broadcast %parallel_loop3A_744 : f32 to vector<16xf32>
      %parallel_loop3A_746 = arith.addf %parallel_loop3A_743, %parallel_loop3A_745 : vector<16xf32>
      %parallel_loop3A_747 = arith.mulf %parallel_loop3A_746, %parallel_loop3A_732 : vector<16xf32>
      %parallel_loop3A_748 = arith.constant 0.499995589 : f32
      %parallel_loop3A_749 = vector.broadcast %parallel_loop3A_748 : f32 to vector<16xf32>
      %parallel_loop3A_750 = arith.addf %parallel_loop3A_747, %parallel_loop3A_749 : vector<16xf32>
      %parallel_loop3A_751 = arith.mulf %parallel_loop3A_750, %parallel_loop3A_732 : vector<16xf32>
      %parallel_loop3A_752 = arith.constant -0.999999463 : f32
      %parallel_loop3A_753 = vector.broadcast %parallel_loop3A_752 : f32 to vector<16xf32>
      %parallel_loop3A_754 = arith.addf %parallel_loop3A_751, %parallel_loop3A_753 : vector<16xf32>
      %parallel_loop3A_755 = arith.index_cast %parallel_loop3A_680 : i32 to index
      %parallel_loop3A_756 = arith.constant 16 : index
      %parallel_loop3A_757 = tpu.vector_load %arg7[%parallel_loop3A_755, %parallel_loop3A_756] {strides = array<i32>} : memref<256x64xf32, #tpu.memory_space<vmem>>, vector<1x16xf32>,
      %parallel_loop3A_758 = vector.shape_cast %parallel_loop3A_757 : vector<1x16xf32> to vector<16xf32>
      %parallel_loop3A_759 = vector.shape_cast %parallel_loop3A_754 : vector<16xf32> to vector<1x16xf32>
      tpu.vector_store %arg7[%parallel_loop3A_755, %parallel_loop3A_756], %parallel_loop3A_759 {strides = array<i32>} : memref<256x64xf32, #tpu.memory_space<vmem>>, vector<1x16xf32>,
      %parallel_loop3A_760 = arith.mulf %parallel_loop3A_683, %mul3A_19 : vector<16xf32>
      %parallel_loop3A_761 = arith.fptosi %parallel_loop3A_760 : vector<16xf32> to vector<16xi32>
      %parallel_loop3A_762 = arith.sitofp %parallel_loop3A_761 : vector<16xi32> to vector<16xf32>
      %parallel_loop3A_763 = arith.subf %parallel_loop3A_760, %parallel_loop3A_762 : vector<16xf32>
      %parallel_loop3A_764 = arith.constant 6.28318548 : f32
      %parallel_loop3A_765 = vector.broadcast %parallel_loop3A_764 : f32 to vector<16xf32>
      %parallel_loop3A_766 = arith.mulf %parallel_loop3A_763, %parallel_loop3A_765 : vector<16xf32>
      %parallel_loop3A_767 = arith.constant 3.14159274 : f32
      %parallel_loop3A_768 = vector.broadcast %parallel_loop3A_767 : f32 to vector<16xf32>
      %parallel_loop3A_769 = arith.subf %parallel_loop3A_768, %parallel_loop3A_766 : vector<16xf32>
      %parallel_loop3A_770 = arith.mulf %parallel_loop3A_769, %parallel_loop3A_769 : vector<16xf32>
      %parallel_loop3A_771 = arith.constant 2.21939359E-7 : f32
      %parallel_loop3A_772 = vector.broadcast %parallel_loop3A_771 : f32 to vector<16xf32>
      %parallel_loop3A_773 = arith.mulf %parallel_loop3A_772, %parallel_loop3A_770 : vector<16xf32>
      %parallel_loop3A_774 = arith.constant -2.42531896E-5 : f32
      %parallel_loop3A_775 = vector.broadcast %parallel_loop3A_774 : f32 to vector<16xf32>
      %parallel_loop3A_776 = arith.addf %parallel_loop3A_773, %parallel_loop3A_775 : vector<16xf32>
      %parallel_loop3A_777 = arith.mulf %parallel_loop3A_776, %parallel_loop3A_770 : vector<16xf32>
      %parallel_loop3A_778 = arith.constant 0.0013862747 : f32
      %parallel_loop3A_779 = vector.broadcast %parallel_loop3A_778 : f32 to vector<16xf32>
      %parallel_loop3A_780 = arith.addf %parallel_loop3A_777, %parallel_loop3A_779 : vector<16xf32>
      %parallel_loop3A_781 = arith.mulf %parallel_loop3A_780, %parallel_loop3A_770 : vector<16xf32>
      %parallel_loop3A_782 = arith.constant -0.0416610315 : f32
      %parallel_loop3A_783 = vector.broadcast %parallel_loop3A_782 : f32 to vector<16xf32>
      %parallel_loop3A_784 = arith.addf %parallel_loop3A_781, %parallel_loop3A_783 : vector<16xf32>
      %parallel_loop3A_785 = arith.mulf %parallel_loop3A_784, %parallel_loop3A_770 : vector<16xf32>
      %parallel_loop3A_786 = arith.constant 0.499995589 : f32
      %parallel_loop3A_787 = vector.broadcast %parallel_loop3A_786 : f32 to vector<16xf32>
      %parallel_loop3A_788 = arith.addf %parallel_loop3A_785, %parallel_loop3A_787 : vector<16xf32>
      %parallel_loop3A_789 = arith.mulf %parallel_loop3A_788, %parallel_loop3A_770 : vector<16xf32>
      %parallel_loop3A_790 = arith.constant -0.999999463 : f32
      %parallel_loop3A_791 = vector.broadcast %parallel_loop3A_790 : f32 to vector<16xf32>
      %parallel_loop3A_792 = arith.addf %parallel_loop3A_789, %parallel_loop3A_791 : vector<16xf32>
      %parallel_loop3A_793 = arith.index_cast %parallel_loop3A_680 : i32 to index
      %parallel_loop3A_794 = arith.constant 32 : index
      %parallel_loop3A_795 = tpu.vector_load %arg7[%parallel_loop3A_793, %parallel_loop3A_794] {strides = array<i32>} : memref<256x64xf32, #tpu.memory_space<vmem>>, vector<1x16xf32>,
      %parallel_loop3A_796 = vector.shape_cast %parallel_loop3A_795 : vector<1x16xf32> to vector<16xf32>
      %parallel_loop3A_797 = vector.shape_cast %parallel_loop3A_792 : vector<16xf32> to vector<1x16xf32>
      tpu.vector_store %arg7[%parallel_loop3A_793, %parallel_loop3A_794], %parallel_loop3A_797 {strides = array<i32>} : memref<256x64xf32, #tpu.memory_space<vmem>>, vector<1x16xf32>,
      %parallel_loop3A_798 = arith.mulf %parallel_loop3A_683, %mul3A_25 : vector<16xf32>
      %parallel_loop3A_799 = arith.fptosi %parallel_loop3A_798 : vector<16xf32> to vector<16xi32>
      %parallel_loop3A_800 = arith.sitofp %parallel_loop3A_799 : vector<16xi32> to vector<16xf32>
      %parallel_loop3A_801 = arith.subf %parallel_loop3A_798, %parallel_loop3A_800 : vector<16xf32>
      %parallel_loop3A_802 = arith.constant 6.28318548 : f32
      %parallel_loop3A_803 = vector.broadcast %parallel_loop3A_802 : f32 to vector<16xf32>
      %parallel_loop3A_804 = arith.mulf %parallel_loop3A_801, %parallel_loop3A_803 : vector<16xf32>
      %parallel_loop3A_805 = arith.constant 3.14159274 : f32
      %parallel_loop3A_806 = vector.broadcast %parallel_loop3A_805 : f32 to vector<16xf32>
      %parallel_loop3A_807 = arith.subf %parallel_loop3A_806, %parallel_loop3A_804 : vector<16xf32>
      %parallel_loop3A_808 = arith.mulf %parallel_loop3A_807, %parallel_loop3A_807 : vector<16xf32>
      %parallel_loop3A_809 = arith.constant 2.21939359E-7 : f32
      %parallel_loop3A_810 = vector.broadcast %parallel_loop3A_809 : f32 to vector<16xf32>
      %parallel_loop3A_811 = arith.mulf %parallel_loop3A_810, %parallel_loop3A_808 : vector<16xf32>
      %parallel_loop3A_812 = arith.constant -2.42531896E-5 : f32
      %parallel_loop3A_813 = vector.broadcast %parallel_loop3A_812 : f32 to vector<16xf32>
      %parallel_loop3A_814 = arith.addf %parallel_loop3A_811, %parallel_loop3A_813 : vector<16xf32>
      %parallel_loop3A_815 = arith.mulf %parallel_loop3A_814, %parallel_loop3A_808 : vector<16xf32>
      %parallel_loop3A_816 = arith.constant 0.0013862747 : f32
      %parallel_loop3A_817 = vector.broadcast %parallel_loop3A_816 : f32 to vector<16xf32>
      %parallel_loop3A_818 = arith.addf %parallel_loop3A_815, %parallel_loop3A_817 : vector<16xf32>
      %parallel_loop3A_819 = arith.mulf %parallel_loop3A_818, %parallel_loop3A_808 : vector<16xf32>
      %parallel_loop3A_820 = arith.constant -0.0416610315 : f32
      %parallel_loop3A_821 = vector.broadcast %parallel_loop3A_820 : f32 to vector<16xf32>
      %parallel_loop3A_822 = arith.addf %parallel_loop3A_819, %parallel_loop3A_821 : vector<16xf32>
      %parallel_loop3A_823 = arith.mulf %parallel_loop3A_822, %parallel_loop3A_808 : vector<16xf32>
      %parallel_loop3A_824 = arith.constant 0.499995589 : f32
      %parallel_loop3A_825 = vector.broadcast %parallel_loop3A_824 : f32 to vector<16xf32>
      %parallel_loop3A_826 = arith.addf %parallel_loop3A_823, %parallel_loop3A_825 : vector<16xf32>
      %parallel_loop3A_827 = arith.mulf %parallel_loop3A_826, %parallel_loop3A_808 : vector<16xf32>
      %parallel_loop3A_828 = arith.constant -0.999999463 : f32
      %parallel_loop3A_829 = vector.broadcast %parallel_loop3A_828 : f32 to vector<16xf32>
      %parallel_loop3A_830 = arith.addf %parallel_loop3A_827, %parallel_loop3A_829 : vector<16xf32>
      %parallel_loop3A_831 = arith.index_cast %parallel_loop3A_680 : i32 to index
      %parallel_loop3A_832 = arith.constant 48 : index
      %parallel_loop3A_833 = tpu.vector_load %arg7[%parallel_loop3A_831, %parallel_loop3A_832] {strides = array<i32>} : memref<256x64xf32, #tpu.memory_space<vmem>>, vector<1x16xf32>,
      %parallel_loop3A_834 = vector.shape_cast %parallel_loop3A_833 : vector<1x16xf32> to vector<16xf32>
      %parallel_loop3A_835 = vector.shape_cast %parallel_loop3A_830 : vector<16xf32> to vector<1x16xf32>
      tpu.vector_store %arg7[%parallel_loop3A_831, %parallel_loop3A_832], %parallel_loop3A_835 {strides = array<i32>} : memref<256x64xf32, #tpu.memory_space<vmem>>, vector<1x16xf32>,
      %parallel_loop3A_836 = arith.constant 16 : i32
      %parallel_loop3A_837 = arith.muli %parallel_loop3A_34, %parallel_loop3A_836 : i32
      %parallel_loop3A_838 = arith.constant 5 : i32
      %parallel_loop3A_839 = arith.addi %parallel_loop3A_837, %parallel_loop3A_838 : i32
      %parallel_loop3A_840 = vector.extract_strided_slice %parallel_loop3A_40 {offsets = [5], sizes = [1], strides = [1]} : vector<16xf32> to vector<1xf32>
      %parallel_loop3A_841 = vector.extract %parallel_loop3A_840[0] : f32 from vector<1xf32>
      %parallel_loop3A_842 = vector.broadcast %parallel_loop3A_841 : f32 to vector<16xf32>
      %parallel_loop3A_843 = arith.mulf %parallel_loop3A_842, %mul3A_7 : vector<16xf32>
      %parallel_loop3A_844 = arith.fptosi %parallel_loop3A_843 : vector<16xf32> to vector<16xi32>
      %parallel_loop3A_845 = arith.sitofp %parallel_loop3A_844 : vector<16xi32> to vector<16xf32>
      %parallel_loop3A_846 = arith.subf %parallel_loop3A_843, %parallel_loop3A_845 : vector<16xf32>
      %parallel_loop3A_847 = arith.constant 6.28318548 : f32
      %parallel_loop3A_848 = vector.broadcast %parallel_loop3A_847 : f32 to vector<16xf32>
      %parallel_loop3A_849 = arith.mulf %parallel_loop3A_846, %parallel_loop3A_848 : vector<16xf32>
      %parallel_loop3A_850 = arith.constant 3.14159274 : f32
      %parallel_loop3A_851 = vector.broadcast %parallel_loop3A_850 : f32 to vector<16xf32>
      %parallel_loop3A_852 = arith.subf %parallel_loop3A_851, %parallel_loop3A_849 : vector<16xf32>
      %parallel_loop3A_853 = arith.mulf %parallel_loop3A_852, %parallel_loop3A_852 : vector<16xf32>
      %parallel_loop3A_854 = arith.constant 2.21939359E-7 : f32
      %parallel_loop3A_855 = vector.broadcast %parallel_loop3A_854 : f32 to vector<16xf32>
      %parallel_loop3A_856 = arith.mulf %parallel_loop3A_855, %parallel_loop3A_853 : vector<16xf32>
      %parallel_loop3A_857 = arith.constant -2.42531896E-5 : f32
      %parallel_loop3A_858 = vector.broadcast %parallel_loop3A_857 : f32 to vector<16xf32>
      %parallel_loop3A_859 = arith.addf %parallel_loop3A_856, %parallel_loop3A_858 : vector<16xf32>
      %parallel_loop3A_860 = arith.mulf %parallel_loop3A_859, %parallel_loop3A_853 : vector<16xf32>
      %parallel_loop3A_861 = arith.constant 0.0013862747 : f32
      %parallel_loop3A_862 = vector.broadcast %parallel_loop3A_861 : f32 to vector<16xf32>
      %parallel_loop3A_863 = arith.addf %parallel_loop3A_860, %parallel_loop3A_862 : vector<16xf32>
      %parallel_loop3A_864 = arith.mulf %parallel_loop3A_863, %parallel_loop3A_853 : vector<16xf32>
      %parallel_loop3A_865 = arith.constant -0.0416610315 : f32
      %parallel_loop3A_866 = vector.broadcast %parallel_loop3A_865 : f32 to vector<16xf32>
      %parallel_loop3A_867 = arith.addf %parallel_loop3A_864, %parallel_loop3A_866 : vector<16xf32>
      %parallel_loop3A_868 = arith.mulf %parallel_loop3A_867, %parallel_loop3A_853 : vector<16xf32>
      %parallel_loop3A_869 = arith.constant 0.499995589 : f32
      %parallel_loop3A_870 = vector.broadcast %parallel_loop3A_869 : f32 to vector<16xf32>
      %parallel_loop3A_871 = arith.addf %parallel_loop3A_868, %parallel_loop3A_870 : vector<16xf32>
      %parallel_loop3A_872 = arith.mulf %parallel_loop3A_871, %parallel_loop3A_853 : vector<16xf32>
      %parallel_loop3A_873 = arith.constant -0.999999463 : f32
      %parallel_loop3A_874 = vector.broadcast %parallel_loop3A_873 : f32 to vector<16xf32>
      %parallel_loop3A_875 = arith.addf %parallel_loop3A_872, %parallel_loop3A_874 : vector<16xf32>
      %parallel_loop3A_876 = arith.index_cast %parallel_loop3A_839 : i32 to index
      %parallel_loop3A_877 = arith.constant 0 : index
      %parallel_loop3A_878 = tpu.vector_load %arg7[%parallel_loop3A_876, %parallel_loop3A_877] {strides = array<i32>} : memref<256x64xf32, #tpu.memory_space<vmem>>, vector<1x16xf32>,
      %parallel_loop3A_879 = vector.shape_cast %parallel_loop3A_878 : vector<1x16xf32> to vector<16xf32>
      %parallel_loop3A_880 = vector.shape_cast %parallel_loop3A_875 : vector<16xf32> to vector<1x16xf32>
      tpu.vector_store %arg7[%parallel_loop3A_876, %parallel_loop3A_877], %parallel_loop3A_880 {strides = array<i32>} : memref<256x64xf32, #tpu.memory_space<vmem>>, vector<1x16xf32>,
      %parallel_loop3A_881 = arith.mulf %parallel_loop3A_842, %mul3A_13 : vector<16xf32>
      %parallel_loop3A_882 = arith.fptosi %parallel_loop3A_881 : vector<16xf32> to vector<16xi32>
      %parallel_loop3A_883 = arith.sitofp %parallel_loop3A_882 : vector<16xi32> to vector<16xf32>
      %parallel_loop3A_884 = arith.subf %parallel_loop3A_881, %parallel_loop3A_883 : vector<16xf32>
      %parallel_loop3A_885 = arith.constant 6.28318548 : f32
      %parallel_loop3A_886 = vector.broadcast %parallel_loop3A_885 : f32 to vector<16xf32>
      %parallel_loop3A_887 = arith.mulf %parallel_loop3A_884, %parallel_loop3A_886 : vector<16xf32>
      %parallel_loop3A_888 = arith.constant 3.14159274 : f32
      %parallel_loop3A_889 = vector.broadcast %parallel_loop3A_888 : f32 to vector<16xf32>
      %parallel_loop3A_890 = arith.subf %parallel_loop3A_889, %parallel_loop3A_887 : vector<16xf32>
      %parallel_loop3A_891 = arith.mulf %parallel_loop3A_890, %parallel_loop3A_890 : vector<16xf32>
      %parallel_loop3A_892 = arith.constant 2.21939359E-7 : f32
      %parallel_loop3A_893 = vector.broadcast %parallel_loop3A_892 : f32 to vector<16xf32>
      %parallel_loop3A_894 = arith.mulf %parallel_loop3A_893, %parallel_loop3A_891 : vector<16xf32>
      %parallel_loop3A_895 = arith.constant -2.42531896E-5 : f32
      %parallel_loop3A_896 = vector.broadcast %parallel_loop3A_895 : f32 to vector<16xf32>
      %parallel_loop3A_897 = arith.addf %parallel_loop3A_894, %parallel_loop3A_896 : vector<16xf32>
      %parallel_loop3A_898 = arith.mulf %parallel_loop3A_897, %parallel_loop3A_891 : vector<16xf32>
      %parallel_loop3A_899 = arith.constant 0.0013862747 : f32
      %parallel_loop3A_900 = vector.broadcast %parallel_loop3A_899 : f32 to vector<16xf32>
      %parallel_loop3A_901 = arith.addf %parallel_loop3A_898, %parallel_loop3A_900 : vector<16xf32>
      %parallel_loop3A_902 = arith.mulf %parallel_loop3A_901, %parallel_loop3A_891 : vector<16xf32>
      %parallel_loop3A_903 = arith.constant -0.0416610315 : f32
      %parallel_loop3A_904 = vector.broadcast %parallel_loop3A_903 : f32 to vector<16xf32>
      %parallel_loop3A_905 = arith.addf %parallel_loop3A_902, %parallel_loop3A_904 : vector<16xf32>
      %parallel_loop3A_906 = arith.mulf %parallel_loop3A_905, %parallel_loop3A_891 : vector<16xf32>
      %parallel_loop3A_907 = arith.constant 0.499995589 : f32
      %parallel_loop3A_908 = vector.broadcast %parallel_loop3A_907 : f32 to vector<16xf32>
      %parallel_loop3A_909 = arith.addf %parallel_loop3A_906, %parallel_loop3A_908 : vector<16xf32>
      %parallel_loop3A_910 = arith.mulf %parallel_loop3A_909, %parallel_loop3A_891 : vector<16xf32>
      %parallel_loop3A_911 = arith.constant -0.999999463 : f32
      %parallel_loop3A_912 = vector.broadcast %parallel_loop3A_911 : f32 to vector<16xf32>
      %parallel_loop3A_913 = arith.addf %parallel_loop3A_910, %parallel_loop3A_912 : vector<16xf32>
      %parallel_loop3A_914 = arith.index_cast %parallel_loop3A_839 : i32 to index
      %parallel_loop3A_915 = arith.constant 16 : index
      %parallel_loop3A_916 = tpu.vector_load %arg7[%parallel_loop3A_914, %parallel_loop3A_915] {strides = array<i32>} : memref<256x64xf32, #tpu.memory_space<vmem>>, vector<1x16xf32>,
      %parallel_loop3A_917 = vector.shape_cast %parallel_loop3A_916 : vector<1x16xf32> to vector<16xf32>
      %parallel_loop3A_918 = vector.shape_cast %parallel_loop3A_913 : vector<16xf32> to vector<1x16xf32>
      tpu.vector_store %arg7[%parallel_loop3A_914, %parallel_loop3A_915], %parallel_loop3A_918 {strides = array<i32>} : memref<256x64xf32, #tpu.memory_space<vmem>>, vector<1x16xf32>,
      %parallel_loop3A_919 = arith.mulf %parallel_loop3A_842, %mul3A_19 : vector<16xf32>
      %parallel_loop3A_920 = arith.fptosi %parallel_loop3A_919 : vector<16xf32> to vector<16xi32>
      %parallel_loop3A_921 = arith.sitofp %parallel_loop3A_920 : vector<16xi32> to vector<16xf32>
      %parallel_loop3A_922 = arith.subf %parallel_loop3A_919, %parallel_loop3A_921 : vector<16xf32>
      %parallel_loop3A_923 = arith.constant 6.28318548 : f32
      %parallel_loop3A_924 = vector.broadcast %parallel_loop3A_923 : f32 to vector<16xf32>
      %parallel_loop3A_925 = arith.mulf %parallel_loop3A_922, %parallel_loop3A_924 : vector<16xf32>
      %parallel_loop3A_926 = arith.constant 3.14159274 : f32
      %parallel_loop3A_927 = vector.broadcast %parallel_loop3A_926 : f32 to vector<16xf32>
      %parallel_loop3A_928 = arith.subf %parallel_loop3A_927, %parallel_loop3A_925 : vector<16xf32>
      %parallel_loop3A_929 = arith.mulf %parallel_loop3A_928, %parallel_loop3A_928 : vector<16xf32>
      %parallel_loop3A_930 = arith.constant 2.21939359E-7 : f32
      %parallel_loop3A_931 = vector.broadcast %parallel_loop3A_930 : f32 to vector<16xf32>
      %parallel_loop3A_932 = arith.mulf %parallel_loop3A_931, %parallel_loop3A_929 : vector<16xf32>
      %parallel_loop3A_933 = arith.constant -2.42531896E-5 : f32
      %parallel_loop3A_934 = vector.broadcast %parallel_loop3A_933 : f32 to vector<16xf32>
      %parallel_loop3A_935 = arith.addf %parallel_loop3A_932, %parallel_loop3A_934 : vector<16xf32>
      %parallel_loop3A_936 = arith.mulf %parallel_loop3A_935, %parallel_loop3A_929 : vector<16xf32>
      %parallel_loop3A_937 = arith.constant 0.0013862747 : f32
      %parallel_loop3A_938 = vector.broadcast %parallel_loop3A_937 : f32 to vector<16xf32>
      %parallel_loop3A_939 = arith.addf %parallel_loop3A_936, %parallel_loop3A_938 : vector<16xf32>
      %parallel_loop3A_940 = arith.mulf %parallel_loop3A_939, %parallel_loop3A_929 : vector<16xf32>
      %parallel_loop3A_941 = arith.constant -0.0416610315 : f32
      %parallel_loop3A_942 = vector.broadcast %parallel_loop3A_941 : f32 to vector<16xf32>
      %parallel_loop3A_943 = arith.addf %parallel_loop3A_940, %parallel_loop3A_942 : vector<16xf32>
      %parallel_loop3A_944 = arith.mulf %parallel_loop3A_943, %parallel_loop3A_929 : vector<16xf32>
      %parallel_loop3A_945 = arith.constant 0.499995589 : f32
      %parallel_loop3A_946 = vector.broadcast %parallel_loop3A_945 : f32 to vector<16xf32>
      %parallel_loop3A_947 = arith.addf %parallel_loop3A_944, %parallel_loop3A_946 : vector<16xf32>
      %parallel_loop3A_948 = arith.mulf %parallel_loop3A_947, %parallel_loop3A_929 : vector<16xf32>
      %parallel_loop3A_949 = arith.constant -0.999999463 : f32
      %parallel_loop3A_950 = vector.broadcast %parallel_loop3A_949 : f32 to vector<16xf32>
      %parallel_loop3A_951 = arith.addf %parallel_loop3A_948, %parallel_loop3A_950 : vector<16xf32>
      %parallel_loop3A_952 = arith.index_cast %parallel_loop3A_839 : i32 to index
      %parallel_loop3A_953 = arith.constant 32 : index
      %parallel_loop3A_954 = tpu.vector_load %arg7[%parallel_loop3A_952, %parallel_loop3A_953] {strides = array<i32>} : memref<256x64xf32, #tpu.memory_space<vmem>>, vector<1x16xf32>,
      %parallel_loop3A_955 = vector.shape_cast %parallel_loop3A_954 : vector<1x16xf32> to vector<16xf32>
      %parallel_loop3A_956 = vector.shape_cast %parallel_loop3A_951 : vector<16xf32> to vector<1x16xf32>
      tpu.vector_store %arg7[%parallel_loop3A_952, %parallel_loop3A_953], %parallel_loop3A_956 {strides = array<i32>} : memref<256x64xf32, #tpu.memory_space<vmem>>, vector<1x16xf32>,
      %parallel_loop3A_957 = arith.mulf %parallel_loop3A_842, %mul3A_25 : vector<16xf32>
      %parallel_loop3A_958 = arith.fptosi %parallel_loop3A_957 : vector<16xf32> to vector<16xi32>
      %parallel_loop3A_959 = arith.sitofp %parallel_loop3A_958 : vector<16xi32> to vector<16xf32>
      %parallel_loop3A_960 = arith.subf %parallel_loop3A_957, %parallel_loop3A_959 : vector<16xf32>
      %parallel_loop3A_961 = arith.constant 6.28318548 : f32
      %parallel_loop3A_962 = vector.broadcast %parallel_loop3A_961 : f32 to vector<16xf32>
      %parallel_loop3A_963 = arith.mulf %parallel_loop3A_960, %parallel_loop3A_962 : vector<16xf32>
      %parallel_loop3A_964 = arith.constant 3.14159274 : f32
      %parallel_loop3A_965 = vector.broadcast %parallel_loop3A_964 : f32 to vector<16xf32>
      %parallel_loop3A_966 = arith.subf %parallel_loop3A_965, %parallel_loop3A_963 : vector<16xf32>
      %parallel_loop3A_967 = arith.mulf %parallel_loop3A_966, %parallel_loop3A_966 : vector<16xf32>
      %parallel_loop3A_968 = arith.constant 2.21939359E-7 : f32
      %parallel_loop3A_969 = vector.broadcast %parallel_loop3A_968 : f32 to vector<16xf32>
      %parallel_loop3A_970 = arith.mulf %parallel_loop3A_969, %parallel_loop3A_967 : vector<16xf32>
      %parallel_loop3A_971 = arith.constant -2.42531896E-5 : f32
      %parallel_loop3A_972 = vector.broadcast %parallel_loop3A_971 : f32 to vector<16xf32>
      %parallel_loop3A_973 = arith.addf %parallel_loop3A_970, %parallel_loop3A_972 : vector<16xf32>
      %parallel_loop3A_974 = arith.mulf %parallel_loop3A_973, %parallel_loop3A_967 : vector<16xf32>
      %parallel_loop3A_975 = arith.constant 0.0013862747 : f32
      %parallel_loop3A_976 = vector.broadcast %parallel_loop3A_975 : f32 to vector<16xf32>
      %parallel_loop3A_977 = arith.addf %parallel_loop3A_974, %parallel_loop3A_976 : vector<16xf32>
      %parallel_loop3A_978 = arith.mulf %parallel_loop3A_977, %parallel_loop3A_967 : vector<16xf32>
      %parallel_loop3A_979 = arith.constant -0.0416610315 : f32
      %parallel_loop3A_980 = vector.broadcast %parallel_loop3A_979 : f32 to vector<16xf32>
      %parallel_loop3A_981 = arith.addf %parallel_loop3A_978, %parallel_loop3A_980 : vector<16xf32>
      %parallel_loop3A_982 = arith.mulf %parallel_loop3A_981, %parallel_loop3A_967 : vector<16xf32>
      %parallel_loop3A_983 = arith.constant 0.499995589 : f32
      %parallel_loop3A_984 = vector.broadcast %parallel_loop3A_983 : f32 to vector<16xf32>
      %parallel_loop3A_985 = arith.addf %parallel_loop3A_982, %parallel_loop3A_984 : vector<16xf32>
      %parallel_loop3A_986 = arith.mulf %parallel_loop3A_985, %parallel_loop3A_967 : vector<16xf32>
      %parallel_loop3A_987 = arith.constant -0.999999463 : f32
      %parallel_loop3A_988 = vector.broadcast %parallel_loop3A_987 : f32 to vector<16xf32>
      %parallel_loop3A_989 = arith.addf %parallel_loop3A_986, %parallel_loop3A_988 : vector<16xf32>
      %parallel_loop3A_990 = arith.index_cast %parallel_loop3A_839 : i32 to index
      %parallel_loop3A_991 = arith.constant 48 : index
      %parallel_loop3A_992 = tpu.vector_load %arg7[%parallel_loop3A_990, %parallel_loop3A_991] {strides = array<i32>} : memref<256x64xf32, #tpu.memory_space<vmem>>, vector<1x16xf32>,
      %parallel_loop3A_993 = vector.shape_cast %parallel_loop3A_992 : vector<1x16xf32> to vector<16xf32>
      %parallel_loop3A_994 = vector.shape_cast %parallel_loop3A_989 : vector<16xf32> to vector<1x16xf32>
      tpu.vector_store %arg7[%parallel_loop3A_990, %parallel_loop3A_991], %parallel_loop3A_994 {strides = array<i32>} : memref<256x64xf32, #tpu.memory_space<vmem>>, vector<1x16xf32>,
      %parallel_loop3A_995 = arith.constant 16 : i32
      %parallel_loop3A_996 = arith.muli %parallel_loop3A_34, %parallel_loop3A_995 : i32
      %parallel_loop3A_997 = arith.constant 6 : i32
      %parallel_loop3A_998 = arith.addi %parallel_loop3A_996, %parallel_loop3A_997 : i32
      %parallel_loop3A_999 = vector.extract_strided_slice %parallel_loop3A_40 {offsets = [6], sizes = [1], strides = [1]} : vector<16xf32> to vector<1xf32>
      %parallel_loop3A_1000 = vector.extract %parallel_loop3A_999[0] : f32 from vector<1xf32>
      %parallel_loop3A_1001 = vector.broadcast %parallel_loop3A_1000 : f32 to vector<16xf32>
      %parallel_loop3A_1002 = arith.mulf %parallel_loop3A_1001, %mul3A_7 : vector<16xf32>
      %parallel_loop3A_1003 = arith.fptosi %parallel_loop3A_1002 : vector<16xf32> to vector<16xi32>
      %parallel_loop3A_1004 = arith.sitofp %parallel_loop3A_1003 : vector<16xi32> to vector<16xf32>
      %parallel_loop3A_1005 = arith.subf %parallel_loop3A_1002, %parallel_loop3A_1004 : vector<16xf32>
      %parallel_loop3A_1006 = arith.constant 6.28318548 : f32
      %parallel_loop3A_1007 = vector.broadcast %parallel_loop3A_1006 : f32 to vector<16xf32>
      %parallel_loop3A_1008 = arith.mulf %parallel_loop3A_1005, %parallel_loop3A_1007 : vector<16xf32>
      %parallel_loop3A_1009 = arith.constant 3.14159274 : f32
      %parallel_loop3A_1010 = vector.broadcast %parallel_loop3A_1009 : f32 to vector<16xf32>
      %parallel_loop3A_1011 = arith.subf %parallel_loop3A_1010, %parallel_loop3A_1008 : vector<16xf32>
      %parallel_loop3A_1012 = arith.mulf %parallel_loop3A_1011, %parallel_loop3A_1011 : vector<16xf32>
      %parallel_loop3A_1013 = arith.constant 2.21939359E-7 : f32
      %parallel_loop3A_1014 = vector.broadcast %parallel_loop3A_1013 : f32 to vector<16xf32>
      %parallel_loop3A_1015 = arith.mulf %parallel_loop3A_1014, %parallel_loop3A_1012 : vector<16xf32>
      %parallel_loop3A_1016 = arith.constant -2.42531896E-5 : f32
      %parallel_loop3A_1017 = vector.broadcast %parallel_loop3A_1016 : f32 to vector<16xf32>
      %parallel_loop3A_1018 = arith.addf %parallel_loop3A_1015, %parallel_loop3A_1017 : vector<16xf32>
      %parallel_loop3A_1019 = arith.mulf %parallel_loop3A_1018, %parallel_loop3A_1012 : vector<16xf32>
      %parallel_loop3A_1020 = arith.constant 0.0013862747 : f32
      %parallel_loop3A_1021 = vector.broadcast %parallel_loop3A_1020 : f32 to vector<16xf32>
      %parallel_loop3A_1022 = arith.addf %parallel_loop3A_1019, %parallel_loop3A_1021 : vector<16xf32>
      %parallel_loop3A_1023 = arith.mulf %parallel_loop3A_1022, %parallel_loop3A_1012 : vector<16xf32>
      %parallel_loop3A_1024 = arith.constant -0.0416610315 : f32
      %parallel_loop3A_1025 = vector.broadcast %parallel_loop3A_1024 : f32 to vector<16xf32>
      %parallel_loop3A_1026 = arith.addf %parallel_loop3A_1023, %parallel_loop3A_1025 : vector<16xf32>
      %parallel_loop3A_1027 = arith.mulf %parallel_loop3A_1026, %parallel_loop3A_1012 : vector<16xf32>
      %parallel_loop3A_1028 = arith.constant 0.499995589 : f32
      %parallel_loop3A_1029 = vector.broadcast %parallel_loop3A_1028 : f32 to vector<16xf32>
      %parallel_loop3A_1030 = arith.addf %parallel_loop3A_1027, %parallel_loop3A_1029 : vector<16xf32>
      %parallel_loop3A_1031 = arith.mulf %parallel_loop3A_1030, %parallel_loop3A_1012 : vector<16xf32>
      %parallel_loop3A_1032 = arith.constant -0.999999463 : f32
      %parallel_loop3A_1033 = vector.broadcast %parallel_loop3A_1032 : f32 to vector<16xf32>
      %parallel_loop3A_1034 = arith.addf %parallel_loop3A_1031, %parallel_loop3A_1033 : vector<16xf32>
      %parallel_loop3A_1035 = arith.index_cast %parallel_loop3A_998 : i32 to index
      %parallel_loop3A_1036 = arith.constant 0 : index
      %parallel_loop3A_1037 = tpu.vector_load %arg7[%parallel_loop3A_1035, %parallel_loop3A_1036] {strides = array<i32>} : memref<256x64xf32, #tpu.memory_space<vmem>>, vector<1x16xf32>,
      %parallel_loop3A_1038 = vector.shape_cast %parallel_loop3A_1037 : vector<1x16xf32> to vector<16xf32>
      %parallel_loop3A_1039 = vector.shape_cast %parallel_loop3A_1034 : vector<16xf32> to vector<1x16xf32>
      tpu.vector_store %arg7[%parallel_loop3A_1035, %parallel_loop3A_1036], %parallel_loop3A_1039 {strides = array<i32>} : memref<256x64xf32, #tpu.memory_space<vmem>>, vector<1x16xf32>,
      %parallel_loop3A_1040 = arith.mulf %parallel_loop3A_1001, %mul3A_13 : vector<16xf32>
      %parallel_loop3A_1041 = arith.fptosi %parallel_loop3A_1040 : vector<16xf32> to vector<16xi32>
      %parallel_loop3A_1042 = arith.sitofp %parallel_loop3A_1041 : vector<16xi32> to vector<16xf32>
      %parallel_loop3A_1043 = arith.subf %parallel_loop3A_1040, %parallel_loop3A_1042 : vector<16xf32>
      %parallel_loop3A_1044 = arith.constant 6.28318548 : f32
      %parallel_loop3A_1045 = vector.broadcast %parallel_loop3A_1044 : f32 to vector<16xf32>
      %parallel_loop3A_1046 = arith.mulf %parallel_loop3A_1043, %parallel_loop3A_1045 : vector<16xf32>
      %parallel_loop3A_1047 = arith.constant 3.14159274 : f32
      %parallel_loop3A_1048 = vector.broadcast %parallel_loop3A_1047 : f32 to vector<16xf32>
      %parallel_loop3A_1049 = arith.subf %parallel_loop3A_1048, %parallel_loop3A_1046 : vector<16xf32>
      %parallel_loop3A_1050 = arith.mulf %parallel_loop3A_1049, %parallel_loop3A_1049 : vector<16xf32>
      %parallel_loop3A_1051 = arith.constant 2.21939359E-7 : f32
      %parallel_loop3A_1052 = vector.broadcast %parallel_loop3A_1051 : f32 to vector<16xf32>
      %parallel_loop3A_1053 = arith.mulf %parallel_loop3A_1052, %parallel_loop3A_1050 : vector<16xf32>
      %parallel_loop3A_1054 = arith.constant -2.42531896E-5 : f32
      %parallel_loop3A_1055 = vector.broadcast %parallel_loop3A_1054 : f32 to vector<16xf32>
      %parallel_loop3A_1056 = arith.addf %parallel_loop3A_1053, %parallel_loop3A_1055 : vector<16xf32>
      %parallel_loop3A_1057 = arith.mulf %parallel_loop3A_1056, %parallel_loop3A_1050 : vector<16xf32>
      %parallel_loop3A_1058 = arith.constant 0.0013862747 : f32
      %parallel_loop3A_1059 = vector.broadcast %parallel_loop3A_1058 : f32 to vector<16xf32>
      %parallel_loop3A_1060 = arith.addf %parallel_loop3A_1057, %parallel_loop3A_1059 : vector<16xf32>
      %parallel_loop3A_1061 = arith.mulf %parallel_loop3A_1060, %parallel_loop3A_1050 : vector<16xf32>
      %parallel_loop3A_1062 = arith.constant -0.0416610315 : f32
      %parallel_loop3A_1063 = vector.broadcast %parallel_loop3A_1062 : f32 to vector<16xf32>
      %parallel_loop3A_1064 = arith.addf %parallel_loop3A_1061, %parallel_loop3A_1063 : vector<16xf32>
      %parallel_loop3A_1065 = arith.mulf %parallel_loop3A_1064, %parallel_loop3A_1050 : vector<16xf32>
      %parallel_loop3A_1066 = arith.constant 0.499995589 : f32
      %parallel_loop3A_1067 = vector.broadcast %parallel_loop3A_1066 : f32 to vector<16xf32>
      %parallel_loop3A_1068 = arith.addf %parallel_loop3A_1065, %parallel_loop3A_1067 : vector<16xf32>
      %parallel_loop3A_1069 = arith.mulf %parallel_loop3A_1068, %parallel_loop3A_1050 : vector<16xf32>
      %parallel_loop3A_1070 = arith.constant -0.999999463 : f32
      %parallel_loop3A_1071 = vector.broadcast %parallel_loop3A_1070 : f32 to vector<16xf32>
      %parallel_loop3A_1072 = arith.addf %parallel_loop3A_1069, %parallel_loop3A_1071 : vector<16xf32>
      %parallel_loop3A_1073 = arith.index_cast %parallel_loop3A_998 : i32 to index
      %parallel_loop3A_1074 = arith.constant 16 : index
      %parallel_loop3A_1075 = tpu.vector_load %arg7[%parallel_loop3A_1073, %parallel_loop3A_1074] {strides = array<i32>} : memref<256x64xf32, #tpu.memory_space<vmem>>, vector<1x16xf32>,
      %parallel_loop3A_1076 = vector.shape_cast %parallel_loop3A_1075 : vector<1x16xf32> to vector<16xf32>
      %parallel_loop3A_1077 = vector.shape_cast %parallel_loop3A_1072 : vector<16xf32> to vector<1x16xf32>
      tpu.vector_store %arg7[%parallel_loop3A_1073, %parallel_loop3A_1074], %parallel_loop3A_1077 {strides = array<i32>} : memref<256x64xf32, #tpu.memory_space<vmem>>, vector<1x16xf32>,
      %parallel_loop3A_1078 = arith.mulf %parallel_loop3A_1001, %mul3A_19 : vector<16xf32>
      %parallel_loop3A_1079 = arith.fptosi %parallel_loop3A_1078 : vector<16xf32> to vector<16xi32>
      %parallel_loop3A_1080 = arith.sitofp %parallel_loop3A_1079 : vector<16xi32> to vector<16xf32>
      %parallel_loop3A_1081 = arith.subf %parallel_loop3A_1078, %parallel_loop3A_1080 : vector<16xf32>
      %parallel_loop3A_1082 = arith.constant 6.28318548 : f32
      %parallel_loop3A_1083 = vector.broadcast %parallel_loop3A_1082 : f32 to vector<16xf32>
      %parallel_loop3A_1084 = arith.mulf %parallel_loop3A_1081, %parallel_loop3A_1083 : vector<16xf32>
      %parallel_loop3A_1085 = arith.constant 3.14159274 : f32
      %parallel_loop3A_1086 = vector.broadcast %parallel_loop3A_1085 : f32 to vector<16xf32>
      %parallel_loop3A_1087 = arith.subf %parallel_loop3A_1086, %parallel_loop3A_1084 : vector<16xf32>
      %parallel_loop3A_1088 = arith.mulf %parallel_loop3A_1087, %parallel_loop3A_1087 : vector<16xf32>
      %parallel_loop3A_1089 = arith.constant 2.21939359E-7 : f32
      %parallel_loop3A_1090 = vector.broadcast %parallel_loop3A_1089 : f32 to vector<16xf32>
      %parallel_loop3A_1091 = arith.mulf %parallel_loop3A_1090, %parallel_loop3A_1088 : vector<16xf32>
      %parallel_loop3A_1092 = arith.constant -2.42531896E-5 : f32
      %parallel_loop3A_1093 = vector.broadcast %parallel_loop3A_1092 : f32 to vector<16xf32>
      %parallel_loop3A_1094 = arith.addf %parallel_loop3A_1091, %parallel_loop3A_1093 : vector<16xf32>
      %parallel_loop3A_1095 = arith.mulf %parallel_loop3A_1094, %parallel_loop3A_1088 : vector<16xf32>
      %parallel_loop3A_1096 = arith.constant 0.0013862747 : f32
      %parallel_loop3A_1097 = vector.broadcast %parallel_loop3A_1096 : f32 to vector<16xf32>
      %parallel_loop3A_1098 = arith.addf %parallel_loop3A_1095, %parallel_loop3A_1097 : vector<16xf32>
      %parallel_loop3A_1099 = arith.mulf %parallel_loop3A_1098, %parallel_loop3A_1088 : vector<16xf32>
      %parallel_loop3A_1100 = arith.constant -0.0416610315 : f32
      %parallel_loop3A_1101 = vector.broadcast %parallel_loop3A_1100 : f32 to vector<16xf32>
      %parallel_loop3A_1102 = arith.addf %parallel_loop3A_1099, %parallel_loop3A_1101 : vector<16xf32>
      %parallel_loop3A_1103 = arith.mulf %parallel_loop3A_1102, %parallel_loop3A_1088 : vector<16xf32>
      %parallel_loop3A_1104 = arith.constant 0.499995589 : f32
      %parallel_loop3A_1105 = vector.broadcast %parallel_loop3A_1104 : f32 to vector<16xf32>
      %parallel_loop3A_1106 = arith.addf %parallel_loop3A_1103, %parallel_loop3A_1105 : vector<16xf32>
      %parallel_loop3A_1107 = arith.mulf %parallel_loop3A_1106, %parallel_loop3A_1088 : vector<16xf32>
      %parallel_loop3A_1108 = arith.constant -0.999999463 : f32
      %parallel_loop3A_1109 = vector.broadcast %parallel_loop3A_1108 : f32 to vector<16xf32>
      %parallel_loop3A_1110 = arith.addf %parallel_loop3A_1107, %parallel_loop3A_1109 : vector<16xf32>
      %parallel_loop3A_1111 = arith.index_cast %parallel_loop3A_998 : i32 to index
      %parallel_loop3A_1112 = arith.constant 32 : index
      %parallel_loop3A_1113 = tpu.vector_load %arg7[%parallel_loop3A_1111, %parallel_loop3A_1112] {strides = array<i32>} : memref<256x64xf32, #tpu.memory_space<vmem>>, vector<1x16xf32>,
      %parallel_loop3A_1114 = vector.shape_cast %parallel_loop3A_1113 : vector<1x16xf32> to vector<16xf32>
      %parallel_loop3A_1115 = vector.shape_cast %parallel_loop3A_1110 : vector<16xf32> to vector<1x16xf32>
      tpu.vector_store %arg7[%parallel_loop3A_1111, %parallel_loop3A_1112], %parallel_loop3A_1115 {strides = array<i32>} : memref<256x64xf32, #tpu.memory_space<vmem>>, vector<1x16xf32>,
      %parallel_loop3A_1116 = arith.mulf %parallel_loop3A_1001, %mul3A_25 : vector<16xf32>
      %parallel_loop3A_1117 = arith.fptosi %parallel_loop3A_1116 : vector<16xf32> to vector<16xi32>
      %parallel_loop3A_1118 = arith.sitofp %parallel_loop3A_1117 : vector<16xi32> to vector<16xf32>
      %parallel_loop3A_1119 = arith.subf %parallel_loop3A_1116, %parallel_loop3A_1118 : vector<16xf32>
      %parallel_loop3A_1120 = arith.constant 6.28318548 : f32
      %parallel_loop3A_1121 = vector.broadcast %parallel_loop3A_1120 : f32 to vector<16xf32>
      %parallel_loop3A_1122 = arith.mulf %parallel_loop3A_1119, %parallel_loop3A_1121 : vector<16xf32>
      %parallel_loop3A_1123 = arith.constant 3.14159274 : f32
      %parallel_loop3A_1124 = vector.broadcast %parallel_loop3A_1123 : f32 to vector<16xf32>
      %parallel_loop3A_1125 = arith.subf %parallel_loop3A_1124, %parallel_loop3A_1122 : vector<16xf32>
      %parallel_loop3A_1126 = arith.mulf %parallel_loop3A_1125, %parallel_loop3A_1125 : vector<16xf32>
      %parallel_loop3A_1127 = arith.constant 2.21939359E-7 : f32
      %parallel_loop3A_1128 = vector.broadcast %parallel_loop3A_1127 : f32 to vector<16xf32>
      %parallel_loop3A_1129 = arith.mulf %parallel_loop3A_1128, %parallel_loop3A_1126 : vector<16xf32>
      %parallel_loop3A_1130 = arith.constant -2.42531896E-5 : f32
      %parallel_loop3A_1131 = vector.broadcast %parallel_loop3A_1130 : f32 to vector<16xf32>
      %parallel_loop3A_1132 = arith.addf %parallel_loop3A_1129, %parallel_loop3A_1131 : vector<16xf32>
      %parallel_loop3A_1133 = arith.mulf %parallel_loop3A_1132, %parallel_loop3A_1126 : vector<16xf32>
      %parallel_loop3A_1134 = arith.constant 0.0013862747 : f32
      %parallel_loop3A_1135 = vector.broadcast %parallel_loop3A_1134 : f32 to vector<16xf32>
      %parallel_loop3A_1136 = arith.addf %parallel_loop3A_1133, %parallel_loop3A_1135 : vector<16xf32>
      %parallel_loop3A_1137 = arith.mulf %parallel_loop3A_1136, %parallel_loop3A_1126 : vector<16xf32>
      %parallel_loop3A_1138 = arith.constant -0.0416610315 : f32
      %parallel_loop3A_1139 = vector.broadcast %parallel_loop3A_1138 : f32 to vector<16xf32>
      %parallel_loop3A_1140 = arith.addf %parallel_loop3A_1137, %parallel_loop3A_1139 : vector<16xf32>
      %parallel_loop3A_1141 = arith.mulf %parallel_loop3A_1140, %parallel_loop3A_1126 : vector<16xf32>
      %parallel_loop3A_1142 = arith.constant 0.499995589 : f32
      %parallel_loop3A_1143 = vector.broadcast %parallel_loop3A_1142 : f32 to vector<16xf32>
      %parallel_loop3A_1144 = arith.addf %parallel_loop3A_1141, %parallel_loop3A_1143 : vector<16xf32>
      %parallel_loop3A_1145 = arith.mulf %parallel_loop3A_1144, %parallel_loop3A_1126 : vector<16xf32>
      %parallel_loop3A_1146 = arith.constant -0.999999463 : f32
      %parallel_loop3A_1147 = vector.broadcast %parallel_loop3A_1146 : f32 to vector<16xf32>
      %parallel_loop3A_1148 = arith.addf %parallel_loop3A_1145, %parallel_loop3A_1147 : vector<16xf32>
      %parallel_loop3A_1149 = arith.index_cast %parallel_loop3A_998 : i32 to index
      %parallel_loop3A_1150 = arith.constant 48 : index
      %parallel_loop3A_1151 = tpu.vector_load %arg7[%parallel_loop3A_1149, %parallel_loop3A_1150] {strides = array<i32>} : memref<256x64xf32, #tpu.memory_space<vmem>>, vector<1x16xf32>,
      %parallel_loop3A_1152 = vector.shape_cast %parallel_loop3A_1151 : vector<1x16xf32> to vector<16xf32>
      %parallel_loop3A_1153 = vector.shape_cast %parallel_loop3A_1148 : vector<16xf32> to vector<1x16xf32>
      tpu.vector_store %arg7[%parallel_loop3A_1149, %parallel_loop3A_1150], %parallel_loop3A_1153 {strides = array<i32>} : memref<256x64xf32, #tpu.memory_space<vmem>>, vector<1x16xf32>,
      %parallel_loop3A_1154 = arith.constant 16 : i32
      %parallel_loop3A_1155 = arith.muli %parallel_loop3A_34, %parallel_loop3A_1154 : i32
      %parallel_loop3A_1156 = arith.constant 7 : i32
      %parallel_loop3A_1157 = arith.addi %parallel_loop3A_1155, %parallel_loop3A_1156 : i32
      %parallel_loop3A_1158 = vector.extract_strided_slice %parallel_loop3A_40 {offsets = [7], sizes = [1], strides = [1]} : vector<16xf32> to vector<1xf32>
      %parallel_loop3A_1159 = vector.extract %parallel_loop3A_1158[0] : f32 from vector<1xf32>
      %parallel_loop3A_1160 = vector.broadcast %parallel_loop3A_1159 : f32 to vector<16xf32>
      %parallel_loop3A_1161 = arith.mulf %parallel_loop3A_1160, %mul3A_7 : vector<16xf32>
      %parallel_loop3A_1162 = arith.fptosi %parallel_loop3A_1161 : vector<16xf32> to vector<16xi32>
      %parallel_loop3A_1163 = arith.sitofp %parallel_loop3A_1162 : vector<16xi32> to vector<16xf32>
      %parallel_loop3A_1164 = arith.subf %parallel_loop3A_1161, %parallel_loop3A_1163 : vector<16xf32>
      %parallel_loop3A_1165 = arith.constant 6.28318548 : f32
      %parallel_loop3A_1166 = vector.broadcast %parallel_loop3A_1165 : f32 to vector<16xf32>
      %parallel_loop3A_1167 = arith.mulf %parallel_loop3A_1164, %parallel_loop3A_1166 : vector<16xf32>
      %parallel_loop3A_1168 = arith.constant 3.14159274 : f32
      %parallel_loop3A_1169 = vector.broadcast %parallel_loop3A_1168 : f32 to vector<16xf32>
      %parallel_loop3A_1170 = arith.subf %parallel_loop3A_1169, %parallel_loop3A_1167 : vector<16xf32>
      %parallel_loop3A_1171 = arith.mulf %parallel_loop3A_1170, %parallel_loop3A_1170 : vector<16xf32>
      %parallel_loop3A_1172 = arith.constant 2.21939359E-7 : f32
      %parallel_loop3A_1173 = vector.broadcast %parallel_loop3A_1172 : f32 to vector<16xf32>
      %parallel_loop3A_1174 = arith.mulf %parallel_loop3A_1173, %parallel_loop3A_1171 : vector<16xf32>
      %parallel_loop3A_1175 = arith.constant -2.42531896E-5 : f32
      %parallel_loop3A_1176 = vector.broadcast %parallel_loop3A_1175 : f32 to vector<16xf32>
      %parallel_loop3A_1177 = arith.addf %parallel_loop3A_1174, %parallel_loop3A_1176 : vector<16xf32>
      %parallel_loop3A_1178 = arith.mulf %parallel_loop3A_1177, %parallel_loop3A_1171 : vector<16xf32>
      %parallel_loop3A_1179 = arith.constant 0.0013862747 : f32
      %parallel_loop3A_1180 = vector.broadcast %parallel_loop3A_1179 : f32 to vector<16xf32>
      %parallel_loop3A_1181 = arith.addf %parallel_loop3A_1178, %parallel_loop3A_1180 : vector<16xf32>
      %parallel_loop3A_1182 = arith.mulf %parallel_loop3A_1181, %parallel_loop3A_1171 : vector<16xf32>
      %parallel_loop3A_1183 = arith.constant -0.0416610315 : f32
      %parallel_loop3A_1184 = vector.broadcast %parallel_loop3A_1183 : f32 to vector<16xf32>
      %parallel_loop3A_1185 = arith.addf %parallel_loop3A_1182, %parallel_loop3A_1184 : vector<16xf32>
      %parallel_loop3A_1186 = arith.mulf %parallel_loop3A_1185, %parallel_loop3A_1171 : vector<16xf32>
      %parallel_loop3A_1187 = arith.constant 0.499995589 : f32
      %parallel_loop3A_1188 = vector.broadcast %parallel_loop3A_1187 : f32 to vector<16xf32>
      %parallel_loop3A_1189 = arith.addf %parallel_loop3A_1186, %parallel_loop3A_1188 : vector<16xf32>
      %parallel_loop3A_1190 = arith.mulf %parallel_loop3A_1189, %parallel_loop3A_1171 : vector<16xf32>
      %parallel_loop3A_1191 = arith.constant -0.999999463 : f32
      %parallel_loop3A_1192 = vector.broadcast %parallel_loop3A_1191 : f32 to vector<16xf32>
      %parallel_loop3A_1193 = arith.addf %parallel_loop3A_1190, %parallel_loop3A_1192 : vector<16xf32>
      %parallel_loop3A_1194 = arith.index_cast %parallel_loop3A_1157 : i32 to index
      %parallel_loop3A_1195 = arith.constant 0 : index
      %parallel_loop3A_1196 = tpu.vector_load %arg7[%parallel_loop3A_1194, %parallel_loop3A_1195] {strides = array<i32>} : memref<256x64xf32, #tpu.memory_space<vmem>>, vector<1x16xf32>,
      %parallel_loop3A_1197 = vector.shape_cast %parallel_loop3A_1196 : vector<1x16xf32> to vector<16xf32>
      %parallel_loop3A_1198 = vector.shape_cast %parallel_loop3A_1193 : vector<16xf32> to vector<1x16xf32>
      tpu.vector_store %arg7[%parallel_loop3A_1194, %parallel_loop3A_1195], %parallel_loop3A_1198 {strides = array<i32>} : memref<256x64xf32, #tpu.memory_space<vmem>>, vector<1x16xf32>,
      %parallel_loop3A_1199 = arith.mulf %parallel_loop3A_1160, %mul3A_13 : vector<16xf32>
      %parallel_loop3A_1200 = arith.fptosi %parallel_loop3A_1199 : vector<16xf32> to vector<16xi32>
      %parallel_loop3A_1201 = arith.sitofp %parallel_loop3A_1200 : vector<16xi32> to vector<16xf32>
      %parallel_loop3A_1202 = arith.subf %parallel_loop3A_1199, %parallel_loop3A_1201 : vector<16xf32>
      %parallel_loop3A_1203 = arith.constant 6.28318548 : f32
      %parallel_loop3A_1204 = vector.broadcast %parallel_loop3A_1203 : f32 to vector<16xf32>
      %parallel_loop3A_1205 = arith.mulf %parallel_loop3A_1202, %parallel_loop3A_1204 : vector<16xf32>
      %parallel_loop3A_1206 = arith.constant 3.14159274 : f32
      %parallel_loop3A_1207 = vector.broadcast %parallel_loop3A_1206 : f32 to vector<16xf32>
      %parallel_loop3A_1208 = arith.subf %parallel_loop3A_1207, %parallel_loop3A_1205 : vector<16xf32>
      %parallel_loop3A_1209 = arith.mulf %parallel_loop3A_1208, %parallel_loop3A_1208 : vector<16xf32>
      %parallel_loop3A_1210 = arith.constant 2.21939359E-7 : f32
      %parallel_loop3A_1211 = vector.broadcast %parallel_loop3A_1210 : f32 to vector<16xf32>
      %parallel_loop3A_1212 = arith.mulf %parallel_loop3A_1211, %parallel_loop3A_1209 : vector<16xf32>
      %parallel_loop3A_1213 = arith.constant -2.42531896E-5 : f32
      %parallel_loop3A_1214 = vector.broadcast %parallel_loop3A_1213 : f32 to vector<16xf32>
      %parallel_loop3A_1215 = arith.addf %parallel_loop3A_1212, %parallel_loop3A_1214 : vector<16xf32>
      %parallel_loop3A_1216 = arith.mulf %parallel_loop3A_1215, %parallel_loop3A_1209 : vector<16xf32>
      %parallel_loop3A_1217 = arith.constant 0.0013862747 : f32
      %parallel_loop3A_1218 = vector.broadcast %parallel_loop3A_1217 : f32 to vector<16xf32>
      %parallel_loop3A_1219 = arith.addf %parallel_loop3A_1216, %parallel_loop3A_1218 : vector<16xf32>
      %parallel_loop3A_1220 = arith.mulf %parallel_loop3A_1219, %parallel_loop3A_1209 : vector<16xf32>
      %parallel_loop3A_1221 = arith.constant -0.0416610315 : f32
      %parallel_loop3A_1222 = vector.broadcast %parallel_loop3A_1221 : f32 to vector<16xf32>
      %parallel_loop3A_1223 = arith.addf %parallel_loop3A_1220, %parallel_loop3A_1222 : vector<16xf32>
      %parallel_loop3A_1224 = arith.mulf %parallel_loop3A_1223, %parallel_loop3A_1209 : vector<16xf32>
      %parallel_loop3A_1225 = arith.constant 0.499995589 : f32
      %parallel_loop3A_1226 = vector.broadcast %parallel_loop3A_1225 : f32 to vector<16xf32>
      %parallel_loop3A_1227 = arith.addf %parallel_loop3A_1224, %parallel_loop3A_1226 : vector<16xf32>
      %parallel_loop3A_1228 = arith.mulf %parallel_loop3A_1227, %parallel_loop3A_1209 : vector<16xf32>
      %parallel_loop3A_1229 = arith.constant -0.999999463 : f32
      %parallel_loop3A_1230 = vector.broadcast %parallel_loop3A_1229 : f32 to vector<16xf32>
      %parallel_loop3A_1231 = arith.addf %parallel_loop3A_1228, %parallel_loop3A_1230 : vector<16xf32>
      %parallel_loop3A_1232 = arith.index_cast %parallel_loop3A_1157 : i32 to index
      %parallel_loop3A_1233 = arith.constant 16 : index
      %parallel_loop3A_1234 = tpu.vector_load %arg7[%parallel_loop3A_1232, %parallel_loop3A_1233] {strides = array<i32>} : memref<256x64xf32, #tpu.memory_space<vmem>>, vector<1x16xf32>,
      %parallel_loop3A_1235 = vector.shape_cast %parallel_loop3A_1234 : vector<1x16xf32> to vector<16xf32>
      %parallel_loop3A_1236 = vector.shape_cast %parallel_loop3A_1231 : vector<16xf32> to vector<1x16xf32>
      tpu.vector_store %arg7[%parallel_loop3A_1232, %parallel_loop3A_1233], %parallel_loop3A_1236 {strides = array<i32>} : memref<256x64xf32, #tpu.memory_space<vmem>>, vector<1x16xf32>,
      %parallel_loop3A_1237 = arith.mulf %parallel_loop3A_1160, %mul3A_19 : vector<16xf32>
      %parallel_loop3A_1238 = arith.fptosi %parallel_loop3A_1237 : vector<16xf32> to vector<16xi32>
      %parallel_loop3A_1239 = arith.sitofp %parallel_loop3A_1238 : vector<16xi32> to vector<16xf32>
      %parallel_loop3A_1240 = arith.subf %parallel_loop3A_1237, %parallel_loop3A_1239 : vector<16xf32>
      %parallel_loop3A_1241 = arith.constant 6.28318548 : f32
      %parallel_loop3A_1242 = vector.broadcast %parallel_loop3A_1241 : f32 to vector<16xf32>
      %parallel_loop3A_1243 = arith.mulf %parallel_loop3A_1240, %parallel_loop3A_1242 : vector<16xf32>
      %parallel_loop3A_1244 = arith.constant 3.14159274 : f32
      %parallel_loop3A_1245 = vector.broadcast %parallel_loop3A_1244 : f32 to vector<16xf32>
      %parallel_loop3A_1246 = arith.subf %parallel_loop3A_1245, %parallel_loop3A_1243 : vector<16xf32>
      %parallel_loop3A_1247 = arith.mulf %parallel_loop3A_1246, %parallel_loop3A_1246 : vector<16xf32>
      %parallel_loop3A_1248 = arith.constant 2.21939359E-7 : f32
      %parallel_loop3A_1249 = vector.broadcast %parallel_loop3A_1248 : f32 to vector<16xf32>
      %parallel_loop3A_1250 = arith.mulf %parallel_loop3A_1249, %parallel_loop3A_1247 : vector<16xf32>
      %parallel_loop3A_1251 = arith.constant -2.42531896E-5 : f32
      %parallel_loop3A_1252 = vector.broadcast %parallel_loop3A_1251 : f32 to vector<16xf32>
      %parallel_loop3A_1253 = arith.addf %parallel_loop3A_1250, %parallel_loop3A_1252 : vector<16xf32>
      %parallel_loop3A_1254 = arith.mulf %parallel_loop3A_1253, %parallel_loop3A_1247 : vector<16xf32>
      %parallel_loop3A_1255 = arith.constant 0.0013862747 : f32
      %parallel_loop3A_1256 = vector.broadcast %parallel_loop3A_1255 : f32 to vector<16xf32>
      %parallel_loop3A_1257 = arith.addf %parallel_loop3A_1254, %parallel_loop3A_1256 : vector<16xf32>
      %parallel_loop3A_1258 = arith.mulf %parallel_loop3A_1257, %parallel_loop3A_1247 : vector<16xf32>
      %parallel_loop3A_1259 = arith.constant -0.0416610315 : f32
      %parallel_loop3A_1260 = vector.broadcast %parallel_loop3A_1259 : f32 to vector<16xf32>
      %parallel_loop3A_1261 = arith.addf %parallel_loop3A_1258, %parallel_loop3A_1260 : vector<16xf32>
      %parallel_loop3A_1262 = arith.mulf %parallel_loop3A_1261, %parallel_loop3A_1247 : vector<16xf32>
      %parallel_loop3A_1263 = arith.constant 0.499995589 : f32
      %parallel_loop3A_1264 = vector.broadcast %parallel_loop3A_1263 : f32 to vector<16xf32>
      %parallel_loop3A_1265 = arith.addf %parallel_loop3A_1262, %parallel_loop3A_1264 : vector<16xf32>
      %parallel_loop3A_1266 = arith.mulf %parallel_loop3A_1265, %parallel_loop3A_1247 : vector<16xf32>
      %parallel_loop3A_1267 = arith.constant -0.999999463 : f32
      %parallel_loop3A_1268 = vector.broadcast %parallel_loop3A_1267 : f32 to vector<16xf32>
      %parallel_loop3A_1269 = arith.addf %parallel_loop3A_1266, %parallel_loop3A_1268 : vector<16xf32>
      %parallel_loop3A_1270 = arith.index_cast %parallel_loop3A_1157 : i32 to index
      %parallel_loop3A_1271 = arith.constant 32 : index
      %parallel_loop3A_1272 = tpu.vector_load %arg7[%parallel_loop3A_1270, %parallel_loop3A_1271] {strides = array<i32>} : memref<256x64xf32, #tpu.memory_space<vmem>>, vector<1x16xf32>,
      %parallel_loop3A_1273 = vector.shape_cast %parallel_loop3A_1272 : vector<1x16xf32> to vector<16xf32>
      %parallel_loop3A_1274 = vector.shape_cast %parallel_loop3A_1269 : vector<16xf32> to vector<1x16xf32>
      tpu.vector_store %arg7[%parallel_loop3A_1270, %parallel_loop3A_1271], %parallel_loop3A_1274 {strides = array<i32>} : memref<256x64xf32, #tpu.memory_space<vmem>>, vector<1x16xf32>,
      %parallel_loop3A_1275 = arith.mulf %parallel_loop3A_1160, %mul3A_25 : vector<16xf32>
      %parallel_loop3A_1276 = arith.fptosi %parallel_loop3A_1275 : vector<16xf32> to vector<16xi32>
      %parallel_loop3A_1277 = arith.sitofp %parallel_loop3A_1276 : vector<16xi32> to vector<16xf32>
      %parallel_loop3A_1278 = arith.subf %parallel_loop3A_1275, %parallel_loop3A_1277 : vector<16xf32>
      %parallel_loop3A_1279 = arith.constant 6.28318548 : f32
      %parallel_loop3A_1280 = vector.broadcast %parallel_loop3A_1279 : f32 to vector<16xf32>
      %parallel_loop3A_1281 = arith.mulf %parallel_loop3A_1278, %parallel_loop3A_1280 : vector<16xf32>
      %parallel_loop3A_1282 = arith.constant 3.14159274 : f32
      %parallel_loop3A_1283 = vector.broadcast %parallel_loop3A_1282 : f32 to vector<16xf32>
      %parallel_loop3A_1284 = arith.subf %parallel_loop3A_1283, %parallel_loop3A_1281 : vector<16xf32>
      %parallel_loop3A_1285 = arith.mulf %parallel_loop3A_1284, %parallel_loop3A_1284 : vector<16xf32>
      %parallel_loop3A_1286 = arith.constant 2.21939359E-7 : f32
      %parallel_loop3A_1287 = vector.broadcast %parallel_loop3A_1286 : f32 to vector<16xf32>
      %parallel_loop3A_1288 = arith.mulf %parallel_loop3A_1287, %parallel_loop3A_1285 : vector<16xf32>
      %parallel_loop3A_1289 = arith.constant -2.42531896E-5 : f32
      %parallel_loop3A_1290 = vector.broadcast %parallel_loop3A_1289 : f32 to vector<16xf32>
      %parallel_loop3A_1291 = arith.addf %parallel_loop3A_1288, %parallel_loop3A_1290 : vector<16xf32>
      %parallel_loop3A_1292 = arith.mulf %parallel_loop3A_1291, %parallel_loop3A_1285 : vector<16xf32>
      %parallel_loop3A_1293 = arith.constant 0.0013862747 : f32
      %parallel_loop3A_1294 = vector.broadcast %parallel_loop3A_1293 : f32 to vector<16xf32>
      %parallel_loop3A_1295 = arith.addf %parallel_loop3A_1292, %parallel_loop3A_1294 : vector<16xf32>
      %parallel_loop3A_1296 = arith.mulf %parallel_loop3A_1295, %parallel_loop3A_1285 : vector<16xf32>
      %parallel_loop3A_1297 = arith.constant -0.0416610315 : f32
      %parallel_loop3A_1298 = vector.broadcast %parallel_loop3A_1297 : f32 to vector<16xf32>
      %parallel_loop3A_1299 = arith.addf %parallel_loop3A_1296, %parallel_loop3A_1298 : vector<16xf32>
      %parallel_loop3A_1300 = arith.mulf %parallel_loop3A_1299, %parallel_loop3A_1285 : vector<16xf32>
      %parallel_loop3A_1301 = arith.constant 0.499995589 : f32
      %parallel_loop3A_1302 = vector.broadcast %parallel_loop3A_1301 : f32 to vector<16xf32>
      %parallel_loop3A_1303 = arith.addf %parallel_loop3A_1300, %parallel_loop3A_1302 : vector<16xf32>
      %parallel_loop3A_1304 = arith.mulf %parallel_loop3A_1303, %parallel_loop3A_1285 : vector<16xf32>
      %parallel_loop3A_1305 = arith.constant -0.999999463 : f32
      %parallel_loop3A_1306 = vector.broadcast %parallel_loop3A_1305 : f32 to vector<16xf32>
      %parallel_loop3A_1307 = arith.addf %parallel_loop3A_1304, %parallel_loop3A_1306 : vector<16xf32>
      %parallel_loop3A_1308 = arith.index_cast %parallel_loop3A_1157 : i32 to index
      %parallel_loop3A_1309 = arith.constant 48 : index
      %parallel_loop3A_1310 = tpu.vector_load %arg7[%parallel_loop3A_1308, %parallel_loop3A_1309] {strides = array<i32>} : memref<256x64xf32, #tpu.memory_space<vmem>>, vector<1x16xf32>,
      %parallel_loop3A_1311 = vector.shape_cast %parallel_loop3A_1310 : vector<1x16xf32> to vector<16xf32>
      %parallel_loop3A_1312 = vector.shape_cast %parallel_loop3A_1307 : vector<16xf32> to vector<1x16xf32>
      tpu.vector_store %arg7[%parallel_loop3A_1308, %parallel_loop3A_1309], %parallel_loop3A_1312 {strides = array<i32>} : memref<256x64xf32, #tpu.memory_space<vmem>>, vector<1x16xf32>,
      %parallel_loop3A_1313 = arith.constant 16 : i32
      %parallel_loop3A_1314 = arith.muli %parallel_loop3A_34, %parallel_loop3A_1313 : i32
      %parallel_loop3A_1315 = arith.constant 8 : i32
      %parallel_loop3A_1316 = arith.addi %parallel_loop3A_1314, %parallel_loop3A_1315 : i32
      %parallel_loop3A_1317 = vector.extract_strided_slice %parallel_loop3A_40 {offsets = [8], sizes = [1], strides = [1]} : vector<16xf32> to vector<1xf32>
      %parallel_loop3A_1318 = vector.extract %parallel_loop3A_1317[0] : f32 from vector<1xf32>
      %parallel_loop3A_1319 = vector.broadcast %parallel_loop3A_1318 : f32 to vector<16xf32>
      %parallel_loop3A_1320 = arith.mulf %parallel_loop3A_1319, %mul3A_7 : vector<16xf32>
      %parallel_loop3A_1321 = arith.fptosi %parallel_loop3A_1320 : vector<16xf32> to vector<16xi32>
      %parallel_loop3A_1322 = arith.sitofp %parallel_loop3A_1321 : vector<16xi32> to vector<16xf32>
      %parallel_loop3A_1323 = arith.subf %parallel_loop3A_1320, %parallel_loop3A_1322 : vector<16xf32>
      %parallel_loop3A_1324 = arith.constant 6.28318548 : f32
      %parallel_loop3A_1325 = vector.broadcast %parallel_loop3A_1324 : f32 to vector<16xf32>
      %parallel_loop3A_1326 = arith.mulf %parallel_loop3A_1323, %parallel_loop3A_1325 : vector<16xf32>
      %parallel_loop3A_1327 = arith.constant 3.14159274 : f32
      %parallel_loop3A_1328 = vector.broadcast %parallel_loop3A_1327 : f32 to vector<16xf32>
      %parallel_loop3A_1329 = arith.subf %parallel_loop3A_1328, %parallel_loop3A_1326 : vector<16xf32>
      %parallel_loop3A_1330 = arith.mulf %parallel_loop3A_1329, %parallel_loop3A_1329 : vector<16xf32>
      %parallel_loop3A_1331 = arith.constant 2.21939359E-7 : f32
      %parallel_loop3A_1332 = vector.broadcast %parallel_loop3A_1331 : f32 to vector<16xf32>
      %parallel_loop3A_1333 = arith.mulf %parallel_loop3A_1332, %parallel_loop3A_1330 : vector<16xf32>
      %parallel_loop3A_1334 = arith.constant -2.42531896E-5 : f32
      %parallel_loop3A_1335 = vector.broadcast %parallel_loop3A_1334 : f32 to vector<16xf32>
      %parallel_loop3A_1336 = arith.addf %parallel_loop3A_1333, %parallel_loop3A_1335 : vector<16xf32>
      %parallel_loop3A_1337 = arith.mulf %parallel_loop3A_1336, %parallel_loop3A_1330 : vector<16xf32>
      %parallel_loop3A_1338 = arith.constant 0.0013862747 : f32
      %parallel_loop3A_1339 = vector.broadcast %parallel_loop3A_1338 : f32 to vector<16xf32>
      %parallel_loop3A_1340 = arith.addf %parallel_loop3A_1337, %parallel_loop3A_1339 : vector<16xf32>
      %parallel_loop3A_1341 = arith.mulf %parallel_loop3A_1340, %parallel_loop3A_1330 : vector<16xf32>
      %parallel_loop3A_1342 = arith.constant -0.0416610315 : f32
      %parallel_loop3A_1343 = vector.broadcast %parallel_loop3A_1342 : f32 to vector<16xf32>
      %parallel_loop3A_1344 = arith.addf %parallel_loop3A_1341, %parallel_loop3A_1343 : vector<16xf32>
      %parallel_loop3A_1345 = arith.mulf %parallel_loop3A_1344, %parallel_loop3A_1330 : vector<16xf32>
      %parallel_loop3A_1346 = arith.constant 0.499995589 : f32
      %parallel_loop3A_1347 = vector.broadcast %parallel_loop3A_1346 : f32 to vector<16xf32>
      %parallel_loop3A_1348 = arith.addf %parallel_loop3A_1345, %parallel_loop3A_1347 : vector<16xf32>
      %parallel_loop3A_1349 = arith.mulf %parallel_loop3A_1348, %parallel_loop3A_1330 : vector<16xf32>
      %parallel_loop3A_1350 = arith.constant -0.999999463 : f32
      %parallel_loop3A_1351 = vector.broadcast %parallel_loop3A_1350 : f32 to vector<16xf32>
      %parallel_loop3A_1352 = arith.addf %parallel_loop3A_1349, %parallel_loop3A_1351 : vector<16xf32>
      %parallel_loop3A_1353 = arith.index_cast %parallel_loop3A_1316 : i32 to index
      %parallel_loop3A_1354 = arith.constant 0 : index
      %parallel_loop3A_1355 = tpu.vector_load %arg7[%parallel_loop3A_1353, %parallel_loop3A_1354] {strides = array<i32>} : memref<256x64xf32, #tpu.memory_space<vmem>>, vector<1x16xf32>,
      %parallel_loop3A_1356 = vector.shape_cast %parallel_loop3A_1355 : vector<1x16xf32> to vector<16xf32>
      %parallel_loop3A_1357 = vector.shape_cast %parallel_loop3A_1352 : vector<16xf32> to vector<1x16xf32>
      tpu.vector_store %arg7[%parallel_loop3A_1353, %parallel_loop3A_1354], %parallel_loop3A_1357 {strides = array<i32>} : memref<256x64xf32, #tpu.memory_space<vmem>>, vector<1x16xf32>,
      %parallel_loop3A_1358 = arith.mulf %parallel_loop3A_1319, %mul3A_13 : vector<16xf32>
      %parallel_loop3A_1359 = arith.fptosi %parallel_loop3A_1358 : vector<16xf32> to vector<16xi32>
      %parallel_loop3A_1360 = arith.sitofp %parallel_loop3A_1359 : vector<16xi32> to vector<16xf32>
      %parallel_loop3A_1361 = arith.subf %parallel_loop3A_1358, %parallel_loop3A_1360 : vector<16xf32>
      %parallel_loop3A_1362 = arith.constant 6.28318548 : f32
      %parallel_loop3A_1363 = vector.broadcast %parallel_loop3A_1362 : f32 to vector<16xf32>
      %parallel_loop3A_1364 = arith.mulf %parallel_loop3A_1361, %parallel_loop3A_1363 : vector<16xf32>
      %parallel_loop3A_1365 = arith.constant 3.14159274 : f32
      %parallel_loop3A_1366 = vector.broadcast %parallel_loop3A_1365 : f32 to vector<16xf32>
      %parallel_loop3A_1367 = arith.subf %parallel_loop3A_1366, %parallel_loop3A_1364 : vector<16xf32>
      %parallel_loop3A_1368 = arith.mulf %parallel_loop3A_1367, %parallel_loop3A_1367 : vector<16xf32>
      %parallel_loop3A_1369 = arith.constant 2.21939359E-7 : f32
      %parallel_loop3A_1370 = vector.broadcast %parallel_loop3A_1369 : f32 to vector<16xf32>
      %parallel_loop3A_1371 = arith.mulf %parallel_loop3A_1370, %parallel_loop3A_1368 : vector<16xf32>
      %parallel_loop3A_1372 = arith.constant -2.42531896E-5 : f32
      %parallel_loop3A_1373 = vector.broadcast %parallel_loop3A_1372 : f32 to vector<16xf32>
      %parallel_loop3A_1374 = arith.addf %parallel_loop3A_1371, %parallel_loop3A_1373 : vector<16xf32>
      %parallel_loop3A_1375 = arith.mulf %parallel_loop3A_1374, %parallel_loop3A_1368 : vector<16xf32>
      %parallel_loop3A_1376 = arith.constant 0.0013862747 : f32
      %parallel_loop3A_1377 = vector.broadcast %parallel_loop3A_1376 : f32 to vector<16xf32>
      %parallel_loop3A_1378 = arith.addf %parallel_loop3A_1375, %parallel_loop3A_1377 : vector<16xf32>
      %parallel_loop3A_1379 = arith.mulf %parallel_loop3A_1378, %parallel_loop3A_1368 : vector<16xf32>
      %parallel_loop3A_1380 = arith.constant -0.0416610315 : f32
      %parallel_loop3A_1381 = vector.broadcast %parallel_loop3A_1380 : f32 to vector<16xf32>
      %parallel_loop3A_1382 = arith.addf %parallel_loop3A_1379, %parallel_loop3A_1381 : vector<16xf32>
      %parallel_loop3A_1383 = arith.mulf %parallel_loop3A_1382, %parallel_loop3A_1368 : vector<16xf32>
      %parallel_loop3A_1384 = arith.constant 0.499995589 : f32
      %parallel_loop3A_1385 = vector.broadcast %parallel_loop3A_1384 : f32 to vector<16xf32>
      %parallel_loop3A_1386 = arith.addf %parallel_loop3A_1383, %parallel_loop3A_1385 : vector<16xf32>
      %parallel_loop3A_1387 = arith.mulf %parallel_loop3A_1386, %parallel_loop3A_1368 : vector<16xf32>
      %parallel_loop3A_1388 = arith.constant -0.999999463 : f32
      %parallel_loop3A_1389 = vector.broadcast %parallel_loop3A_1388 : f32 to vector<16xf32>
      %parallel_loop3A_1390 = arith.addf %parallel_loop3A_1387, %parallel_loop3A_1389 : vector<16xf32>
      %parallel_loop3A_1391 = arith.index_cast %parallel_loop3A_1316 : i32 to index
      %parallel_loop3A_1392 = arith.constant 16 : index
      %parallel_loop3A_1393 = tpu.vector_load %arg7[%parallel_loop3A_1391, %parallel_loop3A_1392] {strides = array<i32>} : memref<256x64xf32, #tpu.memory_space<vmem>>, vector<1x16xf32>,
      %parallel_loop3A_1394 = vector.shape_cast %parallel_loop3A_1393 : vector<1x16xf32> to vector<16xf32>
      %parallel_loop3A_1395 = vector.shape_cast %parallel_loop3A_1390 : vector<16xf32> to vector<1x16xf32>
      tpu.vector_store %arg7[%parallel_loop3A_1391, %parallel_loop3A_1392], %parallel_loop3A_1395 {strides = array<i32>} : memref<256x64xf32, #tpu.memory_space<vmem>>, vector<1x16xf32>,
      %parallel_loop3A_1396 = arith.mulf %parallel_loop3A_1319, %mul3A_19 : vector<16xf32>
      %parallel_loop3A_1397 = arith.fptosi %parallel_loop3A_1396 : vector<16xf32> to vector<16xi32>
      %parallel_loop3A_1398 = arith.sitofp %parallel_loop3A_1397 : vector<16xi32> to vector<16xf32>
      %parallel_loop3A_1399 = arith.subf %parallel_loop3A_1396, %parallel_loop3A_1398 : vector<16xf32>
      %parallel_loop3A_1400 = arith.constant 6.28318548 : f32
      %parallel_loop3A_1401 = vector.broadcast %parallel_loop3A_1400 : f32 to vector<16xf32>
      %parallel_loop3A_1402 = arith.mulf %parallel_loop3A_1399, %parallel_loop3A_1401 : vector<16xf32>
      %parallel_loop3A_1403 = arith.constant 3.14159274 : f32
      %parallel_loop3A_1404 = vector.broadcast %parallel_loop3A_1403 : f32 to vector<16xf32>
      %parallel_loop3A_1405 = arith.subf %parallel_loop3A_1404, %parallel_loop3A_1402 : vector<16xf32>
      %parallel_loop3A_1406 = arith.mulf %parallel_loop3A_1405, %parallel_loop3A_1405 : vector<16xf32>
      %parallel_loop3A_1407 = arith.constant 2.21939359E-7 : f32
      %parallel_loop3A_1408 = vector.broadcast %parallel_loop3A_1407 : f32 to vector<16xf32>
      %parallel_loop3A_1409 = arith.mulf %parallel_loop3A_1408, %parallel_loop3A_1406 : vector<16xf32>
      %parallel_loop3A_1410 = arith.constant -2.42531896E-5 : f32
      %parallel_loop3A_1411 = vector.broadcast %parallel_loop3A_1410 : f32 to vector<16xf32>
      %parallel_loop3A_1412 = arith.addf %parallel_loop3A_1409, %parallel_loop3A_1411 : vector<16xf32>
      %parallel_loop3A_1413 = arith.mulf %parallel_loop3A_1412, %parallel_loop3A_1406 : vector<16xf32>
      %parallel_loop3A_1414 = arith.constant 0.0013862747 : f32
      %parallel_loop3A_1415 = vector.broadcast %parallel_loop3A_1414 : f32 to vector<16xf32>
      %parallel_loop3A_1416 = arith.addf %parallel_loop3A_1413, %parallel_loop3A_1415 : vector<16xf32>
      %parallel_loop3A_1417 = arith.mulf %parallel_loop3A_1416, %parallel_loop3A_1406 : vector<16xf32>
      %parallel_loop3A_1418 = arith.constant -0.0416610315 : f32
      %parallel_loop3A_1419 = vector.broadcast %parallel_loop3A_1418 : f32 to vector<16xf32>
      %parallel_loop3A_1420 = arith.addf %parallel_loop3A_1417, %parallel_loop3A_1419 : vector<16xf32>
      %parallel_loop3A_1421 = arith.mulf %parallel_loop3A_1420, %parallel_loop3A_1406 : vector<16xf32>
      %parallel_loop3A_1422 = arith.constant 0.499995589 : f32
      %parallel_loop3A_1423 = vector.broadcast %parallel_loop3A_1422 : f32 to vector<16xf32>
      %parallel_loop3A_1424 = arith.addf %parallel_loop3A_1421, %parallel_loop3A_1423 : vector<16xf32>
      %parallel_loop3A_1425 = arith.mulf %parallel_loop3A_1424, %parallel_loop3A_1406 : vector<16xf32>
      %parallel_loop3A_1426 = arith.constant -0.999999463 : f32
      %parallel_loop3A_1427 = vector.broadcast %parallel_loop3A_1426 : f32 to vector<16xf32>
      %parallel_loop3A_1428 = arith.addf %parallel_loop3A_1425, %parallel_loop3A_1427 : vector<16xf32>
      %parallel_loop3A_1429 = arith.index_cast %parallel_loop3A_1316 : i32 to index
      %parallel_loop3A_1430 = arith.constant 32 : index
      %parallel_loop3A_1431 = tpu.vector_load %arg7[%parallel_loop3A_1429, %parallel_loop3A_1430] {strides = array<i32>} : memref<256x64xf32, #tpu.memory_space<vmem>>, vector<1x16xf32>,
      %parallel_loop3A_1432 = vector.shape_cast %parallel_loop3A_1431 : vector<1x16xf32> to vector<16xf32>
      %parallel_loop3A_1433 = vector.shape_cast %parallel_loop3A_1428 : vector<16xf32> to vector<1x16xf32>
      tpu.vector_store %arg7[%parallel_loop3A_1429, %parallel_loop3A_1430], %parallel_loop3A_1433 {strides = array<i32>} : memref<256x64xf32, #tpu.memory_space<vmem>>, vector<1x16xf32>,
      %parallel_loop3A_1434 = arith.mulf %parallel_loop3A_1319, %mul3A_25 : vector<16xf32>
      %parallel_loop3A_1435 = arith.fptosi %parallel_loop3A_1434 : vector<16xf32> to vector<16xi32>
      %parallel_loop3A_1436 = arith.sitofp %parallel_loop3A_1435 : vector<16xi32> to vector<16xf32>
      %parallel_loop3A_1437 = arith.subf %parallel_loop3A_1434, %parallel_loop3A_1436 : vector<16xf32>
      %parallel_loop3A_1438 = arith.constant 6.28318548 : f32
      %parallel_loop3A_1439 = vector.broadcast %parallel_loop3A_1438 : f32 to vector<16xf32>
      %parallel_loop3A_1440 = arith.mulf %parallel_loop3A_1437, %parallel_loop3A_1439 : vector<16xf32>
      %parallel_loop3A_1441 = arith.constant 3.14159274 : f32
      %parallel_loop3A_1442 = vector.broadcast %parallel_loop3A_1441 : f32 to vector<16xf32>
      %parallel_loop3A_1443 = arith.subf %parallel_loop3A_1442, %parallel_loop3A_1440 : vector<16xf32>
      %parallel_loop3A_1444 = arith.mulf %parallel_loop3A_1443, %parallel_loop3A_1443 : vector<16xf32>
      %parallel_loop3A_1445 = arith.constant 2.21939359E-7 : f32
      %parallel_loop3A_1446 = vector.broadcast %parallel_loop3A_1445 : f32 to vector<16xf32>
      %parallel_loop3A_1447 = arith.mulf %parallel_loop3A_1446, %parallel_loop3A_1444 : vector<16xf32>
      %parallel_loop3A_1448 = arith.constant -2.42531896E-5 : f32
      %parallel_loop3A_1449 = vector.broadcast %parallel_loop3A_1448 : f32 to vector<16xf32>
      %parallel_loop3A_1450 = arith.addf %parallel_loop3A_1447, %parallel_loop3A_1449 : vector<16xf32>
      %parallel_loop3A_1451 = arith.mulf %parallel_loop3A_1450, %parallel_loop3A_1444 : vector<16xf32>
      %parallel_loop3A_1452 = arith.constant 0.0013862747 : f32
      %parallel_loop3A_1453 = vector.broadcast %parallel_loop3A_1452 : f32 to vector<16xf32>
      %parallel_loop3A_1454 = arith.addf %parallel_loop3A_1451, %parallel_loop3A_1453 : vector<16xf32>
      %parallel_loop3A_1455 = arith.mulf %parallel_loop3A_1454, %parallel_loop3A_1444 : vector<16xf32>
      %parallel_loop3A_1456 = arith.constant -0.0416610315 : f32
      %parallel_loop3A_1457 = vector.broadcast %parallel_loop3A_1456 : f32 to vector<16xf32>
      %parallel_loop3A_1458 = arith.addf %parallel_loop3A_1455, %parallel_loop3A_1457 : vector<16xf32>
      %parallel_loop3A_1459 = arith.mulf %parallel_loop3A_1458, %parallel_loop3A_1444 : vector<16xf32>
      %parallel_loop3A_1460 = arith.constant 0.499995589 : f32
      %parallel_loop3A_1461 = vector.broadcast %parallel_loop3A_1460 : f32 to vector<16xf32>
      %parallel_loop3A_1462 = arith.addf %parallel_loop3A_1459, %parallel_loop3A_1461 : vector<16xf32>
      %parallel_loop3A_1463 = arith.mulf %parallel_loop3A_1462, %parallel_loop3A_1444 : vector<16xf32>
      %parallel_loop3A_1464 = arith.constant -0.999999463 : f32
      %parallel_loop3A_1465 = vector.broadcast %parallel_loop3A_1464 : f32 to vector<16xf32>
      %parallel_loop3A_1466 = arith.addf %parallel_loop3A_1463, %parallel_loop3A_1465 : vector<16xf32>
      %parallel_loop3A_1467 = arith.index_cast %parallel_loop3A_1316 : i32 to index
      %parallel_loop3A_1468 = arith.constant 48 : index
      %parallel_loop3A_1469 = tpu.vector_load %arg7[%parallel_loop3A_1467, %parallel_loop3A_1468] {strides = array<i32>} : memref<256x64xf32, #tpu.memory_space<vmem>>, vector<1x16xf32>,
      %parallel_loop3A_1470 = vector.shape_cast %parallel_loop3A_1469 : vector<1x16xf32> to vector<16xf32>
      %parallel_loop3A_1471 = vector.shape_cast %parallel_loop3A_1466 : vector<16xf32> to vector<1x16xf32>
      tpu.vector_store %arg7[%parallel_loop3A_1467, %parallel_loop3A_1468], %parallel_loop3A_1471 {strides = array<i32>} : memref<256x64xf32, #tpu.memory_space<vmem>>, vector<1x16xf32>,
      %parallel_loop3A_1472 = arith.constant 16 : i32
      %parallel_loop3A_1473 = arith.muli %parallel_loop3A_34, %parallel_loop3A_1472 : i32
      %parallel_loop3A_1474 = arith.constant 9 : i32
      %parallel_loop3A_1475 = arith.addi %parallel_loop3A_1473, %parallel_loop3A_1474 : i32
      %parallel_loop3A_1476 = vector.extract_strided_slice %parallel_loop3A_40 {offsets = [9], sizes = [1], strides = [1]} : vector<16xf32> to vector<1xf32>
      %parallel_loop3A_1477 = vector.extract %parallel_loop3A_1476[0] : f32 from vector<1xf32>
      %parallel_loop3A_1478 = vector.broadcast %parallel_loop3A_1477 : f32 to vector<16xf32>
      %parallel_loop3A_1479 = arith.mulf %parallel_loop3A_1478, %mul3A_7 : vector<16xf32>
      %parallel_loop3A_1480 = arith.fptosi %parallel_loop3A_1479 : vector<16xf32> to vector<16xi32>
      %parallel_loop3A_1481 = arith.sitofp %parallel_loop3A_1480 : vector<16xi32> to vector<16xf32>
      %parallel_loop3A_1482 = arith.subf %parallel_loop3A_1479, %parallel_loop3A_1481 : vector<16xf32>
      %parallel_loop3A_1483 = arith.constant 6.28318548 : f32
      %parallel_loop3A_1484 = vector.broadcast %parallel_loop3A_1483 : f32 to vector<16xf32>
      %parallel_loop3A_1485 = arith.mulf %parallel_loop3A_1482, %parallel_loop3A_1484 : vector<16xf32>
      %parallel_loop3A_1486 = arith.constant 3.14159274 : f32
      %parallel_loop3A_1487 = vector.broadcast %parallel_loop3A_1486 : f32 to vector<16xf32>
      %parallel_loop3A_1488 = arith.subf %parallel_loop3A_1487, %parallel_loop3A_1485 : vector<16xf32>
      %parallel_loop3A_1489 = arith.mulf %parallel_loop3A_1488, %parallel_loop3A_1488 : vector<16xf32>
      %parallel_loop3A_1490 = arith.constant 2.21939359E-7 : f32
      %parallel_loop3A_1491 = vector.broadcast %parallel_loop3A_1490 : f32 to vector<16xf32>
      %parallel_loop3A_1492 = arith.mulf %parallel_loop3A_1491, %parallel_loop3A_1489 : vector<16xf32>
      %parallel_loop3A_1493 = arith.constant -2.42531896E-5 : f32
      %parallel_loop3A_1494 = vector.broadcast %parallel_loop3A_1493 : f32 to vector<16xf32>
      %parallel_loop3A_1495 = arith.addf %parallel_loop3A_1492, %parallel_loop3A_1494 : vector<16xf32>
      %parallel_loop3A_1496 = arith.mulf %parallel_loop3A_1495, %parallel_loop3A_1489 : vector<16xf32>
      %parallel_loop3A_1497 = arith.constant 0.0013862747 : f32
      %parallel_loop3A_1498 = vector.broadcast %parallel_loop3A_1497 : f32 to vector<16xf32>
      %parallel_loop3A_1499 = arith.addf %parallel_loop3A_1496, %parallel_loop3A_1498 : vector<16xf32>
      %parallel_loop3A_1500 = arith.mulf %parallel_loop3A_1499, %parallel_loop3A_1489 : vector<16xf32>
      %parallel_loop3A_1501 = arith.constant -0.0416610315 : f32
      %parallel_loop3A_1502 = vector.broadcast %parallel_loop3A_1501 : f32 to vector<16xf32>
      %parallel_loop3A_1503 = arith.addf %parallel_loop3A_1500, %parallel_loop3A_1502 : vector<16xf32>
      %parallel_loop3A_1504 = arith.mulf %parallel_loop3A_1503, %parallel_loop3A_1489 : vector<16xf32>
      %parallel_loop3A_1505 = arith.constant 0.499995589 : f32
      %parallel_loop3A_1506 = vector.broadcast %parallel_loop3A_1505 : f32 to vector<16xf32>
      %parallel_loop3A_1507 = arith.addf %parallel_loop3A_1504, %parallel_loop3A_1506 : vector<16xf32>
      %parallel_loop3A_1508 = arith.mulf %parallel_loop3A_1507, %parallel_loop3A_1489 : vector<16xf32>
      %parallel_loop3A_1509 = arith.constant -0.999999463 : f32
      %parallel_loop3A_1510 = vector.broadcast %parallel_loop3A_1509 : f32 to vector<16xf32>
      %parallel_loop3A_1511 = arith.addf %parallel_loop3A_1508, %parallel_loop3A_1510 : vector<16xf32>
      %parallel_loop3A_1512 = arith.index_cast %parallel_loop3A_1475 : i32 to index
      %parallel_loop3A_1513 = arith.constant 0 : index
      %parallel_loop3A_1514 = tpu.vector_load %arg7[%parallel_loop3A_1512, %parallel_loop3A_1513] {strides = array<i32>} : memref<256x64xf32, #tpu.memory_space<vmem>>, vector<1x16xf32>,
      %parallel_loop3A_1515 = vector.shape_cast %parallel_loop3A_1514 : vector<1x16xf32> to vector<16xf32>
      %parallel_loop3A_1516 = vector.shape_cast %parallel_loop3A_1511 : vector<16xf32> to vector<1x16xf32>
      tpu.vector_store %arg7[%parallel_loop3A_1512, %parallel_loop3A_1513], %parallel_loop3A_1516 {strides = array<i32>} : memref<256x64xf32, #tpu.memory_space<vmem>>, vector<1x16xf32>,
      %parallel_loop3A_1517 = arith.mulf %parallel_loop3A_1478, %mul3A_13 : vector<16xf32>
      %parallel_loop3A_1518 = arith.fptosi %parallel_loop3A_1517 : vector<16xf32> to vector<16xi32>
      %parallel_loop3A_1519 = arith.sitofp %parallel_loop3A_1518 : vector<16xi32> to vector<16xf32>
      %parallel_loop3A_1520 = arith.subf %parallel_loop3A_1517, %parallel_loop3A_1519 : vector<16xf32>
      %parallel_loop3A_1521 = arith.constant 6.28318548 : f32
      %parallel_loop3A_1522 = vector.broadcast %parallel_loop3A_1521 : f32 to vector<16xf32>
      %parallel_loop3A_1523 = arith.mulf %parallel_loop3A_1520, %parallel_loop3A_1522 : vector<16xf32>
      %parallel_loop3A_1524 = arith.constant 3.14159274 : f32
      %parallel_loop3A_1525 = vector.broadcast %parallel_loop3A_1524 : f32 to vector<16xf32>
      %parallel_loop3A_1526 = arith.subf %parallel_loop3A_1525, %parallel_loop3A_1523 : vector<16xf32>
      %parallel_loop3A_1527 = arith.mulf %parallel_loop3A_1526, %parallel_loop3A_1526 : vector<16xf32>
      %parallel_loop3A_1528 = arith.constant 2.21939359E-7 : f32
      %parallel_loop3A_1529 = vector.broadcast %parallel_loop3A_1528 : f32 to vector<16xf32>
      %parallel_loop3A_1530 = arith.mulf %parallel_loop3A_1529, %parallel_loop3A_1527 : vector<16xf32>
      %parallel_loop3A_1531 = arith.constant -2.42531896E-5 : f32
      %parallel_loop3A_1532 = vector.broadcast %parallel_loop3A_1531 : f32 to vector<16xf32>
      %parallel_loop3A_1533 = arith.addf %parallel_loop3A_1530, %parallel_loop3A_1532 : vector<16xf32>
      %parallel_loop3A_1534 = arith.mulf %parallel_loop3A_1533, %parallel_loop3A_1527 : vector<16xf32>
      %parallel_loop3A_1535 = arith.constant 0.0013862747 : f32
      %parallel_loop3A_1536 = vector.broadcast %parallel_loop3A_1535 : f32 to vector<16xf32>
      %parallel_loop3A_1537 = arith.addf %parallel_loop3A_1534, %parallel_loop3A_1536 : vector<16xf32>
      %parallel_loop3A_1538 = arith.mulf %parallel_loop3A_1537, %parallel_loop3A_1527 : vector<16xf32>
      %parallel_loop3A_1539 = arith.constant -0.0416610315 : f32
      %parallel_loop3A_1540 = vector.broadcast %parallel_loop3A_1539 : f32 to vector<16xf32>
      %parallel_loop3A_1541 = arith.addf %parallel_loop3A_1538, %parallel_loop3A_1540 : vector<16xf32>
      %parallel_loop3A_1542 = arith.mulf %parallel_loop3A_1541, %parallel_loop3A_1527 : vector<16xf32>
      %parallel_loop3A_1543 = arith.constant 0.499995589 : f32
      %parallel_loop3A_1544 = vector.broadcast %parallel_loop3A_1543 : f32 to vector<16xf32>
      %parallel_loop3A_1545 = arith.addf %parallel_loop3A_1542, %parallel_loop3A_1544 : vector<16xf32>
      %parallel_loop3A_1546 = arith.mulf %parallel_loop3A_1545, %parallel_loop3A_1527 : vector<16xf32>
      %parallel_loop3A_1547 = arith.constant -0.999999463 : f32
      %parallel_loop3A_1548 = vector.broadcast %parallel_loop3A_1547 : f32 to vector<16xf32>
      %parallel_loop3A_1549 = arith.addf %parallel_loop3A_1546, %parallel_loop3A_1548 : vector<16xf32>
      %parallel_loop3A_1550 = arith.index_cast %parallel_loop3A_1475 : i32 to index
      %parallel_loop3A_1551 = arith.constant 16 : index
      %parallel_loop3A_1552 = tpu.vector_load %arg7[%parallel_loop3A_1550, %parallel_loop3A_1551] {strides = array<i32>} : memref<256x64xf32, #tpu.memory_space<vmem>>, vector<1x16xf32>,
      %parallel_loop3A_1553 = vector.shape_cast %parallel_loop3A_1552 : vector<1x16xf32> to vector<16xf32>
      %parallel_loop3A_1554 = vector.shape_cast %parallel_loop3A_1549 : vector<16xf32> to vector<1x16xf32>
      tpu.vector_store %arg7[%parallel_loop3A_1550, %parallel_loop3A_1551], %parallel_loop3A_1554 {strides = array<i32>} : memref<256x64xf32, #tpu.memory_space<vmem>>, vector<1x16xf32>,
      %parallel_loop3A_1555 = arith.mulf %parallel_loop3A_1478, %mul3A_19 : vector<16xf32>
      %parallel_loop3A_1556 = arith.fptosi %parallel_loop3A_1555 : vector<16xf32> to vector<16xi32>
      %parallel_loop3A_1557 = arith.sitofp %parallel_loop3A_1556 : vector<16xi32> to vector<16xf32>
      %parallel_loop3A_1558 = arith.subf %parallel_loop3A_1555, %parallel_loop3A_1557 : vector<16xf32>
      %parallel_loop3A_1559 = arith.constant 6.28318548 : f32
      %parallel_loop3A_1560 = vector.broadcast %parallel_loop3A_1559 : f32 to vector<16xf32>
      %parallel_loop3A_1561 = arith.mulf %parallel_loop3A_1558, %parallel_loop3A_1560 : vector<16xf32>
      %parallel_loop3A_1562 = arith.constant 3.14159274 : f32
      %parallel_loop3A_1563 = vector.broadcast %parallel_loop3A_1562 : f32 to vector<16xf32>
      %parallel_loop3A_1564 = arith.subf %parallel_loop3A_1563, %parallel_loop3A_1561 : vector<16xf32>
      %parallel_loop3A_1565 = arith.mulf %parallel_loop3A_1564, %parallel_loop3A_1564 : vector<16xf32>
      %parallel_loop3A_1566 = arith.constant 2.21939359E-7 : f32
      %parallel_loop3A_1567 = vector.broadcast %parallel_loop3A_1566 : f32 to vector<16xf32>
      %parallel_loop3A_1568 = arith.mulf %parallel_loop3A_1567, %parallel_loop3A_1565 : vector<16xf32>
      %parallel_loop3A_1569 = arith.constant -2.42531896E-5 : f32
      %parallel_loop3A_1570 = vector.broadcast %parallel_loop3A_1569 : f32 to vector<16xf32>
      %parallel_loop3A_1571 = arith.addf %parallel_loop3A_1568, %parallel_loop3A_1570 : vector<16xf32>
      %parallel_loop3A_1572 = arith.mulf %parallel_loop3A_1571, %parallel_loop3A_1565 : vector<16xf32>
      %parallel_loop3A_1573 = arith.constant 0.0013862747 : f32
      %parallel_loop3A_1574 = vector.broadcast %parallel_loop3A_1573 : f32 to vector<16xf32>
      %parallel_loop3A_1575 = arith.addf %parallel_loop3A_1572, %parallel_loop3A_1574 : vector<16xf32>
      %parallel_loop3A_1576 = arith.mulf %parallel_loop3A_1575, %parallel_loop3A_1565 : vector<16xf32>
      %parallel_loop3A_1577 = arith.constant -0.0416610315 : f32
      %parallel_loop3A_1578 = vector.broadcast %parallel_loop3A_1577 : f32 to vector<16xf32>
      %parallel_loop3A_1579 = arith.addf %parallel_loop3A_1576, %parallel_loop3A_1578 : vector<16xf32>
      %parallel_loop3A_1580 = arith.mulf %parallel_loop3A_1579, %parallel_loop3A_1565 : vector<16xf32>
      %parallel_loop3A_1581 = arith.constant 0.499995589 : f32
      %parallel_loop3A_1582 = vector.broadcast %parallel_loop3A_1581 : f32 to vector<16xf32>
      %parallel_loop3A_1583 = arith.addf %parallel_loop3A_1580, %parallel_loop3A_1582 : vector<16xf32>
      %parallel_loop3A_1584 = arith.mulf %parallel_loop3A_1583, %parallel_loop3A_1565 : vector<16xf32>
      %parallel_loop3A_1585 = arith.constant -0.999999463 : f32
      %parallel_loop3A_1586 = vector.broadcast %parallel_loop3A_1585 : f32 to vector<16xf32>
      %parallel_loop3A_1587 = arith.addf %parallel_loop3A_1584, %parallel_loop3A_1586 : vector<16xf32>
      %parallel_loop3A_1588 = arith.index_cast %parallel_loop3A_1475 : i32 to index
      %parallel_loop3A_1589 = arith.constant 32 : index
      %parallel_loop3A_1590 = tpu.vector_load %arg7[%parallel_loop3A_1588, %parallel_loop3A_1589] {strides = array<i32>} : memref<256x64xf32, #tpu.memory_space<vmem>>, vector<1x16xf32>,
      %parallel_loop3A_1591 = vector.shape_cast %parallel_loop3A_1590 : vector<1x16xf32> to vector<16xf32>
      %parallel_loop3A_1592 = vector.shape_cast %parallel_loop3A_1587 : vector<16xf32> to vector<1x16xf32>
      tpu.vector_store %arg7[%parallel_loop3A_1588, %parallel_loop3A_1589], %parallel_loop3A_1592 {strides = array<i32>} : memref<256x64xf32, #tpu.memory_space<vmem>>, vector<1x16xf32>,
      %parallel_loop3A_1593 = arith.mulf %parallel_loop3A_1478, %mul3A_25 : vector<16xf32>
      %parallel_loop3A_1594 = arith.fptosi %parallel_loop3A_1593 : vector<16xf32> to vector<16xi32>
      %parallel_loop3A_1595 = arith.sitofp %parallel_loop3A_1594 : vector<16xi32> to vector<16xf32>
      %parallel_loop3A_1596 = arith.subf %parallel_loop3A_1593, %parallel_loop3A_1595 : vector<16xf32>
      %parallel_loop3A_1597 = arith.constant 6.28318548 : f32
      %parallel_loop3A_1598 = vector.broadcast %parallel_loop3A_1597 : f32 to vector<16xf32>
      %parallel_loop3A_1599 = arith.mulf %parallel_loop3A_1596, %parallel_loop3A_1598 : vector<16xf32>
      %parallel_loop3A_1600 = arith.constant 3.14159274 : f32
      %parallel_loop3A_1601 = vector.broadcast %parallel_loop3A_1600 : f32 to vector<16xf32>
      %parallel_loop3A_1602 = arith.subf %parallel_loop3A_1601, %parallel_loop3A_1599 : vector<16xf32>
      %parallel_loop3A_1603 = arith.mulf %parallel_loop3A_1602, %parallel_loop3A_1602 : vector<16xf32>
      %parallel_loop3A_1604 = arith.constant 2.21939359E-7 : f32
      %parallel_loop3A_1605 = vector.broadcast %parallel_loop3A_1604 : f32 to vector<16xf32>
      %parallel_loop3A_1606 = arith.mulf %parallel_loop3A_1605, %parallel_loop3A_1603 : vector<16xf32>
      %parallel_loop3A_1607 = arith.constant -2.42531896E-5 : f32
      %parallel_loop3A_1608 = vector.broadcast %parallel_loop3A_1607 : f32 to vector<16xf32>
      %parallel_loop3A_1609 = arith.addf %parallel_loop3A_1606, %parallel_loop3A_1608 : vector<16xf32>
      %parallel_loop3A_1610 = arith.mulf %parallel_loop3A_1609, %parallel_loop3A_1603 : vector<16xf32>
      %parallel_loop3A_1611 = arith.constant 0.0013862747 : f32
      %parallel_loop3A_1612 = vector.broadcast %parallel_loop3A_1611 : f32 to vector<16xf32>
      %parallel_loop3A_1613 = arith.addf %parallel_loop3A_1610, %parallel_loop3A_1612 : vector<16xf32>
      %parallel_loop3A_1614 = arith.mulf %parallel_loop3A_1613, %parallel_loop3A_1603 : vector<16xf32>
      %parallel_loop3A_1615 = arith.constant -0.0416610315 : f32
      %parallel_loop3A_1616 = vector.broadcast %parallel_loop3A_1615 : f32 to vector<16xf32>
      %parallel_loop3A_1617 = arith.addf %parallel_loop3A_1614, %parallel_loop3A_1616 : vector<16xf32>
      %parallel_loop3A_1618 = arith.mulf %parallel_loop3A_1617, %parallel_loop3A_1603 : vector<16xf32>
      %parallel_loop3A_1619 = arith.constant 0.499995589 : f32
      %parallel_loop3A_1620 = vector.broadcast %parallel_loop3A_1619 : f32 to vector<16xf32>
      %parallel_loop3A_1621 = arith.addf %parallel_loop3A_1618, %parallel_loop3A_1620 : vector<16xf32>
      %parallel_loop3A_1622 = arith.mulf %parallel_loop3A_1621, %parallel_loop3A_1603 : vector<16xf32>
      %parallel_loop3A_1623 = arith.constant -0.999999463 : f32
      %parallel_loop3A_1624 = vector.broadcast %parallel_loop3A_1623 : f32 to vector<16xf32>
      %parallel_loop3A_1625 = arith.addf %parallel_loop3A_1622, %parallel_loop3A_1624 : vector<16xf32>
      %parallel_loop3A_1626 = arith.index_cast %parallel_loop3A_1475 : i32 to index
      %parallel_loop3A_1627 = arith.constant 48 : index
      %parallel_loop3A_1628 = tpu.vector_load %arg7[%parallel_loop3A_1626, %parallel_loop3A_1627] {strides = array<i32>} : memref<256x64xf32, #tpu.memory_space<vmem>>, vector<1x16xf32>,
      %parallel_loop3A_1629 = vector.shape_cast %parallel_loop3A_1628 : vector<1x16xf32> to vector<16xf32>
      %parallel_loop3A_1630 = vector.shape_cast %parallel_loop3A_1625 : vector<16xf32> to vector<1x16xf32>
      tpu.vector_store %arg7[%parallel_loop3A_1626, %parallel_loop3A_1627], %parallel_loop3A_1630 {strides = array<i32>} : memref<256x64xf32, #tpu.memory_space<vmem>>, vector<1x16xf32>,
      %parallel_loop3A_1631 = arith.constant 16 : i32
      %parallel_loop3A_1632 = arith.muli %parallel_loop3A_34, %parallel_loop3A_1631 : i32
      %parallel_loop3A_1633 = arith.constant 10 : i32
      %parallel_loop3A_1634 = arith.addi %parallel_loop3A_1632, %parallel_loop3A_1633 : i32
      %parallel_loop3A_1635 = vector.extract_strided_slice %parallel_loop3A_40 {offsets = [10], sizes = [1], strides = [1]} : vector<16xf32> to vector<1xf32>
      %parallel_loop3A_1636 = vector.extract %parallel_loop3A_1635[0] : f32 from vector<1xf32>
      %parallel_loop3A_1637 = vector.broadcast %parallel_loop3A_1636 : f32 to vector<16xf32>
      %parallel_loop3A_1638 = arith.mulf %parallel_loop3A_1637, %mul3A_7 : vector<16xf32>
      %parallel_loop3A_1639 = arith.fptosi %parallel_loop3A_1638 : vector<16xf32> to vector<16xi32>
      %parallel_loop3A_1640 = arith.sitofp %parallel_loop3A_1639 : vector<16xi32> to vector<16xf32>
      %parallel_loop3A_1641 = arith.subf %parallel_loop3A_1638, %parallel_loop3A_1640 : vector<16xf32>
      %parallel_loop3A_1642 = arith.constant 6.28318548 : f32
      %parallel_loop3A_1643 = vector.broadcast %parallel_loop3A_1642 : f32 to vector<16xf32>
      %parallel_loop3A_1644 = arith.mulf %parallel_loop3A_1641, %parallel_loop3A_1643 : vector<16xf32>
      %parallel_loop3A_1645 = arith.constant 3.14159274 : f32
      %parallel_loop3A_1646 = vector.broadcast %parallel_loop3A_1645 : f32 to vector<16xf32>
      %parallel_loop3A_1647 = arith.subf %parallel_loop3A_1646, %parallel_loop3A_1644 : vector<16xf32>
      %parallel_loop3A_1648 = arith.mulf %parallel_loop3A_1647, %parallel_loop3A_1647 : vector<16xf32>
      %parallel_loop3A_1649 = arith.constant 2.21939359E-7 : f32
      %parallel_loop3A_1650 = vector.broadcast %parallel_loop3A_1649 : f32 to vector<16xf32>
      %parallel_loop3A_1651 = arith.mulf %parallel_loop3A_1650, %parallel_loop3A_1648 : vector<16xf32>
      %parallel_loop3A_1652 = arith.constant -2.42531896E-5 : f32
      %parallel_loop3A_1653 = vector.broadcast %parallel_loop3A_1652 : f32 to vector<16xf32>
      %parallel_loop3A_1654 = arith.addf %parallel_loop3A_1651, %parallel_loop3A_1653 : vector<16xf32>
      %parallel_loop3A_1655 = arith.mulf %parallel_loop3A_1654, %parallel_loop3A_1648 : vector<16xf32>
      %parallel_loop3A_1656 = arith.constant 0.0013862747 : f32
      %parallel_loop3A_1657 = vector.broadcast %parallel_loop3A_1656 : f32 to vector<16xf32>
      %parallel_loop3A_1658 = arith.addf %parallel_loop3A_1655, %parallel_loop3A_1657 : vector<16xf32>
      %parallel_loop3A_1659 = arith.mulf %parallel_loop3A_1658, %parallel_loop3A_1648 : vector<16xf32>
      %parallel_loop3A_1660 = arith.constant -0.0416610315 : f32
      %parallel_loop3A_1661 = vector.broadcast %parallel_loop3A_1660 : f32 to vector<16xf32>
      %parallel_loop3A_1662 = arith.addf %parallel_loop3A_1659, %parallel_loop3A_1661 : vector<16xf32>
      %parallel_loop3A_1663 = arith.mulf %parallel_loop3A_1662, %parallel_loop3A_1648 : vector<16xf32>
      %parallel_loop3A_1664 = arith.constant 0.499995589 : f32
      %parallel_loop3A_1665 = vector.broadcast %parallel_loop3A_1664 : f32 to vector<16xf32>
      %parallel_loop3A_1666 = arith.addf %parallel_loop3A_1663, %parallel_loop3A_1665 : vector<16xf32>
      %parallel_loop3A_1667 = arith.mulf %parallel_loop3A_1666, %parallel_loop3A_1648 : vector<16xf32>
      %parallel_loop3A_1668 = arith.constant -0.999999463 : f32
      %parallel_loop3A_1669 = vector.broadcast %parallel_loop3A_1668 : f32 to vector<16xf32>
      %parallel_loop3A_1670 = arith.addf %parallel_loop3A_1667, %parallel_loop3A_1669 : vector<16xf32>
      %parallel_loop3A_1671 = arith.index_cast %parallel_loop3A_1634 : i32 to index
      %parallel_loop3A_1672 = arith.constant 0 : index
      %parallel_loop3A_1673 = tpu.vector_load %arg7[%parallel_loop3A_1671, %parallel_loop3A_1672] {strides = array<i32>} : memref<256x64xf32, #tpu.memory_space<vmem>>, vector<1x16xf32>,
      %parallel_loop3A_1674 = vector.shape_cast %parallel_loop3A_1673 : vector<1x16xf32> to vector<16xf32>
      %parallel_loop3A_1675 = vector.shape_cast %parallel_loop3A_1670 : vector<16xf32> to vector<1x16xf32>
      tpu.vector_store %arg7[%parallel_loop3A_1671, %parallel_loop3A_1672], %parallel_loop3A_1675 {strides = array<i32>} : memref<256x64xf32, #tpu.memory_space<vmem>>, vector<1x16xf32>,
      %parallel_loop3A_1676 = arith.mulf %parallel_loop3A_1637, %mul3A_13 : vector<16xf32>
      %parallel_loop3A_1677 = arith.fptosi %parallel_loop3A_1676 : vector<16xf32> to vector<16xi32>
      %parallel_loop3A_1678 = arith.sitofp %parallel_loop3A_1677 : vector<16xi32> to vector<16xf32>
      %parallel_loop3A_1679 = arith.subf %parallel_loop3A_1676, %parallel_loop3A_1678 : vector<16xf32>
      %parallel_loop3A_1680 = arith.constant 6.28318548 : f32
      %parallel_loop3A_1681 = vector.broadcast %parallel_loop3A_1680 : f32 to vector<16xf32>
      %parallel_loop3A_1682 = arith.mulf %parallel_loop3A_1679, %parallel_loop3A_1681 : vector<16xf32>
      %parallel_loop3A_1683 = arith.constant 3.14159274 : f32
      %parallel_loop3A_1684 = vector.broadcast %parallel_loop3A_1683 : f32 to vector<16xf32>
      %parallel_loop3A_1685 = arith.subf %parallel_loop3A_1684, %parallel_loop3A_1682 : vector<16xf32>
      %parallel_loop3A_1686 = arith.mulf %parallel_loop3A_1685, %parallel_loop3A_1685 : vector<16xf32>
      %parallel_loop3A_1687 = arith.constant 2.21939359E-7 : f32
      %parallel_loop3A_1688 = vector.broadcast %parallel_loop3A_1687 : f32 to vector<16xf32>
      %parallel_loop3A_1689 = arith.mulf %parallel_loop3A_1688, %parallel_loop3A_1686 : vector<16xf32>
      %parallel_loop3A_1690 = arith.constant -2.42531896E-5 : f32
      %parallel_loop3A_1691 = vector.broadcast %parallel_loop3A_1690 : f32 to vector<16xf32>
      %parallel_loop3A_1692 = arith.addf %parallel_loop3A_1689, %parallel_loop3A_1691 : vector<16xf32>
      %parallel_loop3A_1693 = arith.mulf %parallel_loop3A_1692, %parallel_loop3A_1686 : vector<16xf32>
      %parallel_loop3A_1694 = arith.constant 0.0013862747 : f32
      %parallel_loop3A_1695 = vector.broadcast %parallel_loop3A_1694 : f32 to vector<16xf32>
      %parallel_loop3A_1696 = arith.addf %parallel_loop3A_1693, %parallel_loop3A_1695 : vector<16xf32>
      %parallel_loop3A_1697 = arith.mulf %parallel_loop3A_1696, %parallel_loop3A_1686 : vector<16xf32>
      %parallel_loop3A_1698 = arith.constant -0.0416610315 : f32
      %parallel_loop3A_1699 = vector.broadcast %parallel_loop3A_1698 : f32 to vector<16xf32>
      %parallel_loop3A_1700 = arith.addf %parallel_loop3A_1697, %parallel_loop3A_1699 : vector<16xf32>
      %parallel_loop3A_1701 = arith.mulf %parallel_loop3A_1700, %parallel_loop3A_1686 : vector<16xf32>
      %parallel_loop3A_1702 = arith.constant 0.499995589 : f32
      %parallel_loop3A_1703 = vector.broadcast %parallel_loop3A_1702 : f32 to vector<16xf32>
      %parallel_loop3A_1704 = arith.addf %parallel_loop3A_1701, %parallel_loop3A_1703 : vector<16xf32>
      %parallel_loop3A_1705 = arith.mulf %parallel_loop3A_1704, %parallel_loop3A_1686 : vector<16xf32>
      %parallel_loop3A_1706 = arith.constant -0.999999463 : f32
      %parallel_loop3A_1707 = vector.broadcast %parallel_loop3A_1706 : f32 to vector<16xf32>
      %parallel_loop3A_1708 = arith.addf %parallel_loop3A_1705, %parallel_loop3A_1707 : vector<16xf32>
      %parallel_loop3A_1709 = arith.index_cast %parallel_loop3A_1634 : i32 to index
      %parallel_loop3A_1710 = arith.constant 16 : index
      %parallel_loop3A_1711 = tpu.vector_load %arg7[%parallel_loop3A_1709, %parallel_loop3A_1710] {strides = array<i32>} : memref<256x64xf32, #tpu.memory_space<vmem>>, vector<1x16xf32>,
      %parallel_loop3A_1712 = vector.shape_cast %parallel_loop3A_1711 : vector<1x16xf32> to vector<16xf32>
      %parallel_loop3A_1713 = vector.shape_cast %parallel_loop3A_1708 : vector<16xf32> to vector<1x16xf32>
      tpu.vector_store %arg7[%parallel_loop3A_1709, %parallel_loop3A_1710], %parallel_loop3A_1713 {strides = array<i32>} : memref<256x64xf32, #tpu.memory_space<vmem>>, vector<1x16xf32>,
      %parallel_loop3A_1714 = arith.mulf %parallel_loop3A_1637, %mul3A_19 : vector<16xf32>
      %parallel_loop3A_1715 = arith.fptosi %parallel_loop3A_1714 : vector<16xf32> to vector<16xi32>
      %parallel_loop3A_1716 = arith.sitofp %parallel_loop3A_1715 : vector<16xi32> to vector<16xf32>
      %parallel_loop3A_1717 = arith.subf %parallel_loop3A_1714, %parallel_loop3A_1716 : vector<16xf32>
      %parallel_loop3A_1718 = arith.constant 6.28318548 : f32
      %parallel_loop3A_1719 = vector.broadcast %parallel_loop3A_1718 : f32 to vector<16xf32>
      %parallel_loop3A_1720 = arith.mulf %parallel_loop3A_1717, %parallel_loop3A_1719 : vector<16xf32>
      %parallel_loop3A_1721 = arith.constant 3.14159274 : f32
      %parallel_loop3A_1722 = vector.broadcast %parallel_loop3A_1721 : f32 to vector<16xf32>
      %parallel_loop3A_1723 = arith.subf %parallel_loop3A_1722, %parallel_loop3A_1720 : vector<16xf32>
      %parallel_loop3A_1724 = arith.mulf %parallel_loop3A_1723, %parallel_loop3A_1723 : vector<16xf32>
      %parallel_loop3A_1725 = arith.constant 2.21939359E-7 : f32
      %parallel_loop3A_1726 = vector.broadcast %parallel_loop3A_1725 : f32 to vector<16xf32>
      %parallel_loop3A_1727 = arith.mulf %parallel_loop3A_1726, %parallel_loop3A_1724 : vector<16xf32>
      %parallel_loop3A_1728 = arith.constant -2.42531896E-5 : f32
      %parallel_loop3A_1729 = vector.broadcast %parallel_loop3A_1728 : f32 to vector<16xf32>
      %parallel_loop3A_1730 = arith.addf %parallel_loop3A_1727, %parallel_loop3A_1729 : vector<16xf32>
      %parallel_loop3A_1731 = arith.mulf %parallel_loop3A_1730, %parallel_loop3A_1724 : vector<16xf32>
      %parallel_loop3A_1732 = arith.constant 0.0013862747 : f32
      %parallel_loop3A_1733 = vector.broadcast %parallel_loop3A_1732 : f32 to vector<16xf32>
      %parallel_loop3A_1734 = arith.addf %parallel_loop3A_1731, %parallel_loop3A_1733 : vector<16xf32>
      %parallel_loop3A_1735 = arith.mulf %parallel_loop3A_1734, %parallel_loop3A_1724 : vector<16xf32>
      %parallel_loop3A_1736 = arith.constant -0.0416610315 : f32
      %parallel_loop3A_1737 = vector.broadcast %parallel_loop3A_1736 : f32 to vector<16xf32>
      %parallel_loop3A_1738 = arith.addf %parallel_loop3A_1735, %parallel_loop3A_1737 : vector<16xf32>
      %parallel_loop3A_1739 = arith.mulf %parallel_loop3A_1738, %parallel_loop3A_1724 : vector<16xf32>
      %parallel_loop3A_1740 = arith.constant 0.499995589 : f32
      %parallel_loop3A_1741 = vector.broadcast %parallel_loop3A_1740 : f32 to vector<16xf32>
      %parallel_loop3A_1742 = arith.addf %parallel_loop3A_1739, %parallel_loop3A_1741 : vector<16xf32>
      %parallel_loop3A_1743 = arith.mulf %parallel_loop3A_1742, %parallel_loop3A_1724 : vector<16xf32>
      %parallel_loop3A_1744 = arith.constant -0.999999463 : f32
      %parallel_loop3A_1745 = vector.broadcast %parallel_loop3A_1744 : f32 to vector<16xf32>
      %parallel_loop3A_1746 = arith.addf %parallel_loop3A_1743, %parallel_loop3A_1745 : vector<16xf32>
      %parallel_loop3A_1747 = arith.index_cast %parallel_loop3A_1634 : i32 to index
      %parallel_loop3A_1748 = arith.constant 32 : index
      %parallel_loop3A_1749 = tpu.vector_load %arg7[%parallel_loop3A_1747, %parallel_loop3A_1748] {strides = array<i32>} : memref<256x64xf32, #tpu.memory_space<vmem>>, vector<1x16xf32>,
      %parallel_loop3A_1750 = vector.shape_cast %parallel_loop3A_1749 : vector<1x16xf32> to vector<16xf32>
      %parallel_loop3A_1751 = vector.shape_cast %parallel_loop3A_1746 : vector<16xf32> to vector<1x16xf32>
      tpu.vector_store %arg7[%parallel_loop3A_1747, %parallel_loop3A_1748], %parallel_loop3A_1751 {strides = array<i32>} : memref<256x64xf32, #tpu.memory_space<vmem>>, vector<1x16xf32>,
      %parallel_loop3A_1752 = arith.mulf %parallel_loop3A_1637, %mul3A_25 : vector<16xf32>
      %parallel_loop3A_1753 = arith.fptosi %parallel_loop3A_1752 : vector<16xf32> to vector<16xi32>
      %parallel_loop3A_1754 = arith.sitofp %parallel_loop3A_1753 : vector<16xi32> to vector<16xf32>
      %parallel_loop3A_1755 = arith.subf %parallel_loop3A_1752, %parallel_loop3A_1754 : vector<16xf32>
      %parallel_loop3A_1756 = arith.constant 6.28318548 : f32
      %parallel_loop3A_1757 = vector.broadcast %parallel_loop3A_1756 : f32 to vector<16xf32>
      %parallel_loop3A_1758 = arith.mulf %parallel_loop3A_1755, %parallel_loop3A_1757 : vector<16xf32>
      %parallel_loop3A_1759 = arith.constant 3.14159274 : f32
      %parallel_loop3A_1760 = vector.broadcast %parallel_loop3A_1759 : f32 to vector<16xf32>
      %parallel_loop3A_1761 = arith.subf %parallel_loop3A_1760, %parallel_loop3A_1758 : vector<16xf32>
      %parallel_loop3A_1762 = arith.mulf %parallel_loop3A_1761, %parallel_loop3A_1761 : vector<16xf32>
      %parallel_loop3A_1763 = arith.constant 2.21939359E-7 : f32
      %parallel_loop3A_1764 = vector.broadcast %parallel_loop3A_1763 : f32 to vector<16xf32>
      %parallel_loop3A_1765 = arith.mulf %parallel_loop3A_1764, %parallel_loop3A_1762 : vector<16xf32>
      %parallel_loop3A_1766 = arith.constant -2.42531896E-5 : f32
      %parallel_loop3A_1767 = vector.broadcast %parallel_loop3A_1766 : f32 to vector<16xf32>
      %parallel_loop3A_1768 = arith.addf %parallel_loop3A_1765, %parallel_loop3A_1767 : vector<16xf32>
      %parallel_loop3A_1769 = arith.mulf %parallel_loop3A_1768, %parallel_loop3A_1762 : vector<16xf32>
      %parallel_loop3A_1770 = arith.constant 0.0013862747 : f32
      %parallel_loop3A_1771 = vector.broadcast %parallel_loop3A_1770 : f32 to vector<16xf32>
      %parallel_loop3A_1772 = arith.addf %parallel_loop3A_1769, %parallel_loop3A_1771 : vector<16xf32>
      %parallel_loop3A_1773 = arith.mulf %parallel_loop3A_1772, %parallel_loop3A_1762 : vector<16xf32>
      %parallel_loop3A_1774 = arith.constant -0.0416610315 : f32
      %parallel_loop3A_1775 = vector.broadcast %parallel_loop3A_1774 : f32 to vector<16xf32>
      %parallel_loop3A_1776 = arith.addf %parallel_loop3A_1773, %parallel_loop3A_1775 : vector<16xf32>
      %parallel_loop3A_1777 = arith.mulf %parallel_loop3A_1776, %parallel_loop3A_1762 : vector<16xf32>
      %parallel_loop3A_1778 = arith.constant 0.499995589 : f32
      %parallel_loop3A_1779 = vector.broadcast %parallel_loop3A_1778 : f32 to vector<16xf32>
      %parallel_loop3A_1780 = arith.addf %parallel_loop3A_1777, %parallel_loop3A_1779 : vector<16xf32>
      %parallel_loop3A_1781 = arith.mulf %parallel_loop3A_1780, %parallel_loop3A_1762 : vector<16xf32>
      %parallel_loop3A_1782 = arith.constant -0.999999463 : f32
      %parallel_loop3A_1783 = vector.broadcast %parallel_loop3A_1782 : f32 to vector<16xf32>
      %parallel_loop3A_1784 = arith.addf %parallel_loop3A_1781, %parallel_loop3A_1783 : vector<16xf32>
      %parallel_loop3A_1785 = arith.index_cast %parallel_loop3A_1634 : i32 to index
      %parallel_loop3A_1786 = arith.constant 48 : index
      %parallel_loop3A_1787 = tpu.vector_load %arg7[%parallel_loop3A_1785, %parallel_loop3A_1786] {strides = array<i32>} : memref<256x64xf32, #tpu.memory_space<vmem>>, vector<1x16xf32>,
      %parallel_loop3A_1788 = vector.shape_cast %parallel_loop3A_1787 : vector<1x16xf32> to vector<16xf32>
      %parallel_loop3A_1789 = vector.shape_cast %parallel_loop3A_1784 : vector<16xf32> to vector<1x16xf32>
      tpu.vector_store %arg7[%parallel_loop3A_1785, %parallel_loop3A_1786], %parallel_loop3A_1789 {strides = array<i32>} : memref<256x64xf32, #tpu.memory_space<vmem>>, vector<1x16xf32>,
      %parallel_loop3A_1790 = arith.constant 16 : i32
      %parallel_loop3A_1791 = arith.muli %parallel_loop3A_34, %parallel_loop3A_1790 : i32
      %parallel_loop3A_1792 = arith.constant 11 : i32
      %parallel_loop3A_1793 = arith.addi %parallel_loop3A_1791, %parallel_loop3A_1792 : i32
      %parallel_loop3A_1794 = vector.extract_strided_slice %parallel_loop3A_40 {offsets = [11], sizes = [1], strides = [1]} : vector<16xf32> to vector<1xf32>
      %parallel_loop3A_1795 = vector.extract %parallel_loop3A_1794[0] : f32 from vector<1xf32>
      %parallel_loop3A_1796 = vector.broadcast %parallel_loop3A_1795 : f32 to vector<16xf32>
      %parallel_loop3A_1797 = arith.mulf %parallel_loop3A_1796, %mul3A_7 : vector<16xf32>
      %parallel_loop3A_1798 = arith.fptosi %parallel_loop3A_1797 : vector<16xf32> to vector<16xi32>
      %parallel_loop3A_1799 = arith.sitofp %parallel_loop3A_1798 : vector<16xi32> to vector<16xf32>
      %parallel_loop3A_1800 = arith.subf %parallel_loop3A_1797, %parallel_loop3A_1799 : vector<16xf32>
      %parallel_loop3A_1801 = arith.constant 6.28318548 : f32
      %parallel_loop3A_1802 = vector.broadcast %parallel_loop3A_1801 : f32 to vector<16xf32>
      %parallel_loop3A_1803 = arith.mulf %parallel_loop3A_1800, %parallel_loop3A_1802 : vector<16xf32>
      %parallel_loop3A_1804 = arith.constant 3.14159274 : f32
      %parallel_loop3A_1805 = vector.broadcast %parallel_loop3A_1804 : f32 to vector<16xf32>
      %parallel_loop3A_1806 = arith.subf %parallel_loop3A_1805, %parallel_loop3A_1803 : vector<16xf32>
      %parallel_loop3A_1807 = arith.mulf %parallel_loop3A_1806, %parallel_loop3A_1806 : vector<16xf32>
      %parallel_loop3A_1808 = arith.constant 2.21939359E-7 : f32
      %parallel_loop3A_1809 = vector.broadcast %parallel_loop3A_1808 : f32 to vector<16xf32>
      %parallel_loop3A_1810 = arith.mulf %parallel_loop3A_1809, %parallel_loop3A_1807 : vector<16xf32>
      %parallel_loop3A_1811 = arith.constant -2.42531896E-5 : f32
      %parallel_loop3A_1812 = vector.broadcast %parallel_loop3A_1811 : f32 to vector<16xf32>
      %parallel_loop3A_1813 = arith.addf %parallel_loop3A_1810, %parallel_loop3A_1812 : vector<16xf32>
      %parallel_loop3A_1814 = arith.mulf %parallel_loop3A_1813, %parallel_loop3A_1807 : vector<16xf32>
      %parallel_loop3A_1815 = arith.constant 0.0013862747 : f32
      %parallel_loop3A_1816 = vector.broadcast %parallel_loop3A_1815 : f32 to vector<16xf32>
      %parallel_loop3A_1817 = arith.addf %parallel_loop3A_1814, %parallel_loop3A_1816 : vector<16xf32>
      %parallel_loop3A_1818 = arith.mulf %parallel_loop3A_1817, %parallel_loop3A_1807 : vector<16xf32>
      %parallel_loop3A_1819 = arith.constant -0.0416610315 : f32
      %parallel_loop3A_1820 = vector.broadcast %parallel_loop3A_1819 : f32 to vector<16xf32>
      %parallel_loop3A_1821 = arith.addf %parallel_loop3A_1818, %parallel_loop3A_1820 : vector<16xf32>
      %parallel_loop3A_1822 = arith.mulf %parallel_loop3A_1821, %parallel_loop3A_1807 : vector<16xf32>
      %parallel_loop3A_1823 = arith.constant 0.499995589 : f32
      %parallel_loop3A_1824 = vector.broadcast %parallel_loop3A_1823 : f32 to vector<16xf32>
      %parallel_loop3A_1825 = arith.addf %parallel_loop3A_1822, %parallel_loop3A_1824 : vector<16xf32>
      %parallel_loop3A_1826 = arith.mulf %parallel_loop3A_1825, %parallel_loop3A_1807 : vector<16xf32>
      %parallel_loop3A_1827 = arith.constant -0.999999463 : f32
      %parallel_loop3A_1828 = vector.broadcast %parallel_loop3A_1827 : f32 to vector<16xf32>
      %parallel_loop3A_1829 = arith.addf %parallel_loop3A_1826, %parallel_loop3A_1828 : vector<16xf32>
      %parallel_loop3A_1830 = arith.index_cast %parallel_loop3A_1793 : i32 to index
      %parallel_loop3A_1831 = arith.constant 0 : index
      %parallel_loop3A_1832 = tpu.vector_load %arg7[%parallel_loop3A_1830, %parallel_loop3A_1831] {strides = array<i32>} : memref<256x64xf32, #tpu.memory_space<vmem>>, vector<1x16xf32>,
      %parallel_loop3A_1833 = vector.shape_cast %parallel_loop3A_1832 : vector<1x16xf32> to vector<16xf32>
      %parallel_loop3A_1834 = vector.shape_cast %parallel_loop3A_1829 : vector<16xf32> to vector<1x16xf32>
      tpu.vector_store %arg7[%parallel_loop3A_1830, %parallel_loop3A_1831], %parallel_loop3A_1834 {strides = array<i32>} : memref<256x64xf32, #tpu.memory_space<vmem>>, vector<1x16xf32>,
      %parallel_loop3A_1835 = arith.mulf %parallel_loop3A_1796, %mul3A_13 : vector<16xf32>
      %parallel_loop3A_1836 = arith.fptosi %parallel_loop3A_1835 : vector<16xf32> to vector<16xi32>
      %parallel_loop3A_1837 = arith.sitofp %parallel_loop3A_1836 : vector<16xi32> to vector<16xf32>
      %parallel_loop3A_1838 = arith.subf %parallel_loop3A_1835, %parallel_loop3A_1837 : vector<16xf32>
      %parallel_loop3A_1839 = arith.constant 6.28318548 : f32
      %parallel_loop3A_1840 = vector.broadcast %parallel_loop3A_1839 : f32 to vector<16xf32>
      %parallel_loop3A_1841 = arith.mulf %parallel_loop3A_1838, %parallel_loop3A_1840 : vector<16xf32>
      %parallel_loop3A_1842 = arith.constant 3.14159274 : f32
      %parallel_loop3A_1843 = vector.broadcast %parallel_loop3A_1842 : f32 to vector<16xf32>
      %parallel_loop3A_1844 = arith.subf %parallel_loop3A_1843, %parallel_loop3A_1841 : vector<16xf32>
      %parallel_loop3A_1845 = arith.mulf %parallel_loop3A_1844, %parallel_loop3A_1844 : vector<16xf32>
      %parallel_loop3A_1846 = arith.constant 2.21939359E-7 : f32
      %parallel_loop3A_1847 = vector.broadcast %parallel_loop3A_1846 : f32 to vector<16xf32>
      %parallel_loop3A_1848 = arith.mulf %parallel_loop3A_1847, %parallel_loop3A_1845 : vector<16xf32>
      %parallel_loop3A_1849 = arith.constant -2.42531896E-5 : f32
      %parallel_loop3A_1850 = vector.broadcast %parallel_loop3A_1849 : f32 to vector<16xf32>
      %parallel_loop3A_1851 = arith.addf %parallel_loop3A_1848, %parallel_loop3A_1850 : vector<16xf32>
      %parallel_loop3A_1852 = arith.mulf %parallel_loop3A_1851, %parallel_loop3A_1845 : vector<16xf32>
      %parallel_loop3A_1853 = arith.constant 0.0013862747 : f32
      %parallel_loop3A_1854 = vector.broadcast %parallel_loop3A_1853 : f32 to vector<16xf32>
      %parallel_loop3A_1855 = arith.addf %parallel_loop3A_1852, %parallel_loop3A_1854 : vector<16xf32>
      %parallel_loop3A_1856 = arith.mulf %parallel_loop3A_1855, %parallel_loop3A_1845 : vector<16xf32>
      %parallel_loop3A_1857 = arith.constant -0.0416610315 : f32
      %parallel_loop3A_1858 = vector.broadcast %parallel_loop3A_1857 : f32 to vector<16xf32>
      %parallel_loop3A_1859 = arith.addf %parallel_loop3A_1856, %parallel_loop3A_1858 : vector<16xf32>
      %parallel_loop3A_1860 = arith.mulf %parallel_loop3A_1859, %parallel_loop3A_1845 : vector<16xf32>
      %parallel_loop3A_1861 = arith.constant 0.499995589 : f32
      %parallel_loop3A_1862 = vector.broadcast %parallel_loop3A_1861 : f32 to vector<16xf32>
      %parallel_loop3A_1863 = arith.addf %parallel_loop3A_1860, %parallel_loop3A_1862 : vector<16xf32>
      %parallel_loop3A_1864 = arith.mulf %parallel_loop3A_1863, %parallel_loop3A_1845 : vector<16xf32>
      %parallel_loop3A_1865 = arith.constant -0.999999463 : f32
      %parallel_loop3A_1866 = vector.broadcast %parallel_loop3A_1865 : f32 to vector<16xf32>
      %parallel_loop3A_1867 = arith.addf %parallel_loop3A_1864, %parallel_loop3A_1866 : vector<16xf32>
      %parallel_loop3A_1868 = arith.index_cast %parallel_loop3A_1793 : i32 to index
      %parallel_loop3A_1869 = arith.constant 16 : index
      %parallel_loop3A_1870 = tpu.vector_load %arg7[%parallel_loop3A_1868, %parallel_loop3A_1869] {strides = array<i32>} : memref<256x64xf32, #tpu.memory_space<vmem>>, vector<1x16xf32>,
      %parallel_loop3A_1871 = vector.shape_cast %parallel_loop3A_1870 : vector<1x16xf32> to vector<16xf32>
      %parallel_loop3A_1872 = vector.shape_cast %parallel_loop3A_1867 : vector<16xf32> to vector<1x16xf32>
      tpu.vector_store %arg7[%parallel_loop3A_1868, %parallel_loop3A_1869], %parallel_loop3A_1872 {strides = array<i32>} : memref<256x64xf32, #tpu.memory_space<vmem>>, vector<1x16xf32>,
      %parallel_loop3A_1873 = arith.mulf %parallel_loop3A_1796, %mul3A_19 : vector<16xf32>
      %parallel_loop3A_1874 = arith.fptosi %parallel_loop3A_1873 : vector<16xf32> to vector<16xi32>
      %parallel_loop3A_1875 = arith.sitofp %parallel_loop3A_1874 : vector<16xi32> to vector<16xf32>
      %parallel_loop3A_1876 = arith.subf %parallel_loop3A_1873, %parallel_loop3A_1875 : vector<16xf32>
      %parallel_loop3A_1877 = arith.constant 6.28318548 : f32
      %parallel_loop3A_1878 = vector.broadcast %parallel_loop3A_1877 : f32 to vector<16xf32>
      %parallel_loop3A_1879 = arith.mulf %parallel_loop3A_1876, %parallel_loop3A_1878 : vector<16xf32>
      %parallel_loop3A_1880 = arith.constant 3.14159274 : f32
      %parallel_loop3A_1881 = vector.broadcast %parallel_loop3A_1880 : f32 to vector<16xf32>
      %parallel_loop3A_1882 = arith.subf %parallel_loop3A_1881, %parallel_loop3A_1879 : vector<16xf32>
      %parallel_loop3A_1883 = arith.mulf %parallel_loop3A_1882, %parallel_loop3A_1882 : vector<16xf32>
      %parallel_loop3A_1884 = arith.constant 2.21939359E-7 : f32
      %parallel_loop3A_1885 = vector.broadcast %parallel_loop3A_1884 : f32 to vector<16xf32>
      %parallel_loop3A_1886 = arith.mulf %parallel_loop3A_1885, %parallel_loop3A_1883 : vector<16xf32>
      %parallel_loop3A_1887 = arith.constant -2.42531896E-5 : f32
      %parallel_loop3A_1888 = vector.broadcast %parallel_loop3A_1887 : f32 to vector<16xf32>
      %parallel_loop3A_1889 = arith.addf %parallel_loop3A_1886, %parallel_loop3A_1888 : vector<16xf32>
      %parallel_loop3A_1890 = arith.mulf %parallel_loop3A_1889, %parallel_loop3A_1883 : vector<16xf32>
      %parallel_loop3A_1891 = arith.constant 0.0013862747 : f32
      %parallel_loop3A_1892 = vector.broadcast %parallel_loop3A_1891 : f32 to vector<16xf32>
      %parallel_loop3A_1893 = arith.addf %parallel_loop3A_1890, %parallel_loop3A_1892 : vector<16xf32>
      %parallel_loop3A_1894 = arith.mulf %parallel_loop3A_1893, %parallel_loop3A_1883 : vector<16xf32>
      %parallel_loop3A_1895 = arith.constant -0.0416610315 : f32
      %parallel_loop3A_1896 = vector.broadcast %parallel_loop3A_1895 : f32 to vector<16xf32>
      %parallel_loop3A_1897 = arith.addf %parallel_loop3A_1894, %parallel_loop3A_1896 : vector<16xf32>
      %parallel_loop3A_1898 = arith.mulf %parallel_loop3A_1897, %parallel_loop3A_1883 : vector<16xf32>
      %parallel_loop3A_1899 = arith.constant 0.499995589 : f32
      %parallel_loop3A_1900 = vector.broadcast %parallel_loop3A_1899 : f32 to vector<16xf32>
      %parallel_loop3A_1901 = arith.addf %parallel_loop3A_1898, %parallel_loop3A_1900 : vector<16xf32>
      %parallel_loop3A_1902 = arith.mulf %parallel_loop3A_1901, %parallel_loop3A_1883 : vector<16xf32>
      %parallel_loop3A_1903 = arith.constant -0.999999463 : f32
      %parallel_loop3A_1904 = vector.broadcast %parallel_loop3A_1903 : f32 to vector<16xf32>
      %parallel_loop3A_1905 = arith.addf %parallel_loop3A_1902, %parallel_loop3A_1904 : vector<16xf32>
      %parallel_loop3A_1906 = arith.index_cast %parallel_loop3A_1793 : i32 to index
      %parallel_loop3A_1907 = arith.constant 32 : index
      %parallel_loop3A_1908 = tpu.vector_load %arg7[%parallel_loop3A_1906, %parallel_loop3A_1907] {strides = array<i32>} : memref<256x64xf32, #tpu.memory_space<vmem>>, vector<1x16xf32>,
      %parallel_loop3A_1909 = vector.shape_cast %parallel_loop3A_1908 : vector<1x16xf32> to vector<16xf32>
      %parallel_loop3A_1910 = vector.shape_cast %parallel_loop3A_1905 : vector<16xf32> to vector<1x16xf32>
      tpu.vector_store %arg7[%parallel_loop3A_1906, %parallel_loop3A_1907], %parallel_loop3A_1910 {strides = array<i32>} : memref<256x64xf32, #tpu.memory_space<vmem>>, vector<1x16xf32>,
      %parallel_loop3A_1911 = arith.mulf %parallel_loop3A_1796, %mul3A_25 : vector<16xf32>
      %parallel_loop3A_1912 = arith.fptosi %parallel_loop3A_1911 : vector<16xf32> to vector<16xi32>
      %parallel_loop3A_1913 = arith.sitofp %parallel_loop3A_1912 : vector<16xi32> to vector<16xf32>
      %parallel_loop3A_1914 = arith.subf %parallel_loop3A_1911, %parallel_loop3A_1913 : vector<16xf32>
      %parallel_loop3A_1915 = arith.constant 6.28318548 : f32
      %parallel_loop3A_1916 = vector.broadcast %parallel_loop3A_1915 : f32 to vector<16xf32>
      %parallel_loop3A_1917 = arith.mulf %parallel_loop3A_1914, %parallel_loop3A_1916 : vector<16xf32>
      %parallel_loop3A_1918 = arith.constant 3.14159274 : f32
      %parallel_loop3A_1919 = vector.broadcast %parallel_loop3A_1918 : f32 to vector<16xf32>
      %parallel_loop3A_1920 = arith.subf %parallel_loop3A_1919, %parallel_loop3A_1917 : vector<16xf32>
      %parallel_loop3A_1921 = arith.mulf %parallel_loop3A_1920, %parallel_loop3A_1920 : vector<16xf32>
      %parallel_loop3A_1922 = arith.constant 2.21939359E-7 : f32
      %parallel_loop3A_1923 = vector.broadcast %parallel_loop3A_1922 : f32 to vector<16xf32>
      %parallel_loop3A_1924 = arith.mulf %parallel_loop3A_1923, %parallel_loop3A_1921 : vector<16xf32>
      %parallel_loop3A_1925 = arith.constant -2.42531896E-5 : f32
      %parallel_loop3A_1926 = vector.broadcast %parallel_loop3A_1925 : f32 to vector<16xf32>
      %parallel_loop3A_1927 = arith.addf %parallel_loop3A_1924, %parallel_loop3A_1926 : vector<16xf32>
      %parallel_loop3A_1928 = arith.mulf %parallel_loop3A_1927, %parallel_loop3A_1921 : vector<16xf32>
      %parallel_loop3A_1929 = arith.constant 0.0013862747 : f32
      %parallel_loop3A_1930 = vector.broadcast %parallel_loop3A_1929 : f32 to vector<16xf32>
      %parallel_loop3A_1931 = arith.addf %parallel_loop3A_1928, %parallel_loop3A_1930 : vector<16xf32>
      %parallel_loop3A_1932 = arith.mulf %parallel_loop3A_1931, %parallel_loop3A_1921 : vector<16xf32>
      %parallel_loop3A_1933 = arith.constant -0.0416610315 : f32
      %parallel_loop3A_1934 = vector.broadcast %parallel_loop3A_1933 : f32 to vector<16xf32>
      %parallel_loop3A_1935 = arith.addf %parallel_loop3A_1932, %parallel_loop3A_1934 : vector<16xf32>
      %parallel_loop3A_1936 = arith.mulf %parallel_loop3A_1935, %parallel_loop3A_1921 : vector<16xf32>
      %parallel_loop3A_1937 = arith.constant 0.499995589 : f32
      %parallel_loop3A_1938 = vector.broadcast %parallel_loop3A_1937 : f32 to vector<16xf32>
      %parallel_loop3A_1939 = arith.addf %parallel_loop3A_1936, %parallel_loop3A_1938 : vector<16xf32>
      %parallel_loop3A_1940 = arith.mulf %parallel_loop3A_1939, %parallel_loop3A_1921 : vector<16xf32>
      %parallel_loop3A_1941 = arith.constant -0.999999463 : f32
      %parallel_loop3A_1942 = vector.broadcast %parallel_loop3A_1941 : f32 to vector<16xf32>
      %parallel_loop3A_1943 = arith.addf %parallel_loop3A_1940, %parallel_loop3A_1942 : vector<16xf32>
      %parallel_loop3A_1944 = arith.index_cast %parallel_loop3A_1793 : i32 to index
      %parallel_loop3A_1945 = arith.constant 48 : index
      %parallel_loop3A_1946 = tpu.vector_load %arg7[%parallel_loop3A_1944, %parallel_loop3A_1945] {strides = array<i32>} : memref<256x64xf32, #tpu.memory_space<vmem>>, vector<1x16xf32>,
      %parallel_loop3A_1947 = vector.shape_cast %parallel_loop3A_1946 : vector<1x16xf32> to vector<16xf32>
      %parallel_loop3A_1948 = vector.shape_cast %parallel_loop3A_1943 : vector<16xf32> to vector<1x16xf32>
      tpu.vector_store %arg7[%parallel_loop3A_1944, %parallel_loop3A_1945], %parallel_loop3A_1948 {strides = array<i32>} : memref<256x64xf32, #tpu.memory_space<vmem>>, vector<1x16xf32>,
      %parallel_loop3A_1949 = arith.constant 16 : i32
      %parallel_loop3A_1950 = arith.muli %parallel_loop3A_34, %parallel_loop3A_1949 : i32
      %parallel_loop3A_1951 = arith.constant 12 : i32
      %parallel_loop3A_1952 = arith.addi %parallel_loop3A_1950, %parallel_loop3A_1951 : i32
      %parallel_loop3A_1953 = vector.extract_strided_slice %parallel_loop3A_40 {offsets = [12], sizes = [1], strides = [1]} : vector<16xf32> to vector<1xf32>
      %parallel_loop3A_1954 = vector.extract %parallel_loop3A_1953[0] : f32 from vector<1xf32>
      %parallel_loop3A_1955 = vector.broadcast %parallel_loop3A_1954 : f32 to vector<16xf32>
      %parallel_loop3A_1956 = arith.mulf %parallel_loop3A_1955, %mul3A_7 : vector<16xf32>
      %parallel_loop3A_1957 = arith.fptosi %parallel_loop3A_1956 : vector<16xf32> to vector<16xi32>
      %parallel_loop3A_1958 = arith.sitofp %parallel_loop3A_1957 : vector<16xi32> to vector<16xf32>
      %parallel_loop3A_1959 = arith.subf %parallel_loop3A_1956, %parallel_loop3A_1958 : vector<16xf32>
      %parallel_loop3A_1960 = arith.constant 6.28318548 : f32
      %parallel_loop3A_1961 = vector.broadcast %parallel_loop3A_1960 : f32 to vector<16xf32>
      %parallel_loop3A_1962 = arith.mulf %parallel_loop3A_1959, %parallel_loop3A_1961 : vector<16xf32>
      %parallel_loop3A_1963 = arith.constant 3.14159274 : f32
      %parallel_loop3A_1964 = vector.broadcast %parallel_loop3A_1963 : f32 to vector<16xf32>
      %parallel_loop3A_1965 = arith.subf %parallel_loop3A_1964, %parallel_loop3A_1962 : vector<16xf32>
      %parallel_loop3A_1966 = arith.mulf %parallel_loop3A_1965, %parallel_loop3A_1965 : vector<16xf32>
      %parallel_loop3A_1967 = arith.constant 2.21939359E-7 : f32
      %parallel_loop3A_1968 = vector.broadcast %parallel_loop3A_1967 : f32 to vector<16xf32>
      %parallel_loop3A_1969 = arith.mulf %parallel_loop3A_1968, %parallel_loop3A_1966 : vector<16xf32>
      %parallel_loop3A_1970 = arith.constant -2.42531896E-5 : f32
      %parallel_loop3A_1971 = vector.broadcast %parallel_loop3A_1970 : f32 to vector<16xf32>
      %parallel_loop3A_1972 = arith.addf %parallel_loop3A_1969, %parallel_loop3A_1971 : vector<16xf32>
      %parallel_loop3A_1973 = arith.mulf %parallel_loop3A_1972, %parallel_loop3A_1966 : vector<16xf32>
      %parallel_loop3A_1974 = arith.constant 0.0013862747 : f32
      %parallel_loop3A_1975 = vector.broadcast %parallel_loop3A_1974 : f32 to vector<16xf32>
      %parallel_loop3A_1976 = arith.addf %parallel_loop3A_1973, %parallel_loop3A_1975 : vector<16xf32>
      %parallel_loop3A_1977 = arith.mulf %parallel_loop3A_1976, %parallel_loop3A_1966 : vector<16xf32>
      %parallel_loop3A_1978 = arith.constant -0.0416610315 : f32
      %parallel_loop3A_1979 = vector.broadcast %parallel_loop3A_1978 : f32 to vector<16xf32>
      %parallel_loop3A_1980 = arith.addf %parallel_loop3A_1977, %parallel_loop3A_1979 : vector<16xf32>
      %parallel_loop3A_1981 = arith.mulf %parallel_loop3A_1980, %parallel_loop3A_1966 : vector<16xf32>
      %parallel_loop3A_1982 = arith.constant 0.499995589 : f32
      %parallel_loop3A_1983 = vector.broadcast %parallel_loop3A_1982 : f32 to vector<16xf32>
      %parallel_loop3A_1984 = arith.addf %parallel_loop3A_1981, %parallel_loop3A_1983 : vector<16xf32>
      %parallel_loop3A_1985 = arith.mulf %parallel_loop3A_1984, %parallel_loop3A_1966 : vector<16xf32>
      %parallel_loop3A_1986 = arith.constant -0.999999463 : f32
      %parallel_loop3A_1987 = vector.broadcast %parallel_loop3A_1986 : f32 to vector<16xf32>
      %parallel_loop3A_1988 = arith.addf %parallel_loop3A_1985, %parallel_loop3A_1987 : vector<16xf32>
      %parallel_loop3A_1989 = arith.index_cast %parallel_loop3A_1952 : i32 to index
      %parallel_loop3A_1990 = arith.constant 0 : index
      %parallel_loop3A_1991 = tpu.vector_load %arg7[%parallel_loop3A_1989, %parallel_loop3A_1990] {strides = array<i32>} : memref<256x64xf32, #tpu.memory_space<vmem>>, vector<1x16xf32>,
      %parallel_loop3A_1992 = vector.shape_cast %parallel_loop3A_1991 : vector<1x16xf32> to vector<16xf32>
      %parallel_loop3A_1993 = vector.shape_cast %parallel_loop3A_1988 : vector<16xf32> to vector<1x16xf32>
      tpu.vector_store %arg7[%parallel_loop3A_1989, %parallel_loop3A_1990], %parallel_loop3A_1993 {strides = array<i32>} : memref<256x64xf32, #tpu.memory_space<vmem>>, vector<1x16xf32>,
      %parallel_loop3A_1994 = arith.mulf %parallel_loop3A_1955, %mul3A_13 : vector<16xf32>
      %parallel_loop3A_1995 = arith.fptosi %parallel_loop3A_1994 : vector<16xf32> to vector<16xi32>
      %parallel_loop3A_1996 = arith.sitofp %parallel_loop3A_1995 : vector<16xi32> to vector<16xf32>
      %parallel_loop3A_1997 = arith.subf %parallel_loop3A_1994, %parallel_loop3A_1996 : vector<16xf32>
      %parallel_loop3A_1998 = arith.constant 6.28318548 : f32
      %parallel_loop3A_1999 = vector.broadcast %parallel_loop3A_1998 : f32 to vector<16xf32>
      %parallel_loop3A_2000 = arith.mulf %parallel_loop3A_1997, %parallel_loop3A_1999 : vector<16xf32>
      %parallel_loop3A_2001 = arith.constant 3.14159274 : f32
      %parallel_loop3A_2002 = vector.broadcast %parallel_loop3A_2001 : f32 to vector<16xf32>
      %parallel_loop3A_2003 = arith.subf %parallel_loop3A_2002, %parallel_loop3A_2000 : vector<16xf32>
      %parallel_loop3A_2004 = arith.mulf %parallel_loop3A_2003, %parallel_loop3A_2003 : vector<16xf32>
      %parallel_loop3A_2005 = arith.constant 2.21939359E-7 : f32
      %parallel_loop3A_2006 = vector.broadcast %parallel_loop3A_2005 : f32 to vector<16xf32>
      %parallel_loop3A_2007 = arith.mulf %parallel_loop3A_2006, %parallel_loop3A_2004 : vector<16xf32>
      %parallel_loop3A_2008 = arith.constant -2.42531896E-5 : f32
      %parallel_loop3A_2009 = vector.broadcast %parallel_loop3A_2008 : f32 to vector<16xf32>
      %parallel_loop3A_2010 = arith.addf %parallel_loop3A_2007, %parallel_loop3A_2009 : vector<16xf32>
      %parallel_loop3A_2011 = arith.mulf %parallel_loop3A_2010, %parallel_loop3A_2004 : vector<16xf32>
      %parallel_loop3A_2012 = arith.constant 0.0013862747 : f32
      %parallel_loop3A_2013 = vector.broadcast %parallel_loop3A_2012 : f32 to vector<16xf32>
      %parallel_loop3A_2014 = arith.addf %parallel_loop3A_2011, %parallel_loop3A_2013 : vector<16xf32>
      %parallel_loop3A_2015 = arith.mulf %parallel_loop3A_2014, %parallel_loop3A_2004 : vector<16xf32>
      %parallel_loop3A_2016 = arith.constant -0.0416610315 : f32
      %parallel_loop3A_2017 = vector.broadcast %parallel_loop3A_2016 : f32 to vector<16xf32>
      %parallel_loop3A_2018 = arith.addf %parallel_loop3A_2015, %parallel_loop3A_2017 : vector<16xf32>
      %parallel_loop3A_2019 = arith.mulf %parallel_loop3A_2018, %parallel_loop3A_2004 : vector<16xf32>
      %parallel_loop3A_2020 = arith.constant 0.499995589 : f32
      %parallel_loop3A_2021 = vector.broadcast %parallel_loop3A_2020 : f32 to vector<16xf32>
      %parallel_loop3A_2022 = arith.addf %parallel_loop3A_2019, %parallel_loop3A_2021 : vector<16xf32>
      %parallel_loop3A_2023 = arith.mulf %parallel_loop3A_2022, %parallel_loop3A_2004 : vector<16xf32>
      %parallel_loop3A_2024 = arith.constant -0.999999463 : f32
      %parallel_loop3A_2025 = vector.broadcast %parallel_loop3A_2024 : f32 to vector<16xf32>
      %parallel_loop3A_2026 = arith.addf %parallel_loop3A_2023, %parallel_loop3A_2025 : vector<16xf32>
      %parallel_loop3A_2027 = arith.index_cast %parallel_loop3A_1952 : i32 to index
      %parallel_loop3A_2028 = arith.constant 16 : index
      %parallel_loop3A_2029 = tpu.vector_load %arg7[%parallel_loop3A_2027, %parallel_loop3A_2028] {strides = array<i32>} : memref<256x64xf32, #tpu.memory_space<vmem>>, vector<1x16xf32>,
      %parallel_loop3A_2030 = vector.shape_cast %parallel_loop3A_2029 : vector<1x16xf32> to vector<16xf32>
      %parallel_loop3A_2031 = vector.shape_cast %parallel_loop3A_2026 : vector<16xf32> to vector<1x16xf32>
      tpu.vector_store %arg7[%parallel_loop3A_2027, %parallel_loop3A_2028], %parallel_loop3A_2031 {strides = array<i32>} : memref<256x64xf32, #tpu.memory_space<vmem>>, vector<1x16xf32>,
      %parallel_loop3A_2032 = arith.mulf %parallel_loop3A_1955, %mul3A_19 : vector<16xf32>
      %parallel_loop3A_2033 = arith.fptosi %parallel_loop3A_2032 : vector<16xf32> to vector<16xi32>
      %parallel_loop3A_2034 = arith.sitofp %parallel_loop3A_2033 : vector<16xi32> to vector<16xf32>
      %parallel_loop3A_2035 = arith.subf %parallel_loop3A_2032, %parallel_loop3A_2034 : vector<16xf32>
      %parallel_loop3A_2036 = arith.constant 6.28318548 : f32
      %parallel_loop3A_2037 = vector.broadcast %parallel_loop3A_2036 : f32 to vector<16xf32>
      %parallel_loop3A_2038 = arith.mulf %parallel_loop3A_2035, %parallel_loop3A_2037 : vector<16xf32>
      %parallel_loop3A_2039 = arith.constant 3.14159274 : f32
      %parallel_loop3A_2040 = vector.broadcast %parallel_loop3A_2039 : f32 to vector<16xf32>
      %parallel_loop3A_2041 = arith.subf %parallel_loop3A_2040, %parallel_loop3A_2038 : vector<16xf32>
      %parallel_loop3A_2042 = arith.mulf %parallel_loop3A_2041, %parallel_loop3A_2041 : vector<16xf32>
      %parallel_loop3A_2043 = arith.constant 2.21939359E-7 : f32
      %parallel_loop3A_2044 = vector.broadcast %parallel_loop3A_2043 : f32 to vector<16xf32>
      %parallel_loop3A_2045 = arith.mulf %parallel_loop3A_2044, %parallel_loop3A_2042 : vector<16xf32>
      %parallel_loop3A_2046 = arith.constant -2.42531896E-5 : f32
      %parallel_loop3A_2047 = vector.broadcast %parallel_loop3A_2046 : f32 to vector<16xf32>
      %parallel_loop3A_2048 = arith.addf %parallel_loop3A_2045, %parallel_loop3A_2047 : vector<16xf32>
      %parallel_loop3A_2049 = arith.mulf %parallel_loop3A_2048, %parallel_loop3A_2042 : vector<16xf32>
      %parallel_loop3A_2050 = arith.constant 0.0013862747 : f32
      %parallel_loop3A_2051 = vector.broadcast %parallel_loop3A_2050 : f32 to vector<16xf32>
      %parallel_loop3A_2052 = arith.addf %parallel_loop3A_2049, %parallel_loop3A_2051 : vector<16xf32>
      %parallel_loop3A_2053 = arith.mulf %parallel_loop3A_2052, %parallel_loop3A_2042 : vector<16xf32>
      %parallel_loop3A_2054 = arith.constant -0.0416610315 : f32
      %parallel_loop3A_2055 = vector.broadcast %parallel_loop3A_2054 : f32 to vector<16xf32>
      %parallel_loop3A_2056 = arith.addf %parallel_loop3A_2053, %parallel_loop3A_2055 : vector<16xf32>
      %parallel_loop3A_2057 = arith.mulf %parallel_loop3A_2056, %parallel_loop3A_2042 : vector<16xf32>
      %parallel_loop3A_2058 = arith.constant 0.499995589 : f32
      %parallel_loop3A_2059 = vector.broadcast %parallel_loop3A_2058 : f32 to vector<16xf32>
      %parallel_loop3A_2060 = arith.addf %parallel_loop3A_2057, %parallel_loop3A_2059 : vector<16xf32>
      %parallel_loop3A_2061 = arith.mulf %parallel_loop3A_2060, %parallel_loop3A_2042 : vector<16xf32>
      %parallel_loop3A_2062 = arith.constant -0.999999463 : f32
      %parallel_loop3A_2063 = vector.broadcast %parallel_loop3A_2062 : f32 to vector<16xf32>
      %parallel_loop3A_2064 = arith.addf %parallel_loop3A_2061, %parallel_loop3A_2063 : vector<16xf32>
      %parallel_loop3A_2065 = arith.index_cast %parallel_loop3A_1952 : i32 to index
      %parallel_loop3A_2066 = arith.constant 32 : index
      %parallel_loop3A_2067 = tpu.vector_load %arg7[%parallel_loop3A_2065, %parallel_loop3A_2066] {strides = array<i32>} : memref<256x64xf32, #tpu.memory_space<vmem>>, vector<1x16xf32>,
      %parallel_loop3A_2068 = vector.shape_cast %parallel_loop3A_2067 : vector<1x16xf32> to vector<16xf32>
      %parallel_loop3A_2069 = vector.shape_cast %parallel_loop3A_2064 : vector<16xf32> to vector<1x16xf32>
      tpu.vector_store %arg7[%parallel_loop3A_2065, %parallel_loop3A_2066], %parallel_loop3A_2069 {strides = array<i32>} : memref<256x64xf32, #tpu.memory_space<vmem>>, vector<1x16xf32>,
      %parallel_loop3A_2070 = arith.mulf %parallel_loop3A_1955, %mul3A_25 : vector<16xf32>
      %parallel_loop3A_2071 = arith.fptosi %parallel_loop3A_2070 : vector<16xf32> to vector<16xi32>
      %parallel_loop3A_2072 = arith.sitofp %parallel_loop3A_2071 : vector<16xi32> to vector<16xf32>
      %parallel_loop3A_2073 = arith.subf %parallel_loop3A_2070, %parallel_loop3A_2072 : vector<16xf32>
      %parallel_loop3A_2074 = arith.constant 6.28318548 : f32
      %parallel_loop3A_2075 = vector.broadcast %parallel_loop3A_2074 : f32 to vector<16xf32>
      %parallel_loop3A_2076 = arith.mulf %parallel_loop3A_2073, %parallel_loop3A_2075 : vector<16xf32>
      %parallel_loop3A_2077 = arith.constant 3.14159274 : f32
      %parallel_loop3A_2078 = vector.broadcast %parallel_loop3A_2077 : f32 to vector<16xf32>
      %parallel_loop3A_2079 = arith.subf %parallel_loop3A_2078, %parallel_loop3A_2076 : vector<16xf32>
      %parallel_loop3A_2080 = arith.mulf %parallel_loop3A_2079, %parallel_loop3A_2079 : vector<16xf32>
      %parallel_loop3A_2081 = arith.constant 2.21939359E-7 : f32
      %parallel_loop3A_2082 = vector.broadcast %parallel_loop3A_2081 : f32 to vector<16xf32>
      %parallel_loop3A_2083 = arith.mulf %parallel_loop3A_2082, %parallel_loop3A_2080 : vector<16xf32>
      %parallel_loop3A_2084 = arith.constant -2.42531896E-5 : f32
      %parallel_loop3A_2085 = vector.broadcast %parallel_loop3A_2084 : f32 to vector<16xf32>
      %parallel_loop3A_2086 = arith.addf %parallel_loop3A_2083, %parallel_loop3A_2085 : vector<16xf32>
      %parallel_loop3A_2087 = arith.mulf %parallel_loop3A_2086, %parallel_loop3A_2080 : vector<16xf32>
      %parallel_loop3A_2088 = arith.constant 0.0013862747 : f32
      %parallel_loop3A_2089 = vector.broadcast %parallel_loop3A_2088 : f32 to vector<16xf32>
      %parallel_loop3A_2090 = arith.addf %parallel_loop3A_2087, %parallel_loop3A_2089 : vector<16xf32>
      %parallel_loop3A_2091 = arith.mulf %parallel_loop3A_2090, %parallel_loop3A_2080 : vector<16xf32>
      %parallel_loop3A_2092 = arith.constant -0.0416610315 : f32
      %parallel_loop3A_2093 = vector.broadcast %parallel_loop3A_2092 : f32 to vector<16xf32>
      %parallel_loop3A_2094 = arith.addf %parallel_loop3A_2091, %parallel_loop3A_2093 : vector<16xf32>
      %parallel_loop3A_2095 = arith.mulf %parallel_loop3A_2094, %parallel_loop3A_2080 : vector<16xf32>
      %parallel_loop3A_2096 = arith.constant 0.499995589 : f32
      %parallel_loop3A_2097 = vector.broadcast %parallel_loop3A_2096 : f32 to vector<16xf32>
      %parallel_loop3A_2098 = arith.addf %parallel_loop3A_2095, %parallel_loop3A_2097 : vector<16xf32>
      %parallel_loop3A_2099 = arith.mulf %parallel_loop3A_2098, %parallel_loop3A_2080 : vector<16xf32>
      %parallel_loop3A_2100 = arith.constant -0.999999463 : f32
      %parallel_loop3A_2101 = vector.broadcast %parallel_loop3A_2100 : f32 to vector<16xf32>
      %parallel_loop3A_2102 = arith.addf %parallel_loop3A_2099, %parallel_loop3A_2101 : vector<16xf32>
      %parallel_loop3A_2103 = arith.index_cast %parallel_loop3A_1952 : i32 to index
      %parallel_loop3A_2104 = arith.constant 48 : index
      %parallel_loop3A_2105 = tpu.vector_load %arg7[%parallel_loop3A_2103, %parallel_loop3A_2104] {strides = array<i32>} : memref<256x64xf32, #tpu.memory_space<vmem>>, vector<1x16xf32>,
      %parallel_loop3A_2106 = vector.shape_cast %parallel_loop3A_2105 : vector<1x16xf32> to vector<16xf32>
      %parallel_loop3A_2107 = vector.shape_cast %parallel_loop3A_2102 : vector<16xf32> to vector<1x16xf32>
      tpu.vector_store %arg7[%parallel_loop3A_2103, %parallel_loop3A_2104], %parallel_loop3A_2107 {strides = array<i32>} : memref<256x64xf32, #tpu.memory_space<vmem>>, vector<1x16xf32>,
      %parallel_loop3A_2108 = arith.constant 16 : i32
      %parallel_loop3A_2109 = arith.muli %parallel_loop3A_34, %parallel_loop3A_2108 : i32
      %parallel_loop3A_2110 = arith.constant 13 : i32
      %parallel_loop3A_2111 = arith.addi %parallel_loop3A_2109, %parallel_loop3A_2110 : i32
      %parallel_loop3A_2112 = vector.extract_strided_slice %parallel_loop3A_40 {offsets = [13], sizes = [1], strides = [1]} : vector<16xf32> to vector<1xf32>
      %parallel_loop3A_2113 = vector.extract %parallel_loop3A_2112[0] : f32 from vector<1xf32>
      %parallel_loop3A_2114 = vector.broadcast %parallel_loop3A_2113 : f32 to vector<16xf32>
      %parallel_loop3A_2115 = arith.mulf %parallel_loop3A_2114, %mul3A_7 : vector<16xf32>
      %parallel_loop3A_2116 = arith.fptosi %parallel_loop3A_2115 : vector<16xf32> to vector<16xi32>
      %parallel_loop3A_2117 = arith.sitofp %parallel_loop3A_2116 : vector<16xi32> to vector<16xf32>
      %parallel_loop3A_2118 = arith.subf %parallel_loop3A_2115, %parallel_loop3A_2117 : vector<16xf32>
      %parallel_loop3A_2119 = arith.constant 6.28318548 : f32
      %parallel_loop3A_2120 = vector.broadcast %parallel_loop3A_2119 : f32 to vector<16xf32>
      %parallel_loop3A_2121 = arith.mulf %parallel_loop3A_2118, %parallel_loop3A_2120 : vector<16xf32>
      %parallel_loop3A_2122 = arith.constant 3.14159274 : f32
      %parallel_loop3A_2123 = vector.broadcast %parallel_loop3A_2122 : f32 to vector<16xf32>
      %parallel_loop3A_2124 = arith.subf %parallel_loop3A_2123, %parallel_loop3A_2121 : vector<16xf32>
      %parallel_loop3A_2125 = arith.mulf %parallel_loop3A_2124, %parallel_loop3A_2124 : vector<16xf32>
      %parallel_loop3A_2126 = arith.constant 2.21939359E-7 : f32
      %parallel_loop3A_2127 = vector.broadcast %parallel_loop3A_2126 : f32 to vector<16xf32>
      %parallel_loop3A_2128 = arith.mulf %parallel_loop3A_2127, %parallel_loop3A_2125 : vector<16xf32>
      %parallel_loop3A_2129 = arith.constant -2.42531896E-5 : f32
      %parallel_loop3A_2130 = vector.broadcast %parallel_loop3A_2129 : f32 to vector<16xf32>
      %parallel_loop3A_2131 = arith.addf %parallel_loop3A_2128, %parallel_loop3A_2130 : vector<16xf32>
      %parallel_loop3A_2132 = arith.mulf %parallel_loop3A_2131, %parallel_loop3A_2125 : vector<16xf32>
      %parallel_loop3A_2133 = arith.constant 0.0013862747 : f32
      %parallel_loop3A_2134 = vector.broadcast %parallel_loop3A_2133 : f32 to vector<16xf32>
      %parallel_loop3A_2135 = arith.addf %parallel_loop3A_2132, %parallel_loop3A_2134 : vector<16xf32>
      %parallel_loop3A_2136 = arith.mulf %parallel_loop3A_2135, %parallel_loop3A_2125 : vector<16xf32>
      %parallel_loop3A_2137 = arith.constant -0.0416610315 : f32
      %parallel_loop3A_2138 = vector.broadcast %parallel_loop3A_2137 : f32 to vector<16xf32>
      %parallel_loop3A_2139 = arith.addf %parallel_loop3A_2136, %parallel_loop3A_2138 : vector<16xf32>
      %parallel_loop3A_2140 = arith.mulf %parallel_loop3A_2139, %parallel_loop3A_2125 : vector<16xf32>
      %parallel_loop3A_2141 = arith.constant 0.499995589 : f32
      %parallel_loop3A_2142 = vector.broadcast %parallel_loop3A_2141 : f32 to vector<16xf32>
      %parallel_loop3A_2143 = arith.addf %parallel_loop3A_2140, %parallel_loop3A_2142 : vector<16xf32>
      %parallel_loop3A_2144 = arith.mulf %parallel_loop3A_2143, %parallel_loop3A_2125 : vector<16xf32>
      %parallel_loop3A_2145 = arith.constant -0.999999463 : f32
      %parallel_loop3A_2146 = vector.broadcast %parallel_loop3A_2145 : f32 to vector<16xf32>
      %parallel_loop3A_2147 = arith.addf %parallel_loop3A_2144, %parallel_loop3A_2146 : vector<16xf32>
      %parallel_loop3A_2148 = arith.index_cast %parallel_loop3A_2111 : i32 to index
      %parallel_loop3A_2149 = arith.constant 0 : index
      %parallel_loop3A_2150 = tpu.vector_load %arg7[%parallel_loop3A_2148, %parallel_loop3A_2149] {strides = array<i32>} : memref<256x64xf32, #tpu.memory_space<vmem>>, vector<1x16xf32>,
      %parallel_loop3A_2151 = vector.shape_cast %parallel_loop3A_2150 : vector<1x16xf32> to vector<16xf32>
      %parallel_loop3A_2152 = vector.shape_cast %parallel_loop3A_2147 : vector<16xf32> to vector<1x16xf32>
      tpu.vector_store %arg7[%parallel_loop3A_2148, %parallel_loop3A_2149], %parallel_loop3A_2152 {strides = array<i32>} : memref<256x64xf32, #tpu.memory_space<vmem>>, vector<1x16xf32>,
      %parallel_loop3A_2153 = arith.mulf %parallel_loop3A_2114, %mul3A_13 : vector<16xf32>
      %parallel_loop3A_2154 = arith.fptosi %parallel_loop3A_2153 : vector<16xf32> to vector<16xi32>
      %parallel_loop3A_2155 = arith.sitofp %parallel_loop3A_2154 : vector<16xi32> to vector<16xf32>
      %parallel_loop3A_2156 = arith.subf %parallel_loop3A_2153, %parallel_loop3A_2155 : vector<16xf32>
      %parallel_loop3A_2157 = arith.constant 6.28318548 : f32
      %parallel_loop3A_2158 = vector.broadcast %parallel_loop3A_2157 : f32 to vector<16xf32>
      %parallel_loop3A_2159 = arith.mulf %parallel_loop3A_2156, %parallel_loop3A_2158 : vector<16xf32>
      %parallel_loop3A_2160 = arith.constant 3.14159274 : f32
      %parallel_loop3A_2161 = vector.broadcast %parallel_loop3A_2160 : f32 to vector<16xf32>
      %parallel_loop3A_2162 = arith.subf %parallel_loop3A_2161, %parallel_loop3A_2159 : vector<16xf32>
      %parallel_loop3A_2163 = arith.mulf %parallel_loop3A_2162, %parallel_loop3A_2162 : vector<16xf32>
      %parallel_loop3A_2164 = arith.constant 2.21939359E-7 : f32
      %parallel_loop3A_2165 = vector.broadcast %parallel_loop3A_2164 : f32 to vector<16xf32>
      %parallel_loop3A_2166 = arith.mulf %parallel_loop3A_2165, %parallel_loop3A_2163 : vector<16xf32>
      %parallel_loop3A_2167 = arith.constant -2.42531896E-5 : f32
      %parallel_loop3A_2168 = vector.broadcast %parallel_loop3A_2167 : f32 to vector<16xf32>
      %parallel_loop3A_2169 = arith.addf %parallel_loop3A_2166, %parallel_loop3A_2168 : vector<16xf32>
      %parallel_loop3A_2170 = arith.mulf %parallel_loop3A_2169, %parallel_loop3A_2163 : vector<16xf32>
      %parallel_loop3A_2171 = arith.constant 0.0013862747 : f32
      %parallel_loop3A_2172 = vector.broadcast %parallel_loop3A_2171 : f32 to vector<16xf32>
      %parallel_loop3A_2173 = arith.addf %parallel_loop3A_2170, %parallel_loop3A_2172 : vector<16xf32>
      %parallel_loop3A_2174 = arith.mulf %parallel_loop3A_2173, %parallel_loop3A_2163 : vector<16xf32>
      %parallel_loop3A_2175 = arith.constant -0.0416610315 : f32
      %parallel_loop3A_2176 = vector.broadcast %parallel_loop3A_2175 : f32 to vector<16xf32>
      %parallel_loop3A_2177 = arith.addf %parallel_loop3A_2174, %parallel_loop3A_2176 : vector<16xf32>
      %parallel_loop3A_2178 = arith.mulf %parallel_loop3A_2177, %parallel_loop3A_2163 : vector<16xf32>
      %parallel_loop3A_2179 = arith.constant 0.499995589 : f32
      %parallel_loop3A_2180 = vector.broadcast %parallel_loop3A_2179 : f32 to vector<16xf32>
      %parallel_loop3A_2181 = arith.addf %parallel_loop3A_2178, %parallel_loop3A_2180 : vector<16xf32>
      %parallel_loop3A_2182 = arith.mulf %parallel_loop3A_2181, %parallel_loop3A_2163 : vector<16xf32>
      %parallel_loop3A_2183 = arith.constant -0.999999463 : f32
      %parallel_loop3A_2184 = vector.broadcast %parallel_loop3A_2183 : f32 to vector<16xf32>
      %parallel_loop3A_2185 = arith.addf %parallel_loop3A_2182, %parallel_loop3A_2184 : vector<16xf32>
      %parallel_loop3A_2186 = arith.index_cast %parallel_loop3A_2111 : i32 to index
      %parallel_loop3A_2187 = arith.constant 16 : index
      %parallel_loop3A_2188 = tpu.vector_load %arg7[%parallel_loop3A_2186, %parallel_loop3A_2187] {strides = array<i32>} : memref<256x64xf32, #tpu.memory_space<vmem>>, vector<1x16xf32>,
      %parallel_loop3A_2189 = vector.shape_cast %parallel_loop3A_2188 : vector<1x16xf32> to vector<16xf32>
      %parallel_loop3A_2190 = vector.shape_cast %parallel_loop3A_2185 : vector<16xf32> to vector<1x16xf32>
      tpu.vector_store %arg7[%parallel_loop3A_2186, %parallel_loop3A_2187], %parallel_loop3A_2190 {strides = array<i32>} : memref<256x64xf32, #tpu.memory_space<vmem>>, vector<1x16xf32>,
      %parallel_loop3A_2191 = arith.mulf %parallel_loop3A_2114, %mul3A_19 : vector<16xf32>
      %parallel_loop3A_2192 = arith.fptosi %parallel_loop3A_2191 : vector<16xf32> to vector<16xi32>
      %parallel_loop3A_2193 = arith.sitofp %parallel_loop3A_2192 : vector<16xi32> to vector<16xf32>
      %parallel_loop3A_2194 = arith.subf %parallel_loop3A_2191, %parallel_loop3A_2193 : vector<16xf32>
      %parallel_loop3A_2195 = arith.constant 6.28318548 : f32
      %parallel_loop3A_2196 = vector.broadcast %parallel_loop3A_2195 : f32 to vector<16xf32>
      %parallel_loop3A_2197 = arith.mulf %parallel_loop3A_2194, %parallel_loop3A_2196 : vector<16xf32>
      %parallel_loop3A_2198 = arith.constant 3.14159274 : f32
      %parallel_loop3A_2199 = vector.broadcast %parallel_loop3A_2198 : f32 to vector<16xf32>
      %parallel_loop3A_2200 = arith.subf %parallel_loop3A_2199, %parallel_loop3A_2197 : vector<16xf32>
      %parallel_loop3A_2201 = arith.mulf %parallel_loop3A_2200, %parallel_loop3A_2200 : vector<16xf32>
      %parallel_loop3A_2202 = arith.constant 2.21939359E-7 : f32
      %parallel_loop3A_2203 = vector.broadcast %parallel_loop3A_2202 : f32 to vector<16xf32>
      %parallel_loop3A_2204 = arith.mulf %parallel_loop3A_2203, %parallel_loop3A_2201 : vector<16xf32>
      %parallel_loop3A_2205 = arith.constant -2.42531896E-5 : f32
      %parallel_loop3A_2206 = vector.broadcast %parallel_loop3A_2205 : f32 to vector<16xf32>
      %parallel_loop3A_2207 = arith.addf %parallel_loop3A_2204, %parallel_loop3A_2206 : vector<16xf32>
      %parallel_loop3A_2208 = arith.mulf %parallel_loop3A_2207, %parallel_loop3A_2201 : vector<16xf32>
      %parallel_loop3A_2209 = arith.constant 0.0013862747 : f32
      %parallel_loop3A_2210 = vector.broadcast %parallel_loop3A_2209 : f32 to vector<16xf32>
      %parallel_loop3A_2211 = arith.addf %parallel_loop3A_2208, %parallel_loop3A_2210 : vector<16xf32>
      %parallel_loop3A_2212 = arith.mulf %parallel_loop3A_2211, %parallel_loop3A_2201 : vector<16xf32>
      %parallel_loop3A_2213 = arith.constant -0.0416610315 : f32
      %parallel_loop3A_2214 = vector.broadcast %parallel_loop3A_2213 : f32 to vector<16xf32>
      %parallel_loop3A_2215 = arith.addf %parallel_loop3A_2212, %parallel_loop3A_2214 : vector<16xf32>
      %parallel_loop3A_2216 = arith.mulf %parallel_loop3A_2215, %parallel_loop3A_2201 : vector<16xf32>
      %parallel_loop3A_2217 = arith.constant 0.499995589 : f32
      %parallel_loop3A_2218 = vector.broadcast %parallel_loop3A_2217 : f32 to vector<16xf32>
      %parallel_loop3A_2219 = arith.addf %parallel_loop3A_2216, %parallel_loop3A_2218 : vector<16xf32>
      %parallel_loop3A_2220 = arith.mulf %parallel_loop3A_2219, %parallel_loop3A_2201 : vector<16xf32>
      %parallel_loop3A_2221 = arith.constant -0.999999463 : f32
      %parallel_loop3A_2222 = vector.broadcast %parallel_loop3A_2221 : f32 to vector<16xf32>
      %parallel_loop3A_2223 = arith.addf %parallel_loop3A_2220, %parallel_loop3A_2222 : vector<16xf32>
      %parallel_loop3A_2224 = arith.index_cast %parallel_loop3A_2111 : i32 to index
      %parallel_loop3A_2225 = arith.constant 32 : index
      %parallel_loop3A_2226 = tpu.vector_load %arg7[%parallel_loop3A_2224, %parallel_loop3A_2225] {strides = array<i32>} : memref<256x64xf32, #tpu.memory_space<vmem>>, vector<1x16xf32>,
      %parallel_loop3A_2227 = vector.shape_cast %parallel_loop3A_2226 : vector<1x16xf32> to vector<16xf32>
      %parallel_loop3A_2228 = vector.shape_cast %parallel_loop3A_2223 : vector<16xf32> to vector<1x16xf32>
      tpu.vector_store %arg7[%parallel_loop3A_2224, %parallel_loop3A_2225], %parallel_loop3A_2228 {strides = array<i32>} : memref<256x64xf32, #tpu.memory_space<vmem>>, vector<1x16xf32>,
      %parallel_loop3A_2229 = arith.mulf %parallel_loop3A_2114, %mul3A_25 : vector<16xf32>
      %parallel_loop3A_2230 = arith.fptosi %parallel_loop3A_2229 : vector<16xf32> to vector<16xi32>
      %parallel_loop3A_2231 = arith.sitofp %parallel_loop3A_2230 : vector<16xi32> to vector<16xf32>
      %parallel_loop3A_2232 = arith.subf %parallel_loop3A_2229, %parallel_loop3A_2231 : vector<16xf32>
      %parallel_loop3A_2233 = arith.constant 6.28318548 : f32
      %parallel_loop3A_2234 = vector.broadcast %parallel_loop3A_2233 : f32 to vector<16xf32>
      %parallel_loop3A_2235 = arith.mulf %parallel_loop3A_2232, %parallel_loop3A_2234 : vector<16xf32>
      %parallel_loop3A_2236 = arith.constant 3.14159274 : f32
      %parallel_loop3A_2237 = vector.broadcast %parallel_loop3A_2236 : f32 to vector<16xf32>
      %parallel_loop3A_2238 = arith.subf %parallel_loop3A_2237, %parallel_loop3A_2235 : vector<16xf32>
      %parallel_loop3A_2239 = arith.mulf %parallel_loop3A_2238, %parallel_loop3A_2238 : vector<16xf32>
      %parallel_loop3A_2240 = arith.constant 2.21939359E-7 : f32
      %parallel_loop3A_2241 = vector.broadcast %parallel_loop3A_2240 : f32 to vector<16xf32>
      %parallel_loop3A_2242 = arith.mulf %parallel_loop3A_2241, %parallel_loop3A_2239 : vector<16xf32>
      %parallel_loop3A_2243 = arith.constant -2.42531896E-5 : f32
      %parallel_loop3A_2244 = vector.broadcast %parallel_loop3A_2243 : f32 to vector<16xf32>
      %parallel_loop3A_2245 = arith.addf %parallel_loop3A_2242, %parallel_loop3A_2244 : vector<16xf32>
      %parallel_loop3A_2246 = arith.mulf %parallel_loop3A_2245, %parallel_loop3A_2239 : vector<16xf32>
      %parallel_loop3A_2247 = arith.constant 0.0013862747 : f32
      %parallel_loop3A_2248 = vector.broadcast %parallel_loop3A_2247 : f32 to vector<16xf32>
      %parallel_loop3A_2249 = arith.addf %parallel_loop3A_2246, %parallel_loop3A_2248 : vector<16xf32>
      %parallel_loop3A_2250 = arith.mulf %parallel_loop3A_2249, %parallel_loop3A_2239 : vector<16xf32>
      %parallel_loop3A_2251 = arith.constant -0.0416610315 : f32
      %parallel_loop3A_2252 = vector.broadcast %parallel_loop3A_2251 : f32 to vector<16xf32>
      %parallel_loop3A_2253 = arith.addf %parallel_loop3A_2250, %parallel_loop3A_2252 : vector<16xf32>
      %parallel_loop3A_2254 = arith.mulf %parallel_loop3A_2253, %parallel_loop3A_2239 : vector<16xf32>
      %parallel_loop3A_2255 = arith.constant 0.499995589 : f32
      %parallel_loop3A_2256 = vector.broadcast %parallel_loop3A_2255 : f32 to vector<16xf32>
      %parallel_loop3A_2257 = arith.addf %parallel_loop3A_2254, %parallel_loop3A_2256 : vector<16xf32>
      %parallel_loop3A_2258 = arith.mulf %parallel_loop3A_2257, %parallel_loop3A_2239 : vector<16xf32>
      %parallel_loop3A_2259 = arith.constant -0.999999463 : f32
      %parallel_loop3A_2260 = vector.broadcast %parallel_loop3A_2259 : f32 to vector<16xf32>
      %parallel_loop3A_2261 = arith.addf %parallel_loop3A_2258, %parallel_loop3A_2260 : vector<16xf32>
      %parallel_loop3A_2262 = arith.index_cast %parallel_loop3A_2111 : i32 to index
      %parallel_loop3A_2263 = arith.constant 48 : index
      %parallel_loop3A_2264 = tpu.vector_load %arg7[%parallel_loop3A_2262, %parallel_loop3A_2263] {strides = array<i32>} : memref<256x64xf32, #tpu.memory_space<vmem>>, vector<1x16xf32>,
      %parallel_loop3A_2265 = vector.shape_cast %parallel_loop3A_2264 : vector<1x16xf32> to vector<16xf32>
      %parallel_loop3A_2266 = vector.shape_cast %parallel_loop3A_2261 : vector<16xf32> to vector<1x16xf32>
      tpu.vector_store %arg7[%parallel_loop3A_2262, %parallel_loop3A_2263], %parallel_loop3A_2266 {strides = array<i32>} : memref<256x64xf32, #tpu.memory_space<vmem>>, vector<1x16xf32>,
      %parallel_loop3A_2267 = arith.constant 16 : i32
      %parallel_loop3A_2268 = arith.muli %parallel_loop3A_34, %parallel_loop3A_2267 : i32
      %parallel_loop3A_2269 = arith.constant 14 : i32
      %parallel_loop3A_2270 = arith.addi %parallel_loop3A_2268, %parallel_loop3A_2269 : i32
      %parallel_loop3A_2271 = vector.extract_strided_slice %parallel_loop3A_40 {offsets = [14], sizes = [1], strides = [1]} : vector<16xf32> to vector<1xf32>
      %parallel_loop3A_2272 = vector.extract %parallel_loop3A_2271[0] : f32 from vector<1xf32>
      %parallel_loop3A_2273 = vector.broadcast %parallel_loop3A_2272 : f32 to vector<16xf32>
      %parallel_loop3A_2274 = arith.mulf %parallel_loop3A_2273, %mul3A_7 : vector<16xf32>
      %parallel_loop3A_2275 = arith.fptosi %parallel_loop3A_2274 : vector<16xf32> to vector<16xi32>
      %parallel_loop3A_2276 = arith.sitofp %parallel_loop3A_2275 : vector<16xi32> to vector<16xf32>
      %parallel_loop3A_2277 = arith.subf %parallel_loop3A_2274, %parallel_loop3A_2276 : vector<16xf32>
      %parallel_loop3A_2278 = arith.constant 6.28318548 : f32
      %parallel_loop3A_2279 = vector.broadcast %parallel_loop3A_2278 : f32 to vector<16xf32>
      %parallel_loop3A_2280 = arith.mulf %parallel_loop3A_2277, %parallel_loop3A_2279 : vector<16xf32>
      %parallel_loop3A_2281 = arith.constant 3.14159274 : f32
      %parallel_loop3A_2282 = vector.broadcast %parallel_loop3A_2281 : f32 to vector<16xf32>
      %parallel_loop3A_2283 = arith.subf %parallel_loop3A_2282, %parallel_loop3A_2280 : vector<16xf32>
      %parallel_loop3A_2284 = arith.mulf %parallel_loop3A_2283, %parallel_loop3A_2283 : vector<16xf32>
      %parallel_loop3A_2285 = arith.constant 2.21939359E-7 : f32
      %parallel_loop3A_2286 = vector.broadcast %parallel_loop3A_2285 : f32 to vector<16xf32>
      %parallel_loop3A_2287 = arith.mulf %parallel_loop3A_2286, %parallel_loop3A_2284 : vector<16xf32>
      %parallel_loop3A_2288 = arith.constant -2.42531896E-5 : f32
      %parallel_loop3A_2289 = vector.broadcast %parallel_loop3A_2288 : f32 to vector<16xf32>
      %parallel_loop3A_2290 = arith.addf %parallel_loop3A_2287, %parallel_loop3A_2289 : vector<16xf32>
      %parallel_loop3A_2291 = arith.mulf %parallel_loop3A_2290, %parallel_loop3A_2284 : vector<16xf32>
      %parallel_loop3A_2292 = arith.constant 0.0013862747 : f32
      %parallel_loop3A_2293 = vector.broadcast %parallel_loop3A_2292 : f32 to vector<16xf32>
      %parallel_loop3A_2294 = arith.addf %parallel_loop3A_2291, %parallel_loop3A_2293 : vector<16xf32>
      %parallel_loop3A_2295 = arith.mulf %parallel_loop3A_2294, %parallel_loop3A_2284 : vector<16xf32>
      %parallel_loop3A_2296 = arith.constant -0.0416610315 : f32
      %parallel_loop3A_2297 = vector.broadcast %parallel_loop3A_2296 : f32 to vector<16xf32>
      %parallel_loop3A_2298 = arith.addf %parallel_loop3A_2295, %parallel_loop3A_2297 : vector<16xf32>
      %parallel_loop3A_2299 = arith.mulf %parallel_loop3A_2298, %parallel_loop3A_2284 : vector<16xf32>
      %parallel_loop3A_2300 = arith.constant 0.499995589 : f32
      %parallel_loop3A_2301 = vector.broadcast %parallel_loop3A_2300 : f32 to vector<16xf32>
      %parallel_loop3A_2302 = arith.addf %parallel_loop3A_2299, %parallel_loop3A_2301 : vector<16xf32>
      %parallel_loop3A_2303 = arith.mulf %parallel_loop3A_2302, %parallel_loop3A_2284 : vector<16xf32>
      %parallel_loop3A_2304 = arith.constant -0.999999463 : f32
      %parallel_loop3A_2305 = vector.broadcast %parallel_loop3A_2304 : f32 to vector<16xf32>
      %parallel_loop3A_2306 = arith.addf %parallel_loop3A_2303, %parallel_loop3A_2305 : vector<16xf32>
      %parallel_loop3A_2307 = arith.index_cast %parallel_loop3A_2270 : i32 to index
      %parallel_loop3A_2308 = arith.constant 0 : index
      %parallel_loop3A_2309 = tpu.vector_load %arg7[%parallel_loop3A_2307, %parallel_loop3A_2308] {strides = array<i32>} : memref<256x64xf32, #tpu.memory_space<vmem>>, vector<1x16xf32>,
      %parallel_loop3A_2310 = vector.shape_cast %parallel_loop3A_2309 : vector<1x16xf32> to vector<16xf32>
      %parallel_loop3A_2311 = vector.shape_cast %parallel_loop3A_2306 : vector<16xf32> to vector<1x16xf32>
      tpu.vector_store %arg7[%parallel_loop3A_2307, %parallel_loop3A_2308], %parallel_loop3A_2311 {strides = array<i32>} : memref<256x64xf32, #tpu.memory_space<vmem>>, vector<1x16xf32>,
      %parallel_loop3A_2312 = arith.mulf %parallel_loop3A_2273, %mul3A_13 : vector<16xf32>
      %parallel_loop3A_2313 = arith.fptosi %parallel_loop3A_2312 : vector<16xf32> to vector<16xi32>
      %parallel_loop3A_2314 = arith.sitofp %parallel_loop3A_2313 : vector<16xi32> to vector<16xf32>
      %parallel_loop3A_2315 = arith.subf %parallel_loop3A_2312, %parallel_loop3A_2314 : vector<16xf32>
      %parallel_loop3A_2316 = arith.constant 6.28318548 : f32
      %parallel_loop3A_2317 = vector.broadcast %parallel_loop3A_2316 : f32 to vector<16xf32>
      %parallel_loop3A_2318 = arith.mulf %parallel_loop3A_2315, %parallel_loop3A_2317 : vector<16xf32>
      %parallel_loop3A_2319 = arith.constant 3.14159274 : f32
      %parallel_loop3A_2320 = vector.broadcast %parallel_loop3A_2319 : f32 to vector<16xf32>
      %parallel_loop3A_2321 = arith.subf %parallel_loop3A_2320, %parallel_loop3A_2318 : vector<16xf32>
      %parallel_loop3A_2322 = arith.mulf %parallel_loop3A_2321, %parallel_loop3A_2321 : vector<16xf32>
      %parallel_loop3A_2323 = arith.constant 2.21939359E-7 : f32
      %parallel_loop3A_2324 = vector.broadcast %parallel_loop3A_2323 : f32 to vector<16xf32>
      %parallel_loop3A_2325 = arith.mulf %parallel_loop3A_2324, %parallel_loop3A_2322 : vector<16xf32>
      %parallel_loop3A_2326 = arith.constant -2.42531896E-5 : f32
      %parallel_loop3A_2327 = vector.broadcast %parallel_loop3A_2326 : f32 to vector<16xf32>
      %parallel_loop3A_2328 = arith.addf %parallel_loop3A_2325, %parallel_loop3A_2327 : vector<16xf32>
      %parallel_loop3A_2329 = arith.mulf %parallel_loop3A_2328, %parallel_loop3A_2322 : vector<16xf32>
      %parallel_loop3A_2330 = arith.constant 0.0013862747 : f32
      %parallel_loop3A_2331 = vector.broadcast %parallel_loop3A_2330 : f32 to vector<16xf32>
      %parallel_loop3A_2332 = arith.addf %parallel_loop3A_2329, %parallel_loop3A_2331 : vector<16xf32>
      %parallel_loop3A_2333 = arith.mulf %parallel_loop3A_2332, %parallel_loop3A_2322 : vector<16xf32>
      %parallel_loop3A_2334 = arith.constant -0.0416610315 : f32
      %parallel_loop3A_2335 = vector.broadcast %parallel_loop3A_2334 : f32 to vector<16xf32>
      %parallel_loop3A_2336 = arith.addf %parallel_loop3A_2333, %parallel_loop3A_2335 : vector<16xf32>
      %parallel_loop3A_2337 = arith.mulf %parallel_loop3A_2336, %parallel_loop3A_2322 : vector<16xf32>
      %parallel_loop3A_2338 = arith.constant 0.499995589 : f32
      %parallel_loop3A_2339 = vector.broadcast %parallel_loop3A_2338 : f32 to vector<16xf32>
      %parallel_loop3A_2340 = arith.addf %parallel_loop3A_2337, %parallel_loop3A_2339 : vector<16xf32>
      %parallel_loop3A_2341 = arith.mulf %parallel_loop3A_2340, %parallel_loop3A_2322 : vector<16xf32>
      %parallel_loop3A_2342 = arith.constant -0.999999463 : f32
      %parallel_loop3A_2343 = vector.broadcast %parallel_loop3A_2342 : f32 to vector<16xf32>
      %parallel_loop3A_2344 = arith.addf %parallel_loop3A_2341, %parallel_loop3A_2343 : vector<16xf32>
      %parallel_loop3A_2345 = arith.index_cast %parallel_loop3A_2270 : i32 to index
      %parallel_loop3A_2346 = arith.constant 16 : index
      %parallel_loop3A_2347 = tpu.vector_load %arg7[%parallel_loop3A_2345, %parallel_loop3A_2346] {strides = array<i32>} : memref<256x64xf32, #tpu.memory_space<vmem>>, vector<1x16xf32>,
      %parallel_loop3A_2348 = vector.shape_cast %parallel_loop3A_2347 : vector<1x16xf32> to vector<16xf32>
      %parallel_loop3A_2349 = vector.shape_cast %parallel_loop3A_2344 : vector<16xf32> to vector<1x16xf32>
      tpu.vector_store %arg7[%parallel_loop3A_2345, %parallel_loop3A_2346], %parallel_loop3A_2349 {strides = array<i32>} : memref<256x64xf32, #tpu.memory_space<vmem>>, vector<1x16xf32>,
      %parallel_loop3A_2350 = arith.mulf %parallel_loop3A_2273, %mul3A_19 : vector<16xf32>
      %parallel_loop3A_2351 = arith.fptosi %parallel_loop3A_2350 : vector<16xf32> to vector<16xi32>
      %parallel_loop3A_2352 = arith.sitofp %parallel_loop3A_2351 : vector<16xi32> to vector<16xf32>
      %parallel_loop3A_2353 = arith.subf %parallel_loop3A_2350, %parallel_loop3A_2352 : vector<16xf32>
      %parallel_loop3A_2354 = arith.constant 6.28318548 : f32
      %parallel_loop3A_2355 = vector.broadcast %parallel_loop3A_2354 : f32 to vector<16xf32>
      %parallel_loop3A_2356 = arith.mulf %parallel_loop3A_2353, %parallel_loop3A_2355 : vector<16xf32>
      %parallel_loop3A_2357 = arith.constant 3.14159274 : f32
      %parallel_loop3A_2358 = vector.broadcast %parallel_loop3A_2357 : f32 to vector<16xf32>
      %parallel_loop3A_2359 = arith.subf %parallel_loop3A_2358, %parallel_loop3A_2356 : vector<16xf32>
      %parallel_loop3A_2360 = arith.mulf %parallel_loop3A_2359, %parallel_loop3A_2359 : vector<16xf32>
      %parallel_loop3A_2361 = arith.constant 2.21939359E-7 : f32
      %parallel_loop3A_2362 = vector.broadcast %parallel_loop3A_2361 : f32 to vector<16xf32>
      %parallel_loop3A_2363 = arith.mulf %parallel_loop3A_2362, %parallel_loop3A_2360 : vector<16xf32>
      %parallel_loop3A_2364 = arith.constant -2.42531896E-5 : f32
      %parallel_loop3A_2365 = vector.broadcast %parallel_loop3A_2364 : f32 to vector<16xf32>
      %parallel_loop3A_2366 = arith.addf %parallel_loop3A_2363, %parallel_loop3A_2365 : vector<16xf32>
      %parallel_loop3A_2367 = arith.mulf %parallel_loop3A_2366, %parallel_loop3A_2360 : vector<16xf32>
      %parallel_loop3A_2368 = arith.constant 0.0013862747 : f32
      %parallel_loop3A_2369 = vector.broadcast %parallel_loop3A_2368 : f32 to vector<16xf32>
      %parallel_loop3A_2370 = arith.addf %parallel_loop3A_2367, %parallel_loop3A_2369 : vector<16xf32>
      %parallel_loop3A_2371 = arith.mulf %parallel_loop3A_2370, %parallel_loop3A_2360 : vector<16xf32>
      %parallel_loop3A_2372 = arith.constant -0.0416610315 : f32
      %parallel_loop3A_2373 = vector.broadcast %parallel_loop3A_2372 : f32 to vector<16xf32>
      %parallel_loop3A_2374 = arith.addf %parallel_loop3A_2371, %parallel_loop3A_2373 : vector<16xf32>
      %parallel_loop3A_2375 = arith.mulf %parallel_loop3A_2374, %parallel_loop3A_2360 : vector<16xf32>
      %parallel_loop3A_2376 = arith.constant 0.499995589 : f32
      %parallel_loop3A_2377 = vector.broadcast %parallel_loop3A_2376 : f32 to vector<16xf32>
      %parallel_loop3A_2378 = arith.addf %parallel_loop3A_2375, %parallel_loop3A_2377 : vector<16xf32>
      %parallel_loop3A_2379 = arith.mulf %parallel_loop3A_2378, %parallel_loop3A_2360 : vector<16xf32>
      %parallel_loop3A_2380 = arith.constant -0.999999463 : f32
      %parallel_loop3A_2381 = vector.broadcast %parallel_loop3A_2380 : f32 to vector<16xf32>
      %parallel_loop3A_2382 = arith.addf %parallel_loop3A_2379, %parallel_loop3A_2381 : vector<16xf32>
      %parallel_loop3A_2383 = arith.index_cast %parallel_loop3A_2270 : i32 to index
      %parallel_loop3A_2384 = arith.constant 32 : index
      %parallel_loop3A_2385 = tpu.vector_load %arg7[%parallel_loop3A_2383, %parallel_loop3A_2384] {strides = array<i32>} : memref<256x64xf32, #tpu.memory_space<vmem>>, vector<1x16xf32>,
      %parallel_loop3A_2386 = vector.shape_cast %parallel_loop3A_2385 : vector<1x16xf32> to vector<16xf32>
      %parallel_loop3A_2387 = vector.shape_cast %parallel_loop3A_2382 : vector<16xf32> to vector<1x16xf32>
      tpu.vector_store %arg7[%parallel_loop3A_2383, %parallel_loop3A_2384], %parallel_loop3A_2387 {strides = array<i32>} : memref<256x64xf32, #tpu.memory_space<vmem>>, vector<1x16xf32>,
      %parallel_loop3A_2388 = arith.mulf %parallel_loop3A_2273, %mul3A_25 : vector<16xf32>
      %parallel_loop3A_2389 = arith.fptosi %parallel_loop3A_2388 : vector<16xf32> to vector<16xi32>
      %parallel_loop3A_2390 = arith.sitofp %parallel_loop3A_2389 : vector<16xi32> to vector<16xf32>
      %parallel_loop3A_2391 = arith.subf %parallel_loop3A_2388, %parallel_loop3A_2390 : vector<16xf32>
      %parallel_loop3A_2392 = arith.constant 6.28318548 : f32
      %parallel_loop3A_2393 = vector.broadcast %parallel_loop3A_2392 : f32 to vector<16xf32>
      %parallel_loop3A_2394 = arith.mulf %parallel_loop3A_2391, %parallel_loop3A_2393 : vector<16xf32>
      %parallel_loop3A_2395 = arith.constant 3.14159274 : f32
      %parallel_loop3A_2396 = vector.broadcast %parallel_loop3A_2395 : f32 to vector<16xf32>
      %parallel_loop3A_2397 = arith.subf %parallel_loop3A_2396, %parallel_loop3A_2394 : vector<16xf32>
      %parallel_loop3A_2398 = arith.mulf %parallel_loop3A_2397, %parallel_loop3A_2397 : vector<16xf32>
      %parallel_loop3A_2399 = arith.constant 2.21939359E-7 : f32
      %parallel_loop3A_2400 = vector.broadcast %parallel_loop3A_2399 : f32 to vector<16xf32>
      %parallel_loop3A_2401 = arith.mulf %parallel_loop3A_2400, %parallel_loop3A_2398 : vector<16xf32>
      %parallel_loop3A_2402 = arith.constant -2.42531896E-5 : f32
      %parallel_loop3A_2403 = vector.broadcast %parallel_loop3A_2402 : f32 to vector<16xf32>
      %parallel_loop3A_2404 = arith.addf %parallel_loop3A_2401, %parallel_loop3A_2403 : vector<16xf32>
      %parallel_loop3A_2405 = arith.mulf %parallel_loop3A_2404, %parallel_loop3A_2398 : vector<16xf32>
      %parallel_loop3A_2406 = arith.constant 0.0013862747 : f32
      %parallel_loop3A_2407 = vector.broadcast %parallel_loop3A_2406 : f32 to vector<16xf32>
      %parallel_loop3A_2408 = arith.addf %parallel_loop3A_2405, %parallel_loop3A_2407 : vector<16xf32>
      %parallel_loop3A_2409 = arith.mulf %parallel_loop3A_2408, %parallel_loop3A_2398 : vector<16xf32>
      %parallel_loop3A_2410 = arith.constant -0.0416610315 : f32
      %parallel_loop3A_2411 = vector.broadcast %parallel_loop3A_2410 : f32 to vector<16xf32>
      %parallel_loop3A_2412 = arith.addf %parallel_loop3A_2409, %parallel_loop3A_2411 : vector<16xf32>
      %parallel_loop3A_2413 = arith.mulf %parallel_loop3A_2412, %parallel_loop3A_2398 : vector<16xf32>
      %parallel_loop3A_2414 = arith.constant 0.499995589 : f32
      %parallel_loop3A_2415 = vector.broadcast %parallel_loop3A_2414 : f32 to vector<16xf32>
      %parallel_loop3A_2416 = arith.addf %parallel_loop3A_2413, %parallel_loop3A_2415 : vector<16xf32>
      %parallel_loop3A_2417 = arith.mulf %parallel_loop3A_2416, %parallel_loop3A_2398 : vector<16xf32>
      %parallel_loop3A_2418 = arith.constant -0.999999463 : f32
      %parallel_loop3A_2419 = vector.broadcast %parallel_loop3A_2418 : f32 to vector<16xf32>
      %parallel_loop3A_2420 = arith.addf %parallel_loop3A_2417, %parallel_loop3A_2419 : vector<16xf32>
      %parallel_loop3A_2421 = arith.index_cast %parallel_loop3A_2270 : i32 to index
      %parallel_loop3A_2422 = arith.constant 48 : index
      %parallel_loop3A_2423 = tpu.vector_load %arg7[%parallel_loop3A_2421, %parallel_loop3A_2422] {strides = array<i32>} : memref<256x64xf32, #tpu.memory_space<vmem>>, vector<1x16xf32>,
      %parallel_loop3A_2424 = vector.shape_cast %parallel_loop3A_2423 : vector<1x16xf32> to vector<16xf32>
      %parallel_loop3A_2425 = vector.shape_cast %parallel_loop3A_2420 : vector<16xf32> to vector<1x16xf32>
      tpu.vector_store %arg7[%parallel_loop3A_2421, %parallel_loop3A_2422], %parallel_loop3A_2425 {strides = array<i32>} : memref<256x64xf32, #tpu.memory_space<vmem>>, vector<1x16xf32>,
      %parallel_loop3A_2426 = arith.constant 16 : i32
      %parallel_loop3A_2427 = arith.muli %parallel_loop3A_34, %parallel_loop3A_2426 : i32
      %parallel_loop3A_2428 = arith.constant 15 : i32
      %parallel_loop3A_2429 = arith.addi %parallel_loop3A_2427, %parallel_loop3A_2428 : i32
      %parallel_loop3A_2430 = vector.extract_strided_slice %parallel_loop3A_40 {offsets = [15], sizes = [1], strides = [1]} : vector<16xf32> to vector<1xf32>
      %parallel_loop3A_2431 = vector.extract %parallel_loop3A_2430[0] : f32 from vector<1xf32>
      %parallel_loop3A_2432 = vector.broadcast %parallel_loop3A_2431 : f32 to vector<16xf32>
      %parallel_loop3A_2433 = arith.mulf %parallel_loop3A_2432, %mul3A_7 : vector<16xf32>
      %parallel_loop3A_2434 = arith.fptosi %parallel_loop3A_2433 : vector<16xf32> to vector<16xi32>
      %parallel_loop3A_2435 = arith.sitofp %parallel_loop3A_2434 : vector<16xi32> to vector<16xf32>
      %parallel_loop3A_2436 = arith.subf %parallel_loop3A_2433, %parallel_loop3A_2435 : vector<16xf32>
      %parallel_loop3A_2437 = arith.constant 6.28318548 : f32
      %parallel_loop3A_2438 = vector.broadcast %parallel_loop3A_2437 : f32 to vector<16xf32>
      %parallel_loop3A_2439 = arith.mulf %parallel_loop3A_2436, %parallel_loop3A_2438 : vector<16xf32>
      %parallel_loop3A_2440 = arith.constant 3.14159274 : f32
      %parallel_loop3A_2441 = vector.broadcast %parallel_loop3A_2440 : f32 to vector<16xf32>
      %parallel_loop3A_2442 = arith.subf %parallel_loop3A_2441, %parallel_loop3A_2439 : vector<16xf32>
      %parallel_loop3A_2443 = arith.mulf %parallel_loop3A_2442, %parallel_loop3A_2442 : vector<16xf32>
      %parallel_loop3A_2444 = arith.constant 2.21939359E-7 : f32
      %parallel_loop3A_2445 = vector.broadcast %parallel_loop3A_2444 : f32 to vector<16xf32>
      %parallel_loop3A_2446 = arith.mulf %parallel_loop3A_2445, %parallel_loop3A_2443 : vector<16xf32>
      %parallel_loop3A_2447 = arith.constant -2.42531896E-5 : f32
      %parallel_loop3A_2448 = vector.broadcast %parallel_loop3A_2447 : f32 to vector<16xf32>
      %parallel_loop3A_2449 = arith.addf %parallel_loop3A_2446, %parallel_loop3A_2448 : vector<16xf32>
      %parallel_loop3A_2450 = arith.mulf %parallel_loop3A_2449, %parallel_loop3A_2443 : vector<16xf32>
      %parallel_loop3A_2451 = arith.constant 0.0013862747 : f32
      %parallel_loop3A_2452 = vector.broadcast %parallel_loop3A_2451 : f32 to vector<16xf32>
      %parallel_loop3A_2453 = arith.addf %parallel_loop3A_2450, %parallel_loop3A_2452 : vector<16xf32>
      %parallel_loop3A_2454 = arith.mulf %parallel_loop3A_2453, %parallel_loop3A_2443 : vector<16xf32>
      %parallel_loop3A_2455 = arith.constant -0.0416610315 : f32
      %parallel_loop3A_2456 = vector.broadcast %parallel_loop3A_2455 : f32 to vector<16xf32>
      %parallel_loop3A_2457 = arith.addf %parallel_loop3A_2454, %parallel_loop3A_2456 : vector<16xf32>
      %parallel_loop3A_2458 = arith.mulf %parallel_loop3A_2457, %parallel_loop3A_2443 : vector<16xf32>
      %parallel_loop3A_2459 = arith.constant 0.499995589 : f32
      %parallel_loop3A_2460 = vector.broadcast %parallel_loop3A_2459 : f32 to vector<16xf32>
      %parallel_loop3A_2461 = arith.addf %parallel_loop3A_2458, %parallel_loop3A_2460 : vector<16xf32>
      %parallel_loop3A_2462 = arith.mulf %parallel_loop3A_2461, %parallel_loop3A_2443 : vector<16xf32>
      %parallel_loop3A_2463 = arith.constant -0.999999463 : f32
      %parallel_loop3A_2464 = vector.broadcast %parallel_loop3A_2463 : f32 to vector<16xf32>
      %parallel_loop3A_2465 = arith.addf %parallel_loop3A_2462, %parallel_loop3A_2464 : vector<16xf32>
      %parallel_loop3A_2466 = arith.index_cast %parallel_loop3A_2429 : i32 to index
      %parallel_loop3A_2467 = arith.constant 0 : index
      %parallel_loop3A_2468 = tpu.vector_load %arg7[%parallel_loop3A_2466, %parallel_loop3A_2467] {strides = array<i32>} : memref<256x64xf32, #tpu.memory_space<vmem>>, vector<1x16xf32>,
      %parallel_loop3A_2469 = vector.shape_cast %parallel_loop3A_2468 : vector<1x16xf32> to vector<16xf32>
      %parallel_loop3A_2470 = vector.shape_cast %parallel_loop3A_2465 : vector<16xf32> to vector<1x16xf32>
      tpu.vector_store %arg7[%parallel_loop3A_2466, %parallel_loop3A_2467], %parallel_loop3A_2470 {strides = array<i32>} : memref<256x64xf32, #tpu.memory_space<vmem>>, vector<1x16xf32>,
      %parallel_loop3A_2471 = arith.mulf %parallel_loop3A_2432, %mul3A_13 : vector<16xf32>
      %parallel_loop3A_2472 = arith.fptosi %parallel_loop3A_2471 : vector<16xf32> to vector<16xi32>
      %parallel_loop3A_2473 = arith.sitofp %parallel_loop3A_2472 : vector<16xi32> to vector<16xf32>
      %parallel_loop3A_2474 = arith.subf %parallel_loop3A_2471, %parallel_loop3A_2473 : vector<16xf32>
      %parallel_loop3A_2475 = arith.constant 6.28318548 : f32
      %parallel_loop3A_2476 = vector.broadcast %parallel_loop3A_2475 : f32 to vector<16xf32>
      %parallel_loop3A_2477 = arith.mulf %parallel_loop3A_2474, %parallel_loop3A_2476 : vector<16xf32>
      %parallel_loop3A_2478 = arith.constant 3.14159274 : f32
      %parallel_loop3A_2479 = vector.broadcast %parallel_loop3A_2478 : f32 to vector<16xf32>
      %parallel_loop3A_2480 = arith.subf %parallel_loop3A_2479, %parallel_loop3A_2477 : vector<16xf32>
      %parallel_loop3A_2481 = arith.mulf %parallel_loop3A_2480, %parallel_loop3A_2480 : vector<16xf32>
      %parallel_loop3A_2482 = arith.constant 2.21939359E-7 : f32
      %parallel_loop3A_2483 = vector.broadcast %parallel_loop3A_2482 : f32 to vector<16xf32>
      %parallel_loop3A_2484 = arith.mulf %parallel_loop3A_2483, %parallel_loop3A_2481 : vector<16xf32>
      %parallel_loop3A_2485 = arith.constant -2.42531896E-5 : f32
      %parallel_loop3A_2486 = vector.broadcast %parallel_loop3A_2485 : f32 to vector<16xf32>
      %parallel_loop3A_2487 = arith.addf %parallel_loop3A_2484, %parallel_loop3A_2486 : vector<16xf32>
      %parallel_loop3A_2488 = arith.mulf %parallel_loop3A_2487, %parallel_loop3A_2481 : vector<16xf32>
      %parallel_loop3A_2489 = arith.constant 0.0013862747 : f32
      %parallel_loop3A_2490 = vector.broadcast %parallel_loop3A_2489 : f32 to vector<16xf32>
      %parallel_loop3A_2491 = arith.addf %parallel_loop3A_2488, %parallel_loop3A_2490 : vector<16xf32>
      %parallel_loop3A_2492 = arith.mulf %parallel_loop3A_2491, %parallel_loop3A_2481 : vector<16xf32>
      %parallel_loop3A_2493 = arith.constant -0.0416610315 : f32
      %parallel_loop3A_2494 = vector.broadcast %parallel_loop3A_2493 : f32 to vector<16xf32>
      %parallel_loop3A_2495 = arith.addf %parallel_loop3A_2492, %parallel_loop3A_2494 : vector<16xf32>
      %parallel_loop3A_2496 = arith.mulf %parallel_loop3A_2495, %parallel_loop3A_2481 : vector<16xf32>
      %parallel_loop3A_2497 = arith.constant 0.499995589 : f32
      %parallel_loop3A_2498 = vector.broadcast %parallel_loop3A_2497 : f32 to vector<16xf32>
      %parallel_loop3A_2499 = arith.addf %parallel_loop3A_2496, %parallel_loop3A_2498 : vector<16xf32>
      %parallel_loop3A_2500 = arith.mulf %parallel_loop3A_2499, %parallel_loop3A_2481 : vector<16xf32>
      %parallel_loop3A_2501 = arith.constant -0.999999463 : f32
      %parallel_loop3A_2502 = vector.broadcast %parallel_loop3A_2501 : f32 to vector<16xf32>
      %parallel_loop3A_2503 = arith.addf %parallel_loop3A_2500, %parallel_loop3A_2502 : vector<16xf32>
      %parallel_loop3A_2504 = arith.index_cast %parallel_loop3A_2429 : i32 to index
      %parallel_loop3A_2505 = arith.constant 16 : index
      %parallel_loop3A_2506 = tpu.vector_load %arg7[%parallel_loop3A_2504, %parallel_loop3A_2505] {strides = array<i32>} : memref<256x64xf32, #tpu.memory_space<vmem>>, vector<1x16xf32>,
      %parallel_loop3A_2507 = vector.shape_cast %parallel_loop3A_2506 : vector<1x16xf32> to vector<16xf32>
      %parallel_loop3A_2508 = vector.shape_cast %parallel_loop3A_2503 : vector<16xf32> to vector<1x16xf32>
      tpu.vector_store %arg7[%parallel_loop3A_2504, %parallel_loop3A_2505], %parallel_loop3A_2508 {strides = array<i32>} : memref<256x64xf32, #tpu.memory_space<vmem>>, vector<1x16xf32>,
      %parallel_loop3A_2509 = arith.mulf %parallel_loop3A_2432, %mul3A_19 : vector<16xf32>
      %parallel_loop3A_2510 = arith.fptosi %parallel_loop3A_2509 : vector<16xf32> to vector<16xi32>
      %parallel_loop3A_2511 = arith.sitofp %parallel_loop3A_2510 : vector<16xi32> to vector<16xf32>
      %parallel_loop3A_2512 = arith.subf %parallel_loop3A_2509, %parallel_loop3A_2511 : vector<16xf32>
      %parallel_loop3A_2513 = arith.constant 6.28318548 : f32
      %parallel_loop3A_2514 = vector.broadcast %parallel_loop3A_2513 : f32 to vector<16xf32>
      %parallel_loop3A_2515 = arith.mulf %parallel_loop3A_2512, %parallel_loop3A_2514 : vector<16xf32>
      %parallel_loop3A_2516 = arith.constant 3.14159274 : f32
      %parallel_loop3A_2517 = vector.broadcast %parallel_loop3A_2516 : f32 to vector<16xf32>
      %parallel_loop3A_2518 = arith.subf %parallel_loop3A_2517, %parallel_loop3A_2515 : vector<16xf32>
      %parallel_loop3A_2519 = arith.mulf %parallel_loop3A_2518, %parallel_loop3A_2518 : vector<16xf32>
      %parallel_loop3A_2520 = arith.constant 2.21939359E-7 : f32
      %parallel_loop3A_2521 = vector.broadcast %parallel_loop3A_2520 : f32 to vector<16xf32>
      %parallel_loop3A_2522 = arith.mulf %parallel_loop3A_2521, %parallel_loop3A_2519 : vector<16xf32>
      %parallel_loop3A_2523 = arith.constant -2.42531896E-5 : f32
      %parallel_loop3A_2524 = vector.broadcast %parallel_loop3A_2523 : f32 to vector<16xf32>
      %parallel_loop3A_2525 = arith.addf %parallel_loop3A_2522, %parallel_loop3A_2524 : vector<16xf32>
      %parallel_loop3A_2526 = arith.mulf %parallel_loop3A_2525, %parallel_loop3A_2519 : vector<16xf32>
      %parallel_loop3A_2527 = arith.constant 0.0013862747 : f32
      %parallel_loop3A_2528 = vector.broadcast %parallel_loop3A_2527 : f32 to vector<16xf32>
      %parallel_loop3A_2529 = arith.addf %parallel_loop3A_2526, %parallel_loop3A_2528 : vector<16xf32>
      %parallel_loop3A_2530 = arith.mulf %parallel_loop3A_2529, %parallel_loop3A_2519 : vector<16xf32>
      %parallel_loop3A_2531 = arith.constant -0.0416610315 : f32
      %parallel_loop3A_2532 = vector.broadcast %parallel_loop3A_2531 : f32 to vector<16xf32>
      %parallel_loop3A_2533 = arith.addf %parallel_loop3A_2530, %parallel_loop3A_2532 : vector<16xf32>
      %parallel_loop3A_2534 = arith.mulf %parallel_loop3A_2533, %parallel_loop3A_2519 : vector<16xf32>
      %parallel_loop3A_2535 = arith.constant 0.499995589 : f32
      %parallel_loop3A_2536 = vector.broadcast %parallel_loop3A_2535 : f32 to vector<16xf32>
      %parallel_loop3A_2537 = arith.addf %parallel_loop3A_2534, %parallel_loop3A_2536 : vector<16xf32>
      %parallel_loop3A_2538 = arith.mulf %parallel_loop3A_2537, %parallel_loop3A_2519 : vector<16xf32>
      %parallel_loop3A_2539 = arith.constant -0.999999463 : f32
      %parallel_loop3A_2540 = vector.broadcast %parallel_loop3A_2539 : f32 to vector<16xf32>
      %parallel_loop3A_2541 = arith.addf %parallel_loop3A_2538, %parallel_loop3A_2540 : vector<16xf32>
      %parallel_loop3A_2542 = arith.index_cast %parallel_loop3A_2429 : i32 to index
      %parallel_loop3A_2543 = arith.constant 32 : index
      %parallel_loop3A_2544 = tpu.vector_load %arg7[%parallel_loop3A_2542, %parallel_loop3A_2543] {strides = array<i32>} : memref<256x64xf32, #tpu.memory_space<vmem>>, vector<1x16xf32>,
      %parallel_loop3A_2545 = vector.shape_cast %parallel_loop3A_2544 : vector<1x16xf32> to vector<16xf32>
      %parallel_loop3A_2546 = vector.shape_cast %parallel_loop3A_2541 : vector<16xf32> to vector<1x16xf32>
      tpu.vector_store %arg7[%parallel_loop3A_2542, %parallel_loop3A_2543], %parallel_loop3A_2546 {strides = array<i32>} : memref<256x64xf32, #tpu.memory_space<vmem>>, vector<1x16xf32>,
      %parallel_loop3A_2547 = arith.mulf %parallel_loop3A_2432, %mul3A_25 : vector<16xf32>
      %parallel_loop3A_2548 = arith.fptosi %parallel_loop3A_2547 : vector<16xf32> to vector<16xi32>
      %parallel_loop3A_2549 = arith.sitofp %parallel_loop3A_2548 : vector<16xi32> to vector<16xf32>
      %parallel_loop3A_2550 = arith.subf %parallel_loop3A_2547, %parallel_loop3A_2549 : vector<16xf32>
      %parallel_loop3A_2551 = arith.constant 6.28318548 : f32
      %parallel_loop3A_2552 = vector.broadcast %parallel_loop3A_2551 : f32 to vector<16xf32>
      %parallel_loop3A_2553 = arith.mulf %parallel_loop3A_2550, %parallel_loop3A_2552 : vector<16xf32>
      %parallel_loop3A_2554 = arith.constant 3.14159274 : f32
      %parallel_loop3A_2555 = vector.broadcast %parallel_loop3A_2554 : f32 to vector<16xf32>
      %parallel_loop3A_2556 = arith.subf %parallel_loop3A_2555, %parallel_loop3A_2553 : vector<16xf32>
      %parallel_loop3A_2557 = arith.mulf %parallel_loop3A_2556, %parallel_loop3A_2556 : vector<16xf32>
      %parallel_loop3A_2558 = arith.constant 2.21939359E-7 : f32
      %parallel_loop3A_2559 = vector.broadcast %parallel_loop3A_2558 : f32 to vector<16xf32>
      %parallel_loop3A_2560 = arith.mulf %parallel_loop3A_2559, %parallel_loop3A_2557 : vector<16xf32>
      %parallel_loop3A_2561 = arith.constant -2.42531896E-5 : f32
      %parallel_loop3A_2562 = vector.broadcast %parallel_loop3A_2561 : f32 to vector<16xf32>
      %parallel_loop3A_2563 = arith.addf %parallel_loop3A_2560, %parallel_loop3A_2562 : vector<16xf32>
      %parallel_loop3A_2564 = arith.mulf %parallel_loop3A_2563, %parallel_loop3A_2557 : vector<16xf32>
      %parallel_loop3A_2565 = arith.constant 0.0013862747 : f32
      %parallel_loop3A_2566 = vector.broadcast %parallel_loop3A_2565 : f32 to vector<16xf32>
      %parallel_loop3A_2567 = arith.addf %parallel_loop3A_2564, %parallel_loop3A_2566 : vector<16xf32>
      %parallel_loop3A_2568 = arith.mulf %parallel_loop3A_2567, %parallel_loop3A_2557 : vector<16xf32>
      %parallel_loop3A_2569 = arith.constant -0.0416610315 : f32
      %parallel_loop3A_2570 = vector.broadcast %parallel_loop3A_2569 : f32 to vector<16xf32>
      %parallel_loop3A_2571 = arith.addf %parallel_loop3A_2568, %parallel_loop3A_2570 : vector<16xf32>
      %parallel_loop3A_2572 = arith.mulf %parallel_loop3A_2571, %parallel_loop3A_2557 : vector<16xf32>
      %parallel_loop3A_2573 = arith.constant 0.499995589 : f32
      %parallel_loop3A_2574 = vector.broadcast %parallel_loop3A_2573 : f32 to vector<16xf32>
      %parallel_loop3A_2575 = arith.addf %parallel_loop3A_2572, %parallel_loop3A_2574 : vector<16xf32>
      %parallel_loop3A_2576 = arith.mulf %parallel_loop3A_2575, %parallel_loop3A_2557 : vector<16xf32>
      %parallel_loop3A_2577 = arith.constant -0.999999463 : f32
      %parallel_loop3A_2578 = vector.broadcast %parallel_loop3A_2577 : f32 to vector<16xf32>
      %parallel_loop3A_2579 = arith.addf %parallel_loop3A_2576, %parallel_loop3A_2578 : vector<16xf32>
      %parallel_loop3A_2580 = arith.index_cast %parallel_loop3A_2429 : i32 to index
      %parallel_loop3A_2581 = arith.constant 48 : index
      %parallel_loop3A_2582 = tpu.vector_load %arg7[%parallel_loop3A_2580, %parallel_loop3A_2581] {strides = array<i32>} : memref<256x64xf32, #tpu.memory_space<vmem>>, vector<1x16xf32>,
      %parallel_loop3A_2583 = vector.shape_cast %parallel_loop3A_2582 : vector<1x16xf32> to vector<16xf32>
      %parallel_loop3A_2584 = vector.shape_cast %parallel_loop3A_2579 : vector<16xf32> to vector<1x16xf32>
      tpu.vector_store %arg7[%parallel_loop3A_2580, %parallel_loop3A_2581], %parallel_loop3A_2584 {strides = array<i32>} : memref<256x64xf32, #tpu.memory_space<vmem>>, vector<1x16xf32>,
    } {sc.loop_unroll_factor = 2 : i64, sc.parallel_access}
    %dma_start3A = arith.constant 0 : i32
    %dma_start3A_28 = tpu.memref_slice %arg4[%mul3A_2, %dma_start3A] : memref<8192x64xf32, #tpu.memory_space<hbm>> -> memref<256x64xf32, #tpu.memory_space<hbm>>
    %dma_start3A_29 = arith.constant 0 : i32
    %dma_start3A_30 = tpu.memref_slice %arg4[%mul3A_2, %dma_start3A_29] : memref<8192x64xf32, #tpu.memory_space<hbm>> -> memref<256x64xf32, #tpu.memory_space<hbm>>
    tpu.enqueue_dma source(%arg7 : memref<256x64xf32, #tpu.memory_space<vmem>>) target(%dma_start3A_30 : memref<256x64xf32, #tpu.memory_space<hbm>>) target_semaphore(%arg8 : memref<!tpu.dma_semaphore, #tpu.memory_space<semaphore_mem>>)
    %dma_wait3A = arith.constant 0 : i32
    %dma_wait3A_31 = tpu.memref_slice %arg4[%mul3A_2, %dma_wait3A] : memref<8192x64xf32, #tpu.memory_space<hbm>> -> memref<256x64xf32, #tpu.memory_space<hbm>>
    %dma_wait3A_32 = arith.constant 0 : i32
    %dma_wait3A_33 = tpu.memref_slice %arg4[%mul3A_2, %dma_wait3A_32] : memref<8192x64xf32, #tpu.memory_space<hbm>> -> memref<256x64xf32, #tpu.memory_space<hbm>>
    tpu.wait_dma2 semaphore(%arg8 : memref<!tpu.dma_semaphore, #tpu.memory_space<semaphore_mem>>) src(%arg7 : memref<256x64xf32, #tpu.memory_space<vmem>>) dst(%dma_wait3A_33 : memref<256x64xf32, #tpu.memory_space<hbm>>)
    return
  }
}

module attributes {stable_mosaic.version = 14 : i64} {
  func.func @_tc_sin_body(%arg0: i32, %arg1: memref<2048x1xi32, #tpu.memory_space<vmem>>, %arg2: memref<1x64xf32, #tpu.memory_space<vmem>>, %arg3: memref<2048x64xf32, #tpu.memory_space<vmem>>) attributes {dimension_semantics = [#tpu.dimension_semantics<arbitrary>], iteration_bounds = array<i64: 4>, scalar_prefetch = 0 : i64, scratch_operands = 0 : i64, tpu.core_type = #tpu.core_type<tc>, window_params = [{transform_indices = @transform_0, window_bounds = array<i64: 2048, 1>}, {pipeline_mode = #tpu.pipeline_mode<synchronous>, transform_indices = @transform_1, window_bounds = array<i64: 1, 64>}, {transform_indices = @transform_2, window_bounds = array<i64: 2048, 64>}]} {
    %get3A = arith.constant 0 : index
    %get3A_0 = arith.constant 0 : index
    %get3A_1 = vector.load %arg1[%get3A, %get3A_0] : memref<2048x1xi32, #tpu.memory_space<vmem>>, vector<2048x1xi32>
    %convert_element_type3A = arith.sitofp %get3A_1 : vector<2048x1xi32> to vector<2048x1xf32>
    %get3A_2 = arith.constant 0 : index
    %get3A_3 = arith.constant 0 : index
    %get3A_4 = vector.load %arg2[%get3A_2, %get3A_3] : memref<1x64xf32, #tpu.memory_space<vmem>>, vector<1x64xf32>
    %mul3A = vector.broadcast %convert_element_type3A : vector<2048x1xf32> to vector<2048x64xf32>
    %mul3A_5 = vector.broadcast %get3A_4 : vector<1x64xf32> to vector<2048x64xf32>
    %mul3A_6 = arith.mulf %mul3A, %mul3A_5 : vector<2048x64xf32>
    %mul3A_7 = arith.constant 0.159154937 : f32
    %mul3A_8 = vector.broadcast %mul3A_7 : f32 to vector<2048x64xf32>
    %mul3A_9 = arith.mulf %mul3A_6, %mul3A_8 : vector<2048x64xf32>
    %convert_element_type3A_10 = arith.fptosi %mul3A_9 : vector<2048x64xf32> to vector<2048x64xi32>
    %convert_element_type3A_11 = arith.sitofp %convert_element_type3A_10 : vector<2048x64xi32> to vector<2048x64xf32>
    %sub3A = arith.constant 3.14159274 : f32
    %sub3A_12 = vector.broadcast %sub3A : f32 to vector<2048x64xf32>
    %sub3A_13 = arith.subf %sub3A_12, %mul3A_6 : vector<2048x64xf32>
    %mul3A_14 = arith.constant 6.28318548 : f32
    %mul3A_15 = vector.broadcast %mul3A_14 : f32 to vector<2048x64xf32>
    %mul3A_16 = arith.mulf %convert_element_type3A_11, %mul3A_15 : vector<2048x64xf32>
    %add3A = arith.addf %sub3A_13, %mul3A_16 : vector<2048x64xf32>
    %mul3A_17 = arith.constant -1.74845553E-7 : f32
    %mul3A_18 = vector.broadcast %mul3A_17 : f32 to vector<2048x64xf32>
    %mul3A_19 = arith.mulf %convert_element_type3A_11, %mul3A_18 : vector<2048x64xf32>
    %add3A_20 = arith.addf %add3A, %mul3A_19 : vector<2048x64xf32>
    %mul3A_21 = arith.mulf %add3A_20, %add3A_20 : vector<2048x64xf32>
    %broadcast_in_dim3A = arith.constant -2.05340793E-8 : f32
    %broadcast_in_dim3A_22 = vector.broadcast %broadcast_in_dim3A : f32 to vector<2048x64xf32>
    %mul3A_23 = arith.mulf %broadcast_in_dim3A_22, %mul3A_21 : vector<2048x64xf32>
    %add3A_24 = arith.constant 2.70404735E-6 : f32
    %add3A_25 = vector.broadcast %add3A_24 : f32 to vector<2048x64xf32>
    %add3A_26 = arith.addf %mul3A_23, %add3A_25 : vector<2048x64xf32>
    %mul3A_27 = arith.mulf %add3A_26, %mul3A_21 : vector<2048x64xf32>
    %add3A_28 = arith.constant -1.98125723E-4 : f32
    %add3A_29 = vector.broadcast %add3A_28 : f32 to vector<2048x64xf32>
    %add3A_30 = arith.addf %mul3A_27, %add3A_29 : vector<2048x64xf32>
    %mul3A_31 = arith.mulf %add3A_30, %mul3A_21 : vector<2048x64xf32>
    %add3A_32 = arith.constant 0.00833255798 : f32
    %add3A_33 = vector.broadcast %add3A_32 : f32 to vector<2048x64xf32>
    %add3A_34 = arith.addf %mul3A_31, %add3A_33 : vector<2048x64xf32>
    %mul3A_35 = arith.mulf %add3A_34, %mul3A_21 : vector<2048x64xf32>
    %add3A_36 = arith.constant -0.166665778 : f32
    %add3A_37 = vector.broadcast %add3A_36 : f32 to vector<2048x64xf32>
    %add3A_38 = arith.addf %mul3A_35, %add3A_37 : vector<2048x64xf32>
    %mul3A_39 = arith.mulf %add3A_38, %mul3A_21 : vector<2048x64xf32>
    %add3A_40 = arith.constant 0.999999701 : f32
    %add3A_41 = vector.broadcast %add3A_40 : f32 to vector<2048x64xf32>
    %add3A_42 = arith.addf %mul3A_39, %add3A_41 : vector<2048x64xf32>
    %mul3A_43 = arith.mulf %add3A_20, %add3A_42 : vector<2048x64xf32>
    %swap3A = arith.constant 0 : index
    %swap3A_44 = arith.constant 0 : index
    %swap3A_45 = vector.load %arg3[%swap3A, %swap3A_44] : memref<2048x64xf32, #tpu.memory_space<vmem>>, vector<2048x64xf32>
    tpu.vector_store %arg3[%swap3A, %swap3A_44], %mul3A_43 {strides = array<i32>} : memref<2048x64xf32, #tpu.memory_space<vmem>>, vector<2048x64xf32>,
    return
  }
  func.func @transform_0(%arg0: i32) -> (i32, i32) {
    %c0_i32 = arith.constant 0 : i32
    %c0_i32_0 = arith.constant 0 : i32
    return %arg0, %c0_i32 : i32, i32
  }
  func.func @transform_1(%arg0: i32) -> (i32, i32) {
    %c0_i32 = arith.constant 0 : i32
    %c0_i32_0 = arith.constant 0 : i32
    %c0_i32_1 = arith.constant 0 : i32
    return %c0_i32, %c0_i32_0 : i32, i32
  }
  func.func @transform_2(%arg0: i32) -> (i32, i32) {
    %c0_i32 = arith.constant 0 : i32
    %c0_i32_0 = arith.constant 0 : i32
    return %arg0, %c0_i32 : i32, i32
  }
}

</mosaic_0001>

<sc_bundles>
// kernel: kernel.4.cloned.1.call-start
scs
__scs_entry_jumppad:
0x0: {  	(pc) =	sbr.rel $0x88, $3  }
0x1: {  	(tag) =	ssettag $0x0;
	lr =	simm.s32 $0x1  }
0x2: {  	[smem:$0x3F9F] =	sst lr;
	_ =	strace $0xD0000000  }
0x3: {  	_ = 	snop  }
0x4: {  	_ = 	snop  }
0x5: {  	_ = 	snop  }
0x6: {  	_ = 	snop  }
0x7: {  	_ = 	snop  }
__scs_overlays_trampoline_lowered:
0x8: {  	[smem:$0x3FAE] =	sst s0  }
0x9: {  	[smem:$0x3FAF] =	sst s1  }
0xa: {  	[smem:$0x3FB0] =	sst s2  }
0xb: {  	[smem:$0x3FB1] =	sst s3  }
0xc: {  	[smem:$0x3FB2] =	sst s4  }
0xd: {  	[smem:$0x3FB3] =	sst s5  }
0xe: {  	[smem:$0x3FB4] =	sst s6  }
0xf: {  	[smem:$0x3FB5] =	sst s7  }
0x10: {  	[smem:$0x3FB6] =	sst s8  }
0x11: {  	[smem:$0x3FB7] =	sst s9;
	s0 =	simm.s32 @!p0 $0x0  }
0x12: {  	s1 =	sld [smem:$0x3F9D];
	s0 =	simm.s32 @p0 $0x1  }
0x13: {  	[smem:$0x3FB8] =	sst s0;
	s0 =	simm.s32 @!p1 $0x0  }
0x14: {  	s2 =	sld [smem:$0x3F9C];
	s0 =	simm.s32 @p1 $0x1  }
0x15: {  	[smem:$0x3FB9] =	sst s0;
	s0 =	simm.s32 @!p2 $0x0  }
0x16: {  	s3 =	sld [smem:$0x3FDB];
	s0 =	simm.s32 @p2 $0x1  }
0x17: {  	s4 =	simm.s32 $0x1BF5;
	[smem:$0x3FBB] =	sst s0  }
0x18: {  	s0 =	sld [smem:$0x3F9E];
	_ =	swait.ge [sflag:s4], $0x0  }
0x19: {  	s7 =	sld [smem:$0x3F9F]  }
0x1a: {  	s8 =	sadd.s32 $0xFFFFE003, lr  }
0x1b: {  	s9 =	sadd.s32 $0xFFFFFEF7, lr;
	s5 =	simm.s32 $0xFFFFFFFF;
	p2 =	slt.u32 s8, $0xFFFFF086  }
0x1c: {  	p1 =	slt.u32 s9, $0xF7A;
	s5 =	simm.s32 @!p2 $0x0  }
0x1d: {  	s5 =	simm.s32 @p1 $0x1;
	p0 =	seq.s32 s7, s2  }
0x1e: {  	s7 =	smul.u32 @!p0 $0xF7A, s2;
	p2 =	seq.s32 @!p0 s5, $0x0  }
0x1f: {  	s9 =	smul.u32 $0xF7A, s1;
	s8 =	simm.s32 @!p0 $0x1BF5;
	p2 =	por !p2, p0  }
0x20: {  	[sflag:s8] =	ssyncset.s32 @!p0 $0xFFFFF086;
	s6 =	sadd.s32 @!p0 s3, s7;
	s7 =	simm.s32 @!p0 $0x108  }
0x21: {  	s3 =	sadd.s32 s3, s9;
	s6 =	sadd.s32 @!p0 $0x88, s6;
	s7 =	simm.s32 @p2 $0x1082  }
0x22: {  	[simem:s7], [sflag:s8] =	dma.local @!p0 [hbm:s6], $0xF7A  }
0x23: {  	s9 =	sor.u32 $0xD0000000, s2;
	s6 =	simm.s32 $0x108;
	_ =	swait.ge @!p0 [sflag:s8], $0x0  }
0x24: {  	s3 =	sadd.s32 $0x88, s3;
	s6 =	simm.s32 @!p1 $0x1082;
	[sflag:s4] =	ssyncset.s32 $0xFFFFF086  }
0x25: {  	[simem:s6], [sflag:s4] =	dma.local [hbm:s3], $0xF7A  }
0x26: {  	[smem:$0x3F9F] =	sst s1;
	(tag) =	ssettag s2;
	_ =	strace s9  }
0x27: {  	s1 =	sld [smem:$0x3FAF]  }
0x28: {  	s2 =	sld [smem:$0x3FB0]  }
0x29: {  	s4 =	sld [smem:$0x3FB2]  }
0x2a: {  	p0 =	seq.s32 s5, $0x0;
	s5 =	sld [smem:$0x3FB3]  }
0x2b: {  	s6 =	sld [smem:$0x3FB4]  }
0x2c: {  	s7 =	sld [smem:$0x3FB5]  }
0x2d: {  	s3 =	simm.s32 $0x108;
	s8 =	sld [smem:$0x3FB6]  }
0x2e: {  	s3 =	simm.s32 @!p0 $0x1082;
	s9 =	sld [smem:$0x3FB7]  }
0x2f: {  	lr =	sadd.s32 s0, s3;
	s0 =	sld [smem:$0x3FAE]  }
0x30: {  	s3 =	sld [smem:$0x3FB1]  }
0x31: {  	[smem:$0x3FBA] =	sst s10  }
0x32: {  	s10 =	sld [smem:$0x3FB8];
	_ =	sdelay $0x3  }
0x33: {  	p0 =	seq.s32 s10, $0x1;
	s10 =	sld [smem:$0x3FBA];
	_ =	sdelay $0x3  }
0x34: {  	[smem:$0x3FBA] =	sst s10  }
0x35: {  	s10 =	sld [smem:$0x3FB9];
	_ =	sdelay $0x3  }
0x36: {  	p1 =	seq.s32 s10, $0x1;
	s10 =	sld [smem:$0x3FBA];
	_ =	sdelay $0x3  }
0x37: {  	[smem:$0x3FBA] =	sst s10  }
0x38: {  	s10 =	sld [smem:$0x3FBB]  }
0x39: {  	_ = 	snop;
	(pc) =	sbr.ind lr, $3  }
0x3a: {  	_ = 	snop  }
0x3b: {  	_ = 	snop  }
0x3c: {  	p2 =	seq.s32 s10, $0x1;
	s10 =	sld [smem:$0x3FBA]  }
0x3d: {  	_ =	shalt  }
0x3e: {  	_ =	shalt  }
0x3f: {  	_ =	shalt  }
0x40: {  	_ =	shalt  }
0x41: {  	_ =	shalt  }
0x42: {  	_ =	shalt  }
0x43: {  	_ =	shalt  }
0x44: {  	_ =	shalt  }
0x45: {  	_ =	shalt  }
0x46: {  	_ =	shalt  }
0x47: {  	_ =	shalt  }
0x48: {  	_ =	shalt  }
0x49: {  	_ =	shalt  }
0x4a: {  	_ =	shalt  }
0x4b: {  	_ =	shalt  }
0x4c: {  	_ =	shalt  }
0x4d: {  	_ =	shalt  }
0x4e: {  	_ =	shalt  }
0x4f: {  	_ =	shalt  }
0x50: {  	_ =	shalt  }
0x51: {  	_ =	shalt  }
0x52: {  	_ =	shalt  }
0x53: {  	_ =	shalt  }
0x54: {  	_ =	shalt  }
0x55: {  	_ =	shalt  }
0x56: {  	_ =	shalt  }
0x57: {  	_ =	shalt  }
0x58: {  	_ =	shalt  }
0x59: {  	_ =	shalt  }
0x5a: {  	_ =	shalt  }
0x5b: {  	_ =	shalt  }
0x5c: {  	_ =	shalt  }
0x5d: {  	_ =	shalt  }
0x5e: {  	_ =	shalt  }
0x5f: {  	_ =	shalt  }
0x60: {  	_ =	shalt  }
0x61: {  	_ =	shalt  }
0x62: {  	_ =	shalt  }
0x63: {  	_ =	shalt  }
0x64: {  	_ =	shalt  }
0x65: {  	_ =	shalt  }
0x66: {  	_ =	shalt  }
0x67: {  	_ =	shalt  }
0x68: {  	_ =	shalt  }
0x69: {  	_ =	shalt  }
0x6a: {  	_ =	shalt  }
0x6b: {  	_ =	shalt  }
0x6c: {  	_ =	shalt  }
0x6d: {  	_ =	shalt  }
0x6e: {  	_ =	shalt  }
0x6f: {  	_ =	shalt  }
0x70: {  	_ =	shalt  }
0x71: {  	_ =	shalt  }
0x72: {  	_ =	shalt  }
0x73: {  	_ =	shalt  }
0x74: {  	_ =	shalt  }
0x75: {  	_ =	shalt  }
0x76: {  	_ =	shalt  }
0x77: {  	_ =	shalt  }
0x78: {  	_ =	shalt  }
0x79: {  	_ =	shalt  }
0x7a: {  	_ =	shalt  }
0x7b: {  	_ =	shalt  }
0x7c: {  	_ =	shalt  }
0x7d: {  	_ =	shalt  }
0x7e: {  	_ =	shalt  }
0x7f: {  	_ =	shalt  }
0x80: {  	_ =	shalt  }
0x81: {  	_ =	shalt  }
0x82: {  	_ =	shalt  }
0x83: {  	_ =	shalt  }
0x84: {  	_ =	shalt  }
0x85: {  	_ =	shalt  }
0x86: {  	_ =	shalt  }
0x87: {  	_ =	shalt  }
.Lfunc_end0:
.L_simem_size_0:
called_computation_lowered:
.L_overlay_start_0:
0x88: {  	s2 =	sld [smem:$0x3FD9]  }
0x89: {  	s3 =	sld [smem:$0x3FFE];
	_ =	sdelay $0x1  }
0x8a: {  	s1 =	srdreg.scid  }
0x8b: {  	s0 =	sand.u32 $0x1, s1  }
0x8c: {  	s15 =	sshll.u32 s0, $0xA;
	s2 =	sadd.s32 s3, s2  }
0x8d: {  	s2 =	sadd.s32 s2, s15  }
0x8e: {  	[smem:$0x3FC6] =	sst s2  }
0x8f: {  	_ = 	snop  }
0x90: {  	s2 =	sld [smem:$0x3FD0];
	_ =	sdelay $0x1  }
0x91: {  	s16 =	sld [smem:$0x3FC9]  }
0x92: {  	s5 =	simm.s32 $0xA;
	s6 =	simm.s32 $0x10;
	s4 =	sld [smem:$0x3FC8]  }
0x93: {  	[smem:s6], [sflag:s5] =	dma.local [hbm:s2], $0x1  }
0x94: {  	_ =	swait.eq [sflag:s5], $0x1  }
0x95: {  	[sflag:s5] =	ssyncset.done $0x0  }
0x96: {  	[sflag:s5] =	ssyncadd.s32 $0xFFFFFFFF  }
0x97: {  	s17 =	sld [smem:$0x10];
	(tm) =	ssettm $0x1  }
0x98: {  	s18 =	sld [smem:$0x3FFB];
	_ =	sdelay $0x3  }
0x99: {  	_ =	strace s18  }
0x9a: {  	s5 =	sld [smem:$0x3FFC];
	_ =	sdelay $0x3  }
0x9b: {  	_ =	strace s5  }
0x9c: {  	s5 =	sld [smem:$0x3FFD];
	_ =	sdelay $0x3  }
0x9d: {  	_ =	strace s5  }
0x9e: {  	_ =	strace $0x8FFFFFFF  }
0x9f: {  	s19 =	sld [smem:$0x3FDB];
	_ =	sdelay $0x1  }
0xa0: {  	s20 =	simm.s32 $_scs_section_size  }
0xa1: {  	s7 =	simm.s32 $_size__tile_overlayer_lowered;
	s8 =	simm.s32 $_tile_overlayer_lowered  }
0xa2: {  	s23 =	simm.s32 $0x1BFF;
	s22 =	sshll.u32 s8, $0x1;
	s5 =	sadd.s32 s20, s19  }
0xa3: {  	s9 =	simm.s32 $0x0;
	s21 =	sshll.u32 s7, $0x1;
	s7 =	sadd.s32 s22, s5  }
0xa4: {  	[timem:s9], [sflag:s23] =	dma.local [hbm:s7], s21  }
0xa5: {  	_ =	swait.ge [sflag:s23], s21  }
0xa6: {  	s6 =	ssub.s32 $0x0, s21;
	[sflag:s23] =	ssyncset.done $0x0  }
0xa7: {  	[sflag:s23] =	ssyncadd.s32 s6;
	_ =	sdelay $0x1  }
0xa8: {  	s24 =	simm.s32 $0x1B8B  }
0xa9: {  	_ =	swait.ge [sflag:s24], $0x1  }
0xaa: {  	[sflag:s24] =	ssyncset.done $0x0  }
0xab: {  	s25 =	simm.s32 $0x1B8E;
	[sflag:s24] =	ssyncadd.s32 $0xFFFFFFFF  }
0xac: {  	s26 =	simm.s32 $execute0_lowered;
	[smem:$0x3FD2] =	sst s25  }
0xad: {  	s6 =	sshll.u32 s26, $0x1;
	_ =	strace $0x80000046;
	[dreg:$0x1] =	wrdreg $0xFFFFFFFF  }
0xae: {  	s28 =	simm.s32 $_size_execute0_lowered;
	s5 =	sadd.s32 s5, s6;
	[dreg:$0x0] =	wrdreg $0x0  }
0xaf: {  	s6 =	sshll.u32 s28, $0x1;
	[dreg:$0x2] =	wrdreg s5  }
0xb0: {  	[dreg:$0x3] =	wrdreg s6  }
0xb1: {  	[dreg:$0x4] =	wrdreg $0xC0  }
0xb2: {  	_ =	task [dreg:s9], $0x5FFFF  }
0xb3: {  	[dreg:$0x1] =	wrdreg $0xFFFFFFFF  }
0xb4: {  	[dreg:$0x0] =	wrdreg $0x60  }
0xb5: {  	[dreg:$0x2] =	wrdreg s16  }
0xb6: {  	[dreg:$0x3] =	wrdreg s4  }
0xb7: {  	[dreg:$0x4] =	wrdreg s17  }
0xb8: {  	[dreg:$0x5] =	wrdreg $0x9  }
0xb9: {  	_ =	task.clear_ibuf [dreg:s9], $0x6FFFF;
	_ =	strace $0x90000046  }
0xba: {  	s29 =	simm.s32 $0x9;
	_ =	strace $0x80000048  }
0xbb: {  	_ =	swait.ge [sflag:s29], $0x1  }
0xbc: {  	[sflag:s29] =	ssyncadd.s32 $0xFFFFFFFF  }
0xbd: {  	_ =	strace $0x90000048  }
0xbe: {  	_ =	sfence  }
0xbf: {  	s30 =	sld [smem:$0x0];
	_ =	sdelay $0x2  }
0xc0: {  	s31 =	sshll.u32 s1, $0xD;
	s1 =	sshrl.u32 s1, $0x2  }
0xc1: {  	s3 =	sand.u32 $0x4000, s31;
	s1 =	sadd.s32 s1, s30  }
0xc2: {  	s0 =	sor.u32 s3, s0;
	s1 =	sshll.u32 s1, $0x11  }
0xc3: {  	s0 =	sor.u32 s1, s0  }
0xc4: {  	s0 =	sadd.s32 $0x8F2B, s0  }
0xc5: {  	[sflag:s0] =	ssyncadd.remote.s32 $0x1  }
0xc6: {  	_ =	sfence.sel $0xFFFF  }
0xc7: {  	[dreg:$0x0] =	wrdreg $0xFFFFFFFF;
	(pc) =	sbr.abs _section_cstart, $3  }
0xc8: {  	[dreg:$0x1] =	wrdreg $0xFFFFFFFF  }
0xc9: {  	_ =	task.clear_ibuf [dreg:s9], $0x2FFFF;
	_ =	strace $0x9FFFFFFF  }
0xca: {  	(tm) =	ssettm $0x7FFFFFFF  }
0xcb: {  	_ =	shalt  }
tec
execute0_lowered:
.L_overlay_start_1:
0x0: {  	(tag) =	ssettag $0x1  }
0x1: {  	s4 =	rddreg [dreg:$0x0]  }
0x2: {  	s1 =	rddreg [dreg:$0x1]  }
0x3: {  	s5 =	rddreg [dreg:$0x2]  }
0x4: {  	s0 =	rddreg [dreg:$0x3];
	s6 =	srdreg.scid  }
0x5: {  	s3 =	simm.s32 $0x0;
	s2 =	stileid.u32;
	s10 =	simm.s32 $0x1  }
0x6: {  	s11 =	simm.s32 $0x0;
	s6 =	sand.u32 $0x1, s6;
	[smem:$0x7FF] =	sst s3  }
0x7: {  	s7 =	sshll.u32 s2, $0x9;
	s8 =	sshll.u32 s6, $0x8;
	s6 =	ssub.s32 $0x2, s6  }
0x8: {  	_ =	strace $0x80000047;
	s7 =	sor.u32 s8, s7;
	s31 =	sshrl.u32 s6, $0x1  }
0x9: {  	s8 =	simm.s32 $0x100;
	s9 =	sshrl.u32 s7, $0x3;
	s7 =	sshll.u32 s7, $0x3  }
0xa: {  	s6 =	ssub.s32 s6, s31;
	s4 =	sadd.s32 s4, s9;
	s5 =	sadd.s32 s5, s7  }
0xb: {  	s6 =	smax.u32 s6, $0x1;
	s7 =	simm.s32 $0x2;
	s9 =	simm.s32 $0x140  }
.LBB2_1:
0xc: {  	[tilespmem:s3], [sflag:$0x2] =	stream.linear.gather [hbm4b:s4+s3], $0x100, $0x38;
	[tilespmem:$0x4140] =	vst v63  }
0xd: {  	_ =	swait.ge [sflag:s7], $0x100  }
0xe: {  	[sflag:s7] =	ssyncset.done $0x0  }
0xf: {  	[sflag:s7] =	ssyncadd.s32 $0xFFFFFF00  }
0x10: {  	[tilespmem:s8], [sflag:$0x2] =	stream.linear.gather [hbm4b:s1+s3], $0x40, $0x38;
	[tilespmem:$0x4140] =	vst v63  }
0x11: {  	_ =	swait.ge [sflag:s7], $0x40  }
0x12: {  	[sflag:s7] =	ssyncset.done $0x0  }
0x13: {  	[sflag:s7] =	ssyncadd.s32 $0xFFFFFFC0  }
0x14: {  	v0 =	vld [tilespmem:$0x100]  }
0x15: {  	v1 =	vld [tilespmem:$0x110]  }
0x16: {  	v2 =	vld [tilespmem:$0x120]  }
0x17: {  	v3 =	vld [tilespmem:$0x130];
	_ =	sdelay $0x3  }
0x18: {  	v56 =	vmul.f32 $1.591549370e-01, v0;
	v1 =	vmul.f32 $1.591549370e-01, v1  }
0x19: {  	s12 =	simm.s32 $0xFFFFFFFE;
	s13 =	simm.s32 $0x540;
	s14 =	simm.s32 $0x10;
	v2 =	vmul.f32 $1.591549370e-01, v2;
	v3 =	vmul.f32 $1.591549370e-01, v3  }
.LBB2_2:
0x1a: {  	v4 =	vld [tilespmem:s14+$0xFFFFFFF0];
	_ =	sdelay $0x4  }
0x1b: {  	v44 =	vcvt.s32.f32 v4;
	_ =	sdelay $0x1  }
0x1c: {  	v4 =	vbroadcast v44, $0x0;
	_ =	sdelay $0x1  }
0x1d: {  	v5 =	vmul.f32 v4, v56;
	_ =	sdelay $0x1  }
0x1e: {  	v6 =	vtrunc.f32 v5  }
0x1f: {  	v6 =	vcvt.f32.s32 v6;
	_ =	sdelay $0x1  }
0x20: {  	v6 =	vcvt.s32.f32 v6;
	_ =	sdelay $0x1  }
0x21: {  	v5 =	vsub.f32 v5, v6  }
0x22: {  	v50 =	vbroadcast v44, $0x1  }
0x23: {  	v26 =	vbroadcast v44, $0x2;
	v5 =	vmul.f32 $6.283185480e+00, v5  }
0x24: {  	v43 =	vbroadcast v44, $0x3;
	v7 =	vmul.f32 v4, v1  }
0x25: {  	v9 =	vmul.f32 v4, v2;
	v4 =	vmul.f32 v4, v3;
	v5 =	vsub.f32 $3.141592740e+00, v5  }
0x26: {  	v59 =	vmul.f32 v50, v56;
	v62 =	vmul.f32 v50, v1  }
0x27: {  	v63 =	vmul.f32 v50, v2;
	v5 =	vmul.f32 v5, v5  }
0x28: {  	v28 =	vmul.f32 v26, v56;
	v31 =	vmul.f32 v26, v1  }
0x29: {  	v8 =	vtrunc.f32 v7;
	v48 =	vmul.f32 $2.219393590e-07, v5  }
0x2a: {  	v32 =	vmul.f32 v26, v2;
	v8 =	vcvt.f32.s32 v8  }
0x2b: {  	v40 =	vmul.f32 v26, v3;
	v10 =	vtrunc.f32 v9;
	v6 =	vadd.f32 $-2.425318960e-05, v48  }
0x2c: {  	v10 =	vcvt.f32.s32 v10;
	v8 =	vcvt.s32.f32 v8  }
0x2d: {  	v47 =	vmul.f32 v43, v56;
	v6 =	vmul.f32 v6, v5  }
0x2e: {  	v11 =	vtrunc.f32 v4;
	v49 =	vcvt.s32.f32 v10;
	v7 =	vsub.f32 v7, v8  }
0x2f: {  	v12 =	vtrunc.f32 v59;
	v17 =	vtrunc.f32 v62;
	v6 =	vadd.f32 $1.386274700e-03, v6  }
0x30: {  	v18 =	vtrunc.f32 v63;
	v8 =	vsub.f32 v9, v49;
	v7 =	vmul.f32 $6.283185480e+00, v7  }
0x31: {  	v11 =	vcvt.f32.s32 v11;
	v6 =	vmul.f32 v6, v5  }
0x32: {  	v30 =	vtrunc.f32 v28;
	v8 =	vmul.f32 $6.283185480e+00, v8;
	v7 =	vsub.f32 $3.141592740e+00, v7  }
0x33: {  	v12 =	vcvt.f32.s32 v12;
	v11 =	vcvt.s32.f32 v11;
	v6 =	vadd.f32 $-4.166103150e-02, v6  }
0x34: {  	v33 =	vtrunc.f32 v31;
	v8 =	vsub.f32 $3.141592740e+00, v8;
	v7 =	vmul.f32 v7, v7  }
0x35: {  	v12 =	vcvt.s32.f32 v12;
	v4 =	vsub.f32 v4, v11;
	v6 =	vmul.f32 v6, v5  }
0x36: {  	v8 =	vmul.f32 v8, v8;
	v13 =	vmul.f32 $2.219393590e-07, v7  }
0x37: {  	v60 =	vsub.f32 v59, v12;
	v4 =	vmul.f32 $6.283185480e+00, v4;
	v6 =	vadd.f32 $4.999955890e-01, v6  }
0x38: {  	v34 =	vtrunc.f32 v32;
	v14 =	vmul.f32 $2.219393590e-07, v8;
	v13 =	vadd.f32 $-2.425318960e-05, v13  }
0x39: {  	v4 =	vsub.f32 $3.141592740e+00, v4;
	v0 =	vmul.f32 v6, v5;
	v6 =	vmul.f32 $6.283185480e+00, v60  }
0x3a: {  	v61 =	vadd.f32 $-2.425318960e-05, v14;
	v5 =	vmul.f32 v13, v7;
	v13 =	vcvt.f32.s32 v17  }
0x3b: {  	v4 =	vmul.f32 v4, v4;
	v14 =	vcvt.f32.s32 v18;
	v6 =	vsub.f32 $3.141592740e+00, v6  }
0x3c: {  	v10 =	vmul.f32 v61, v8;
	v13 =	vcvt.s32.f32 v13  }
0x3d: {  	v15 =	vmul.f32 $2.219393590e-07, v4;
	v5 =	vadd.f32 $1.386274700e-03, v5;
	v6 =	vmul.f32 v6, v6  }
0x3e: {  	v14 =	vcvt.s32.f32 v14;
	v10 =	vadd.f32 $1.386274700e-03, v10;
	v11 =	vsub.f32 v62, v13  }
0x3f: {  	v19 =	vadd.f32 $-2.425318960e-05, v15;
	v5 =	vmul.f32 v5, v7;
	v16 =	vmul.f32 $2.219393590e-07, v6  }
0x40: {  	v12 =	vsub.f32 v63, v14;
	v10 =	vmul.f32 v10, v8;
	v11 =	vmul.f32 $6.283185480e+00, v11  }
0x41: {  	v13 =	vmul.f32 v19, v4;
	v5 =	vadd.f32 $-4.166103150e-02, v5;
	v20 =	vadd.f32 $-2.425318960e-05, v16  }
0x42: {  	v12 =	vmul.f32 $6.283185480e+00, v12;
	v10 =	vadd.f32 $-4.166103150e-02, v10;
	v11 =	vsub.f32 $3.141592740e+00, v11  }
0x43: {  	v13 =	vadd.f32 $1.386274700e-03, v13;
	v5 =	vmul.f32 v5, v7;
	v14 =	vmul.f32 v20, v6  }
0x44: {  	v12 =	vsub.f32 $3.141592740e+00, v12;
	v10 =	vmul.f32 v10, v8;
	v11 =	vmul.f32 v11, v11  }
0x45: {  	v13 =	vmul.f32 v13, v4;
	v5 =	vadd.f32 $4.999955890e-01, v5;
	v14 =	vadd.f32 $1.386274700e-03, v14  }
0x46: {  	v12 =	vmul.f32 v12, v12;
	v21 =	vmul.f32 $2.219393590e-07, v11  }
0x47: {  	v57 =	vmul.f32 v5, v7;
	v5 =	vadd.f32 $-4.166103150e-02, v13;
	v14 =	vmul.f32 v14, v6  }
0x48: {  	v9 =	vmul.f32 v50, v3;
	v10 =	vadd.f32 $4.999955890e-01, v10;
	v22 =	vmul.f32 $2.219393590e-07, v12  }
0x49: {  	v24 =	vadd.f32 $-2.425318960e-05, v21;
	v5 =	vmul.f32 v5, v4;
	v23 =	vadd.f32 $-4.166103150e-02, v14  }
0x4a: {  	v25 =	vtrunc.f32 v9;
	v53 =	vmul.f32 v10, v8;
	v7 =	vadd.f32 $-2.425318960e-05, v22  }
0x4b: {  	v10 =	vmul.f32 v24, v11;
	v5 =	vadd.f32 $4.999955890e-01, v5;
	v8 =	vmul.f32 v23, v6  }
0x4c: {  	v13 =	vcvt.f32.s32 v25;
	v7 =	vmul.f32 v7, v12  }
0x4d: {  	v55 =	vmul.f32 v5, v4;
	v5 =	vadd.f32 $1.386274700e-03, v10;
	v4 =	vadd.f32 $4.999955890e-01, v8  }
0x4e: {  	v42 =	vtrunc.f32 v40;
	v27 =	vcvt.s32.f32 v13;
	v7 =	vadd.f32 $1.386274700e-03, v7  }
0x4f: {  	v54 =	vmul.f32 v4, v6;
	v4 =	vmul.f32 v5, v11  }
0x50: {  	v5 =	vmul.f32 v7, v12;
	v7 =	vcvt.f32.s32 v30  }
0x51: {  	v15 =	vcvt.f32.s32 v34;
	v48 =	vtrunc.f32 v47;
	v29 =	vsub.f32 v9, v27  }
0x52: {  	v13 =	vcvt.f32.s32 v33;
	v7 =	vcvt.s32.f32 v7  }
0x53: {  	v36 =	vcvt.s32.f32 v15;
	v6 =	vmul.f32 $6.283185480e+00, v29  }
0x54: {  	v35 =	vcvt.s32.f32 v13;
	v5 =	vadd.f32 $-4.166103150e-02, v5;
	v7 =	vsub.f32 v28, v7  }
0x55: {  	v17 =	vmul.f32 v43, v1;
	v4 =	vadd.f32 $-4.166103150e-02, v4;
	v6 =	vsub.f32 $3.141592740e+00, v6  }
0x56: {  	v8 =	vsub.f32 v31, v35;
	v5 =	vmul.f32 v5, v12;
	v7 =	vmul.f32 $6.283185480e+00, v7  }
0x57: {  	v4 =	vmul.f32 v4, v11;
	v6 =	vmul.f32 v6, v6  }
0x58: {  	v8 =	vmul.f32 $6.283185480e+00, v8;
	v5 =	vadd.f32 $4.999955890e-01, v5;
	v7 =	vsub.f32 $3.141592740e+00, v7  }
0x59: {  	v20 =	vtrunc.f32 v17;
	v4 =	vadd.f32 $4.999955890e-01, v4;
	v37 =	vmul.f32 $2.219393590e-07, v6  }
0x5a: {  	v38 =	vsub.f32 $3.141592740e+00, v8;
	v59 =	vmul.f32 v5, v12;
	v5 =	vmul.f32 v7, v7  }
0x5b: {  	v25 =	vbroadcast v44, $0x4;
	v9 =	vsub.f32 v32, v36;
	v58 =	vmul.f32 v4, v11  }
0x5c: {  	v4 =	vadd.f32 $-2.425318960e-05, v37;
	v7 =	vmul.f32 v38, v38;
	v41 =	vmul.f32 $2.219393590e-07, v5  }
0x5d: {  	v26 =	vmul.f32 v25, v56;
	v9 =	vmul.f32 $6.283185480e+00, v9  }
0x5e: {  	v4 =	vmul.f32 v4, v6;
	v45 =	vmul.f32 $2.219393590e-07, v7;
	v10 =	vadd.f32 $-2.425318960e-05, v41  }
0x5f: {  	v33 =	vmul.f32 v25, v1;
	v39 =	vsub.f32 $3.141592740e+00, v9;
	v11 =	vcvt.f32.s32 v42  }
0x60: {  	v4 =	vadd.f32 $1.386274700e-03, v4;
	v13 =	vadd.f32 $-2.425318960e-05, v45;
	v10 =	vmul.f32 v10, v5  }
0x61: {  	v8 =	vmul.f32 v39, v39;
	v11 =	vcvt.s32.f32 v11  }
0x62: {  	v4 =	vmul.f32 v4, v6;
	v13 =	vmul.f32 v13, v7;
	v10 =	vadd.f32 $1.386274700e-03, v10  }
0x63: {  	v23 =	vmul.f32 v43, v2;
	v46 =	vmul.f32 $2.219393590e-07, v8;
	v9 =	vsub.f32 v40, v11  }
0x64: {  	v4 =	vadd.f32 $-4.166103150e-02, v4;
	v13 =	vadd.f32 $1.386274700e-03, v13;
	v10 =	vmul.f32 v10, v5  }
0x65: {  	v24 =	vtrunc.f32 v23;
	v14 =	vadd.f32 $-2.425318960e-05, v46;
	v9 =	vmul.f32 $6.283185480e+00, v9  }
0x66: {  	v4 =	vmul.f32 v4, v6;
	v13 =	vmul.f32 v13, v7;
	v10 =	vadd.f32 $-4.166103150e-02, v10  }
0x67: {  	v14 =	vmul.f32 v14, v8;
	v11 =	vcvt.f32.s32 v48;
	v9 =	vsub.f32 $3.141592740e+00, v9  }
0x68: {  	v4 =	vadd.f32 $4.999955890e-01, v4;
	v13 =	vadd.f32 $-4.166103150e-02, v13;
	v10 =	vmul.f32 v10, v5  }
0x69: {  	v11 =	vcvt.s32.f32 v11;
	v9 =	vmul.f32 v9, v9  }
0x6a: {  	v62 =	vmul.f32 v4, v6;
	v51 =	vmul.f32 v13, v7;
	v4 =	vadd.f32 $4.999955890e-01, v10  }
0x6b: {  	v35 =	vtrunc.f32 v33;
	v14 =	vadd.f32 $1.386274700e-03, v14;
	v11 =	vsub.f32 v47, v11  }
0x6c: {  	v49 =	vmul.f32 $2.219393590e-07, v9;
	v63 =	vmul.f32 v4, v5;
	v4 =	vadd.f32 $4.999955890e-01, v51  }
0x6d: {  	v28 =	vtrunc.f32 v26;
	v11 =	vmul.f32 $6.283185480e+00, v11  }
0x6e: {  	v14 =	vmul.f32 v14, v8;
	v16 =	vadd.f32 $-2.425318960e-05, v49;
	v4 =	vmul.f32 v4, v7  }
0x6f: {  	v15 =	vcvt.f32.s32 v28;
	v12 =	vmul.f32 v43, v3;
	v50 =	vsub.f32 $3.141592740e+00, v11  }
0x70: {  	v14 =	vadd.f32 $-4.166103150e-02, v14;
	v5 =	vmul.f32 v16, v9;
	[tilespmem:$0x1FA10] =	vst v4;
	v4 =	vcvt.f32.s32 v20  }
0x71: {  	v27 =	vtrunc.f32 v12;
	v6 =	vmul.f32 v50, v50  }
0x72: {  	v52 =	vmul.f32 v14, v8;
	v5 =	vadd.f32 $1.386274700e-03, v5;
	v4 =	vcvt.s32.f32 v4  }
0x73: {  	v14 =	vcvt.f32.s32 v27;
	v19 =	vmul.f32 $2.219393590e-07, v6  }
0x74: {  	v10 =	vcvt.f32.s32 v24;
	v5 =	vmul.f32 v5, v9;
	v4 =	vsub.f32 v17, v4  }
0x75: {  	v18 =	vadd.f32 $4.999955890e-01, v52;
	v29 =	vcvt.s32.f32 v14;
	v22 =	vadd.f32 $-2.425318960e-05, v19  }
0x76: {  	v10 =	vcvt.s32.f32 v10;
	v5 =	vadd.f32 $-4.166103150e-02, v5;
	v4 =	vmul.f32 $6.283185480e+00, v4  }
0x77: {  	v21 =	vmul.f32 v18, v8;
	v7 =	vmul.f32 v22, v6  }
0x78: {  	v8 =	vsub.f32 v23, v10;
	v5 =	vmul.f32 v5, v9;
	v4 =	vsub.f32 $3.141592740e+00, v4  }
0x79: {  	v30 =	vcvt.s32.f32 v15;
	v10 =	vsub.f32 v12, v29;
	v7 =	vadd.f32 $1.386274700e-03, v7  }
0x7a: {  	v8 =	vmul.f32 $6.283185480e+00, v8;
	v5 =	vadd.f32 $4.999955890e-01, v5;
	v4 =	vmul.f32 v4, v4  }
0x7b: {  	v13 =	vsub.f32 v26, v30;
	v10 =	vmul.f32 $6.283185480e+00, v10;
	v7 =	vmul.f32 v7, v6  }
0x7c: {  	v8 =	vsub.f32 $3.141592740e+00, v8;
	v5 =	vmul.f32 v5, v9;
	v31 =	vmul.f32 $2.219393590e-07, v4  }
0x7d: {  	v40 =	vmul.f32 v25, v2;
	v10 =	vsub.f32 $3.141592740e+00, v10;
	v7 =	vadd.f32 $-4.166103150e-02, v7  }
0x7e: {  	v32 =	vmul.f32 $6.283185480e+00, v13;
	v8 =	vmul.f32 v8, v8;
	[tilespmem:$0x1FA30] =	vst v5;
	v5 =	vadd.f32 $-2.425318960e-05, v31  }
0x7f: {  	v10 =	vmul.f32 v10, v10;
	v7 =	vmul.f32 v7, v6  }
0x80: {  	v34 =	vmul.f32 $2.219393590e-07, v8;
	v5 =	vmul.f32 v5, v4  }
0x81: {  	v41 =	vtrunc.f32 v40;
	v9 =	vsub.f32 $3.141592740e+00, v32;
	v7 =	vadd.f32 $4.999955890e-01, v7  }
0x82: {  	v38 =	vmul.f32 $2.219393590e-07, v10;
	v37 =	vadd.f32 $-2.425318960e-05, v34;
	v5 =	vadd.f32 $1.386274700e-03, v5  }
0x83: {  	v9 =	vmul.f32 v9, v9;
	v6 =	vmul.f32 v7, v6  }
0x84: {  	v7 =	vmul.f32 v37, v8;
	v5 =	vmul.f32 v5, v4  }
0x85: {  	v36 =	vcvt.f32.s32 v35;
	v12 =	vcvt.f32.s32 v41;
	v13 =	vadd.f32 $-2.425318960e-05, v38  }
0x86: {  	v39 =	vmul.f32 $2.219393590e-07, v9;
	v7 =	vadd.f32 $1.386274700e-03, v7;
	v5 =	vadd.f32 $-4.166103150e-02, v5  }
0x87: {  	v13 =	vmul.f32 v13, v10;
	[tilespmem:$0x1FA40] =	vst v6;
	v6 =	vcvt.s32.f32 v36  }
0x88: {  	v14 =	vadd.f32 $-2.425318960e-05, v39;
	v7 =	vmul.f32 v7, v8;
	v5 =	vmul.f32 v5, v4  }
0x89: {  	v12 =	vcvt.s32.f32 v12;
	v13 =	vadd.f32 $1.386274700e-03, v13;
	v6 =	vsub.f32 v33, v6  }
0x8a: {  	v14 =	vmul.f32 v14, v9;
	v7 =	vadd.f32 $-4.166103150e-02, v7;
	v5 =	vadd.f32 $4.999955890e-01, v5  }
0x8b: {  	v12 =	vsub.f32 v40, v12;
	v13 =	vmul.f32 v13, v10;
	v6 =	vmul.f32 $6.283185480e+00, v6  }
0x8c: {  	v14 =	vadd.f32 $1.386274700e-03, v14;
	v7 =	vmul.f32 v7, v8;
	v4 =	vmul.f32 v5, v4  }
0x8d: {  	v13 =	vadd.f32 $-4.166103150e-02, v13;
	v6 =	vsub.f32 $3.141592740e+00, v6  }
0x8e: {  	v12 =	vmul.f32 $6.283185480e+00, v12;
	v14 =	vmul.f32 v14, v9;
	[tilespmem:$0x1FA50] =	vst v4;
	v4 =	vadd.f32 $4.999955890e-01, v7  }
0x8f: {  	v43 =	vmul.f32 v13, v10;
	v6 =	vmul.f32 v6, v6  }
0x90: {  	v14 =	vadd.f32 $-4.166103150e-02, v14;
	v5 =	vsub.f32 $3.141592740e+00, v12;
	v4 =	vmul.f32 v4, v8  }
0x91: {  	v42 =	vmul.f32 $2.219393590e-07, v6  }
0x92: {  	v45 =	vmul.f32 v14, v9;
	[tilespmem:$0x1FA60] =	vst v4;
	v4 =	vmul.f32 v5, v5;
	v5 =	vadd.f32 $4.999955890e-01, v43;
	_ =	sdelay $0x1  }
0x93: {  	v46 =	vadd.f32 $-2.425318960e-05, v42;
	v47 =	vadd.f32 $4.999955890e-01, v45;
	v5 =	vmul.f32 v5, v10  }
0x94: {  	v52 =	vbroadcast v44, $0x5  }
0x95: {  	v48 =	vmul.f32 v46, v6;
	[tilespmem:$0x1FA70] =	vst v5;
	v5 =	vmul.f32 v47, v9  }
0x96: {  	v11 =	vmul.f32 v25, v3;
	v60 =	vmul.f32 v52, v56  }
0x97: {  	v61 =	vmul.f32 v52, v1;
	v49 =	vmul.f32 $2.219393590e-07, v4;
	[tilespmem:$0x1FA80] =	vst v5;
	v5 =	vadd.f32 $1.386274700e-03, v48  }
0x98: {  	[tilespmem:$0x1FA20] =	vst v21;
	v21 =	vmul.f32 v52, v2;
	v51 =	vtrunc.f32 v11  }
0x99: {  	v8 =	vcvt.f32.s32 v51;
	v50 =	vadd.f32 $-2.425318960e-05, v49;
	v5 =	vmul.f32 v5, v6  }
0x9a: {  	v22 =	vtrunc.f32 v61;
	v20 =	vtrunc.f32 v60  }
0x9b: {  	v8 =	vcvt.s32.f32 v8;
	v7 =	vmul.f32 v50, v4;
	v5 =	vadd.f32 $-4.166103150e-02, v5  }
0x9c: {  	v23 =	vtrunc.f32 v21;
	v13 =	vcvt.f32.s32 v20  }
0x9d: {  	v8 =	vsub.f32 v11, v8;
	v7 =	vadd.f32 $1.386274700e-03, v7;
	v5 =	vmul.f32 v5, v6  }
0x9e: {  	v15 =	vcvt.f32.s32 v22;
	v13 =	vcvt.s32.f32 v13  }
0x9f: {  	v8 =	vmul.f32 $6.283185480e+00, v8;
	v7 =	vmul.f32 v7, v4;
	v5 =	vadd.f32 $4.999955890e-01, v5  }
0xa0: {  	v16 =	vcvt.f32.s32 v23;
	v24 =	vcvt.s32.f32 v15;
	v10 =	vsub.f32 v60, v13  }
0xa1: {  	v8 =	vsub.f32 $3.141592740e+00, v8;
	v7 =	vadd.f32 $-4.166103150e-02, v7;
	v5 =	vmul.f32 v5, v6  }
0xa2: {  	v25 =	vcvt.s32.f32 v16;
	v10 =	vmul.f32 $6.283185480e+00, v10  }
0xa3: {  	v11 =	vsub.f32 v61, v24;
	v7 =	vmul.f32 v7, v4;
	[tilespmem:$0x1FA90] =	vst v5;
	v5 =	vmul.f32 v8, v8  }
0xa4: {  	v26 =	vsub.f32 v21, v25;
	v10 =	vsub.f32 $3.141592740e+00, v10  }
0xa5: {  	v11 =	vmul.f32 $6.283185480e+00, v11;
	v7 =	vadd.f32 $4.999955890e-01, v7;
	v30 =	vmul.f32 $2.219393590e-07, v5  }
0xa6: {  	v12 =	vmul.f32 $6.283185480e+00, v26;
	v28 =	vmul.f32 v10, v10  }
0xa7: {  	v27 =	vsub.f32 $3.141592740e+00, v11;
	v4 =	vmul.f32 v7, v4;
	v11 =	vadd.f32 $-2.425318960e-05, v30  }
0xa8: {  	v29 =	vsub.f32 $3.141592740e+00, v12;
	v31 =	vmul.f32 $2.219393590e-07, v28  }
0xa9: {  	v6 =	vmul.f32 v27, v27;
	[tilespmem:$0x1FAA0] =	vst v4;
	v4 =	vmul.f32 v11, v5  }
0xaa: {  	v10 =	vmul.f32 v29, v29  }
0xab: {  	v12 =	vadd.f32 $-2.425318960e-05, v31;
	v32 =	vmul.f32 $2.219393590e-07, v6;
	v4 =	vadd.f32 $1.386274700e-03, v4  }
0xac: {  	v9 =	vmul.f32 v52, v3;
	v33 =	vmul.f32 $2.219393590e-07, v10  }
0xad: {  	v35 =	vmul.f32 v12, v28;
	v34 =	vadd.f32 $-2.425318960e-05, v32;
	v4 =	vmul.f32 v4, v5  }
0xae: {  	v37 =	vtrunc.f32 v9;
	v36 =	vadd.f32 $-2.425318960e-05, v33  }
0xaf: {  	v7 =	vmul.f32 v34, v6;
	v11 =	vadd.f32 $1.386274700e-03, v35;
	v4 =	vadd.f32 $-4.166103150e-02, v4  }
0xb0: {  	v13 =	vcvt.f32.s32 v37;
	v12 =	vmul.f32 v36, v10  }
0xb1: {  	v7 =	vadd.f32 $1.386274700e-03, v7;
	v11 =	vmul.f32 v11, v28;
	v4 =	vmul.f32 v4, v5  }
0xb2: {  	v38 =	vbroadcast v44, $0x6;
	v13 =	vcvt.s32.f32 v13;
	v12 =	vadd.f32 $1.386274700e-03, v12  }
0xb3: {  	v7 =	vmul.f32 v7, v6;
	v11 =	vadd.f32 $-4.166103150e-02, v11;
	v4 =	vadd.f32 $4.999955890e-01, v4  }
0xb4: {  	v39 =	vmul.f32 v38, v56;
	v9 =	vsub.f32 v9, v13;
	v12 =	vmul.f32 v12, v10  }
0xb5: {  	v7 =	vadd.f32 $-4.166103150e-02, v7;
	v11 =	vmul.f32 v11, v28;
	v4 =	vmul.f32 v4, v5  }
0xb6: {  	v40 =	vtrunc.f32 v39;
	v9 =	vmul.f32 $6.283185480e+00, v9  }
0xb7: {  	v12 =	vadd.f32 $-4.166103150e-02, v12;
	v7 =	vmul.f32 v7, v6;
	[tilespmem:$0x1FAB0] =	vst v4;
	v4 =	vadd.f32 $4.999955890e-01, v11  }
0xb8: {  	v13 =	vcvt.f32.s32 v40;
	v9 =	vsub.f32 $3.141592740e+00, v9  }
0xb9: {  	v12 =	vmul.f32 v12, v10;
	v5 =	vadd.f32 $4.999955890e-01, v7;
	v4 =	vmul.f32 v4, v28  }
0xba: {  	v13 =	vcvt.s32.f32 v13  }
0xbb: {  	v9 =	vmul.f32 v9, v9;
	v41 =	vadd.f32 $4.999955890e-01, v12;
	[tilespmem:$0x1FAC0] =	vst v4;
	v4 =	vmul.f32 v5, v6;
	_ =	sdelay $0x1  }
0xbc: {  	v13 =	vsub.f32 v39, v13;
	v42 =	vmul.f32 $2.219393590e-07, v9;
	[tilespmem:$0x1FAD0] =	vst v4;
	v4 =	vmul.f32 v41, v10  }
0xbd: {  	v45 =	vmul.f32 v38, v1  }
0xbe: {  	v46 =	vmul.f32 v38, v2;
	v43 =	vmul.f32 $6.283185480e+00, v13;
	[tilespmem:$0x1FAE0] =	vst v4;
	v4 =	vadd.f32 $-2.425318960e-05, v42  }
0xbf: {  	v47 =	vtrunc.f32 v45;
	v52 =	vbroadcast v44, $0x7  }
0xc0: {  	v50 =	vmul.f32 v38, v3;
	v5 =	vsub.f32 $3.141592740e+00, v43;
	v4 =	vmul.f32 v4, v9  }
0xc1: {  	v48 =	vtrunc.f32 v46;
	v61 =	vmul.f32 v52, v56  }
0xc2: {  	v51 =	vtrunc.f32 v50;
	v5 =	vmul.f32 v5, v5;
	v4 =	vadd.f32 $1.386274700e-03, v4  }
0xc3: {  	v60 =	vcvt.f32.s32 v51;
	v8 =	vcvt.f32.s32 v47  }
0xc4: {  	v49 =	vmul.f32 $2.219393590e-07, v5;
	v4 =	vmul.f32 v4, v9  }
0xc5: {  	v8 =	vcvt.s32.f32 v8;
	v10 =	vcvt.f32.s32 v48  }
0xc6: {  	v16 =	vtrunc.f32 v61;
	v11 =	vadd.f32 $-2.425318960e-05, v49;
	v4 =	vadd.f32 $-4.166103150e-02, v4  }
0xc7: {  	v6 =	vsub.f32 v45, v8;
	v8 =	vcvt.s32.f32 v60;
	v10 =	vcvt.s32.f32 v10  }
0xc8: {  	v11 =	vmul.f32 v11, v5;
	v4 =	vmul.f32 v4, v9  }
0xc9: {  	v6 =	vmul.f32 $6.283185480e+00, v6;
	v8 =	vsub.f32 v50, v8;
	v7 =	vsub.f32 v46, v10  }
0xca: {  	v17 =	vcvt.f32.s32 v16;
	v11 =	vadd.f32 $1.386274700e-03, v11;
	v4 =	vadd.f32 $4.999955890e-01, v4  }
0xcb: {  	v6 =	vsub.f32 $3.141592740e+00, v6;
	v8 =	vmul.f32 $6.283185480e+00, v8;
	v7 =	vmul.f32 $6.283185480e+00, v7  }
0xcc: {  	v11 =	vmul.f32 v11, v5;
	v4 =	vmul.f32 v4, v9  }
0xcd: {  	v6 =	vmul.f32 v6, v6;
	v7 =	vsub.f32 $3.141592740e+00, v7  }
0xce: {  	v12 =	vcvt.s32.f32 v17;
	v19 =	vadd.f32 $-4.166103150e-02, v11;
	[tilespmem:$0x1FAF0] =	vst v4;
	v4 =	vsub.f32 $3.141592740e+00, v8  }
0xcf: {  	v20 =	vmul.f32 $2.219393590e-07, v6;
	v7 =	vmul.f32 v7, v7  }
0xd0: {  	v18 =	vsub.f32 v61, v12;
	v9 =	vmul.f32 v19, v5;
	v4 =	vmul.f32 v4, v4  }
0xd1: {  	v10 =	vadd.f32 $-2.425318960e-05, v20;
	v21 =	vmul.f32 $2.219393590e-07, v7  }
0xd2: {  	v8 =	vmul.f32 $6.283185480e+00, v18;
	v9 =	vadd.f32 $4.999955890e-01, v9;
	v22 =	vmul.f32 $2.219393590e-07, v4  }
0xd3: {  	v23 =	vmul.f32 v52, v1;
	v10 =	vmul.f32 v10, v6;
	v11 =	vadd.f32 $-2.425318960e-05, v21  }
0xd4: {  	v8 =	vsub.f32 $3.141592740e+00, v8;
	v5 =	vmul.f32 v9, v5;
	v12 =	vadd.f32 $-2.425318960e-05, v22  }
0xd5: {  	v24 =	vtrunc.f32 v23;
	v11 =	vmul.f32 v11, v7  }
0xd6: {  	v8 =	vmul.f32 v8, v8;
	[tilespmem:$0x1FB00] =	vst v5;
	v5 =	vadd.f32 $1.386274700e-03, v10;
	v27 =	vmul.f32 v12, v4  }
0xd7: {  	v29 =	vmul.f32 v52, v2;
	v25 =	vcvt.f32.s32 v24;
	v26 =	vadd.f32 $1.386274700e-03, v11  }
0xd8: {  	v28 =	vmul.f32 $2.219393590e-07, v8;
	v5 =	vmul.f32 v5, v6;
	v11 =	vadd.f32 $1.386274700e-03, v27  }
0xd9: {  	v33 =	vmul.f32 v52, v3;
	v30 =	vtrunc.f32 v29  }
0xda: {  	v12 =	vadd.f32 $-2.425318960e-05, v28;
	v5 =	vadd.f32 $-4.166103150e-02, v5;
	v11 =	vmul.f32 v11, v4  }
0xdb: {  	v36 =	vtrunc.f32 v33;
	v13 =	vcvt.f32.s32 v30  }
0xdc: {  	v12 =	vmul.f32 v12, v8;
	v5 =	vmul.f32 v5, v6;
	v11 =	vadd.f32 $-4.166103150e-02, v11  }
0xdd: {  	v32 =	vbroadcast v44, $0x8;
	v13 =	vcvt.s32.f32 v13  }
0xde: {  	v12 =	vadd.f32 $1.386274700e-03, v12;
	v5 =	vadd.f32 $4.999955890e-01, v5;
	v11 =	vmul.f32 v11, v4  }
0xdf: {  	v34 =	vmul.f32 v32, v56;
	v40 =	vmul.f32 v32, v1;
	v13 =	vsub.f32 v29, v13  }
0xe0: {  	v12 =	vmul.f32 v12, v8;
	v5 =	vmul.f32 v5, v6;
	v11 =	vadd.f32 $4.999955890e-01, v11  }
0xe1: {  	v37 =	vtrunc.f32 v34;
	v61 =	vbroadcast v44, $0x9  }
0xe2: {  	v13 =	vmul.f32 $6.283185480e+00, v13;
	[tilespmem:$0x1FB10] =	vst v5;
	v5 =	vadd.f32 $-4.166103150e-02, v12;
	v4 =	vmul.f32 v11, v4  }
0xe3: {  	v30 =	vmul.f32 v61, v2;
	v42 =	vmul.f32 v32, v2  }
0xe4: {  	v41 =	vtrunc.f32 v40;
	v5 =	vmul.f32 v5, v8;
	[tilespmem:$0x1FB30] =	vst v4;
	v4 =	vsub.f32 $3.141592740e+00, v13  }
0xe5: {  	v43 =	vtrunc.f32 v42;
	v9 =	vcvt.s32.f32 v25  }
0xe6: {  	v14 =	vcvt.f32.s32 v43;
	v5 =	vadd.f32 $4.999955890e-01, v5;
	v4 =	vmul.f32 v4, v4  }
0xe7: {  	v10 =	vmul.f32 v26, v7;
	v9 =	vsub.f32 v23, v9;
	v22 =	vmul.f32 v61, v56  }
0xe8: {  	v5 =	vmul.f32 v5, v8;
	v35 =	vmul.f32 $2.219393590e-07, v4  }
0xe9: {  	v45 =	vcvt.s32.f32 v14;
	v9 =	vmul.f32 $6.283185480e+00, v9;
	v10 =	vadd.f32 $-4.166103150e-02, v10  }
0xea: {  	v23 =	vtrunc.f32 v22;
	[tilespmem:$0x1FB40] =	vst v5;
	v5 =	vcvt.f32.s32 v37;
	v38 =	vadd.f32 $-2.425318960e-05, v35  }
0xeb: {  	v9 =	vsub.f32 $3.141592740e+00, v9;
	v10 =	vmul.f32 v10, v7;
	v16 =	vcvt.f32.s32 v23  }
0xec: {  	v5 =	vcvt.s32.f32 v5;
	v8 =	vmul.f32 v38, v4  }
0xed: {  	v9 =	vmul.f32 v9, v9;
	v27 =	vmul.f32 v61, v1  }
0xee: {  	v24 =	vcvt.s32.f32 v16;
	v5 =	vsub.f32 v34, v5;
	v8 =	vadd.f32 $1.386274700e-03, v8  }
0xef: {  	v11 =	vcvt.f32.s32 v41;
	v13 =	vcvt.f32.s32 v36  }
0xf0: {  	v5 =	vmul.f32 $6.283185480e+00, v5;
	v8 =	vmul.f32 v8, v4  }
0xf1: {  	v10 =	vadd.f32 $4.999955890e-01, v10;
	v31 =	vmul.f32 $2.219393590e-07, v9;
	v39 =	vcvt.s32.f32 v13  }
0xf2: {  	v11 =	vcvt.s32.f32 v11;
	v5 =	vsub.f32 $3.141592740e+00, v5;
	v8 =	vadd.f32 $-4.166103150e-02, v8  }
0xf3: {  	v7 =	vmul.f32 v10, v7;
	v6 =	vadd.f32 $-2.425318960e-05, v31;
	v10 =	vsub.f32 v33, v39  }
0xf4: {  	v11 =	vsub.f32 v40, v11;
	v5 =	vmul.f32 v5, v5;
	v8 =	vmul.f32 v8, v4  }
0xf5: {  	v6 =	vmul.f32 v6, v9;
	v12 =	vsub.f32 v42, v45;
	v10 =	vmul.f32 $6.283185480e+00, v10  }
0xf6: {  	v11 =	vmul.f32 $6.283185480e+00, v11;
	v47 =	vmul.f32 $2.219393590e-07, v5;
	v48 =	vadd.f32 $4.999955890e-01, v8  }
0xf7: {  	v6 =	vadd.f32 $1.386274700e-03, v6;
	v12 =	vmul.f32 $6.283185480e+00, v12;
	v10 =	vsub.f32 $3.141592740e+00, v10  }
0xf8: {  	v11 =	vsub.f32 $3.141592740e+00, v11;
	v49 =	vadd.f32 $-2.425318960e-05, v47;
	v4 =	vmul.f32 v48, v4  }
0xf9: {  	v6 =	vmul.f32 v6, v9;
	v12 =	vsub.f32 $3.141592740e+00, v12;
	v10 =	vmul.f32 v10, v10  }
0xfa: {  	v11 =	vmul.f32 v11, v11;
	[tilespmem:$0x1FB60] =	vst v4;
	v4 =	vmul.f32 v49, v5  }
0xfb: {  	v60 =	vmul.f32 v12, v12;
	v46 =	vmul.f32 $2.219393590e-07, v10  }
0xfc: {  	[tilespmem:$0x1FB20] =	vst v7;
	v7 =	vmul.f32 v32, v3;
	v52 =	vmul.f32 $2.219393590e-07, v11;
	v4 =	vadd.f32 $1.386274700e-03, v4  }
0xfd: {  	v6 =	vadd.f32 $-4.166103150e-02, v6;
	v20 =	vmul.f32 $2.219393590e-07, v60;
	v14 =	vadd.f32 $-2.425318960e-05, v46  }
0xfe: {  	v21 =	vtrunc.f32 v7;
	v8 =	vadd.f32 $-2.425318960e-05, v52;
	v4 =	vmul.f32 v4, v5  }
0xff: {  	v6 =	vmul.f32 v6, v9;
	v13 =	vadd.f32 $-2.425318960e-05, v20;
	v50 =	vmul.f32 v14, v10  }
0x100: {  	v14 =	vcvt.f32.s32 v21;
	v8 =	vmul.f32 v8, v11;
	v4 =	vadd.f32 $-4.166103150e-02, v4  }
0x101: {  	v29 =	vtrunc.f32 v27;
	v6 =	vadd.f32 $4.999955890e-01, v6;
	v13 =	vmul.f32 v13, v60  }
0x102: {  	v14 =	vcvt.s32.f32 v14;
	v8 =	vadd.f32 $1.386274700e-03, v8;
	v4 =	vmul.f32 v4, v5  }
0x103: {  	v6 =	vmul.f32 v6, v9;
	v13 =	vadd.f32 $1.386274700e-03, v13;
	v51 =	vadd.f32 $1.386274700e-03, v50  }
0x104: {  	v7 =	vsub.f32 v7, v14;
	v8 =	vmul.f32 v8, v11;
	v4 =	vadd.f32 $4.999955890e-01, v4  }
0x105: {  	[tilespmem:$0x1FB50] =	vst v6;
	v13 =	vmul.f32 v13, v60;
	v6 =	vmul.f32 v51, v10  }
0x106: {  	v7 =	vmul.f32 $6.283185480e+00, v7;
	v8 =	vadd.f32 $-4.166103150e-02, v8;
	v4 =	vmul.f32 v4, v5  }
0x107: {  	v32 =	vtrunc.f32 v30;
	v14 =	vsub.f32 v22, v24;
	v6 =	vadd.f32 $-4.166103150e-02, v6  }
0x108: {  	v7 =	vsub.f32 $3.141592740e+00, v7;
	v5 =	vmul.f32 v8, v11;
	[tilespmem:$0x1FB80] =	vst v4;
	v4 =	vadd.f32 $-4.166103150e-02, v13  }
0x109: {  	v14 =	vmul.f32 $6.283185480e+00, v14;
	v6 =	vmul.f32 v6, v10  }
0x10a: {  	v25 =	vmul.f32 v7, v7;
	v5 =	vadd.f32 $4.999955890e-01, v5;
	v4 =	vmul.f32 v4, v60  }
0x10b: {  	v36 =	vbroadcast v44, $0xA;
	v26 =	vsub.f32 $3.141592740e+00, v14;
	v6 =	vadd.f32 $4.999955890e-01, v6  }
0x10c: {  	v28 =	vmul.f32 $2.219393590e-07, v25;
	v5 =	vmul.f32 v5, v11;
	v4 =	vadd.f32 $4.999955890e-01, v4  }
0x10d: {  	v7 =	vmul.f32 v26, v26;
	v6 =	vmul.f32 v6, v10  }
0x10e: {  	v10 =	vadd.f32 $-2.425318960e-05, v28;
	[tilespmem:$0x1FB90] =	vst v5;
	v5 =	vcvt.f32.s32 v29;
	v4 =	vmul.f32 v4, v60  }
0x10f: {  	v31 =	vmul.f32 $2.219393590e-07, v7;
	v13 =	vcvt.f32.s32 v32  }
0x110: {  	v5 =	vcvt.s32.f32 v5;
	[tilespmem:$0x1FBA0] =	vst v4;
	v4 =	vmul.f32 v10, v25  }
0x111: {  	v37 =	vmul.f32 v36, v56;
	v35 =	vmul.f32 v61, v3;
	v33 =	vadd.f32 $-2.425318960e-05, v31  }
0x112: {  	v34 =	vcvt.s32.f32 v13;
	v5 =	vsub.f32 v27, v5;
	v4 =	vadd.f32 $1.386274700e-03, v4  }
0x113: {  	v12 =	vtrunc.f32 v35;
	v9 =	vmul.f32 v33, v7  }
0x114: {  	v8 =	vsub.f32 v30, v34;
	v5 =	vmul.f32 $6.283185480e+00, v5;
	v4 =	vmul.f32 v4, v25  }
0x115: {  	v38 =	vtrunc.f32 v37;
	v12 =	vcvt.f32.s32 v12;
	v9 =	vadd.f32 $1.386274700e-03, v9  }
0x116: {  	v8 =	vmul.f32 $6.283185480e+00, v8;
	v5 =	vsub.f32 $3.141592740e+00, v5;
	v4 =	vadd.f32 $-4.166103150e-02, v4  }
0x117: {  	v14 =	vcvt.f32.s32 v38;
	v9 =	vmul.f32 v9, v7  }
0x118: {  	v8 =	vsub.f32 $3.141592740e+00, v8;
	v5 =	vmul.f32 v5, v5;
	v4 =	vmul.f32 v4, v25  }
0x119: {  	v12 =	vcvt.s32.f32 v12;
	v14 =	vcvt.s32.f32 v14;
	v9 =	vadd.f32 $-4.166103150e-02, v9  }
0x11a: {  	v8 =	vmul.f32 v8, v8;
	v39 =	vmul.f32 $2.219393590e-07, v5;
	v4 =	vadd.f32 $4.999955890e-01, v4  }
0x11b: {  	v13 =	vsub.f32 v37, v14;
	v9 =	vmul.f32 v9, v7;
	v10 =	vsub.f32 v35, v12  }
0x11c: {  	v40 =	vmul.f32 $2.219393590e-07, v8;
	v12 =	vadd.f32 $-2.425318960e-05, v39;
	v4 =	vmul.f32 v4, v25  }
0x11d: {  	v13 =	vmul.f32 $6.283185480e+00, v13  }
0x11e: {  	v14 =	vadd.f32 $-2.425318960e-05, v40;
	v12 =	vmul.f32 v12, v5;
	[tilespmem:$0x1FBB0] =	vst v4;
	v4 =	vadd.f32 $4.999955890e-01, v9  }
0x11f: {  	v17 =	vmul.f32 v36, v3;
	v41 =	vsub.f32 $3.141592740e+00, v13;
	v10 =	vmul.f32 $6.283185480e+00, v10  }
0x120: {  	v43 =	vmul.f32 v14, v8;
	v42 =	vadd.f32 $1.386274700e-03, v12;
	v4 =	vmul.f32 v4, v7  }
0x121: {  	v19 =	vbroadcast v44, $0xB;
	v18 =	vtrunc.f32 v17;
	[tilespmem:$0x1FB70] =	vst v6;
	v10 =	vsub.f32 $3.141592740e+00, v10  }
0x122: {  	v6 =	vmul.f32 v41, v41;
	v48 =	vadd.f32 $1.386274700e-03, v43;
	[tilespmem:$0x1FBC0] =	vst v4;
	v4 =	vmul.f32 v42, v5  }
0x123: {  	v46 =	vmul.f32 v36, v1;
	v10 =	vmul.f32 v10, v10  }
0x124: {  	v49 =	vmul.f32 $2.219393590e-07, v6;
	v9 =	vmul.f32 v48, v8;
	v4 =	vadd.f32 $-4.166103150e-02, v4  }
0x125: {  	v50 =	vtrunc.f32 v46;
	v45 =	vmul.f32 $2.219393590e-07, v10  }
0x126: {  	v12 =	vadd.f32 $-2.425318960e-05, v49;
	v9 =	vadd.f32 $-4.166103150e-02, v9;
	v4 =	vmul.f32 v4, v5  }
0x127: {  	v51 =	vmul.f32 v36, v2;
	v22 =	vmul.f32 v19, v1;
	v47 =	vadd.f32 $-2.425318960e-05, v45  }
0x128: {  	v12 =	vmul.f32 v12, v6;
	v9 =	vmul.f32 v9, v8;
	v4 =	vadd.f32 $4.999955890e-01, v4  }
0x129: {  	v24 =	vmul.f32 v19, v2;
	v7 =	vmul.f32 v47, v10  }
0x12a: {  	v12 =	vadd.f32 $1.386274700e-03, v12;
	v9 =	vadd.f32 $4.999955890e-01, v9;
	v4 =	vmul.f32 v4, v5  }
0x12b: {  	v52 =	vtrunc.f32 v51;
	v13 =	vcvt.f32.s32 v50  }
0x12c: {  	v7 =	vadd.f32 $1.386274700e-03, v7;
	v12 =	vmul.f32 v12, v6;
	[tilespmem:$0x1FBD0] =	vst v4;
	v4 =	vmul.f32 v9, v8  }
0x12d: {  	v11 =	vmul.f32 v19, v3;
	v13 =	vcvt.s32.f32 v13  }
0x12e: {  	v23 =	vtrunc.f32 v22;
	v7 =	vmul.f32 v7, v10;
	[tilespmem:$0x1FBE0] =	vst v4;
	v4 =	vadd.f32 $-4.166103150e-02, v12  }
0x12f: {  	v34 =	vtrunc.f32 v11;
	v60 =	vcvt.f32.s32 v52;
	v13 =	vsub.f32 v46, v13  }
0x130: {  	v35 =	vbroadcast v44, $0xC;
	v7 =	vadd.f32 $-4.166103150e-02, v7;
	v4 =	vmul.f32 v4, v6  }
0x131: {  	v13 =	vmul.f32 $6.283185480e+00, v13;
	v14 =	vcvt.s32.f32 v60  }
0x132: {  	v36 =	vmul.f32 v35, v56;
	v7 =	vmul.f32 v7, v10;
	v4 =	vadd.f32 $4.999955890e-01, v4  }
0x133: {  	v41 =	vmul.f32 v35, v1;
	v13 =	vsub.f32 $3.141592740e+00, v13;
	v14 =	vsub.f32 v51, v14  }
0x134: {  	v46 =	vmul.f32 v35, v2;
	v5 =	vadd.f32 $4.999955890e-01, v7;
	v4 =	vmul.f32 v4, v6  }
0x135: {  	v61 =	vmul.f32 v13, v13;
	v16 =	vmul.f32 $6.283185480e+00, v14  }
0x136: {  	v5 =	vmul.f32 v5, v10;
	[tilespmem:$0x1FC00] =	vst v4;
	v4 =	vmul.f32 v19, v56  }
0x137: {  	v37 =	vtrunc.f32 v36;
	v8 =	vsub.f32 $3.141592740e+00, v16;
	v10 =	vcvt.f32.s32 v18  }
0x138: {  	[tilespmem:$0x1FBF0] =	vst v5;
	v5 =	vmul.f32 $2.219393590e-07, v61;
	v21 =	vtrunc.f32 v4  }
0x139: {  	v8 =	vmul.f32 v8, v8;
	v12 =	vcvt.f32.s32 v21  }
0x13a: {  	v60 =	vbroadcast v44, $0xD;
	v10 =	vcvt.s32.f32 v10  }
0x13b: {  	v5 =	vadd.f32 $-2.425318960e-05, v5;
	v20 =	vmul.f32 $2.219393590e-07, v8;
	v12 =	vcvt.s32.f32 v12  }
0x13c: {  	v45 =	vtrunc.f32 v41;
	v9 =	vsub.f32 v17, v10;
	v10 =	vcvt.f32.s32 v23  }
0x13d: {  	v5 =	vmul.f32 v5, v61;
	v6 =	vadd.f32 $-2.425318960e-05, v20;
	v4 =	vsub.f32 v4, v12  }
0x13e: {  	v25 =	vtrunc.f32 v24;
	v10 =	vcvt.s32.f32 v10  }
0x13f: {  	v5 =	vadd.f32 $1.386274700e-03, v5;
	v6 =	vmul.f32 v6, v8;
	v4 =	vmul.f32 $6.283185480e+00, v4  }
0x140: {  	v13 =	vcvt.f32.s32 v25;
	v9 =	vmul.f32 $6.283185480e+00, v9;
	v10 =	vsub.f32 v22, v10  }
0x141: {  	v5 =	vmul.f32 v5, v61;
	v6 =	vadd.f32 $1.386274700e-03, v6;
	v4 =	vsub.f32 $3.141592740e+00, v4  }
0x142: {  	v48 =	vtrunc.f32 v46;
	v9 =	vsub.f32 $3.141592740e+00, v9;
	v10 =	vmul.f32 $6.283185480e+00, v10  }
0x143: {  	v5 =	vadd.f32 $-4.166103150e-02, v5;
	v6 =	vmul.f32 v6, v8;
	v4 =	vmul.f32 v4, v4  }
0x144: {  	v13 =	vcvt.s32.f32 v13;
	v9 =	vmul.f32 v9, v9;
	v10 =	vsub.f32 $3.141592740e+00, v10  }
0x145: {  	v5 =	vmul.f32 v5, v61;
	v6 =	vadd.f32 $-4.166103150e-02, v6;
	v28 =	vmul.f32 $2.219393590e-07, v4  }
0x146: {  	v26 =	vmul.f32 $2.219393590e-07, v9;
	v10 =	vmul.f32 v10, v10  }
0x147: {  	v5 =	vadd.f32 $4.999955890e-01, v5;
	v6 =	vmul.f32 v6, v8;
	v14 =	vadd.f32 $-2.425318960e-05, v28  }
0x148: {  	v27 =	vadd.f32 $-2.425318960e-05, v26;
	v29 =	vmul.f32 $2.219393590e-07, v10;
	v12 =	vsub.f32 v24, v13  }
0x149: {  	v5 =	vmul.f32 v5, v61;
	v6 =	vadd.f32 $4.999955890e-01, v6;
	v31 =	vmul.f32 v14, v4  }
0x14a: {  	v47 =	vmul.f32 v35, v3;
	v13 =	vmul.f32 v27, v9;
	v32 =	vadd.f32 $-2.425318960e-05, v29  }
0x14b: {  	v12 =	vmul.f32 $6.283185480e+00, v12;
	[tilespmem:$0x1FC10] =	vst v5;
	v5 =	vmul.f32 v6, v8;
	v7 =	vadd.f32 $1.386274700e-03, v31  }
0x14c: {  	v35 =	vmul.f32 v60, v3;
	v30 =	vadd.f32 $1.386274700e-03, v13;
	v8 =	vmul.f32 v32, v10  }
0x14d: {  	v13 =	vcvt.f32.s32 v34;
	[tilespmem:$0x1FC20] =	vst v5;
	v5 =	vsub.f32 $3.141592740e+00, v12;
	v7 =	vmul.f32 v7, v4  }
0x14e: {  	v27 =	vmul.f32 v60, v1;
	v6 =	vmul.f32 v30, v9;
	v8 =	vadd.f32 $1.386274700e-03, v8  }
0x14f: {  	v13 =	vcvt.s32.f32 v13;
	v5 =	vmul.f32 v5, v5;
	v7 =	vadd.f32 $-4.166103150e-02, v7  }
0x150: {  	v61 =	vmul.f32 v60, v56;
	v6 =	vadd.f32 $-4.166103150e-02, v6;
	v8 =	vmul.f32 v8, v10  }
0x151: {  	v11 =	vsub.f32 v11, v13;
	v33 =	vmul.f32 $2.219393590e-07, v5;
	v7 =	vmul.f32 v7, v4  }
0x152: {  	v13 =	vcvt.f32.s32 v37;
	v6 =	vmul.f32 v6, v9;
	v8 =	vadd.f32 $-4.166103150e-02, v8  }
0x153: {  	v21 =	vtrunc.f32 v61;
	v12 =	vadd.f32 $-2.425318960e-05, v33;
	v7 =	vadd.f32 $4.999955890e-01, v7  }
0x154: {  	v13 =	vcvt.s32.f32 v13;
	v6 =	vadd.f32 $4.999955890e-01, v6;
	v8 =	vmul.f32 v8, v10  }
0x155: {  	v12 =	vmul.f32 v12, v5;
	v4 =	vmul.f32 v7, v4  }
0x156: {  	v11 =	vmul.f32 $6.283185480e+00, v11;
	v6 =	vmul.f32 v6, v9;
	v38 =	vadd.f32 $4.999955890e-01, v8  }
0x157: {  	v30 =	vmul.f32 v60, v2;
	v12 =	vadd.f32 $1.386274700e-03, v12;
	[tilespmem:$0x1FC40] =	vst v4;
	v4 =	vsub.f32 v36, v13  }
0x158: {  	v11 =	vsub.f32 $3.141592740e+00, v11;
	[tilespmem:$0x1FC30] =	vst v6;
	v6 =	vmul.f32 v38, v10;
	v10 =	vcvt.f32.s32 v45  }
0x159: {  	v12 =	vmul.f32 v12, v5;
	v4 =	vmul.f32 $6.283185480e+00, v4  }
0x15a: {  	v37 =	vtrunc.f32 v35;
	v40 =	vmul.f32 v11, v11  }
0x15b: {  	v10 =	vcvt.s32.f32 v10;
	v39 =	vadd.f32 $-4.166103150e-02, v12;
	v4 =	vsub.f32 $3.141592740e+00, v4  }
0x15c: {  	v14 =	vtrunc.f32 v47;
	v13 =	vcvt.f32.s32 v48  }
0x15d: {  	v9 =	vsub.f32 v41, v10;
	v42 =	vmul.f32 v39, v5;
	v4 =	vmul.f32 v4, v4  }
0x15e: {  	v14 =	vcvt.f32.s32 v14;
	[tilespmem:$0x1FC50] =	vst v6;
	v50 =	vcvt.s32.f32 v13  }
0x15f: {  	v9 =	vmul.f32 $6.283185480e+00, v9;
	v6 =	vadd.f32 $4.999955890e-01, v42;
	v49 =	vmul.f32 $2.219393590e-07, v4  }
0x160: {  	v43 =	vmul.f32 $2.219393590e-07, v40;
	v14 =	vcvt.s32.f32 v14;
	v10 =	vsub.f32 v46, v50  }
0x161: {  	v9 =	vsub.f32 $3.141592740e+00, v9;
	v5 =	vmul.f32 v6, v5;
	v51 =	vadd.f32 $-2.425318960e-05, v49  }
0x162: {  	v28 =	vtrunc.f32 v27;
	v7 =	vadd.f32 $-2.425318960e-05, v43;
	v10 =	vmul.f32 $6.283185480e+00, v10  }
0x163: {  	v52 =	vsub.f32 v47, v14;
	v9 =	vmul.f32 v9, v9;
	[tilespmem:$0x1FC60] =	vst v5;
	v5 =	vmul.f32 v51, v4  }
0x164: {  	v14 =	vcvt.f32.s32 v21;
	v7 =	vmul.f32 v7, v40;
	v10 =	vsub.f32 $3.141592740e+00, v10  }
0x165: {  	v33 =	vtrunc.f32 v30;
	v20 =	vmul.f32 $2.219393590e-07, v9;
	v5 =	vadd.f32 $1.386274700e-03, v5  }
0x166: {  	v14 =	vcvt.s32.f32 v14;
	v7 =	vadd.f32 $1.386274700e-03, v7;
	v10 =	vmul.f32 v10, v10  }
0x167: {  	v6 =	vmul.f32 $6.283185480e+00, v52;
	v13 =	vadd.f32 $-2.425318960e-05, v20;
	v5 =	vmul.f32 v5, v4  }
0x168: {  	v12 =	vsub.f32 v61, v14;
	v7 =	vmul.f32 v7, v40;
	v22 =	vmul.f32 $2.219393590e-07, v10  }
0x169: {  	v6 =	vsub.f32 $3.141592740e+00, v6;
	v13 =	vmul.f32 v13, v9;
	v5 =	vadd.f32 $-4.166103150e-02, v5  }
0x16a: {  	v12 =	vmul.f32 $6.283185480e+00, v12;
	v7 =	vadd.f32 $-4.166103150e-02, v7;
	v15 =	vadd.f32 $-2.425318960e-05, v22  }
0x16b: {  	v6 =	vmul.f32 v6, v6;
	v13 =	vadd.f32 $1.386274700e-03, v13;
	v5 =	vmul.f32 v5, v4  }
0x16c: {  	v7 =	vmul.f32 v7, v40;
	v15 =	vmul.f32 v15, v10  }
0x16d: {  	v23 =	vmul.f32 $2.219393590e-07, v6;
	v13 =	vmul.f32 v13, v9;
	v5 =	vadd.f32 $4.999955890e-01, v5  }
0x16e: {  	v36 =	vbroadcast v44, $0xE;
	v7 =	vadd.f32 $4.999955890e-01, v7;
	v15 =	vadd.f32 $1.386274700e-03, v15  }
0x16f: {  	v16 =	vadd.f32 $-2.425318960e-05, v23;
	v4 =	vmul.f32 v5, v4;
	v5 =	vadd.f32 $-4.166103150e-02, v13  }
0x170: {  	v26 =	vsub.f32 $3.141592740e+00, v12;
	v7 =	vmul.f32 v7, v40;
	v25 =	vmul.f32 v15, v10  }
0x171: {  	v24 =	vmul.f32 v16, v6;
	v5 =	vmul.f32 v5, v9  }
0x172: {  	v8 =	vmul.f32 v26, v26;
	v38 =	vmul.f32 v36, v56;
	[tilespmem:$0x1FC70] =	vst v7;
	v7 =	vadd.f32 $-4.166103150e-02, v25  }
0x173: {  	v42 =	vmul.f32 v36, v1;
	[tilespmem:$0x1FC80] =	vst v4;
	v4 =	vadd.f32 $1.386274700e-03, v24;
	v5 =	vadd.f32 $4.999955890e-01, v5  }
0x174: {  	v39 =	vtrunc.f32 v38;
	v7 =	vmul.f32 v7, v10  }
0x175: {  	v4 =	vmul.f32 v4, v6;
	v5 =	vmul.f32 v5, v9  }
0x176: {  	v29 =	vmul.f32 $2.219393590e-07, v8;
	v12 =	vcvt.f32.s32 v39  }
0x177: {  	v43 =	vtrunc.f32 v42;
	v4 =	vadd.f32 $-4.166103150e-02, v4;
	[tilespmem:$0x1FC90] =	vst v5;
	v5 =	vadd.f32 $4.999955890e-01, v7  }
0x178: {  	v14 =	vadd.f32 $-2.425318960e-05, v29;
	v12 =	vcvt.s32.f32 v12;
	v13 =	vcvt.f32.s32 v28  }
0x179: {  	v4 =	vmul.f32 v4, v6;
	v5 =	vmul.f32 v5, v10  }
0x17a: {  	v31 =	vmul.f32 v14, v8;
	v11 =	vsub.f32 v38, v12;
	v13 =	vcvt.s32.f32 v13  }
0x17b: {  	v12 =	vcvt.f32.s32 v43;
	v4 =	vadd.f32 $4.999955890e-01, v4;
	[tilespmem:$0x1FCA0] =	vst v5;
	v5 =	vcvt.f32.s32 v33  }
0x17c: {  	v49 =	vmul.f32 v36, v2;
	v46 =	vmul.f32 $6.283185480e+00, v11;
	v32 =	vsub.f32 v27, v13  }
0x17d: {  	v4 =	vmul.f32 v4, v6;
	v5 =	vcvt.s32.f32 v5  }
0x17e: {  	v48 =	vcvt.s32.f32 v12;
	v34 =	vmul.f32 $6.283185480e+00, v32  }
0x17f: {  	v38 =	vld [tilespmem:s14+$0x0];
	v51 =	vtrunc.f32 v49;
	[tilespmem:$0x1FCB0] =	vst v4;
	v4 =	vadd.f32 $1.386274700e-03, v31;
	v5 =	vsub.f32 v30, v5  }
0x180: {  	v14 =	vcvt.f32.s32 v51;
	v10 =	vcvt.f32.s32 v37;
	v6 =	vsub.f32 $3.141592740e+00, v34  }
0x181: {  	v4 =	vmul.f32 v4, v8;
	v5 =	vmul.f32 $6.283185480e+00, v5  }
0x182: {  	v11 =	vsub.f32 v42, v48;
	v10 =	vcvt.s32.f32 v10;
	v6 =	vmul.f32 v6, v6  }
0x183: {  	v22 =	vbroadcast v44, $0xF;
	v4 =	vadd.f32 $-4.166103150e-02, v4;
	v5 =	vsub.f32 $3.141592740e+00, v5  }
0x184: {  	v44 =	vcvt.s32.f32 v38;
	v7 =	vsub.f32 v35, v10;
	v40 =	vmul.f32 $2.219393590e-07, v6  }
0x185: {  	v4 =	vmul.f32 v4, v8;
	v5 =	vmul.f32 v5, v5  }
0x186: {  	v11 =	vmul.f32 $6.283185480e+00, v11;
	v7 =	vmul.f32 $6.283185480e+00, v7  }
0x187: {  	v41 =	vadd.f32 $-2.425318960e-05, v40;
	v4 =	vadd.f32 $4.999955890e-01, v4;
	v45 =	vmul.f32 $2.219393590e-07, v5  }
0x188: {  	v14 =	vcvt.s32.f32 v14;
	v11 =	vsub.f32 $3.141592740e+00, v11;
	v7 =	vsub.f32 $3.141592740e+00, v7  }
0x189: {  	v10 =	vmul.f32 v41, v6;
	v4 =	vmul.f32 v4, v8;
	v47 =	vadd.f32 $-2.425318960e-05, v45  }
0x18a: {  	v42 =	vbroadcast v44, $0x0;
	v12 =	vsub.f32 v49, v14;
	v11 =	vmul.f32 v11, v11  }
0x18b: {  	v7 =	vmul.f32 v7, v7;
	[tilespmem:$0x1FCC0] =	vst v4;
	v4 =	vadd.f32 $1.386274700e-03, v10;
	v10 =	vmul.f32 v47, v5  }
0x18c: {  	v12 =	vmul.f32 $6.283185480e+00, v12;
	v61 =	vmul.f32 $2.219393590e-07, v11  }
0x18d: {  	v50 =	vmul.f32 $2.219393590e-07, v7;
	v8 =	vsub.f32 $3.141592740e+00, v46;
	v10 =	vadd.f32 $1.386274700e-03, v10  }
0x18e: {  	v28 =	vmul.f32 v22, v1;
	v24 =	vmul.f32 v22, v56  }
0x18f: {  	v13 =	vadd.f32 $-2.425318960e-05, v50;
	v8 =	vmul.f32 v8, v8;
	v10 =	vmul.f32 v10, v5  }
0x190: {  	v27 =	vtrunc.f32 v24;
	v4 =	vmul.f32 v4, v6  }
0x191: {  	v13 =	vmul.f32 v13, v7;
	v52 =	vmul.f32 $2.219393590e-07, v8;
	v10 =	vadd.f32 $-4.166103150e-02, v10  }
0x192: {  	v9 =	vmul.f32 v36, v3;
	v32 =	vmul.f32 v22, v2;
	v4 =	vadd.f32 $-4.166103150e-02, v4  }
0x193: {  	v13 =	vadd.f32 $1.386274700e-03, v13;
	v15 =	vadd.f32 $-2.425318960e-05, v52;
	v10 =	vmul.f32 v10, v5  }
0x194: {  	v33 =	vtrunc.f32 v32;
	v4 =	vmul.f32 v4, v6  }
0x195: {  	v13 =	vmul.f32 v13, v7;
	v60 =	vmul.f32 v15, v8;
	v10 =	vadd.f32 $4.999955890e-01, v10  }
0x196: {  	v23 =	vtrunc.f32 v9;
	v34 =	vcvt.f32.s32 v33;
	v4 =	vadd.f32 $4.999955890e-01, v4  }
0x197: {  	v18 =	vadd.f32 $-4.166103150e-02, v13;
	v14 =	vadd.f32 $1.386274700e-03, v60;
	v5 =	vmul.f32 v10, v5  }
0x198: {  	v17 =	vsub.f32 $3.141592740e+00, v12;
	v31 =	vtrunc.f32 v28;
	v4 =	vmul.f32 v4, v6  }
0x199: {  	v19 =	vmul.f32 v14, v8;
	[tilespmem:$0x1FCE0] =	vst v5;
	v5 =	vmul.f32 v18, v7  }
0x19a: {  	v35 =	vmul.f32 v22, v3;
	v6 =	vmul.f32 v17, v17;
	[tilespmem:$0x1FCD0] =	vst v4;
	v4 =	vadd.f32 $-2.425318960e-05, v61  }
0x19b: {  	v45 =	vmul.f32 v42, v56;
	v20 =	vadd.f32 $-4.166103150e-02, v19;
	v5 =	vadd.f32 $4.999955890e-01, v5  }
0x19c: {  	v21 =	vmul.f32 $2.219393590e-07, v6;
	v4 =	vmul.f32 v4, v11  }
0x19d: {  	v10 =	vmul.f32 v20, v8;
	v5 =	vmul.f32 v5, v7  }
0x19e: {  	v46 =	vtrunc.f32 v45;
	v12 =	vadd.f32 $-2.425318960e-05, v21;
	v4 =	vadd.f32 $1.386274700e-03, v4  }
0x19f: {  	v15 =	vcvt.f32.s32 v46;
	v14 =	vcvt.f32.s32 v23;
	[tilespmem:$0x1FCF0] =	vst v5;
	v5 =	vadd.f32 $4.999955890e-01, v10  }
0x1a0: {  	v25 =	vmul.f32 v12, v6;
	v4 =	vmul.f32 v4, v11  }
0x1a1: {  	v12 =	vcvt.f32.s32 v27;
	v5 =	vmul.f32 v5, v8  }
0x1a2: {  	v37 =	vtrunc.f32 v35;
	v15 =	vcvt.s32.f32 v15;
	v4 =	vadd.f32 $-4.166103150e-02, v4  }
0x1a3: {  	v26 =	vcvt.s32.f32 v14;
	v30 =	vcvt.s32.f32 v12;
	[tilespmem:$0x1FD00] =	vst v5;
	v5 =	vadd.f32 $1.386274700e-03, v25  }
0x1a4: {  	v52 =	vmul.f32 v42, v1;
	v14 =	vsub.f32 v45, v15;
	v4 =	vmul.f32 v4, v11  }
0x1a5: {  	v29 =	vsub.f32 v9, v26;
	v8 =	vsub.f32 v24, v30;
	v5 =	vmul.f32 v5, v6  }
0x1a6: {  	v9 =	vcvt.f32.s32 v31;
	v50 =	vmul.f32 $6.283185480e+00, v14;
	v4 =	vadd.f32 $4.999955890e-01, v4  }
0x1a7: {  	v20 =	vmul.f32 v42, v2;
	v8 =	vmul.f32 $6.283185480e+00, v8;
	v5 =	vadd.f32 $-4.166103150e-02, v5  }
0x1a8: {  	v9 =	vcvt.s32.f32 v9;
	v4 =	vmul.f32 v4, v11  }
0x1a9: {  	v21 =	vtrunc.f32 v52;
	v8 =	vsub.f32 $3.141592740e+00, v8;
	v5 =	vmul.f32 v5, v6  }
0x1aa: {  	v26 =	vmul.f32 v42, v3;
	v7 =	vmul.f32 $6.283185480e+00, v29;
	[tilespmem:$0x1FD10] =	vst v4;
	v4 =	vsub.f32 v28, v9  }
0x1ab: {  	v12 =	vcvt.f32.s32 v37;
	v8 =	vmul.f32 v8, v8;
	v5 =	vadd.f32 $4.999955890e-01, v5  }
0x1ac: {  	v7 =	vsub.f32 $3.141592740e+00, v7;
	v9 =	vcvt.s32.f32 v34;
	v4 =	vmul.f32 $6.283185480e+00, v4  }
0x1ad: {  	v39 =	vmul.f32 $2.219393590e-07, v8;
	v5 =	vmul.f32 v5, v6  }
0x1ae: {  	v14 =	vcvt.f32.s32 v21;
	v7 =	vmul.f32 v7, v7;
	v9 =	vsub.f32 v32, v9  }
0x1af: {  	v40 =	vcvt.s32.f32 v12;
	v4 =	vsub.f32 $3.141592740e+00, v4;
	[tilespmem:$0x1FD20] =	vst v5;
	v5 =	vadd.f32 $-2.425318960e-05, v39  }
0x1b0: {  	v36 =	vmul.f32 $2.219393590e-07, v7;
	v9 =	vmul.f32 $6.283185480e+00, v9  }
0x1b1: {  	v4 =	vmul.f32 v4, v4;
	v6 =	vsub.f32 v35, v40;
	v5 =	vmul.f32 v5, v8  }
0x1b2: {  	v22 =	vtrunc.f32 v20;
	v10 =	vadd.f32 $-2.425318960e-05, v36;
	v9 =	vsub.f32 $3.141592740e+00, v9  }
0x1b3: {  	v41 =	vmul.f32 $2.219393590e-07, v4;
	v6 =	vmul.f32 $6.283185480e+00, v6;
	v5 =	vadd.f32 $1.386274700e-03, v5  }
0x1b4: {  	v10 =	vmul.f32 v10, v7;
	v9 =	vmul.f32 v9, v9  }
0x1b5: {  	v11 =	vadd.f32 $-2.425318960e-05, v41;
	v6 =	vsub.f32 $3.141592740e+00, v6;
	v5 =	vmul.f32 v5, v8  }
0x1b6: {  	v15 =	vcvt.f32.s32 v22;
	v10 =	vadd.f32 $1.386274700e-03, v10;
	v43 =	vmul.f32 $2.219393590e-07, v9  }
0x1b7: {  	v11 =	vmul.f32 v11, v4;
	v6 =	vmul.f32 v6, v6;
	v5 =	vadd.f32 $-4.166103150e-02, v5  }
0x1b8: {  	v29 =	vbroadcast v44, $0x1;
	v10 =	vmul.f32 v10, v7;
	v13 =	vadd.f32 $-2.425318960e-05, v43  }
0x1b9: {  	v11 =	vadd.f32 $1.386274700e-03, v11;
	v47 =	vmul.f32 $2.219393590e-07, v6;
	v5 =	vmul.f32 v5, v8  }
0x1ba: {  	v31 =	vmul.f32 v29, v56;
	v10 =	vadd.f32 $-4.166103150e-02, v10;
	v13 =	vmul.f32 v13, v9  }
0x1bb: {  	v11 =	vmul.f32 v11, v4;
	v16 =	vadd.f32 $-2.425318960e-05, v47;
	v5 =	vadd.f32 $4.999955890e-01, v5  }
0x1bc: {  	v33 =	vmul.f32 v29, v1;
	v10 =	vmul.f32 v10, v7;
	v13 =	vadd.f32 $1.386274700e-03, v13  }
0x1bd: {  	v11 =	vadd.f32 $-4.166103150e-02, v11;
	v48 =	vmul.f32 v16, v6;
	v5 =	vmul.f32 v5, v8  }
0x1be: {  	v42 =	vmul.f32 v29, v2;
	v10 =	vadd.f32 $4.999955890e-01, v10;
	v13 =	vmul.f32 v13, v9  }
0x1bf: {  	v25 =	vcvt.s32.f32 v15;
	v51 =	vadd.f32 $1.386274700e-03, v48;
	[tilespmem:$0x1FD40] =	vst v5;
	v5 =	vmul.f32 v11, v4  }
0x1c0: {  	v7 =	vmul.f32 v10, v7;
	v10 =	vsub.f32 $3.141592740e+00, v50;
	v49 =	vadd.f32 $-4.166103150e-02, v13  }
0x1c1: {  	v28 =	vtrunc.f32 v26;
	v8 =	vmul.f32 v51, v6;
	v5 =	vadd.f32 $4.999955890e-01, v5  }
0x1c2: {  	v27 =	vsub.f32 v20, v25;
	[tilespmem:$0x1FD30] =	vst v7;
	v10 =	vmul.f32 v10, v10;
	v7 =	vmul.f32 v49, v9  }
0x1c3: {  	v32 =	vtrunc.f32 v31;
	v60 =	vmul.f32 v5, v4;
	v4 =	vadd.f32 $-4.166103150e-02, v8  }
0x1c4: {  	v35 =	vtrunc.f32 v33;
	v23 =	vmul.f32 $2.219393590e-07, v10;
	v7 =	vadd.f32 $4.999955890e-01, v7  }
0x1c5: {  	v5 =	vcvt.s32.f32 v14;
	v4 =	vmul.f32 v4, v6  }
0x1c6: {  	v24 =	vadd.f32 $-2.425318960e-05, v23;
	v61 =	vmul.f32 v7, v9;
	v7 =	vmul.f32 $6.283185480e+00, v27  }
0x1c7: {  	v9 =	vcvt.f32.s32 v28;
	v5 =	vsub.f32 v52, v5;
	v4 =	vadd.f32 $4.999955890e-01, v4  }
0x1c8: {  	v11 =	vcvt.f32.s32 v32;
	v8 =	vmul.f32 v24, v10  }
0x1c9: {  	v5 =	vmul.f32 $6.283185480e+00, v5;
	v4 =	vmul.f32 v4, v6  }
0x1ca: {  	v43 =	vtrunc.f32 v42;
	v7 =	vsub.f32 $3.141592740e+00, v7;
	v30 =	vcvt.s32.f32 v9  }
0x1cb: {  	v11 =	vcvt.s32.f32 v11;
	v5 =	vsub.f32 $3.141592740e+00, v5;
	[tilespmem:$0x1FD60] =	vst v4;
	v4 =	vadd.f32 $1.386274700e-03, v8  }
0x1cc: {  	v7 =	vmul.f32 v7, v7;
	v14 =	vcvt.f32.s32 v35  }
0x1cd: {  	v9 =	vsub.f32 v31, v11;
	v5 =	vmul.f32 v5, v5;
	v4 =	vmul.f32 v4, v10  }
0x1ce: {  	v36 =	vmul.f32 $2.219393590e-07, v7;
	v14 =	vcvt.s32.f32 v14;
	v8 =	vsub.f32 v26, v30  }
0x1cf: {  	v9 =	vmul.f32 $6.283185480e+00, v9;
	v34 =	vmul.f32 $2.219393590e-07, v5;
	v4 =	vadd.f32 $-4.166103150e-02, v4  }
0x1d0: {  	v15 =	vadd.f32 $-2.425318960e-05, v36;
	v12 =	vsub.f32 v33, v14;
	v8 =	vmul.f32 $6.283185480e+00, v8  }
0x1d1: {  	v9 =	vsub.f32 $3.141592740e+00, v9;
	v13 =	vadd.f32 $-2.425318960e-05, v34;
	v4 =	vmul.f32 v4, v10  }
0x1d2: {  	v14 =	vcvt.f32.s32 v43;
	v38 =	vmul.f32 v15, v7;
	v8 =	vsub.f32 $3.141592740e+00, v8  }
0x1d3: {  	v40 =	vmul.f32 $6.283185480e+00, v12;
	v37 =	vmul.f32 v13, v5;
	v4 =	vadd.f32 $4.999955890e-01, v4  }
0x1d4: {  	v9 =	vmul.f32 v9, v9;
	v8 =	vmul.f32 v8, v8  }
0x1d5: {  	v14 =	vcvt.s32.f32 v14;
	v11 =	vadd.f32 $1.386274700e-03, v37;
	v4 =	vmul.f32 v4, v10  }
0x1d6: {  	v6 =	vmul.f32 v29, v3;
	v39 =	vmul.f32 $2.219393590e-07, v8  }
0x1d7: {  	v11 =	vmul.f32 v11, v5;
	v10 =	vsub.f32 $3.141592740e+00, v40;
	[tilespmem:$0x1FD80] =	vst v4;
	v4 =	vadd.f32 $1.386274700e-03, v38  }
0x1d8: {  	v45 =	vmul.f32 $2.219393590e-07, v9;
	v52 =	vtrunc.f32 v6;
	v41 =	vadd.f32 $-2.425318960e-05, v39  }
0x1d9: {  	v11 =	vadd.f32 $-4.166103150e-02, v11;
	v10 =	vmul.f32 v10, v10;
	v4 =	vmul.f32 v4, v7  }
0x1da: {  	v15 =	vadd.f32 $-2.425318960e-05, v45;
	v37 =	vbroadcast v44, $0x3;
	v12 =	vmul.f32 v41, v8  }
0x1db: {  	v11 =	vmul.f32 v11, v5;
	v46 =	vmul.f32 $2.219393590e-07, v10;
	v4 =	vadd.f32 $-4.166103150e-02, v4  }
0x1dc: {  	v48 =	vmul.f32 v15, v9;
	v40 =	vmul.f32 v37, v56;
	v12 =	vadd.f32 $1.386274700e-03, v12  }
0x1dd: {  	v11 =	vadd.f32 $4.999955890e-01, v11;
	v16 =	vadd.f32 $-2.425318960e-05, v46;
	v4 =	vmul.f32 v4, v7  }
0x1de: {  	v45 =	vtrunc.f32 v40;
	v12 =	vmul.f32 v12, v8  }
0x1df: {  	v5 =	vmul.f32 v11, v5;
	v49 =	vmul.f32 v16, v10;
	v4 =	vadd.f32 $4.999955890e-01, v4  }
0x1e0: {  	v47 =	vadd.f32 $-4.166103150e-02, v12;
	v12 =	vcvt.f32.s32 v52;
	v16 =	vbroadcast v44, $0x2  }
0x1e1: {  	v46 =	vmul.f32 v37, v1;
	[tilespmem:$0x1FD90] =	vst v5;
	v5 =	vsub.f32 v42, v14;
	v4 =	vmul.f32 v4, v7  }
0x1e2: {  	v12 =	vcvt.s32.f32 v12;
	v18 =	vmul.f32 v16, v56  }
0x1e3: {  	v51 =	vadd.f32 $1.386274700e-03, v49;
	v5 =	vmul.f32 $6.283185480e+00, v5;
	[tilespmem:$0x1FDA0] =	vst v4;
	v4 =	vmul.f32 v47, v8  }
0x1e4: {  	v50 =	vadd.f32 $1.386274700e-03, v48;
	v21 =	vmul.f32 v16, v1;
	v25 =	vmul.f32 v16, v2  }
0x1e5: {  	v11 =	vmul.f32 v51, v10;
	v5 =	vsub.f32 $3.141592740e+00, v5;
	v4 =	vadd.f32 $4.999955890e-01, v4  }
0x1e6: {  	v26 =	vmul.f32 v16, v3;
	v7 =	vmul.f32 v50, v9  }
0x1e7: {  	v11 =	vadd.f32 $-4.166103150e-02, v11;
	v5 =	vmul.f32 v5, v5;
	v4 =	vmul.f32 v4, v8  }
0x1e8: {  	v20 =	vtrunc.f32 v18;
	v23 =	vtrunc.f32 v21  }
0x1e9: {  	v6 =	vsub.f32 v6, v12;
	v17 =	vmul.f32 $2.219393590e-07, v5;
	[tilespmem:$0x1FDB0] =	vst v4;
	v4 =	vmul.f32 v11, v10  }
0x1ea: {  	v27 =	vtrunc.f32 v25;
	v28 =	vtrunc.f32 v26;
	v7 =	vadd.f32 $-4.166103150e-02, v7  }
0x1eb: {  	v6 =	vmul.f32 $6.283185480e+00, v6;
	v19 =	vadd.f32 $-2.425318960e-05, v17;
	v4 =	vadd.f32 $4.999955890e-01, v4  }
0x1ec: {  	v51 =	vmul.f32 v37, v2;
	v7 =	vmul.f32 v7, v9  }
0x1ed: {  	v6 =	vsub.f32 $3.141592740e+00, v6;
	v8 =	vmul.f32 v19, v5;
	v4 =	vmul.f32 v4, v10  }
0x1ee: {  	v13 =	vcvt.f32.s32 v27;
	v14 =	vcvt.f32.s32 v28;
	v7 =	vadd.f32 $4.999955890e-01, v7  }
0x1ef: {  	v47 =	vtrunc.f32 v46;
	v6 =	vmul.f32 v6, v6;
	[tilespmem:$0x1FDD0] =	vst v4;
	v4 =	vadd.f32 $1.386274700e-03, v8  }
0x1f0: {  	v7 =	vmul.f32 v7, v9;
	v9 =	vcvt.f32.s32 v23  }
0x1f1: {  	v24 =	vmul.f32 $2.219393590e-07, v6;
	v4 =	vmul.f32 v4, v5  }
0x1f2: {  	v16 =	vtrunc.f32 v51;
	v11 =	vcvt.f32.s32 v20  }
0x1f3: {  	v9 =	vcvt.s32.f32 v9;
	v10 =	vadd.f32 $-2.425318960e-05, v24;
	v4 =	vadd.f32 $-4.166103150e-02, v4  }
0x1f4: {  	v29 =	vcvt.s32.f32 v13;
	v22 =	vcvt.s32.f32 v11  }
0x1f5: {  	[tilespmem:$0x1FDC0] =	vst v7;
	v7 =	vsub.f32 v21, v9;
	v10 =	vmul.f32 v10, v6;
	v4 =	vmul.f32 v4, v5  }
0x1f6: {  	v30 =	vcvt.s32.f32 v14;
	v13 =	vcvt.f32.s32 v45;
	v8 =	vsub.f32 v18, v22  }
0x1f7: {  	v7 =	vmul.f32 $6.283185480e+00, v7;
	v10 =	vadd.f32 $1.386274700e-03, v10;
	v4 =	vadd.f32 $4.999955890e-01, v4  }
0x1f8: {  	v48 =	vcvt.f32.s32 v47;
	v9 =	vsub.f32 v25, v29;
	v8 =	vmul.f32 $6.283185480e+00, v8  }
0x1f9: {  	v7 =	vsub.f32 $3.141592740e+00, v7;
	v10 =	vmul.f32 v10, v6;
	v4 =	vmul.f32 v4, v5  }
0x1fa: {  	v31 =	vsub.f32 v26, v30;
	v9 =	vmul.f32 $6.283185480e+00, v9;
	v8 =	vsub.f32 $3.141592740e+00, v8  }
0x1fb: {  	v13 =	vcvt.s32.f32 v13;
	v10 =	vadd.f32 $-4.166103150e-02, v10;
	[tilespmem:$0x1FDE0] =	vst v4;
	v4 =	vmul.f32 v7, v7  }
0x1fc: {  	v11 =	vmul.f32 $6.283185480e+00, v31;
	v8 =	vmul.f32 v8, v8;
	v5 =	vsub.f32 $3.141592740e+00, v9  }
0x1fd: {  	v33 =	vmul.f32 v10, v6;
	v36 =	vmul.f32 $2.219393590e-07, v4  }
0x1fe: {  	v15 =	vcvt.s32.f32 v48;
	v35 =	vsub.f32 $3.141592740e+00, v11;
	v5 =	vmul.f32 v5, v5  }
0x1ff: {  	v32 =	vmul.f32 $2.219393590e-07, v8;
	v7 =	vadd.f32 $4.999955890e-01, v33;
	v11 =	vadd.f32 $-2.425318960e-05, v36  }
0x200: {  	v13 =	vsub.f32 v40, v13;
	v10 =	vmul.f32 v35, v35;
	v38 =	vmul.f32 $2.219393590e-07, v5  }
0x201: {  	v12 =	vadd.f32 $-2.425318960e-05, v32;
	v6 =	vmul.f32 v7, v6;
	v41 =	vmul.f32 v11, v4  }
0x202: {  	v49 =	vsub.f32 v46, v15;
	v17 =	vmul.f32 v37, v3;
	v39 =	vmul.f32 $2.219393590e-07, v10  }
0x203: {  	v34 =	vmul.f32 v12, v8;
	[tilespmem:$0x1FDF0] =	vst v6;
	v42 =	vadd.f32 $-2.425318960e-05, v38;
	v6 =	vadd.f32 $1.386274700e-03, v41  }
0x204: {  	v13 =	vmul.f32 $6.283185480e+00, v13;
	v52 =	vmul.f32 $6.283185480e+00, v49;
	v43 =	vadd.f32 $-2.425318960e-05, v39  }
0x205: {  	v9 =	vadd.f32 $1.386274700e-03, v34;
	v7 =	vmul.f32 v42, v5;
	v6 =	vmul.f32 v6, v4  }
0x206: {  	v19 =	vbroadcast v44, $0x4;
	v11 =	vmul.f32 v43, v10  }
0x207: {  	v9 =	vmul.f32 v9, v8;
	v7 =	vadd.f32 $1.386274700e-03, v7;
	v6 =	vadd.f32 $-4.166103150e-02, v6  }
0x208: {  	v21 =	vmul.f32 v19, v56;
	v23 =	vmul.f32 v19, v1;
	v11 =	vadd.f32 $1.386274700e-03, v11  }
0x209: {  	v9 =	vadd.f32 $-4.166103150e-02, v9;
	v7 =	vmul.f32 v7, v5;
	v6 =	vmul.f32 v6, v4  }
0x20a: {  	v50 =	vsub.f32 $3.141592740e+00, v13;
	v22 =	vtrunc.f32 v21;
	v11 =	vmul.f32 v11, v10  }
0x20b: {  	v9 =	vmul.f32 v9, v8;
	v7 =	vadd.f32 $-4.166103150e-02, v7;
	v6 =	vadd.f32 $4.999955890e-01, v6  }
0x20c: {  	v18 =	vtrunc.f32 v17;
	v13 =	vcvt.f32.s32 v22;
	v11 =	vadd.f32 $-4.166103150e-02, v11  }
0x20d: {  	v9 =	vadd.f32 $4.999955890e-01, v9;
	v7 =	vmul.f32 v7, v5;
	v4 =	vmul.f32 v6, v4  }
0x20e: {  	v13 =	vcvt.s32.f32 v13;
	v11 =	vmul.f32 v11, v10  }
0x20f: {  	v8 =	vmul.f32 v9, v8;
	v9 =	vmul.f32 v50, v50;
	[tilespmem:$0x1FE20] =	vst v4;
	v4 =	vadd.f32 $4.999955890e-01, v7  }
0x210: {  	v24 =	vtrunc.f32 v23;
	v33 =	vmul.f32 v19, v2;
	v14 =	vadd.f32 $4.999955890e-01, v11  }
0x211: {  	v12 =	vsub.f32 v21, v13;
	v15 =	vmul.f32 $2.219393590e-07, v9;
	v4 =	vmul.f32 v4, v5  }
0x212: {  	[tilespmem:$0x1FE00] =	vst v8;
	v8 =	vcvt.f32.s32 v18;
	v5 =	vmul.f32 v14, v10  }
0x213: {  	v12 =	vmul.f32 $6.283185480e+00, v12;
	v38 =	vtrunc.f32 v33;
	v6 =	vsub.f32 $3.141592740e+00, v52;
	[tilespmem:$0x1FE40] =	vst v4  }
0x214: {  	v8 =	vcvt.s32.f32 v8;
	v4 =	vcvt.f32.s32 v16;
	[tilespmem:$0x1FE60] =	vst v5;
	v5 =	vadd.f32 $-2.425318960e-05, v15  }
0x215: {  	v43 =	vbroadcast v44, $0x5;
	v6 =	vmul.f32 v6, v6  }
0x216: {  	v7 =	vsub.f32 v17, v8;
	v4 =	vcvt.s32.f32 v4;
	v5 =	vmul.f32 v5, v9  }
0x217: {  	v8 =	vcvt.f32.s32 v24;
	v20 =	vmul.f32 $2.219393590e-07, v6  }
0x218: {  	v7 =	vmul.f32 $6.283185480e+00, v7;
	v4 =	vsub.f32 v51, v4;
	v5 =	vadd.f32 $1.386274700e-03, v5  }
0x219: {  	v8 =	vcvt.s32.f32 v8;
	v10 =	vmul.f32 v19, v3;
	v11 =	vadd.f32 $-2.425318960e-05, v20  }
0x21a: {  	v4 =	vmul.f32 $6.283185480e+00, v4;
	v5 =	vmul.f32 v5, v9  }
0x21b: {  	v7 =	vsub.f32 $3.141592740e+00, v7;
	v8 =	vsub.f32 v23, v8;
	v11 =	vmul.f32 v11, v6  }
0x21c: {  	v47 =	vmul.f32 v43, v56;
	v4 =	vsub.f32 $3.141592740e+00, v4;
	v5 =	vadd.f32 $-4.166103150e-02, v5  }
0x21d: {  	v39 =	vtrunc.f32 v10;
	v8 =	vmul.f32 $6.283185480e+00, v8;
	v11 =	vadd.f32 $1.386274700e-03, v11  }
0x21e: {  	v12 =	vsub.f32 $3.141592740e+00, v12;
	v4 =	vmul.f32 v4, v4;
	v5 =	vmul.f32 v5, v9  }
0x21f: {  	v7 =	vmul.f32 v7, v7;
	v8 =	vsub.f32 $3.141592740e+00, v8;
	v11 =	vmul.f32 v11, v6  }
0x220: {  	v14 =	vcvt.f32.s32 v39;
	v25 =	vmul.f32 $2.219393590e-07, v4;
	v5 =	vadd.f32 $4.999955890e-01, v5  }
0x221: {  	v27 =	vmul.f32 $2.219393590e-07, v7;
	v8 =	vmul.f32 v8, v8;
	v11 =	vadd.f32 $-4.166103150e-02, v11  }
0x222: {  	v42 =	vcvt.s32.f32 v14;
	v26 =	vadd.f32 $-2.425318960e-05, v25;
	v5 =	vmul.f32 v5, v9  }
0x223: {  	v30 =	vadd.f32 $-2.425318960e-05, v27;
	v32 =	vmul.f32 $2.219393590e-07, v8;
	v28 =	vmul.f32 v11, v6  }
0x224: {  	v13 =	vmul.f32 v26, v4;
	[tilespmem:$0x1FE80] =	vst v5;
	v5 =	vmul.f32 v12, v12  }
0x225: {  	v51 =	vmul.f32 v43, v2;
	v37 =	vadd.f32 $-2.425318960e-05, v32;
	v12 =	vmul.f32 v30, v7  }
0x226: {  	v9 =	vadd.f32 $4.999955890e-01, v28;
	v13 =	vadd.f32 $1.386274700e-03, v13;
	v31 =	vmul.f32 $2.219393590e-07, v5  }
0x227: {  	v28 =	vbroadcast v44, $0x6;
	v35 =	vadd.f32 $1.386274700e-03, v12;
	v12 =	vmul.f32 v37, v8  }
0x228: {  	v16 =	vtrunc.f32 v51;
	v29 =	vmul.f32 v13, v4;
	v13 =	vadd.f32 $-2.425318960e-05, v31  }
0x229: {  	v6 =	vmul.f32 v9, v6;
	v32 =	vmul.f32 v28, v56;
	v12 =	vadd.f32 $1.386274700e-03, v12  }
0x22a: {  	v9 =	vmul.f32 v35, v7;
	v36 =	vmul.f32 v13, v5  }
0x22b: {  	v11 =	vadd.f32 $-4.166103150e-02, v29;
	v13 =	vcvt.f32.s32 v38;
	v40 =	vmul.f32 v12, v8  }
0x22c: {  	v9 =	vadd.f32 $-4.166103150e-02, v9;
	v12 =	vcvt.f32.s32 v16;
	v38 =	vmul.f32 v28, v2  }
0x22d: {  	v34 =	vmul.f32 v11, v4;
	v11 =	vadd.f32 $1.386274700e-03, v36;
	v13 =	vcvt.s32.f32 v13  }
0x22e: {  	v9 =	vmul.f32 v9, v7;
	v12 =	vcvt.s32.f32 v12  }
0x22f: {  	[tilespmem:$0x1FE90] =	vst v6;
	v6 =	vadd.f32 $4.999955890e-01, v34;
	v11 =	vmul.f32 v11, v5;
	v13 =	vsub.f32 v33, v13  }
0x230: {  	v9 =	vadd.f32 $4.999955890e-01, v9;
	v33 =	vmul.f32 v28, v1;
	v34 =	vtrunc.f32 v32  }
0x231: {  	v15 =	vcvt.f32.s32 v34;
	v4 =	vmul.f32 v6, v4  }
0x232: {  	v45 =	vsub.f32 v10, v42;
	v41 =	vmul.f32 $6.283185480e+00, v13;
	v7 =	vmul.f32 v9, v7  }
0x233: {  	v13 =	vmul.f32 v43, v3;
	v35 =	vtrunc.f32 v33;
	[tilespmem:$0x1FEA0] =	vst v4;
	v4 =	vadd.f32 $-4.166103150e-02, v11  }
0x234: {  	v6 =	vadd.f32 $-4.166103150e-02, v40;
	v40 =	vtrunc.f32 v38;
	v16 =	vcvt.f32.s32 v35  }
0x235: {  	v15 =	vcvt.s32.f32 v15;
	v4 =	vmul.f32 v4, v5  }
0x236: {  	[tilespmem:$0x1FEB0] =	vst v7;
	v46 =	vsub.f32 $3.141592740e+00, v41;
	v6 =	vmul.f32 v6, v8;
	v7 =	vmul.f32 $6.283185480e+00, v45  }
0x237: {  	v19 =	vtrunc.f32 v13;
	v41 =	vmul.f32 v28, v3;
	v4 =	vadd.f32 $4.999955890e-01, v4  }
0x238: {  	v11 =	vcvt.f32.s32 v19;
	v9 =	vmul.f32 v46, v46  }
0x239: {  	v16 =	vcvt.s32.f32 v16;
	v4 =	vmul.f32 v4, v5  }
0x23a: {  	v48 =	vsub.f32 $3.141592740e+00, v7;
	v49 =	vmul.f32 $2.219393590e-07, v9;
	v5 =	vtrunc.f32 v47  }
0x23b: {  	v42 =	vtrunc.f32 v41;
	v5 =	vcvt.f32.s32 v5;
	[tilespmem:$0x1FEC0] =	vst v4;
	v4 =	vadd.f32 $4.999955890e-01, v6  }
0x23c: {  	v11 =	vcvt.s32.f32 v11;
	v7 =	vadd.f32 $-2.425318960e-05, v49;
	v6 =	vmul.f32 v48, v48  }
0x23d: {  	v5 =	vcvt.s32.f32 v5;
	v4 =	vmul.f32 v4, v8  }
0x23e: {  	v46 =	vbroadcast v44, $0x7;
	v11 =	vsub.f32 v13, v11;
	v7 =	vmul.f32 v7, v9  }
0x23f: {  	v52 =	vmul.f32 $2.219393590e-07, v6;
	v5 =	vsub.f32 v47, v5;
	[tilespmem:$0x1FED0] =	vst v4;
	v4 =	vmul.f32 v43, v1  }
0x240: {  	v13 =	vmul.f32 v46, v56;
	v11 =	vmul.f32 $6.283185480e+00, v11;
	v7 =	vadd.f32 $1.386274700e-03, v7  }
0x241: {  	v10 =	vadd.f32 $-2.425318960e-05, v52;
	v5 =	vmul.f32 $6.283185480e+00, v5;
	v50 =	vtrunc.f32 v4  }
0x242: {  	v18 =	vsub.f32 v51, v12;
	v49 =	vtrunc.f32 v13;
	v8 =	vcvt.f32.s32 v50  }
0x243: {  	v7 =	vmul.f32 v7, v9;
	v17 =	vmul.f32 v10, v6;
	v5 =	vsub.f32 $3.141592740e+00, v5  }
0x244: {  	v10 =	vmul.f32 $6.283185480e+00, v18;
	v8 =	vcvt.s32.f32 v8  }
0x245: {  	v52 =	vmul.f32 v46, v2;
	v7 =	vadd.f32 $-4.166103150e-02, v7;
	v5 =	vmul.f32 v5, v5  }
0x246: {  	v50 =	vmul.f32 v46, v1;
	v10 =	vsub.f32 $3.141592740e+00, v10;
	v4 =	vsub.f32 v4, v8  }
0x247: {  	v7 =	vmul.f32 v7, v9;
	v20 =	vmul.f32 $2.219393590e-07, v5;
	v8 =	vadd.f32 $1.386274700e-03, v17  }
0x248: {  	v24 =	vsub.f32 $3.141592740e+00, v11;
	v10 =	vmul.f32 v10, v10;
	v4 =	vmul.f32 $6.283185480e+00, v4  }
0x249: {  	v7 =	vadd.f32 $4.999955890e-01, v7;
	v12 =	vadd.f32 $-2.425318960e-05, v20;
	v8 =	vmul.f32 v8, v6  }
0x24a: {  	v51 =	vtrunc.f32 v50;
	v22 =	vmul.f32 $2.219393590e-07, v10;
	v4 =	vsub.f32 $3.141592740e+00, v4  }
0x24b: {  	v7 =	vmul.f32 v7, v9;
	v12 =	vmul.f32 v12, v5;
	v8 =	vadd.f32 $-4.166103150e-02, v8  }
0x24c: {  	v9 =	vmul.f32 v24, v24;
	v4 =	vmul.f32 v4, v4  }
0x24d: {  	v26 =	vadd.f32 $-2.425318960e-05, v22;
	v12 =	vadd.f32 $1.386274700e-03, v12;
	v8 =	vmul.f32 v8, v6  }
0x24e: {  	v22 =	vbroadcast v44, $0x9;
	v21 =	vmul.f32 $2.219393590e-07, v4  }
0x24f: {  	v25 =	vmul.f32 v12, v5;
	v8 =	vadd.f32 $4.999955890e-01, v8;
	v12 =	vmul.f32 v26, v10  }
0x250: {  	v27 =	vmul.f32 $2.219393590e-07, v9;
	v26 =	vmul.f32 v22, v56;
	v23 =	vadd.f32 $-2.425318960e-05, v21  }
0x251: {  	v11 =	vadd.f32 $-4.166103150e-02, v25;
	v6 =	vmul.f32 v8, v6;
	v30 =	vadd.f32 $1.386274700e-03, v12  }
0x252: {  	v12 =	vsub.f32 v32, v15;
	v28 =	vtrunc.f32 v26;
	v32 =	vbroadcast v44, $0xA  }
0x253: {  	[tilespmem:$0x1FEE0] =	vst v7;
	v31 =	vadd.f32 $-2.425318960e-05, v27;
	v28 =	vcvt.f32.s32 v28;
	v7 =	vmul.f32 v23, v4  }
0x254: {  	v29 =	vmul.f32 v11, v5;
	v8 =	vmul.f32 v30, v10  }
0x255: {  	v11 =	vmul.f32 v31, v9;
	v37 =	vmul.f32 $6.283185480e+00, v12  }
0x256: {  	v31 =	vmul.f32 v22, v2;
	v35 =	vmul.f32 v32, v56;
	v7 =	vadd.f32 $1.386274700e-03, v7  }
0x257: {  	v28 =	vcvt.s32.f32 v28;
	v8 =	vadd.f32 $-4.166103150e-02, v8;
	v11 =	vadd.f32 $1.386274700e-03, v11  }
0x258: {  	[tilespmem:$0x1FEF0] =	vst v6;
	v6 =	vadd.f32 $4.999955890e-01, v29;
	v29 =	vmul.f32 v22, v1;
	v22 =	vmul.f32 v22, v3  }
0x259: {  	v39 =	vsub.f32 $3.141592740e+00, v37;
	v37 =	vmul.f32 v32, v1;
	v7 =	vmul.f32 v7, v4  }
0x25a: {  	v8 =	vmul.f32 v8, v10;
	v11 =	vmul.f32 v11, v9  }
0x25b: {  	v5 =	vmul.f32 v6, v5;
	v23 =	vmul.f32 v39, v39  }
0x25c: {  	v6 =	vcvt.f32.s32 v42;
	v30 =	vtrunc.f32 v29  }
0x25d: {  	v34 =	vtrunc.f32 v22;
	v39 =	vmul.f32 v32, v2;
	v7 =	vadd.f32 $-4.166103150e-02, v7  }
0x25e: {  	v32 =	vmul.f32 v32, v3;
	v30 =	vcvt.f32.s32 v30  }
0x25f: {  	v34 =	vcvt.f32.s32 v34;
	[tilespmem:$0x1FF10] =	vst v5;
	v7 =	vmul.f32 v7, v4  }
0x260: {  	v5 =	vadd.f32 $4.999955890e-01, v8;
	v36 =	vadd.f32 $-4.166103150e-02, v11;
	v43 =	vmul.f32 $2.219393590e-07, v23  }
0x261: {  	v6 =	vcvt.s32.f32 v6;
	v11 =	vmul.f32 v46, v3;
	v7 =	vadd.f32 $4.999955890e-01, v7  }
0x262: {  	v42 =	vtrunc.f32 v32;
	v5 =	vmul.f32 v5, v10  }
0x263: {  	v46 =	vtrunc.f32 v11;
	v4 =	vmul.f32 v7, v4  }
0x264: {  	v30 =	vcvt.s32.f32 v30;
	v15 =	vcvt.f32.s32 v46;
	[tilespmem:$0x1FF30] =	vst v5  }
0x265: {  	v34 =	vcvt.s32.f32 v34;
	v5 =	vmul.f32 v36, v9;
	[tilespmem:$0x1FF20] =	vst v4;
	v4 =	vsub.f32 v33, v16  }
0x266: {  	v36 =	vtrunc.f32 v35;
	v15 =	vcvt.s32.f32 v15  }
0x267: {  	v36 =	vcvt.f32.s32 v36;
	v4 =	vmul.f32 $6.283185480e+00, v4  }
0x268: {  	v7 =	vcvt.f32.s32 v40;
	v40 =	vbroadcast v44, $0xB  }
0x269: {  	v36 =	vcvt.s32.f32 v36;
	v33 =	vtrunc.f32 v31;
	v4 =	vsub.f32 $3.141592740e+00, v4  }
0x26a: {  	v46 =	vmul.f32 v40, v1;
	v33 =	vcvt.f32.s32 v33  }
0x26b: {  	v20 =	vmul.f32 v4, v4;
	v4 =	vcvt.s32.f32 v7;
	v7 =	vadd.f32 $-2.425318960e-05, v43  }
0x26c: {  	v33 =	vcvt.s32.f32 v33;
	v43 =	vbroadcast v44, $0x8  }
0x26d: {  	v45 =	vmul.f32 $2.219393590e-07, v20;
	v7 =	vmul.f32 v7, v23  }
0x26e: {  	v5 =	vadd.f32 $4.999955890e-01, v5;
	v16 =	vmul.f32 v43, v56;
	v18 =	vmul.f32 v43, v1  }
0x26f: {  	v4 =	vsub.f32 v38, v4;
	v21 =	vmul.f32 v43, v2;
	v38 =	vtrunc.f32 v37  }
0x270: {  	v12 =	vmul.f32 v43, v3;
	v38 =	vcvt.f32.s32 v38  }
0x271: {  	v8 =	vadd.f32 $-2.425318960e-05, v45;
	v47 =	vmul.f32 $6.283185480e+00, v4;
	v4 =	vmul.f32 v5, v9  }
0x272: {  	v5 =	vsub.f32 v41, v6;
	v6 =	vcvt.f32.s32 v51;
	v45 =	vtrunc.f32 v52  }
0x273: {  	v17 =	vtrunc.f32 v16;
	v19 =	vtrunc.f32 v18  }
0x274: {  	v24 =	vtrunc.f32 v21;
	v27 =	vtrunc.f32 v12  }
0x275: {  	v41 =	vtrunc.f32 v39;
	v14 =	vcvt.f32.s32 v45  }
0x276: {  	v17 =	vcvt.f32.s32 v17;
	v19 =	vcvt.f32.s32 v19  }
0x277: {  	v24 =	vcvt.f32.s32 v24;
	v27 =	vcvt.f32.s32 v27  }
0x278: {  	v38 =	vcvt.s32.f32 v38;
	v45 =	vmul.f32 v40, v56  }
0x279: {  	v7 =	vadd.f32 $1.386274700e-03, v7;
	v41 =	vcvt.f32.s32 v41;
	[tilespmem:$0x1FF40] =	vst v4;
	v4 =	vmul.f32 v8, v20  }
0x27a: {  	v8 =	vcvt.f32.s32 v49;
	v10 =	vmul.f32 $6.283185480e+00, v5  }
0x27b: {  	v6 =	vcvt.s32.f32 v6;
	v7 =	vmul.f32 v7, v23  }
0x27c: {  	v14 =	vcvt.s32.f32 v14;
	v17 =	vcvt.s32.f32 v17  }
0x27d: {  	v48 =	vsub.f32 $3.141592740e+00, v47;
	v19 =	vcvt.s32.f32 v19;
	v24 =	vcvt.s32.f32 v24  }
0x27e: {  	v27 =	vcvt.s32.f32 v27;
	v47 =	vtrunc.f32 v45  }
0x27f: {  	v25 =	vmul.f32 v48, v48;
	v5 =	vcvt.s32.f32 v8;
	v50 =	vsub.f32 v50, v6  }
0x280: {  	v49 =	vcvt.f32.s32 v47;
	v48 =	vbroadcast v44, $0xC;
	v10 =	vsub.f32 $3.141592740e+00, v10  }
0x281: {  	v14 =	vsub.f32 v52, v14;
	v8 =	vsub.f32 v16, v17;
	v16 =	vmul.f32 v40, v2  }
0x282: {  	v6 =	vsub.f32 v18, v19;
	v18 =	vmul.f32 v40, v3;
	v17 =	vsub.f32 v31, v33  }
0x283: {  	v33 =	vbroadcast v44, $0xD;
	v13 =	vsub.f32 v13, v5;
	v5 =	vcvt.f32.s32 v42  }
0x284: {  	v52 =	vsub.f32 v11, v15;
	v42 =	vcvt.s32.f32 v41;
	v47 =	vcvt.s32.f32 v49  }
0x285: {  	v9 =	vsub.f32 v12, v27;
	v19 =	vmul.f32 v48, v56;
	v27 =	vmul.f32 v48, v1  }
0x286: {  	v15 =	vsub.f32 v29, v30;
	v29 =	vmul.f32 v48, v2;
	v30 =	vmul.f32 v48, v3  }
0x287: {  	v11 =	vsub.f32 v26, v28;
	v10 =	vmul.f32 v10, v10;
	v41 =	vtrunc.f32 v18  }
0x288: {  	v28 =	vsub.f32 v22, v34;
	v34 =	vmul.f32 v33, v56;
	v43 =	vcvt.s32.f32 v5  }
0x289: {  	v5 =	vtrunc.f32 v46;
	v49 =	vtrunc.f32 v19  }
0x28a: {  	v51 =	vcvt.f32.s32 v5;
	v5 =	vsub.f32 v21, v24;
	v24 =	vtrunc.f32 v16  }
0x28b: {  	v40 =	vcvt.f32.s32 v24;
	v24 =	vcvt.f32.s32 v49  }
0x28c: {  	v49 =	vtrunc.f32 v29;
	v12 =	vcvt.s32.f32 v51  }
0x28d: {  	v42 =	vsub.f32 v39, v42;
	v51 =	vcvt.f32.s32 v41;
	v31 =	vcvt.f32.s32 v49  }
0x28e: {  	v41 =	vsub.f32 v37, v38;
	v38 =	vtrunc.f32 v34;
	v21 =	vcvt.s32.f32 v40  }
0x28f: {  	v24 =	vcvt.s32.f32 v24;
	v40 =	vsub.f32 v35, v36;
	v36 =	vtrunc.f32 v27  }
0x290: {  	v45 =	vsub.f32 v45, v47;
	v22 =	vcvt.s32.f32 v51;
	v26 =	vcvt.f32.s32 v36  }
0x291: {  	v51 =	vtrunc.f32 v30;
	v46 =	vsub.f32 v46, v12;
	v36 =	vcvt.s32.f32 v31  }
0x292: {  	v37 =	vcvt.f32.s32 v51;
	v47 =	vsub.f32 v16, v21;
	v21 =	vmul.f32 v33, v1  }
0x293: {  	v16 =	vcvt.f32.s32 v38;
	v26 =	vcvt.s32.f32 v26;
	v48 =	vsub.f32 v18, v22  }
0x294: {  	v22 =	vmul.f32 v33, v2;
	v12 =	vsub.f32 v29, v36;
	v39 =	vcvt.s32.f32 v37  }
0x295: {  	v49 =	vsub.f32 v19, v24;
	v24 =	vtrunc.f32 v21;
	v16 =	vcvt.s32.f32 v16  }
0x296: {  	[tilespmem:$0x1FD50] =	vst v12;
	v12 =	vmul.f32 v33, v3;
	v31 =	vtrunc.f32 v22  }
0x297: {  	v43 =	vsub.f32 v32, v43;
	v19 =	vcvt.f32.s32 v24;
	v33 =	vcvt.f32.s32 v31  }
0x298: {  	v18 =	vsub.f32 v30, v39;
	v39 =	vbroadcast v44, $0xE;
	v35 =	vtrunc.f32 v12  }
0x299: {  	v51 =	vsub.f32 v27, v26;
	v32 =	vcvt.s32.f32 v19;
	v26 =	vcvt.f32.s32 v35  }
0x29a: {  	v16 =	vsub.f32 v34, v16;
	v38 =	vcvt.s32.f32 v33;
	v27 =	vmul.f32 v39, v56  }
0x29b: {  	[tilespmem:$0x1FD70] =	vst v18;
	v30 =	vmul.f32 v39, v1;
	v29 =	vcvt.s32.f32 v26  }
0x29c: {  	[tilespmem:$0x1FE10] =	vst v16;
	v18 =	vsub.f32 v21, v32;
	v16 =	vsub.f32 v22, v38;
	v32 =	vtrunc.f32 v27  }
0x29d: {  	v31 =	vmul.f32 $2.219393590e-07, v25;
	v33 =	vcvt.f32.s32 v32;
	v12 =	vsub.f32 v12, v29  }
0x29e: {  	v4 =	vadd.f32 $1.386274700e-03, v4;
	v35 =	vmul.f32 $2.219393590e-07, v10;
	v34 =	vtrunc.f32 v30;
	[tilespmem:$0x1FE50] =	vst v16  }
0x29f: {  	v21 =	vadd.f32 $-2.425318960e-05, v31;
	v16 =	vcvt.f32.s32 v34;
	[tilespmem:$0x1FE70] =	vst v12;
	v12 =	vcvt.s32.f32 v33  }
0x2a0: {  	v7 =	vadd.f32 $-4.166103150e-02, v7;
	v4 =	vmul.f32 v4, v20;
	v36 =	vadd.f32 $-2.425318960e-05, v35  }
0x2a1: {  	v21 =	vmul.f32 v21, v25;
	v16 =	vcvt.s32.f32 v16;
	v12 =	vsub.f32 v27, v12  }
0x2a2: {  	v7 =	vmul.f32 v7, v23;
	v4 =	vadd.f32 $-4.166103150e-02, v4  }
0x2a3: {  	v37 =	vadd.f32 $1.386274700e-03, v21;
	v16 =	vsub.f32 v30, v16;
	[tilespmem:$0x1FF00] =	vst v12;
	v12 =	vmul.f32 v36, v10  }
0x2a4: {  	v4 =	vmul.f32 v4, v20  }
0x2a5: {  	v7 =	vadd.f32 $4.999955890e-01, v7;
	[tilespmem:$0x1FF60] =	vst v16;
	v16 =	vmul.f32 v37, v25;
	v12 =	vadd.f32 $1.386274700e-03, v12  }
0x2a6: {  	v4 =	vadd.f32 $4.999955890e-01, v4;
	v22 =	vadd.f32 $-9.999994630e-01, v0  }
0x2a7: {  	v0 =	vmul.f32 v7, v23;
	v38 =	vadd.f32 $-4.166103150e-02, v16;
	v12 =	vmul.f32 v12, v10;
	_ =	sdelay $0x1  }
0x2a8: {  	[tilespmem:$0x1FF50] =	vst v0;
	v0 =	vmul.f32 v4, v20;
	v7 =	vmul.f32 v38, v25;
	v4 =	vadd.f32 $-4.166103150e-02, v12;
	_ =	sdelay $0x1  }
0x2a9: {  	v7 =	vadd.f32 $4.999955890e-01, v7;
	v4 =	vmul.f32 v4, v10;
	_ =	sdelay $0x1  }
0x2aa: {  	[tilespmem:$0x1FF70] =	vst v0;
	v0 =	vmul.f32 v7, v25;
	v4 =	vadd.f32 $4.999955890e-01, v4;
	_ =	sdelay $0x1  }
0x2ab: {  	[tilespmem:$0x1FF80] =	vst v0;
	v0 =	vmul.f32 v4, v10;
	_ =	sdelay $0x1  }
0x2ac: {  	[tilespmem:$0x1FF90] =	vst v0;
	v0 =	vld [tilespmem:$0x1FA10];
	_ =	sdelay $0x2  }
0x2ad: {  	v13 =	vmul.f32 $6.283185480e+00, v13;
	_ =	sdelay $0x1  }
0x2ae: {  	v13 =	vsub.f32 $3.141592740e+00, v13;
	v32 =	vadd.f32 $-9.999994630e-01, v0;
	v0 =	vld [tilespmem:$0x1FA20];
	_ =	sdelay $0x1  }
0x2af: {  	v13 =	vmul.f32 v13, v13;
	_ =	sdelay $0x1  }
0x2b0: {  	v23 =	vmul.f32 $2.219393590e-07, v13  }
0x2b1: {  	v30 =	vadd.f32 $-9.999994630e-01, v57;
	v57 =	vmul.f32 $6.283185480e+00, v50;
	v34 =	vadd.f32 $-9.999994630e-01, v0;
	v0 =	vld [tilespmem:$0x1FA30]  }
0x2b2: {  	v38 =	vadd.f32 $-2.425318960e-05, v23  }
0x2b3: {  	v21 =	vsub.f32 $3.141592740e+00, v57  }
0x2b4: {  	v12 =	vadd.f32 $-9.999994630e-01, v54;
	v54 =	vmul.f32 v38, v13  }
0x2b5: {  	v27 =	vadd.f32 $-9.999994630e-01, v55;
	v29 =	vmul.f32 v21, v21  }
0x2b6: {  	v55 =	vadd.f32 $1.386274700e-03, v54;
	v36 =	vadd.f32 $-9.999994630e-01, v0;
	v0 =	vld [tilespmem:$0x1FA40]  }
0x2b7: {  	v50 =	vadd.f32 $-9.999994630e-01, v53;
	v53 =	vmul.f32 $2.219393590e-07, v29  }
0x2b8: {  	v14 =	vmul.f32 $6.283185480e+00, v14;
	v19 =	vmul.f32 v55, v13  }
0x2b9: {  	v4 =	vadd.f32 $-2.425318960e-05, v53  }
0x2ba: {  	v14 =	vsub.f32 $3.141592740e+00, v14;
	v19 =	vadd.f32 $-4.166103150e-02, v19  }
0x2bb: {  	v4 =	vmul.f32 v4, v29;
	v37 =	vadd.f32 $-9.999994630e-01, v0;
	v0 =	vld [tilespmem:$0x1FA50]  }
0x2bc: {  	v14 =	vmul.f32 v14, v14;
	v19 =	vmul.f32 v19, v13  }
0x2bd: {  	v4 =	vadd.f32 $1.386274700e-03, v4  }
0x2be: {  	v57 =	vmul.f32 $2.219393590e-07, v14;
	v19 =	vadd.f32 $4.999955890e-01, v19  }
0x2bf: {  	v52 =	vmul.f32 $6.283185480e+00, v52;
	v4 =	vmul.f32 v4, v29  }
0x2c0: {  	v20 =	vadd.f32 $-2.425318960e-05, v57;
	v38 =	vadd.f32 $-9.999994630e-01, v0;
	v0 =	vmul.f32 v19, v13  }
0x2c1: {  	v16 =	vsub.f32 $3.141592740e+00, v52;
	v4 =	vadd.f32 $-4.166103150e-02, v4  }
0x2c2: {  	v20 =	vmul.f32 v20, v14;
	[tilespmem:$0x1FFA0] =	vst v0;
	v0 =	vld [tilespmem:$0x1FA60]  }
0x2c3: {  	v16 =	vmul.f32 v16, v16;
	v4 =	vmul.f32 v4, v29  }
0x2c4: {  	v20 =	vadd.f32 $1.386274700e-03, v20  }
0x2c5: {  	v7 =	vadd.f32 $-9.999994630e-01, v58;
	v58 =	vmul.f32 $2.219393590e-07, v16;
	v4 =	vadd.f32 $4.999955890e-01, v4  }
0x2c6: {  	v20 =	vmul.f32 v20, v14  }
0x2c7: {  	v23 =	vadd.f32 $-2.425318960e-05, v58;
	v35 =	vadd.f32 $-9.999994630e-01, v0;
	v0 =	vmul.f32 v4, v29  }
0x2c8: {  	v10 =	vadd.f32 $-9.999994630e-01, v59;
	v59 =	vadd.f32 $-4.166103150e-02, v20  }
0x2c9: {  	v23 =	vmul.f32 v23, v16;
	[tilespmem:$0x1FFB0] =	vst v0;
	v0 =	vld [tilespmem:$0x1FA70]  }
0x2ca: {  	v13 =	vmul.f32 v59, v14  }
0x2cb: {  	v23 =	vadd.f32 $1.386274700e-03, v23  }
0x2cc: {  	v19 =	vadd.f32 $4.999955890e-01, v13  }
0x2cd: {  	v21 =	vadd.f32 $-9.999994630e-01, v62;
	v62 =	vmul.f32 v23, v16  }
0x2ce: {  	v25 =	vadd.f32 $-9.999994630e-01, v0;
	v0 =	vmul.f32 v19, v14  }
0x2cf: {  	v4 =	vadd.f32 $-4.166103150e-02, v62  }
0x2d0: {  	[tilespmem:$0x1FFC0] =	vst v0;
	v0 =	vld [tilespmem:$0x1FA80]  }
0x2d1: {  	v4 =	vmul.f32 v4, v16;
	_ =	sdelay $0x1  }
0x2d2: {  	v4 =	vadd.f32 $4.999955890e-01, v4;
	_ =	sdelay $0x1  }
0x2d3: {  	v8 =	vmul.f32 $6.283185480e+00, v8;
	v13 =	vadd.f32 $-9.999994630e-01, v0;
	v0 =	vmul.f32 v4, v16;
	_ =	sdelay $0x1  }
0x2d4: {  	v8 =	vsub.f32 $3.141592740e+00, v8;
	[tilespmem:$0x1FFD0] =	vst v0;
	v0 =	vld [tilespmem:$0x1FA90]  }
0x2d5: {  	v5 =	vmul.f32 $6.283185480e+00, v5  }
0x2d6: {  	v26 =	vadd.f32 $-9.999994630e-01, v63;
	v63 =	vmul.f32 v8, v8  }
0x2d7: {  	v5 =	vsub.f32 $3.141592740e+00, v5  }
0x2d8: {  	v20 =	vmul.f32 $2.219393590e-07, v63  }
0x2d9: {  	v19 =	vmul.f32 v5, v5;
	v5 =	vadd.f32 $-9.999994630e-01, v0;
	v0 =	vld [tilespmem:$0x1FAA0]  }
0x2da: {  	v29 =	vadd.f32 $-2.425318960e-05, v20;
	_ =	sdelay $0x1  }
0x2db: {  	v8 =	vmul.f32 v29, v63;
	_ =	sdelay $0x1  }
0x2dc: {  	v33 =	vadd.f32 $1.386274700e-03, v8;
	v8 =	vadd.f32 $-9.999994630e-01, v0;
	v0 =	vld [tilespmem:$0x1FAB0];
	_ =	sdelay $0x4  }
0x2dd: {  	v14 =	vadd.f32 $-9.999994630e-01, v0;
	v0 =	vld [tilespmem:$0x1FAC0];
	_ =	sdelay $0x4  }
0x2de: {  	v16 =	vadd.f32 $-9.999994630e-01, v0;
	v0 =	vld [tilespmem:$0x1FAD0];
	_ =	sdelay $0x4  }
0x2df: {  	[tilespmem:$0x1FE30] =	vst v18;
	v18 =	vadd.f32 $-9.999994630e-01, v0;
	v0 =	vld [tilespmem:$0x1FAE0];
	_ =	sdelay $0x2  }
0x2e0: {  	v6 =	vmul.f32 $6.283185480e+00, v6;
	_ =	sdelay $0x1  }
0x2e1: {  	v6 =	vsub.f32 $3.141592740e+00, v6;
	v20 =	vadd.f32 $-9.999994630e-01, v0;
	v0 =	vld [tilespmem:$0x1FAF0];
	_ =	sdelay $0x1  }
0x2e2: {  	v6 =	vmul.f32 v6, v6;
	_ =	sdelay $0x1  }
0x2e3: {  	v31 =	vmul.f32 $2.219393590e-07, v6  }
0x2e4: {  	v29 =	vadd.f32 $-9.999994630e-01, v0;
	v0 =	vld [tilespmem:$0x1FB00]  }
0x2e5: {  	v9 =	vmul.f32 $6.283185480e+00, v9;
	v4 =	vadd.f32 $-2.425318960e-05, v31  }
0x2e6: {  	v53 =	vmul.f32 v33, v63  }
0x2e7: {  	v9 =	vsub.f32 $3.141592740e+00, v9;
	v4 =	vmul.f32 v4, v6  }
0x2e8: {  	v57 =	vadd.f32 $-4.166103150e-02, v53  }
0x2e9: {  	v9 =	vmul.f32 v9, v9;
	v4 =	vadd.f32 $1.386274700e-03, v4;
	v31 =	vadd.f32 $-9.999994630e-01, v0;
	v0 =	vld [tilespmem:$0x1FB10]  }
0x2ea: {  	v52 =	vmul.f32 $2.219393590e-07, v19;
	v59 =	vmul.f32 v57, v63  }
0x2eb: {  	v55 =	vmul.f32 $2.219393590e-07, v9;
	v4 =	vmul.f32 v4, v6  }
0x2ec: {  	v54 =	vadd.f32 $-2.425318960e-05, v52;
	v52 =	vadd.f32 $4.999955890e-01, v59  }
0x2ed: {  	v58 =	vadd.f32 $-2.425318960e-05, v55;
	v4 =	vadd.f32 $-4.166103150e-02, v4  }
0x2ee: {  	v24 =	vmul.f32 v54, v19;
	v33 =	vadd.f32 $-9.999994630e-01, v0;
	v0 =	vmul.f32 v52, v63  }
0x2ef: {  	v62 =	vmul.f32 v58, v9;
	v4 =	vmul.f32 v4, v6  }
0x2f0: {  	v24 =	vadd.f32 $1.386274700e-03, v24;
	[tilespmem:$0x1FFE0] =	vst v0;
	v0 =	vld [tilespmem:$0x1FB20]  }
0x2f1: {  	v11 =	vmul.f32 $6.283185480e+00, v11;
	v53 =	vadd.f32 $1.386274700e-03, v62;
	v4 =	vadd.f32 $4.999955890e-01, v4  }
0x2f2: {  	v15 =	vmul.f32 $6.283185480e+00, v15;
	v24 =	vmul.f32 v24, v19  }
0x2f3: {  	v11 =	vsub.f32 $3.141592740e+00, v11;
	v4 =	vmul.f32 v4, v6;
	v63 =	vmul.f32 v53, v9  }
0x2f4: {  	v55 =	vsub.f32 $3.141592740e+00, v15;
	v58 =	vmul.f32 $6.283185480e+00, v17;
	v24 =	vadd.f32 $-4.166103150e-02, v24  }
0x2f5: {  	[tilespmem:$0x1FFF0] =	vst v4;
	v53 =	vld [tilespmem:$0x1FB30];
	v4 =	vadd.f32 $-4.166103150e-02, v63;
	v23 =	vadd.f32 $-9.999994630e-01, v0;
	v0 =	vmul.f32 v11, v11  }
0x2f6: {  	v24 =	vmul.f32 v24, v19;
	v63 =	vmul.f32 v55, v55  }
0x2f7: {  	v4 =	vmul.f32 v4, v9;
	v59 =	vmul.f32 $2.219393590e-07, v0  }
0x2f8: {  	v57 =	vadd.f32 $4.999955890e-01, v24;
	v55 =	vsub.f32 $3.141592740e+00, v58  }
0x2f9: {  	v58 =	vadd.f32 $4.999955890e-01, v4;
	v54 =	vadd.f32 $-2.425318960e-05, v59;
	v59 =	vmul.f32 $2.219393590e-07, v63  }
0x2fa: {  	v17 =	vadd.f32 $-9.999994630e-01, v53;
	v53 =	vmul.f32 v57, v19  }
0x2fb: {  	v52 =	vmul.f32 v58, v9;
	v57 =	vmul.f32 v54, v0;
	v58 =	vadd.f32 $-2.425318960e-05, v59;
	v54 =	vld [tilespmem:$0x1FB60]  }
0x2fc: {  	v24 =	vld [tilespmem:$0x1FB50];
	v62 =	vmul.f32 v55, v55  }
0x2fd: {  	v19 =	vmul.f32 $6.283185480e+00, v28;
	v55 =	vmul.f32 v58, v63  }
0x2fe: {  	v15 =	vld [tilespmem:$0x1FB70]  }
0x2ff: {  	v59 =	vsub.f32 $3.141592740e+00, v19;
	v28 =	vadd.f32 $1.386274700e-03, v55;
	v55 =	vld [tilespmem:$0x1FB90]  }
0x300: {  	v19 =	vadd.f32 $1.386274700e-03, v57;
	v9 =	vadd.f32 $-9.999994630e-01, v54;
	v54 =	vld [tilespmem:$0x1FB80]  }
0x301: {  	v6 =	vadd.f32 $-9.999994630e-01, v24;
	v24 =	vmul.f32 $2.219393590e-07, v62;
	v59 =	vmul.f32 v59, v59  }
0x302: {  	v58 =	vmul.f32 v19, v0  }
0x303: {  	v11 =	vadd.f32 $-9.999994630e-01, v15;
	v24 =	vadd.f32 $-2.425318960e-05, v24;
	v57 =	vmul.f32 $2.219393590e-07, v59  }
0x304: {  	v28 =	vmul.f32 v28, v63;
	v19 =	vadd.f32 $-9.999994630e-01, v55;
	v55 =	vadd.f32 $-4.166103150e-02, v58  }
0x305: {  	[tilespmem:s13+$0xFFFFFC20] =	vst v50;
	v50 =	vld [tilespmem:$0x1FBD0];
	v24 =	vmul.f32 v24, v62;
	v15 =	vadd.f32 $-9.999994630e-01, v54;
	v54 =	vadd.f32 $-2.425318960e-05, v57  }
0x306: {  	v28 =	vadd.f32 $-4.166103150e-02, v28  }
0x307: {  	v24 =	vadd.f32 $1.386274700e-03, v24;
	v55 =	vmul.f32 v55, v0;
	v54 =	vmul.f32 v54, v59  }
0x308: {  	v40 =	vmul.f32 $6.283185480e+00, v40;
	[tilespmem:s13+$0xFFFFFC00] =	vst v22;
	v28 =	vmul.f32 v28, v63  }
0x309: {  	[tilespmem:s13+$0xFFFFFC10] =	vst v30;
	v24 =	vmul.f32 v24, v62;
	v55 =	vadd.f32 $4.999955890e-01, v55;
	v54 =	vadd.f32 $1.386274700e-03, v54  }
0x30a: {  	v22 =	vld [tilespmem:$0x1FBC0];
	v30 =	vadd.f32 $-9.999994630e-01, v50;
	[tilespmem:s13+$0xFFFFFC40] =	vst v12;
	v12 =	vadd.f32 $4.999955890e-01, v28  }
0x30b: {  	v50 =	vmul.f32 v55, v0;
	v0 =	vadd.f32 $-4.166103150e-02, v24;
	v28 =	vmul.f32 v54, v59;
	v54 =	vld [tilespmem:$0x1FBE0]  }
0x30c: {  	v24 =	vsub.f32 $3.141592740e+00, v40;
	v55 =	vmul.f32 $6.283185480e+00, v41  }
0x30d: {  	[tilespmem:s13+$0xFFFFFC30] =	vst v27;
	v27 =	vmul.f32 v12, v63;
	v0 =	vmul.f32 v0, v62;
	v12 =	vadd.f32 $-4.166103150e-02, v28  }
0x30e: {  	[tilespmem:s13+$0xFFFFFCE0] =	vst v35;
	v35 =	vld [tilespmem:$0x1FC70];
	v24 =	vmul.f32 v24, v24;
	v28 =	vsub.f32 $3.141592740e+00, v55  }
0x30f: {  	v22 =	vadd.f32 $-9.999994630e-01, v22;
	[tilespmem:s13+$0xFFFFFD10] =	vst v5;
	v5 =	vld [tilespmem:$0x1FC90];
	v0 =	vadd.f32 $4.999955890e-01, v0;
	v12 =	vmul.f32 v12, v59  }
0x310: {  	[tilespmem:s13+$0xFFFFFC50] =	vst v7;
	v63 =	vmul.f32 $2.219393590e-07, v24;
	v28 =	vmul.f32 v28, v28;
	v7 =	vadd.f32 $-9.999994630e-01, v54;
	v54 =	vld [tilespmem:$0x1FBF0]  }
0x311: {  	[tilespmem:s13+$0xFFFFFC80] =	vst v26;
	v26 =	vmul.f32 v0, v62;
	v62 =	vmul.f32 $6.283185480e+00, v43;
	v43 =	vld [tilespmem:$0x1FC00];
	v12 =	vadd.f32 $4.999955890e-01, v12  }
0x312: {  	[tilespmem:s13+$0xFFFFFD70] =	vst v29;
	v29 =	vld [tilespmem:$0x1FCB0];
	v55 =	vmul.f32 $6.283185480e+00, v42;
	v0 =	vadd.f32 $-2.425318960e-05, v63  }
0x313: {  	[tilespmem:s13+$0xFFFFFC90] =	vst v32;
	v63 =	vmul.f32 $2.219393590e-07, v28;
	v32 =	vmul.f32 v12, v59;
	v59 =	vsub.f32 $3.141592740e+00, v62;
	v62 =	vld [tilespmem:$0x1FC10]  }
0x314: {  	[tilespmem:s13+$0xFFFFFE40] =	vst v22;
	v57 =	vld [tilespmem:$0x1FBB0];
	v55 =	vsub.f32 $3.141592740e+00, v55  }
0x315: {  	[tilespmem:s13+$0xFFFFFC60] =	vst v10;
	v4 =	vld [tilespmem:$0x1FB40];
	v0 =	vmul.f32 v0, v24;
	v10 =	vadd.f32 $-9.999994630e-01, v54;
	v54 =	vadd.f32 $-2.425318960e-05, v63  }
0x316: {  	v22 =	vadd.f32 $-9.999994630e-01, v61;
	[tilespmem:s13+$0xFFFFFC70] =	vst v21;
	v40 =	vadd.f32 $-9.999994630e-01, v43;
	v43 =	vmul.f32 v55, v55;
	v55 =	vld [tilespmem:$0x1FC20]  }
0x317: {  	[tilespmem:s13+$0xFFFFFCA0] =	vst v34;
	v0 =	vadd.f32 $1.386274700e-03, v0;
	v12 =	vmul.f32 v54, v28;
	v54 =	vmul.f32 v59, v59;
	v59 =	vld [tilespmem:$0x1FC30]  }
0x318: {  	[tilespmem:s13+$0xFFFFFCC0] =	vst v37;
	v34 =	vadd.f32 $-9.999994630e-01, v35;
	v63 =	vmul.f32 $2.219393590e-07, v43;
	v41 =	vadd.f32 $-9.999994630e-01, v62;
	v62 =	vld [tilespmem:$0x1FC40]  }
0x319: {  	v5 =	vadd.f32 $-9.999994630e-01, v5;
	[tilespmem:s13+$0xFFFFFD60] =	vst v20;
	v57 =	vadd.f32 $-9.999994630e-01, v57  }
0x31a: {  	v20 =	vadd.f32 $-9.999994630e-01, v29;
	[tilespmem:s13+$0xFFFFFDF0] =	vst v11;
	v58 =	vld [tilespmem:$0x1FBA0];
	v0 =	vmul.f32 v0, v24;
	v21 =	vadd.f32 $-2.425318960e-05, v63  }
0x31b: {  	v11 =	vadd.f32 $-9.999994630e-01, v60;
	v4 =	vadd.f32 $-9.999994630e-01, v4;
	[tilespmem:s13+$0xFFFFFE30] =	vst v57;
	v57 =	vmul.f32 $6.283185480e+00, v51;
	v51 =	vld [tilespmem:$0x1FDB0]  }
0x31c: {  	[tilespmem:s13+$0xFFFFFCD0] =	vst v38;
	v0 =	vadd.f32 $-4.166103150e-02, v0;
	v38 =	vmul.f32 v21, v43;
	v37 =	vadd.f32 $-9.999994630e-01, v59;
	v59 =	vld [tilespmem:$0x1FC50]  }
0x31d: {  	[tilespmem:s13+$0xFFFFFCB0] =	vst v36;
	v42 =	vadd.f32 $-9.999994630e-01, v55;
	v36 =	vadd.f32 $-9.999994630e-01, v62;
	v62 =	vld [tilespmem:$0x1FC60]  }
0x31e: {  	[tilespmem:s13+$0xFFFFFCF0] =	vst v25;
	v55 =	vmul.f32 $2.219393590e-07, v54;
	v25 =	vadd.f32 $1.386274700e-03, v38;
	v38 =	vld [tilespmem:$0x1FC80]  }
0x31f: {  	v58 =	vadd.f32 $-9.999994630e-01, v58;
	v63 =	vadd.f32 $1.386274700e-03, v12;
	v0 =	vmul.f32 v0, v24  }
0x320: {  	v45 =	vmul.f32 $6.283185480e+00, v45;
	v26 =	vadd.f32 $-9.999994630e-01, v26;
	v55 =	vadd.f32 $-2.425318960e-05, v55  }
0x321: {  	v63 =	vmul.f32 v63, v28;
	v0 =	vadd.f32 $4.999955890e-01, v0;
	[tilespmem:s13+$0xFFFFFEC0] =	vst v36;
	v36 =	vadd.f32 $-9.999994630e-01, v51;
	v51 =	vld [tilespmem:$0x1FE30]  }
0x322: {  	[tilespmem:s13+$0xFFFFFEA0] =	vst v42;
	v42 =	vld [tilespmem:$0x1FE00];
	v12 =	vadd.f32 $-9.999994630e-01, v59;
	v59 =	vmul.f32 v25, v43;
	v21 =	vadd.f32 $-9.999994630e-01, v62  }
0x323: {  	[tilespmem:s13+$0xFFFFFD00] =	vst v13;
	v35 =	vadd.f32 $-9.999994630e-01, v38;
	v62 =	vadd.f32 $-4.166103150e-02, v63;
	v63 =	vmul.f32 v55, v54  }
0x324: {  	[tilespmem:s13+$0xFFFFFD20] =	vst v8;
	v25 =	vmul.f32 v0, v24;
	v38 =	vsub.f32 $3.141592740e+00, v45;
	v45 =	vmul.f32 $6.283185480e+00, v46;
	v46 =	vld [tilespmem:$0x1FCA0]  }
0x325: {  	[tilespmem:s13+$0xFFFFFF30] =	vst v20;
	v0 =	vadd.f32 $-4.166103150e-02, v59;
	v62 =	vmul.f32 v62, v28;
	v63 =	vadd.f32 $1.386274700e-03, v63  }
0x326: {  	[tilespmem:s13+$0xFFFFFDC0] =	vst v4;
	v38 =	vmul.f32 v38, v38;
	v59 =	vsub.f32 $3.141592740e+00, v45;
	v20 =	vmul.f32 $6.283185480e+00, v51  }
0x327: {  	v4 =	vld [tilespmem:$0x1FCF0];
	[tilespmem:s13+$0xFFFFFF00] =	vst v35;
	v35 =	vadd.f32 $-9.999994630e-01, v42;
	v0 =	vmul.f32 v0, v43;
	v13 =	vmul.f32 v63, v54  }
0x328: {  	v8 =	vadd.f32 $4.999955890e-01, v62;
	v62 =	vmul.f32 $6.283185480e+00, v47;
	v63 =	vmul.f32 $2.219393590e-07, v38  }
0x329: {  	[tilespmem:s13+$0xFFFFFD40] =	vst v16;
	v29 =	vmul.f32 v59, v59;
	v16 =	vadd.f32 $-9.999994630e-01, v46;
	v0 =	vadd.f32 $4.999955890e-01, v0  }
0x32a: {  	[tilespmem:s13+$0xFFFFFD50] =	vst v18;
	v46 =	vmul.f32 $6.283185480e+00, v48;
	v48 =	vld [tilespmem:$0x1FCC0];
	v18 =	vmul.f32 v8, v28;
	v55 =	vadd.f32 $-4.166103150e-02, v13  }
0x32b: {  	[tilespmem:s13+$0xFFFFFD30] =	vst v14;
	v45 =	vsub.f32 $3.141592740e+00, v62;
	v47 =	vmul.f32 $2.219393590e-07, v29;
	v14 =	vmul.f32 v0, v43  }
0x32c: {  	v62 =	vld [tilespmem:$0x1FCD0];
	v0 =	vadd.f32 $-2.425318960e-05, v63;
	v59 =	vsub.f32 $3.141592740e+00, v46;
	v8 =	vmul.f32 v55, v54  }
0x32d: {  	[tilespmem:s13+$0xFFFFFD90] =	vst v33;
	v46 =	vadd.f32 $-9.999994630e-01, v4;
	v33 =	vmul.f32 v45, v45;
	v55 =	vadd.f32 $-2.425318960e-05, v47;
	v47 =	vld [tilespmem:$0x1FCE0]  }
0x32e: {  	v18 =	vadd.f32 $-9.999994630e-01, v18;
	v0 =	vmul.f32 v0, v38;
	v8 =	vadd.f32 $4.999955890e-01, v8  }
0x32f: {  	[tilespmem:s13+$0xFFFFFD80] =	vst v31;
	v45 =	vmul.f32 v59, v59;
	v31 =	vadd.f32 $-9.999994630e-01, v48;
	v63 =	vmul.f32 $2.219393590e-07, v33;
	v48 =	vld [tilespmem:$0x1FD00]  }
0x330: {  	[tilespmem:s13+$0xFFFFFE50] =	vst v30;
	v14 =	vadd.f32 $-9.999994630e-01, v14;
	v0 =	vadd.f32 $1.386274700e-03, v0;
	v13 =	vmul.f32 v8, v54  }
0x331: {  	[tilespmem:s13+$0xFFFFFDD0] =	vst v6;
	v8 =	vmul.f32 v55, v29;
	v4 =	vadd.f32 $-2.425318960e-05, v63;
	v54 =	vmul.f32 $2.219393590e-07, v45;
	v55 =	vld [tilespmem:$0x1FD10]  }
0x332: {  	[tilespmem:s13+$0xFFFFFF10] =	vst v5;
	v24 =	vadd.f32 $-9.999994630e-01, v62;
	v43 =	vadd.f32 $-9.999994630e-01, v47;
	v0 =	vmul.f32 v0, v38;
	v47 =	vld [tilespmem:$0x1FD40]  }
0x333: {  	v30 =	vld [tilespmem:$0x1FD60];
	[tilespmem:s13+$0xFFFFFDB0] =	vst v17;
	v8 =	vadd.f32 $1.386274700e-03, v8;
	v59 =	vmul.f32 v4, v33;
	v62 =	vadd.f32 $-2.425318960e-05, v54  }
0x334: {  	[tilespmem:s13+$0xFFFFFDA0] =	vst v23;
	v4 =	vld [tilespmem:$0x1FD20];
	v54 =	vmul.f32 $6.283185480e+00, v49;
	v13 =	vadd.f32 $-9.999994630e-01, v13;
	v28 =	vadd.f32 $-9.999994630e-01, v48  }
0x335: {  	[tilespmem:s13+$0xFFFFFDE0] =	vst v9;
	v49 =	vld [tilespmem:$0x1FDA0];
	v0 =	vadd.f32 $-4.166103150e-02, v0;
	v8 =	vmul.f32 v8, v29;
	v63 =	vadd.f32 $1.386274700e-03, v59  }
0x336: {  	[tilespmem:s13+$0xFFFFFE00] =	vst v15;
	v51 =	vld [tilespmem:$0x1FE80];
	v9 =	vmul.f32 v62, v45;
	v59 =	vsub.f32 $3.141592740e+00, v57;
	v17 =	vadd.f32 $-9.999994630e-01, v55  }
0x337: {  	v5 =	vld [tilespmem:$0x1FE10];
	[tilespmem:s13+$0xFFFFFE70] =	vst v10;
	v0 =	vmul.f32 v0, v38;
	v55 =	vsub.f32 $3.141592740e+00, v54;
	v6 =	vadd.f32 $-9.999994630e-01, v47  }
0x338: {  	[tilespmem:s13+$0xFFFFFE80] =	vst v40;
	v62 =	vld [tilespmem:$0x1FD50];
	v8 =	vadd.f32 $-4.166103150e-02, v8;
	v48 =	vmul.f32 v63, v33;
	v9 =	vadd.f32 $1.386274700e-03, v9  }
0x339: {  	[tilespmem:s13+$0xFFFFFE90] =	vst v41;
	v41 =	vld [tilespmem:$0x1FD80];
	v10 =	vmul.f32 v59, v59;
	v23 =	vadd.f32 $-9.999994630e-01, v4;
	v0 =	vadd.f32 $4.999955890e-01, v0  }
0x33a: {  	[tilespmem:s13+$0xFFFFFEB0] =	vst v37;
	v47 =	vld [tilespmem:$0x1FD90];
	v15 =	vmul.f32 v55, v55;
	v37 =	vadd.f32 $-9.999994630e-01, v49;
	v8 =	vmul.f32 v8, v29  }
0x33b: {  	v4 =	vld [tilespmem:$0x1FD30];
	[tilespmem:s13+$0xFFFFFF90] =	vst v17;
	v17 =	vadd.f32 $-9.999994630e-01, v51;
	v9 =	vmul.f32 v9, v45;
	v40 =	vmul.f32 $2.219393590e-07, v10  }
0x33c: {  	[tilespmem:s13+$0xFFFFFE20] =	vst v58;
	v60 =	vmul.f32 v0, v38;
	v0 =	vadd.f32 $-4.166103150e-02, v48;
	v38 =	vld [tilespmem:$0x1FD70];
	v8 =	vadd.f32 $4.999955890e-01, v8  }
0x33d: {  	v63 =	vmul.f32 $2.219393590e-07, v15;
	v58 =	vadd.f32 $-4.166103150e-02, v9;
	v9 =	vmul.f32 $6.283185480e+00, v62  }
0x33e: {  	v54 =	vld [tilespmem:$0x1FDC0];
	v0 =	vmul.f32 v0, v33;
	v61 =	vmul.f32 v8, v29;
	v29 =	vadd.f32 $-9.999994630e-01, v30  }
0x33f: {  	[tilespmem:s13+$0xFFFFFE60] =	vst v7;
	v7 =	vmul.f32 v58, v45;
	v9 =	vsub.f32 $3.141592740e+00, v9;
	v30 =	vadd.f32 $-9.999994630e-01, v47  }
0x340: {  	[tilespmem:s13+$0xFFFFFE10] =	vst v19;
	v47 =	vmul.f32 $6.283185480e+00, v5;
	v5 =	vld [tilespmem:$0x1FE20];
	v0 =	vadd.f32 $4.999955890e-01, v0  }
0x341: {  	v4 =	vadd.f32 $-9.999994630e-01, v4;
	v7 =	vadd.f32 $4.999955890e-01, v7;
	v19 =	vmul.f32 $6.283185480e+00, v38  }
0x342: {  	v57 =	vld [tilespmem:$0x1FDD0];
	v38 =	vmul.f32 v9, v9;
	v8 =	vmul.f32 v0, v33;
	v0 =	vadd.f32 $-2.425318960e-05, v63  }
0x343: {  	[tilespmem:s13+$0xFFFFFFB0] =	vst v4;
	v4 =	vld [tilespmem:$0x1FEA0];
	v33 =	vadd.f32 $-9.999994630e-01, v41;
	v41 =	vadd.f32 $-9.999994630e-01, v54;
	v9 =	vmul.f32 v7, v45  }
0x344: {  	v45 =	vadd.f32 $-2.425318960e-05, v40;
	v19 =	vsub.f32 $3.141592740e+00, v19;
	v48 =	vmul.f32 $2.219393590e-07, v38  }
0x345: {  	[tilespmem:s13+$0xFFFFFF20] =	vst v16;
	v0 =	vmul.f32 v0, v15;
	v16 =	vadd.f32 $-9.999994630e-01, v5;
	v8 =	vadd.f32 $-9.999994630e-01, v8  }
0x346: {  	v59 =	vld [tilespmem:$0x1FDE0];
	v7 =	vmul.f32 v45, v10;
	v19 =	vmul.f32 v19, v19;
	v40 =	vadd.f32 $-2.425318960e-05, v48  }
0x347: {  	v63 =	vld [tilespmem:$0x1FDF0];
	v45 =	vadd.f32 $-9.999994630e-01, v57;
	v0 =	vadd.f32 $1.386274700e-03, v0  }
0x348: {  	v4 =	vadd.f32 $-9.999994630e-01, v4;
	v7 =	vadd.f32 $1.386274700e-03, v7;
	v55 =	vmul.f32 $2.219393590e-07, v19  }
0x349: {  	v54 =	vld [tilespmem:$0x1FE40];
	v48 =	vsub.f32 $3.141592740e+00, v47;
	v57 =	vsub.f32 $3.141592740e+00, v20;
	v0 =	vmul.f32 v0, v15  }
0x34a: {  	v58 =	vmul.f32 v40, v38;
	[tilespmem:s13+$0xE0] =	vst v4;
	v4 =	vld [tilespmem:$0x1FFE0];
	v7 =	vmul.f32 v7, v10;
	v62 =	vadd.f32 $-2.425318960e-05, v55  }
0x34b: {  	[tilespmem:s13+$0xFFFFFED0] =	vst v12;
	v9 =	vadd.f32 $-9.999994630e-01, v9;
	v0 =	vadd.f32 $-4.166103150e-02, v0  }
0x34c: {  	[tilespmem:s13+$0xFFFFFEE0] =	vst v21;
	v12 =	vadd.f32 $1.386274700e-03, v58;
	v58 =	vld [tilespmem:$0x1FE50];
	v7 =	vadd.f32 $-4.166103150e-02, v7;
	v21 =	vmul.f32 v62, v19  }
0x34d: {  	[tilespmem:s13+$0xFFFFFEF0] =	vst v34;
	v40 =	vadd.f32 $-9.999994630e-01, v59;
	v34 =	vadd.f32 $-9.999994630e-01, v63;
	v62 =	vld [tilespmem:$0x1FE60];
	v0 =	vmul.f32 v0, v15  }
0x34e: {  	[tilespmem:s13+$0xFFFFFF50] =	vst v24;
	v24 =	vadd.f32 $-9.999994630e-01, v54;
	v7 =	vmul.f32 v7, v10;
	v21 =	vadd.f32 $1.386274700e-03, v21  }
0x34f: {  	[tilespmem:s13+$0xFFFFFF60] =	vst v43;
	v43 =	vmul.f32 v57, v57;
	v4 =	vadd.f32 $-9.999994630e-01, v4;
	v0 =	vadd.f32 $4.999955890e-01, v0  }
0x350: {  	[tilespmem:s13+$0xFFFFFF40] =	vst v31;
	v12 =	vmul.f32 v12, v38;
	v7 =	vadd.f32 $4.999955890e-01, v7;
	v49 =	vmul.f32 v21, v19  }
0x351: {  	v21 =	vmul.f32 v48, v48;
	v48 =	vld [tilespmem:$0x1FE70];
	[tilespmem:s13+$0x200] =	vst v4;
	v4 =	vadd.f32 $-9.999994630e-01, v25;
	v5 =	vmul.f32 v0, v15  }
0x352: {  	v0 =	vadd.f32 $-4.166103150e-02, v12;
	v15 =	vmul.f32 $6.283185480e+00, v58;
	v31 =	vadd.f32 $-9.999994630e-01, v62  }
0x353: {  	v62 =	vld [tilespmem:$0x1FEC0];
	v7 =	vmul.f32 v7, v10;
	v55 =	vadd.f32 $-4.166103150e-02, v49;
	v49 =	vmul.f32 $2.219393590e-07, v43  }
0x354: {  	[tilespmem:s13+$0xFFFFFF70] =	vst v46;
	v57 =	vld [tilespmem:$0x1FE90];
	v59 =	vmul.f32 $2.219393590e-07, v21;
	v0 =	vmul.f32 v0, v38;
	v46 =	vsub.f32 $3.141592740e+00, v15  }
0x355: {  	v5 =	vadd.f32 $-9.999994630e-01, v5;
	v63 =	vmul.f32 v55, v19;
	v54 =	vadd.f32 $-2.425318960e-05, v49  }
0x356: {  	v49 =	vld [tilespmem:$0x1FEE0];
	v7 =	vadd.f32 $-9.999994630e-01, v7;
	v0 =	vadd.f32 $4.999955890e-01, v0  }
0x357: {  	[tilespmem:s13+$0xFFFFFFE0] =	vst v22;
	v20 =	vmul.f32 $6.283185480e+00, v48;
	v47 =	vadd.f32 $4.999955890e-01, v63;
	v15 =	vmul.f32 v54, v43;
	v54 =	vld [tilespmem:$0x1FEF0]  }
0x358: {  	[tilespmem:s13+$0xFFFFFFC0] =	vst v6;
	v42 =	vadd.f32 $-9.999994630e-01, v62;
	v10 =	vmul.f32 v0, v38;
	v0 =	vadd.f32 $-2.425318960e-05, v59;
	v59 =	vld [tilespmem:$0x1FEB0]  }
0x359: {  	[tilespmem:s13+$0xFFFFFFA0] =	vst v23;
	v38 =	vmul.f32 v46, v46;
	v55 =	vsub.f32 $3.141592740e+00, v20;
	v20 =	vadd.f32 $-9.999994630e-01, v57;
	v57 =	vld [tilespmem:$0x1FF10]  }
0x35a: {  	[tilespmem:s13+$0x10] =	vst v30;
	v12 =	vmul.f32 v47, v19;
	v15 =	vadd.f32 $1.386274700e-03, v15;
	v47 =	vld [tilespmem:$0x1FED0];
	v0 =	vmul.f32 v0, v21  }
0x35b: {  	[tilespmem:s13+$0x40] =	vst v41;
	v58 =	vmul.f32 $2.219393590e-07, v38;
	v19 =	vmul.f32 v55, v55;
	v22 =	vadd.f32 $-9.999994630e-01, v49;
	v55 =	vld [tilespmem:$0x1FF00]  }
0x35c: {  	[tilespmem:s13+$0x300] =	vst v5;
	v49 =	vld [tilespmem:$0x1FF70];
	v5 =	vadd.f32 $-9.999994630e-01, v10;
	v15 =	vmul.f32 v15, v43;
	v0 =	vadd.f32 $1.386274700e-03, v0  }
0x35d: {  	v41 =	vmul.f32 v39, v2;
	[tilespmem:s13+$0x50] =	vst v45;
	v45 =	vld [tilespmem:$0x1FF60];
	v23 =	vadd.f32 $-2.425318960e-05, v58;
	v6 =	vadd.f32 $-9.999994630e-01, v59  }
0x35e: {  	v63 =	vmul.f32 $2.219393590e-07, v19;
	v15 =	vadd.f32 $-4.166103150e-02, v15;
	v30 =	vadd.f32 $-9.999994630e-01, v57  }
0x35f: {  	[tilespmem:s13+$0xFFFFFF80] =	vst v28;
	v58 =	vld [tilespmem:$0x1FF30];
	v0 =	vmul.f32 v0, v21;
	v46 =	vadd.f32 $-9.999994630e-01, v47;
	v48 =	vmul.f32 v23, v38  }
0x360: {  	v51 =	vadd.f32 $-2.425318960e-05, v63;
	v47 =	vadd.f32 $-9.999994630e-01, v54;
	v28 =	vmul.f32 $6.283185480e+00, v55  }
0x361: {  	[tilespmem:s13+$0x70] =	vst v34;
	v59 =	vld [tilespmem:$0x1FF40];
	v15 =	vmul.f32 v15, v43;
	v34 =	vadd.f32 $-9.999994630e-01, v49;
	v49 =	vmul.f32 v39, v3  }
0x362: {  	[tilespmem:s13+$0xFFFFFFD0] =	vst v11;
	v39 =	vbroadcast v44, $0xF;
	v0 =	vadd.f32 $-4.166103150e-02, v0;
	v11 =	vadd.f32 $1.386274700e-03, v48  }
0x363: {  	[tilespmem:s13+$0x260] =	vst v26;
	v55 =	vld [tilespmem:$0x1FF90];
	v23 =	vmul.f32 v51, v19;
	v48 =	vmul.f32 $6.283185480e+00, v45;
	v28 =	vsub.f32 $3.141592740e+00, v28  }
0x364: {  	[tilespmem:s13+$0x30] =	vst v36;
	v45 =	vtrunc.f32 v41;
	v15 =	vadd.f32 $4.999955890e-01, v15;
	v36 =	vadd.f32 $-9.999994630e-01, v58  }
0x365: {  	[tilespmem:s13+$0x80] =	vst v35;
	v57 =	vld [tilespmem:$0x1FFA0];
	v44 =	vmul.f32 v39, v56;
	v0 =	vmul.f32 v0, v21;
	v23 =	vadd.f32 $1.386274700e-03, v23  }
0x366: {  	[tilespmem:s13+$0x20] =	vst v37;
	v58 =	vld [tilespmem:$0x1FFB0];
	v11 =	vmul.f32 v11, v38;
	v37 =	vadd.f32 $-9.999994630e-01, v59;
	v54 =	vsub.f32 $3.141592740e+00, v48  }
0x367: {  	[tilespmem:s13+$0x0] =	vst v33;
	v48 =	vld [tilespmem:$0x1FFD0];
	v33 =	vmul.f32 v28, v28;
	v0 =	vadd.f32 $4.999955890e-01, v0;
	v23 =	vmul.f32 v23, v19  }
0x368: {  	[tilespmem:s13+$0x90] =	vst v16;
	v28 =	vmul.f32 v15, v43;
	v43 =	vld [tilespmem:$0x1FF50];
	v11 =	vadd.f32 $-4.166103150e-02, v11;
	v16 =	vadd.f32 $-9.999994630e-01, v55  }
0x369: {  	[tilespmem:s13+$0x290] =	vst v18;
	v59 =	vld [tilespmem:$0x1FFC0];
	v55 =	vtrunc.f32 v49;
	v63 =	vmul.f32 $2.219393590e-07, v33;
	v62 =	vadd.f32 $-4.166103150e-02, v23  }
0x36a: {  	[tilespmem:s13+$0xA0] =	vst v24;
	v24 =	vadd.f32 $-9.999994630e-01, v57;
	v21 =	vmul.f32 v0, v21;
	v11 =	vmul.f32 v11, v38  }
0x36b: {  	[tilespmem:s13+$0xB0] =	vst v31;
	v51 =	vld [tilespmem:$0x1FF80];
	v31 =	vadd.f32 $-9.999994630e-01, v58;
	v23 =	vadd.f32 $-2.425318960e-05, v63;
	v15 =	vmul.f32 v62, v19  }
0x36c: {  	[tilespmem:s13+$0xD0] =	vst v20;
	v57 =	vld [tilespmem:$0x1FFF0];
	v58 =	vmul.f32 v39, v1;
	v20 =	vadd.f32 $-9.999994630e-01, v48;
	v11 =	vadd.f32 $4.999955890e-01, v11  }
0x36d: {  	[tilespmem:s13+$0x60] =	vst v40;
	v48 =	vmul.f32 v39, v2;
	v40 =	vadd.f32 $-9.999994630e-01, v43;
	v15 =	vadd.f32 $4.999955890e-01, v15  }
0x36e: {  	[tilespmem:s13+$0xFFFFFFF0] =	vst v29;
	v0 =	vld [tilespmem:$0x1FF20];
	v43 =	vadd.f32 $-9.999994630e-01, v59;
	v59 =	vtrunc.f32 v44;
	v29 =	vmul.f32 v11, v38  }
0x36f: {  	[tilespmem:s13+$0x170] =	vst v37;
	v37 =	vadd.f32 $-9.999994630e-01, v61;
	v11 =	vmul.f32 v15, v19;
	v19 =	vcvt.f32.s32 v45  }
0x370: {  	[tilespmem:s13+$0x2A0] =	vst v14;
	v35 =	vadd.f32 $-9.999994630e-01, v51;
	v23 =	vmul.f32 v23, v33;
	v38 =	vmul.f32 v54, v54  }
0x371: {  	[tilespmem:s13+$0x100] =	vst v42;
	v42 =	vadd.f32 $-9.999994630e-01, v57;
	v54 =	vcvt.s32.f32 v19;
	v19 =	vcvt.f32.s32 v55  }
0x372: {  	[tilespmem:s13+$0x120] =	vst v22;
	v57 =	vadd.f32 $-9.999994630e-01, v27;
	v22 =	vcvt.f32.s32 v59;
	v62 =	vadd.f32 $1.386274700e-03, v23  }
0x373: {  	[tilespmem:s13+$0xC0] =	vst v17;
	v0 =	vadd.f32 $-9.999994630e-01, v0;
	v63 =	vmul.f32 $2.219393590e-07, v38;
	v19 =	vcvt.s32.f32 v19  }
0x374: {  	[tilespmem:s13+$0x130] =	vst v47;
	v47 =	vcvt.s32.f32 v22;
	v15 =	vmul.f32 v62, v33;
	v17 =	vsub.f32 v41, v54  }
0x375: {  	v62 =	vtrunc.f32 v58;
	[tilespmem:s13+$0x150] =	vst v0;
	v51 =	vadd.f32 $-2.425318960e-05, v63;
	v0 =	vsub.f32 v49, v19  }
0x376: {  	[tilespmem:s13+$0x320] =	vst v5;
	v5 =	vadd.f32 $-9.999994630e-01, v21;
	v63 =	vcvt.f32.s32 v62;
	v17 =	vmul.f32 $6.283185480e+00, v17  }
0x377: {  	[tilespmem:s13+$0xF0] =	vst v6;
	v45 =	vadd.f32 $-9.999994630e-01, v53;
	v6 =	vmul.f32 v51, v38;
	v0 =	vmul.f32 $6.283185480e+00, v0  }
0x378: {  	[tilespmem:s13+$0x2B0] =	vst v13;
	v41 =	vadd.f32 $-9.999994630e-01, v52;
	v52 =	vtrunc.f32 v48;
	v17 =	vsub.f32 $3.141592740e+00, v17  }
0x379: {  	[tilespmem:s13+$0x160] =	vst v36;
	v51 =	vmul.f32 v39, v3;
	v36 =	vcvt.f32.s32 v52;
	v0 =	vsub.f32 $3.141592740e+00, v0  }
0x37a: {  	[tilespmem:s13+$0x340] =	vst v5;
	v5 =	vadd.f32 $-9.999994630e-01, v29;
	v49 =	vcvt.s32.f32 v63;
	v17 =	vmul.f32 v17, v17  }
0x37b: {  	[tilespmem:s13+$0x2E0] =	vst v8;
	v6 =	vadd.f32 $1.386274700e-03, v6;
	v53 =	vtrunc.f32 v51;
	v0 =	vmul.f32 v0, v0  }
0x37c: {  	[tilespmem:s13+$0x2F0] =	vst v9;
	v19 =	vsub.f32 v44, v47;
	v54 =	vcvt.f32.s32 v53;
	v59 =	vmul.f32 $2.219393590e-07, v17  }
0x37d: {  	[tilespmem:s13+$0x280] =	vst v4;
	v36 =	vcvt.s32.f32 v36;
	v23 =	vsub.f32 v58, v49;
	v62 =	vmul.f32 $2.219393590e-07, v0  }
0x37e: {  	[tilespmem:s13+$0x1C0] =	vst v24;
	v6 =	vmul.f32 v6, v38;
	v19 =	vmul.f32 $6.283185480e+00, v19;
	v24 =	vadd.f32 $-2.425318960e-05, v59  }
0x37f: {  	[tilespmem:s13+$0x140] =	vst v30;
	v58 =	vcvt.s32.f32 v54;
	v22 =	vsub.f32 v48, v36;
	v30 =	vadd.f32 $-2.425318960e-05, v62  }
0x380: {  	[tilespmem:s13+$0x310] =	vst v7;
	v6 =	vadd.f32 $-4.166103150e-02, v6;
	v23 =	vmul.f32 $6.283185480e+00, v23;
	v24 =	vmul.f32 v24, v17  }
0x381: {  	[tilespmem:s13+$0x190] =	vst v34;
	v19 =	vsub.f32 $3.141592740e+00, v19;
	v27 =	vsub.f32 v51, v58;
	v34 =	vmul.f32 v30, v0  }
0x382: {  	[tilespmem:s13+$0x110] =	vst v46;
	v22 =	vmul.f32 $6.283185480e+00, v22;
	v6 =	vmul.f32 v6, v38;
	v24 =	vadd.f32 $1.386274700e-03, v24  }
0x383: {  	[tilespmem:s13+$0x1B0] =	vst v16;
	v23 =	vsub.f32 $3.141592740e+00, v23;
	v19 =	vmul.f32 v19, v19;
	v25 =	vadd.f32 $1.386274700e-03, v34  }
0x384: {  	[tilespmem:s13+$0x210] =	vst v42;
	v27 =	vmul.f32 $6.283185480e+00, v27;
	v22 =	vsub.f32 $3.141592740e+00, v22;
	v24 =	vmul.f32 v24, v17  }
0x385: {  	[tilespmem:s13+$0x180] =	vst v40;
	v6 =	vadd.f32 $4.999955890e-01, v6;
	v23 =	vmul.f32 v23, v23;
	v25 =	vmul.f32 v25, v0  }
0x386: {  	v40 =	vmul.f32 $2.219393590e-07, v19;
	v39 =	vsub.f32 $3.141592740e+00, v27;
	v24 =	vadd.f32 $-4.166103150e-02, v24  }
0x387: {  	[tilespmem:s13+$0x250] =	vst v57;
	v22 =	vmul.f32 v22, v22;
	v6 =	vmul.f32 v6, v38;
	v25 =	vadd.f32 $-4.166103150e-02, v25  }
0x388: {  	[tilespmem:s13+$0x1E0] =	vst v43;
	v55 =	vadd.f32 $-9.999994630e-01, v50;
	v42 =	vmul.f32 $2.219393590e-07, v23;
	v24 =	vmul.f32 v24, v17  }
0x389: {  	[tilespmem:s13+$0x220] =	vst v45;
	v57 =	vadd.f32 $-9.999994630e-01, v11;
	v38 =	vmul.f32 v25, v0;
	v25 =	vmul.f32 v39, v39  }
0x38a: {  	v43 =	vadd.f32 $-2.425318960e-05, v40;
	v44 =	vmul.f32 $2.219393590e-07, v22;
	v4 =	vadd.f32 $4.999955890e-01, v24  }
0x38b: {  	v15 =	vadd.f32 $-4.166103150e-02, v15;
	v45 =	vadd.f32 $-2.425318960e-05, v42;
	v46 =	vmul.f32 $2.219393590e-07, v25  }
0x38c: {  	[tilespmem:s13+$0x2D0] =	vst v37;
	v14 =	vmul.f32 v43, v19;
	v4 =	vmul.f32 v4, v17;
	v17 =	vadd.f32 $-2.425318960e-05, v44  }
0x38d: {  	[tilespmem:s13+$0x240] =	vst v55;
	v55 =	vadd.f32 $-9.999994630e-01, v28;
	v13 =	vmul.f32 v45, v23;
	v47 =	vadd.f32 $-2.425318960e-05, v46  }
0x38e: {  	[tilespmem:s13+$0x1A0] =	vst v35;
	v15 =	vmul.f32 v15, v33;
	v48 =	vadd.f32 $1.386274700e-03, v14;
	v49 =	vmul.f32 v17, v22  }
0x38f: {  	[tilespmem:s13+$0x1D0] =	vst v31;
	v63 =	vadd.f32 $-9.999994630e-01, v32;
	v50 =	vadd.f32 $1.386274700e-03, v13;
	v51 =	vmul.f32 v47, v25  }
0x390: {  	[tilespmem:s13+$0x1F0] =	vst v20;
	v15 =	vadd.f32 $4.999955890e-01, v15;
	v8 =	vmul.f32 v48, v19;
	v52 =	vadd.f32 $1.386274700e-03, v49  }
0x391: {  	[tilespmem:s13+$0x360] =	vst v5;
	v53 =	vadd.f32 $-9.999994630e-01, v12;
	v9 =	vmul.f32 v50, v23;
	v54 =	vadd.f32 $1.386274700e-03, v51  }
0x392: {  	[tilespmem:s13+$0x370] =	vst v57;
	v15 =	vmul.f32 v15, v33;
	v8 =	vadd.f32 $-4.166103150e-02, v8;
	v10 =	vmul.f32 v52, v22  }
0x393: {  	[tilespmem:s13+$0x230] =	vst v41;
	v36 =	vadd.f32 $-9.999994630e-01, v60;
	v9 =	vadd.f32 $-4.166103150e-02, v9;
	v12 =	vmul.f32 v54, v25  }
0x394: {  	[tilespmem:s13+$0x350] =	vst v55;
	v5 =	vadd.f32 $-9.999994630e-01, v15;
	v8 =	vmul.f32 v8, v19;
	v10 =	vadd.f32 $-4.166103150e-02, v10  }
0x395: {  	[tilespmem:s13+$0x270] =	vst v63;
	v41 =	vadd.f32 $4.999955890e-01, v38;
	v9 =	vmul.f32 v9, v23;
	v58 =	vadd.f32 $-4.166103150e-02, v12  }
0x396: {  	[tilespmem:s13+$0x330] =	vst v53;
	v6 =	vadd.f32 $-9.999994630e-01, v6;
	v8 =	vadd.f32 $4.999955890e-01, v8;
	v10 =	vmul.f32 v10, v22  }
0x397: {  	[tilespmem:s13+$0x2C0] =	vst v36;
	v0 =	vmul.f32 v41, v0;
	v59 =	vadd.f32 $4.999955890e-01, v9;
	v60 =	vmul.f32 v58, v25  }
0x398: {  	[tilespmem:s13+$0x380] =	vst v5;
	v5 =	vmul.f32 v8, v19;
	v4 =	vadd.f32 $-9.999994630e-01, v4;
	v61 =	vadd.f32 $4.999955890e-01, v10  }
0x399: {  	s12 =	sadd.s32 $0x2, s12;
	[tilespmem:s13+$0x390] =	vst v6;
	v62 =	vmul.f32 v59, v23;
	v0 =	vadd.f32 $-9.999994630e-01, v0;
	v63 =	vadd.f32 $4.999955890e-01, v60  }
0x39a: {  	p0 =	slt.u32 s12, $0xE;
	[tilespmem:s13+$0x3A0] =	vst v4;
	v5 =	vadd.f32 $-9.999994630e-01, v5;
	v4 =	vmul.f32 v61, v22  }
.Ltmp0:
0x39b: {  	[tilespmem:s13+$0x3B0] =	vst v0;
	v6 =	vadd.f32 $-9.999994630e-01, v62;
	v0 =	vmul.f32 v63, v25;
	(pc) =	sbr.rel @p0 .LBB2_2-.Ltmp0, $4  }
0x39c: {  	[tilespmem:s13+$0x3C0] =	vst v5;
	v4 =	vadd.f32 $-9.999994630e-01, v4  }
0x39d: {  	[tilespmem:s13+$0x3D0] =	vst v6;
	v0 =	vadd.f32 $-9.999994630e-01, v0  }
0x39e: {  	[tilespmem:s13+$0x3E0] =	vst v4  }
0x39f: {  	s14 =	sadd.s32 $0x20, s14;
	[tilespmem:s13+$0x3F0] =	vst v0;
	s13 =	sadd.s32 $0x800, s13  }
0x3a0: {  	s11 =	sadd.s32 $0x1, s11  }
0x3a1: {  	p0 =	sne.s32 s11, s6  }
.Ltmp1:
0x3a2: {  	_ = 	snop;
	(pc) =	sbr.rel @p0 .LBB2_1-.Ltmp1, $4  }
0x3a3: {  	[hbm4b:s5+s3] =	stream.linear.scatter [tilespmem:s9], [sflag:$0x1], $0x4000, $0x38;
	[tilespmem:$0x4140] =	vst v63  }
0x3a4: {  	_ =	swait.ge [sflag:s10], $0x4000  }
0x3a5: {  	[sflag:s10] =	ssyncset.done $0x0  }
0x3a6: {  	[sflag:s10] =	ssyncadd.s32 $0xFFFFC000  }
0x3a7: {  	_ =	sfence.sel $0x180000  }
0x3a8: {  	[bflag:$0x0] =	sbarrier.arrive $0xFFFF  }
0x3a9: {  	p0 =	sne.s32 s2, $0x0;
	_ =	strace $0x90000047  }
0x3aa: {  	s0 =	sadd.s32 @!p0 $0x100000, s0;
	[bflag:$0x2] =	sbarrier.arrive $0xFFFF  }
0x3ab: {  	[sflag:s0] =	ssyncadd.tile.s32 @!p0 $0x1;
	_ =	shalt  }
.Lfunc_end2:
_tile_overlayer_lowered:
.L_overlay_start_2:
0x3ac: {  	(tag) =	ssettag $0x2  }
0x3ad: {  	s0 =	rddreg [dreg:$0x0];
	s2 =	stileid.u32  }
0x3ae: {  	s1 =	rddreg [dreg:$0x1];
	p0 =	sne.s32 s2, $0x0  }
0x3af: {  	s3 =	rddreg [dreg:$0x2];
	[bflag:$0x3] =	sbarrier.arrive $0xFFFF;
	s2 =	simm.s32 @!p0 $0x1C02  }
0x3b0: {  	[timem:s3], [sflag:s2] =	dma.local @!p0 [hbm:s0], s1  }
0x3b1: {  	s0 =	simm.s32 @!p0 $0x2  }
0x3b2: {  	_ =	swait.ge @!p0 [sflag:s0], s1  }
0x3b3: {  	s1 =	ssub.s32 @!p0 $0x0, s1;
	[sflag:s0] =	ssyncset.done @!p0 $0x0  }
0x3b4: {  	[sflag:s0] =	ssyncadd.s32 @!p0 s1  }
0x3b5: {  	[bflag:$0x3] =	sbarrier.arrive $0xFFFF  }
0x3b6: {  	_ =	shalt  }

</sc_bundles>
